<compile_context>
chip_gen: v7x
topology: tpu7x:2x2x1
jax: 0.10.2.dev20260603
libtpu: 0.0.44.dev20260713+nightly
codegen_flags: <defaults>
</compile_context>

<pallas_src>
import functools

import jax
import jax.numpy as jnp
from jax import lax
from jax.experimental import pallas as pl
from jax.experimental.pallas import tpu as pltpu
from jax.experimental.pallas import tpu_sc as plsc

K_ITERS = 10
ALPHA = 0.1

NC = 2
NS = 16
L = 16
CB = 128


def _elu(v):
    return jnp.where(v > 0.0, v, jnp.exp(jnp.minimum(v, 0.0)) - 1.0)


def _fc_body(x_ref, w1_ref, b1_ref, w2_ref, o_ref, *, ch):
    h = jnp.dot(x_ref[...], w1_ref[...], preferred_element_type=jnp.float32,
                precision=lax.Precision.HIGHEST)
    h = h + b1_ref[...]
    g = jnp.dot(h, w2_ref[...], preferred_element_type=jnp.float32,
                precision=lax.Precision.HIGHEST)
    o_ref[0] = g[:, :ch]
    o_ref[1] = g[:, ch:]


def _sc_body(g_ref, src_ref, dst_ref, b2_ref, y_ref,
             agg, src_loc, dst_loc, gbuf, rowbuf, normb, h0n, b2_loc,
             sem0, sem1,
             *, n, npad, rt, nch, ch):
    c = lax.axis_index("c")
    s = lax.axis_index("s")
    row_lo = s * rt
    base = c * npad
    nh = ch // L

    pltpu.sync_copy(src_ref.at[s], src_loc)
    pltpu.sync_copy(dst_ref.at[s], dst_loc)
    pltpu.sync_copy(b2_ref.at[c], b2_loc)

    def _off_body(i, _):
        for h in range(CB // L):
            sl = pl.ds(h * L, L)
            src_loc[i, sl] = src_loc[i, sl] + base
        return 0
    lax.fori_loop(0, nch, _off_body, 0)

    zv = jnp.zeros((L,), jnp.float32)

    def _fill_gbuf0(v):
        def body(i, _):
            for h in range(nh):
                gbuf[0, i, pl.ds(h * L, L)] = v
            return 0
        lax.fori_loop(0, CB, body, 0)

    def _zero_agg_slice():
        _fill_gbuf0(zv)
        for q in range(rt // CB):
            pltpu.sync_copy(gbuf.at[0], agg.at[pl.ds(row_lo + q * CB, CB)])

    def _edge_pass():
        pltpu.async_copy(y_ref.at[src_loc.at[0]], gbuf.at[0], sem0)
        def body(p, _):
            j0 = 2 * p
            j1 = j0 + 1
            jn = jnp.minimum(j0 + 2, nch - 1)
            pltpu.async_copy(y_ref.at[src_loc.at[j1]], gbuf.at[1], sem1)
            pltpu.make_async_copy(
                y_ref.at[src_loc.at[j0]], gbuf.at[0], sem0).wait()
            pltpu.sync_copy(gbuf.at[0], agg.at[dst_loc.at[j0]], add=True)
            pltpu.async_copy(y_ref.at[src_loc.at[jn]], gbuf.at[0], sem0)
            pltpu.make_async_copy(
                y_ref.at[src_loc.at[j1]], gbuf.at[1], sem1).wait()
            pltpu.sync_copy(gbuf.at[1], agg.at[dst_loc.at[j1]], add=True)
            return 0
        lax.fori_loop(0, nch // 2, body, 0)
        pltpu.make_async_copy(
            y_ref.at[src_loc.at[0]], gbuf.at[0], sem0).wait()
        plsc.subcore_barrier()

    _zero_agg_slice()
    plsc.subcore_barrier()
    _fill_gbuf0(jnp.full((L,), 1.0, jnp.float32))
    def _deg_body(j, _):
        pltpu.sync_copy(gbuf.at[0], agg.at[dst_loc.at[j]], add=True)
        return 0
    lax.fori_loop(0, nch, _deg_body, 0)
    plsc.subcore_barrier()

    pltpu.sync_copy(agg.at[pl.ds(row_lo, rt)], rowbuf)
    _zero_agg_slice()
    def _norm_body(i, _):
        for h in range(nh):
            sl = pl.ds(h * L, L)
            d = jnp.maximum(rowbuf[i, sl], 1.0)
            ti = lax.bitcast_convert_type(d, jnp.int32)
            ti = jnp.int32(0x5F3759DF) - lax.shift_right_logical(ti, 1)
            nb = lax.bitcast_convert_type(ti, jnp.float32)
            nb = nb * (1.5 - 0.5 * d * nb * nb)
            nb = nb * (1.5 - 0.5 * d * nb * nb)
            nb = nb * (1.5 - 0.5 * d * nb * nb)
            normb[i, sl] = nb
        return 0
    lax.fori_loop(0, rt, _norm_body, 0)

    pltpu.sync_copy(g_ref.at[pl.ds(base + row_lo, rt)], rowbuf)
    def _init_body(i, _):
        for h in range(nh):
            sl = pl.ds(h * L, L)
            g = rowbuf[i, sl]
            nb = normb[i, sl]
            h0n[i, sl] = ALPHA * g * nb
            rowbuf[i, sl] = g * nb
        return 0
    lax.fori_loop(0, rt, _init_body, 0)
    pltpu.sync_copy(rowbuf, y_ref.at[pl.ds(base + row_lo, rt)])
    plsc.subcore_barrier()

    def _iteration(tail):
        _edge_pass()
        pltpu.sync_copy(agg.at[pl.ds(row_lo, rt)], rowbuf)
        _zero_agg_slice()
        def ew(i, _):
            for h in range(nh):
                sl = pl.ds(h * L, L)
                a = rowbuf[i, sl]
                nb = normb[i, sl]
                y = (1.0 - ALPHA) * nb * nb * a + h0n[i, sl]
                if tail == 0:
                    rowbuf[i, sl] = y
                elif tail == 1:
                    u = _elu(y / nb + b2_loc[pl.ds(h * L, L)])
                    h0n[i, sl] = ALPHA * u * nb
                    rowbuf[i, sl] = u * nb
                else:
                    rowbuf[i, sl] = _elu(y / nb)
            return 0
        lax.fori_loop(0, rt, ew, 0)
        pltpu.sync_copy(rowbuf, y_ref.at[pl.ds(base + row_lo, rt)])
        plsc.subcore_barrier()

    lax.fori_loop(0, K_ITERS - 1, lambda k, _: (_iteration(0), 0)[1], 0)
    _iteration(1)
    lax.fori_loop(0, K_ITERS - 1, lambda k, _: (_iteration(0), 0)[1], 0)
    _iteration(2)


def kernel(features, edge_index, W1, b1, W2, b2):
    N, D = features.shape
    H = W1.shape[1]
    C = W2.shape[1]
    CH = C // NC
    RT = 640
    NPAD = NS * RT
    NCH = -(-edge_index.shape[1] // (NS * CB))
    NCH += NCH % 2
    EP = NS * NCH * CB
    E = edge_index.shape[1]

    BM = 1280
    xp = jnp.pad(features, ((0, NPAD - N), (0, 0)))
    g2 = pl.pallas_call(
        functools.partial(_fc_body, ch=CH),
        grid=(NPAD // BM,),
        in_specs=[
            pl.BlockSpec((BM, D), lambda i: (i, 0)),
            pl.BlockSpec((D, H), lambda i: (0, 0)),
            pl.BlockSpec((1, H), lambda i: (0, 0)),
            pl.BlockSpec((H, C), lambda i: (0, 0)),
        ],
        out_specs=pl.BlockSpec((NC, BM, CH), lambda i: (0, i, 0)),
        out_shape=jax.ShapeDtypeStruct((NC, NPAD, CH), jnp.float32),
    )(xp, W1, b1.reshape(1, H), W2)
    g_flat = g2.reshape(NC * NPAD, CH)

    src = edge_index[0]
    dst = edge_index[1]
    pad_dst = N + jnp.arange(EP - E, dtype=jnp.int32) % (NPAD - N)
    src_t = jnp.concatenate(
        [src, jnp.zeros((EP - E,), jnp.int32)]).reshape(NS, NCH, CB)
    dst_t = jnp.concatenate([dst, pad_dst]).reshape(NS, NCH, CB)
    b2s = b2.reshape(NC, CH)

    mesh = plsc.VectorSubcoreMesh(
        core_axis_name="c", subcore_axis_name="s",
        num_cores=NC, num_subcores=NS)
    sc_fn = pl.kernel(
        functools.partial(_sc_body, n=N, npad=NPAD, rt=RT, nch=NCH, ch=CH),
        out_type=jax.ShapeDtypeStruct((NC * NPAD, CH), jnp.float32),
        mesh=mesh,
        scratch_types=[
            pltpu.VMEM_SHARED((NPAD, CH), jnp.float32),
            pltpu.VMEM((NCH, CB), jnp.int32),
            pltpu.VMEM((NCH, CB), jnp.int32),
            pltpu.VMEM((2, CB, CH), jnp.float32),
            pltpu.VMEM((RT, CH), jnp.float32),
            pltpu.VMEM((RT, CH), jnp.float32),
            pltpu.VMEM((RT, CH), jnp.float32),
            pltpu.VMEM((CH,), jnp.float32),
            pltpu.SemaphoreType.DMA,
            pltpu.SemaphoreType.DMA,
        ],
        compiler_params=pltpu.CompilerParams(use_tc_tiling_on_sc=False),
    )
    yout = sc_fn(g_flat, src_t, dst_t, b2s)
    r = yout.reshape(NC, NPAD, CH)
    return jnp.concatenate([r[0, :N], r[1, :N]], axis=1)

# --- scband reference (transcript-rebuilt; emitter-appended) ---
"""Pipeline reference for scband-dgl-appnp-73529840107895 (READ-ONLY COPY).

The authoritative reference and input builder live on the scoring server;
editing this copy changes nothing except your own understanding.
"""

import jax, jax.numpy as jnp
import numpy as np

K_ITERS = 10
ALPHA = 0.1


def appnp_prop(x, src, dst, n):
    # DGL APPNPConv (eval mode, edge_drop inactive): symmetric deg^-1/2 norm
    deg = jax.ops.segment_sum(jnp.ones_like(src, dtype=x.dtype), dst, num_segments=n)
    deg = jnp.clip(deg, 1.0, None)
    norm = deg ** -0.5
    h0 = x
    for _ in range(K_ITERS):
        h = x * norm[:, None]
        agg = jax.ops.segment_sum(h[src], dst, num_segments=n)
        h = agg * norm[:, None]
        x = (1.0 - ALPHA) * h + ALPHA * h0
    return x


def setup_inputs(seed: int = 0):
    key = jax.random.key(seed)
    ks = jax.random.split(key, 6)
    N, E, D, H, C = 10000, 320000, 128, 128, 64
    features = jax.random.normal(ks[0], (N, D), dtype=jnp.float32)
    edge_index = jax.random.randint(ks[1], (2, E), 0, N, dtype=jnp.int32)
    W1 = jax.random.normal(ks[2], (D, H), dtype=jnp.float32) * 0.05
    b1 = jnp.zeros((H,), dtype=jnp.float32)
    W2 = jax.random.normal(ks[3], (H, C), dtype=jnp.float32) * 0.05
    b2 = jnp.zeros((C,), dtype=jnp.float32)
    return {"features": features, "edge_index": edge_index, "W1": W1, "b1": b1, "W2": W2, "b2": b2}


def reference(features, edge_index, W1, b1, W2, b2):
    # single-graph path (len(g_list) == 1)
    src = edge_index[0]
    dst = edge_index[1]
    n = features.shape[0]
    h = features @ W1 + b1                 # fc1
    x = appnp_prop(h, src, dst, n)         # layer1 (APPNPConv)
    x = jax.nn.elu(x @ W2 + b2)            # elu(fc2(x))
    x = appnp_prop(x, src, dst, n)         # layer2 (APPNPConv)
    x = jax.nn.elu(x)
    return x

if __name__ == "__main__":
    import jax
    _d = setup_inputs()
    print(jax.jit(kernel)(*tuple(_d.values())))

</pallas_src>

<mosaic_0001>
#map = affine_map<(d0, d1) -> (0, 0)>
#map1 = affine_map<(d0, d1) -> (0, 0, 0)>
module attributes {stable_mosaic.version = 14 : i64} {
  func.func @_sc_body(%arg0: i32, %arg1: i32, %arg2: memref<20480x32xf32, #tpu.memory_space<hbm>>, %arg3: memref<16x158x128xi32, #tpu.memory_space<hbm>>, %arg4: memref<16x158x128xi32, #tpu.memory_space<hbm>>, %arg5: memref<2x32xf32, #tpu.memory_space<hbm>>, %arg6: memref<20480x32xf32, #tpu.memory_space<hbm>>, %arg7: memref<10240x32xf32, #tpu.memory_space<vmem_shared>>, %arg8: memref<158x128xi32, #tpu.memory_space<vmem>>, %arg9: memref<158x128xi32, #tpu.memory_space<vmem>>, %arg10: memref<2x128x32xf32, #tpu.memory_space<vmem>>, %arg11: memref<640x32xf32, #tpu.memory_space<vmem>>, %arg12: memref<640x32xf32, #tpu.memory_space<vmem>>, %arg13: memref<640x32xf32, #tpu.memory_space<vmem>>, %arg14: memref<32xf32, #tpu.memory_space<vmem>>, %arg15: memref<!tpu.dma_semaphore, #tpu.memory_space<semaphore_mem>>, %arg16: memref<!tpu.dma_semaphore, #tpu.memory_space<semaphore_mem>>) attributes {dimension_semantics = [#tpu.dimension_semantics<core_parallel>, #tpu.dimension_semantics<subcore_parallel>], iteration_bounds = array<i64: 2, 16>, scalar_prefetch = 0 : i64, scratch_operands = 10 : i64, tpu.core_type = #tpu.core_type<sc_vector_subcore>, window_params = [{transform_indices = #map}, {transform_indices = #map1}, {transform_indices = #map1}, {transform_indices = #map}, {transform_indices = #map}]} {
    %mul3A = arith.constant 640 : i32
    %mul3A_0 = arith.muli %arg1, %mul3A : i32
    %mul3A_1 = arith.constant 10240 : i32
    %mul3A_2 = arith.muli %arg0, %mul3A_1 : i32
    "tpu.region"() ({
      %run_scoped3A_224 = tpu.sem_alloc : memref<!tpu.dma_semaphore, #tpu.memory_space<semaphore_mem>>
      %dma_start3A_225 = arith.constant 0 : i32
      %dma_start3A_226 = arith.constant 0 : i32
      %dma_start3A_227 = tpu.memref_slice %arg3[%arg1, %dma_start3A_225, %dma_start3A_226] : memref<16x158x128xi32, #tpu.memory_space<hbm>> -> memref<1x158x128xi32, #tpu.memory_space<hbm>>
      %dma_start3A_228 = tpu.memref_squeeze %dma_start3A_227 : memref<1x158x128xi32, #tpu.memory_space<hbm>> -> memref<158x128xi32, #tpu.memory_space<hbm>>
      %dma_start3A_229 = arith.constant 0 : i32
      %dma_start3A_230 = arith.constant 0 : i32
      %dma_start3A_231 = tpu.memref_slice %arg3[%arg1, %dma_start3A_229, %dma_start3A_230] : memref<16x158x128xi32, #tpu.memory_space<hbm>> -> memref<1x158x128xi32, #tpu.memory_space<hbm>>
      %dma_start3A_232 = tpu.memref_squeeze %dma_start3A_231 : memref<1x158x128xi32, #tpu.memory_space<hbm>> -> memref<158x128xi32, #tpu.memory_space<hbm>>
      tpu.enqueue_dma source(%dma_start3A_232 : memref<158x128xi32, #tpu.memory_space<hbm>>) target(%arg8 : memref<158x128xi32, #tpu.memory_space<vmem>>) target_semaphore(%run_scoped3A_224 : memref<!tpu.dma_semaphore, #tpu.memory_space<semaphore_mem>>)
      %dma_wait3A_233 = arith.constant 0 : i32
      %dma_wait3A_234 = arith.constant 0 : i32
      %dma_wait3A_235 = tpu.memref_slice %arg3[%arg1, %dma_wait3A_233, %dma_wait3A_234] : memref<16x158x128xi32, #tpu.memory_space<hbm>> -> memref<1x158x128xi32, #tpu.memory_space<hbm>>
      %dma_wait3A_236 = tpu.memref_squeeze %dma_wait3A_235 : memref<1x158x128xi32, #tpu.memory_space<hbm>> -> memref<158x128xi32, #tpu.memory_space<hbm>>
      %dma_wait3A_237 = arith.constant 0 : i32
      %dma_wait3A_238 = arith.constant 0 : i32
      %dma_wait3A_239 = tpu.memref_slice %arg3[%arg1, %dma_wait3A_237, %dma_wait3A_238] : memref<16x158x128xi32, #tpu.memory_space<hbm>> -> memref<1x158x128xi32, #tpu.memory_space<hbm>>
      %dma_wait3A_240 = tpu.memref_squeeze %dma_wait3A_239 : memref<1x158x128xi32, #tpu.memory_space<hbm>> -> memref<158x128xi32, #tpu.memory_space<hbm>>
      tpu.wait_dma2 semaphore(%run_scoped3A_224 : memref<!tpu.dma_semaphore, #tpu.memory_space<semaphore_mem>>) src(%dma_wait3A_240 : memref<158x128xi32, #tpu.memory_space<hbm>>) dst(%arg8 : memref<158x128xi32, #tpu.memory_space<vmem>>)
      tpu.yield
    }) : () -> ()
    "tpu.region"() ({
      %run_scoped3A_224 = tpu.sem_alloc : memref<!tpu.dma_semaphore, #tpu.memory_space<semaphore_mem>>
      %dma_start3A_225 = arith.constant 0 : i32
      %dma_start3A_226 = arith.constant 0 : i32
      %dma_start3A_227 = tpu.memref_slice %arg4[%arg1, %dma_start3A_225, %dma_start3A_226] : memref<16x158x128xi32, #tpu.memory_space<hbm>> -> memref<1x158x128xi32, #tpu.memory_space<hbm>>
      %dma_start3A_228 = tpu.memref_squeeze %dma_start3A_227 : memref<1x158x128xi32, #tpu.memory_space<hbm>> -> memref<158x128xi32, #tpu.memory_space<hbm>>
      %dma_start3A_229 = arith.constant 0 : i32
      %dma_start3A_230 = arith.constant 0 : i32
      %dma_start3A_231 = tpu.memref_slice %arg4[%arg1, %dma_start3A_229, %dma_start3A_230] : memref<16x158x128xi32, #tpu.memory_space<hbm>> -> memref<1x158x128xi32, #tpu.memory_space<hbm>>
      %dma_start3A_232 = tpu.memref_squeeze %dma_start3A_231 : memref<1x158x128xi32, #tpu.memory_space<hbm>> -> memref<158x128xi32, #tpu.memory_space<hbm>>
      tpu.enqueue_dma source(%dma_start3A_232 : memref<158x128xi32, #tpu.memory_space<hbm>>) target(%arg9 : memref<158x128xi32, #tpu.memory_space<vmem>>) target_semaphore(%run_scoped3A_224 : memref<!tpu.dma_semaphore, #tpu.memory_space<semaphore_mem>>)
      %dma_wait3A_233 = arith.constant 0 : i32
      %dma_wait3A_234 = arith.constant 0 : i32
      %dma_wait3A_235 = tpu.memref_slice %arg4[%arg1, %dma_wait3A_233, %dma_wait3A_234] : memref<16x158x128xi32, #tpu.memory_space<hbm>> -> memref<1x158x128xi32, #tpu.memory_space<hbm>>
      %dma_wait3A_236 = tpu.memref_squeeze %dma_wait3A_235 : memref<1x158x128xi32, #tpu.memory_space<hbm>> -> memref<158x128xi32, #tpu.memory_space<hbm>>
      %dma_wait3A_237 = arith.constant 0 : i32
      %dma_wait3A_238 = arith.constant 0 : i32
      %dma_wait3A_239 = tpu.memref_slice %arg4[%arg1, %dma_wait3A_237, %dma_wait3A_238] : memref<16x158x128xi32, #tpu.memory_space<hbm>> -> memref<1x158x128xi32, #tpu.memory_space<hbm>>
      %dma_wait3A_240 = tpu.memref_squeeze %dma_wait3A_239 : memref<1x158x128xi32, #tpu.memory_space<hbm>> -> memref<158x128xi32, #tpu.memory_space<hbm>>
      tpu.wait_dma2 semaphore(%run_scoped3A_224 : memref<!tpu.dma_semaphore, #tpu.memory_space<semaphore_mem>>) src(%dma_wait3A_240 : memref<158x128xi32, #tpu.memory_space<hbm>>) dst(%arg9 : memref<158x128xi32, #tpu.memory_space<vmem>>)
      tpu.yield
    }) : () -> ()
    "tpu.region"() ({
      %run_scoped3A_224 = tpu.sem_alloc : memref<!tpu.dma_semaphore, #tpu.memory_space<semaphore_mem>>
      %dma_start3A_225 = arith.constant 0 : i32
      %dma_start3A_226 = tpu.memref_slice %arg5[%arg0, %dma_start3A_225] : memref<2x32xf32, #tpu.memory_space<hbm>> -> memref<1x32xf32, #tpu.memory_space<hbm>>
      %dma_start3A_227 = tpu.memref_squeeze %dma_start3A_226 : memref<1x32xf32, #tpu.memory_space<hbm>> -> memref<32xf32, #tpu.memory_space<hbm>>
      %dma_start3A_228 = arith.constant 0 : i32
      %dma_start3A_229 = tpu.memref_slice %arg5[%arg0, %dma_start3A_228] : memref<2x32xf32, #tpu.memory_space<hbm>> -> memref<1x32xf32, #tpu.memory_space<hbm>>
      %dma_start3A_230 = tpu.memref_squeeze %dma_start3A_229 : memref<1x32xf32, #tpu.memory_space<hbm>> -> memref<32xf32, #tpu.memory_space<hbm>>
      tpu.enqueue_dma source(%dma_start3A_230 : memref<32xf32, #tpu.memory_space<hbm>>) target(%arg14 : memref<32xf32, #tpu.memory_space<vmem>>) target_semaphore(%run_scoped3A_224 : memref<!tpu.dma_semaphore, #tpu.memory_space<semaphore_mem>>)
      %dma_wait3A_231 = arith.constant 0 : i32
      %dma_wait3A_232 = tpu.memref_slice %arg5[%arg0, %dma_wait3A_231] : memref<2x32xf32, #tpu.memory_space<hbm>> -> memref<1x32xf32, #tpu.memory_space<hbm>>
      %dma_wait3A_233 = tpu.memref_squeeze %dma_wait3A_232 : memref<1x32xf32, #tpu.memory_space<hbm>> -> memref<32xf32, #tpu.memory_space<hbm>>
      %dma_wait3A_234 = arith.constant 0 : i32
      %dma_wait3A_235 = tpu.memref_slice %arg5[%arg0, %dma_wait3A_234] : memref<2x32xf32, #tpu.memory_space<hbm>> -> memref<1x32xf32, #tpu.memory_space<hbm>>
      %dma_wait3A_236 = tpu.memref_squeeze %dma_wait3A_235 : memref<1x32xf32, #tpu.memory_space<hbm>> -> memref<32xf32, #tpu.memory_space<hbm>>
      tpu.wait_dma2 semaphore(%run_scoped3A_224 : memref<!tpu.dma_semaphore, #tpu.memory_space<semaphore_mem>>) src(%dma_wait3A_236 : memref<32xf32, #tpu.memory_space<hbm>>) dst(%arg14 : memref<32xf32, #tpu.memory_space<vmem>>)
      tpu.yield
    }) : () -> ()
    %scan3A = arith.constant 0 : i32
    %scan3A_3 = arith.constant 0 : i32
    %scan3A_4 = arith.constant 158 : i32
    %scan3A_5 = arith.addi %scan3A_3, %scan3A_4 : i32
    %scan3A_6 = arith.constant 1 : i32
    %scan3A_7 = scf.for %scan3A_224 = %scan3A_3 to %scan3A_5 step %scan3A_6 iter_args(%scan3A_225 = %scan3A) -> (i32)  : i32 {
      %get3A = arith.index_cast %scan3A_224 : i32 to index
      %get3A_226 = arith.constant 0 : index
      %get3A_227 = tpu.vector_load %arg8[%get3A, %get3A_226] {strides = array<i32>} : memref<158x128xi32, #tpu.memory_space<vmem>>, vector<1x16xi32>,
      %get3A_228 = vector.shape_cast %get3A_227 : vector<1x16xi32> to vector<16xi32>
      %add3A_229 = vector.broadcast %mul3A_2 : i32 to vector<16xi32>
      %add3A_230 = arith.addi %get3A_228, %add3A_229 : vector<16xi32>
      %swap3A = arith.index_cast %scan3A_224 : i32 to index
      %swap3A_231 = arith.constant 0 : index
      %swap3A_232 = tpu.vector_load %arg8[%swap3A, %swap3A_231] {strides = array<i32>} : memref<158x128xi32, #tpu.memory_space<vmem>>, vector<1x16xi32>,
      %swap3A_233 = vector.shape_cast %swap3A_232 : vector<1x16xi32> to vector<16xi32>
      %swap3A_234 = vector.shape_cast %add3A_230 : vector<16xi32> to vector<1x16xi32>
      tpu.vector_store %arg8[%swap3A, %swap3A_231], %swap3A_234 {strides = array<i32>} : memref<158x128xi32, #tpu.memory_space<vmem>>, vector<1x16xi32>,
      %get3A_235 = arith.index_cast %scan3A_224 : i32 to index
      %get3A_236 = arith.constant 16 : index
      %get3A_237 = tpu.vector_load %arg8[%get3A_235, %get3A_236] {strides = array<i32>} : memref<158x128xi32, #tpu.memory_space<vmem>>, vector<1x16xi32>,
      %get3A_238 = vector.shape_cast %get3A_237 : vector<1x16xi32> to vector<16xi32>
      %add3A_239 = vector.broadcast %mul3A_2 : i32 to vector<16xi32>
      %add3A_240 = arith.addi %get3A_238, %add3A_239 : vector<16xi32>
      %swap3A_241 = arith.index_cast %scan3A_224 : i32 to index
      %swap3A_242 = arith.constant 16 : index
      %swap3A_243 = tpu.vector_load %arg8[%swap3A_241, %swap3A_242] {strides = array<i32>} : memref<158x128xi32, #tpu.memory_space<vmem>>, vector<1x16xi32>,
      %swap3A_244 = vector.shape_cast %swap3A_243 : vector<1x16xi32> to vector<16xi32>
      %swap3A_245 = vector.shape_cast %add3A_240 : vector<16xi32> to vector<1x16xi32>
      tpu.vector_store %arg8[%swap3A_241, %swap3A_242], %swap3A_245 {strides = array<i32>} : memref<158x128xi32, #tpu.memory_space<vmem>>, vector<1x16xi32>,
      %get3A_246 = arith.index_cast %scan3A_224 : i32 to index
      %get3A_247 = arith.constant 32 : index
      %get3A_248 = tpu.vector_load %arg8[%get3A_246, %get3A_247] {strides = array<i32>} : memref<158x128xi32, #tpu.memory_space<vmem>>, vector<1x16xi32>,
      %get3A_249 = vector.shape_cast %get3A_248 : vector<1x16xi32> to vector<16xi32>
      %add3A_250 = vector.broadcast %mul3A_2 : i32 to vector<16xi32>
      %add3A_251 = arith.addi %get3A_249, %add3A_250 : vector<16xi32>
      %swap3A_252 = arith.index_cast %scan3A_224 : i32 to index
      %swap3A_253 = arith.constant 32 : index
      %swap3A_254 = tpu.vector_load %arg8[%swap3A_252, %swap3A_253] {strides = array<i32>} : memref<158x128xi32, #tpu.memory_space<vmem>>, vector<1x16xi32>,
      %swap3A_255 = vector.shape_cast %swap3A_254 : vector<1x16xi32> to vector<16xi32>
      %swap3A_256 = vector.shape_cast %add3A_251 : vector<16xi32> to vector<1x16xi32>
      tpu.vector_store %arg8[%swap3A_252, %swap3A_253], %swap3A_256 {strides = array<i32>} : memref<158x128xi32, #tpu.memory_space<vmem>>, vector<1x16xi32>,
      %get3A_257 = arith.index_cast %scan3A_224 : i32 to index
      %get3A_258 = arith.constant 48 : index
      %get3A_259 = tpu.vector_load %arg8[%get3A_257, %get3A_258] {strides = array<i32>} : memref<158x128xi32, #tpu.memory_space<vmem>>, vector<1x16xi32>,
      %get3A_260 = vector.shape_cast %get3A_259 : vector<1x16xi32> to vector<16xi32>
      %add3A_261 = vector.broadcast %mul3A_2 : i32 to vector<16xi32>
      %add3A_262 = arith.addi %get3A_260, %add3A_261 : vector<16xi32>
      %swap3A_263 = arith.index_cast %scan3A_224 : i32 to index
      %swap3A_264 = arith.constant 48 : index
      %swap3A_265 = tpu.vector_load %arg8[%swap3A_263, %swap3A_264] {strides = array<i32>} : memref<158x128xi32, #tpu.memory_space<vmem>>, vector<1x16xi32>,
      %swap3A_266 = vector.shape_cast %swap3A_265 : vector<1x16xi32> to vector<16xi32>
      %swap3A_267 = vector.shape_cast %add3A_262 : vector<16xi32> to vector<1x16xi32>
      tpu.vector_store %arg8[%swap3A_263, %swap3A_264], %swap3A_267 {strides = array<i32>} : memref<158x128xi32, #tpu.memory_space<vmem>>, vector<1x16xi32>,
      %get3A_268 = arith.index_cast %scan3A_224 : i32 to index
      %get3A_269 = arith.constant 64 : index
      %get3A_270 = tpu.vector_load %arg8[%get3A_268, %get3A_269] {strides = array<i32>} : memref<158x128xi32, #tpu.memory_space<vmem>>, vector<1x16xi32>,
      %get3A_271 = vector.shape_cast %get3A_270 : vector<1x16xi32> to vector<16xi32>
      %add3A_272 = vector.broadcast %mul3A_2 : i32 to vector<16xi32>
      %add3A_273 = arith.addi %get3A_271, %add3A_272 : vector<16xi32>
      %swap3A_274 = arith.index_cast %scan3A_224 : i32 to index
      %swap3A_275 = arith.constant 64 : index
      %swap3A_276 = tpu.vector_load %arg8[%swap3A_274, %swap3A_275] {strides = array<i32>} : memref<158x128xi32, #tpu.memory_space<vmem>>, vector<1x16xi32>,
      %swap3A_277 = vector.shape_cast %swap3A_276 : vector<1x16xi32> to vector<16xi32>
      %swap3A_278 = vector.shape_cast %add3A_273 : vector<16xi32> to vector<1x16xi32>
      tpu.vector_store %arg8[%swap3A_274, %swap3A_275], %swap3A_278 {strides = array<i32>} : memref<158x128xi32, #tpu.memory_space<vmem>>, vector<1x16xi32>,
      %get3A_279 = arith.index_cast %scan3A_224 : i32 to index
      %get3A_280 = arith.constant 80 : index
      %get3A_281 = tpu.vector_load %arg8[%get3A_279, %get3A_280] {strides = array<i32>} : memref<158x128xi32, #tpu.memory_space<vmem>>, vector<1x16xi32>,
      %get3A_282 = vector.shape_cast %get3A_281 : vector<1x16xi32> to vector<16xi32>
      %add3A_283 = vector.broadcast %mul3A_2 : i32 to vector<16xi32>
      %add3A_284 = arith.addi %get3A_282, %add3A_283 : vector<16xi32>
      %swap3A_285 = arith.index_cast %scan3A_224 : i32 to index
      %swap3A_286 = arith.constant 80 : index
      %swap3A_287 = tpu.vector_load %arg8[%swap3A_285, %swap3A_286] {strides = array<i32>} : memref<158x128xi32, #tpu.memory_space<vmem>>, vector<1x16xi32>,
      %swap3A_288 = vector.shape_cast %swap3A_287 : vector<1x16xi32> to vector<16xi32>
      %swap3A_289 = vector.shape_cast %add3A_284 : vector<16xi32> to vector<1x16xi32>
      tpu.vector_store %arg8[%swap3A_285, %swap3A_286], %swap3A_289 {strides = array<i32>} : memref<158x128xi32, #tpu.memory_space<vmem>>, vector<1x16xi32>,
      %get3A_290 = arith.index_cast %scan3A_224 : i32 to index
      %get3A_291 = arith.constant 96 : index
      %get3A_292 = tpu.vector_load %arg8[%get3A_290, %get3A_291] {strides = array<i32>} : memref<158x128xi32, #tpu.memory_space<vmem>>, vector<1x16xi32>,
      %get3A_293 = vector.shape_cast %get3A_292 : vector<1x16xi32> to vector<16xi32>
      %add3A_294 = vector.broadcast %mul3A_2 : i32 to vector<16xi32>
      %add3A_295 = arith.addi %get3A_293, %add3A_294 : vector<16xi32>
      %swap3A_296 = arith.index_cast %scan3A_224 : i32 to index
      %swap3A_297 = arith.constant 96 : index
      %swap3A_298 = tpu.vector_load %arg8[%swap3A_296, %swap3A_297] {strides = array<i32>} : memref<158x128xi32, #tpu.memory_space<vmem>>, vector<1x16xi32>,
      %swap3A_299 = vector.shape_cast %swap3A_298 : vector<1x16xi32> to vector<16xi32>
      %swap3A_300 = vector.shape_cast %add3A_295 : vector<16xi32> to vector<1x16xi32>
      tpu.vector_store %arg8[%swap3A_296, %swap3A_297], %swap3A_300 {strides = array<i32>} : memref<158x128xi32, #tpu.memory_space<vmem>>, vector<1x16xi32>,
      %get3A_301 = arith.index_cast %scan3A_224 : i32 to index
      %get3A_302 = arith.constant 112 : index
      %get3A_303 = tpu.vector_load %arg8[%get3A_301, %get3A_302] {strides = array<i32>} : memref<158x128xi32, #tpu.memory_space<vmem>>, vector<1x16xi32>,
      %get3A_304 = vector.shape_cast %get3A_303 : vector<1x16xi32> to vector<16xi32>
      %add3A_305 = vector.broadcast %mul3A_2 : i32 to vector<16xi32>
      %add3A_306 = arith.addi %get3A_304, %add3A_305 : vector<16xi32>
      %swap3A_307 = arith.index_cast %scan3A_224 : i32 to index
      %swap3A_308 = arith.constant 112 : index
      %swap3A_309 = tpu.vector_load %arg8[%swap3A_307, %swap3A_308] {strides = array<i32>} : memref<158x128xi32, #tpu.memory_space<vmem>>, vector<1x16xi32>,
      %swap3A_310 = vector.shape_cast %swap3A_309 : vector<1x16xi32> to vector<16xi32>
      %swap3A_311 = vector.shape_cast %add3A_306 : vector<16xi32> to vector<1x16xi32>
      tpu.vector_store %arg8[%swap3A_307, %swap3A_308], %swap3A_311 {strides = array<i32>} : memref<158x128xi32, #tpu.memory_space<vmem>>, vector<1x16xi32>,
      %scan3A_312 = arith.constant 0 : i32
      scf.yield %scan3A_312 : i32
    }
    %scan3A_8 = arith.constant 158 : i32
    %broadcast_in_dim3A = arith.constant 0.000000e+00 : f32
    %broadcast_in_dim3A_9 = vector.broadcast %broadcast_in_dim3A : f32 to vector<16xf32>
    %scan3A_10 = arith.constant 0 : i32
    %scan3A_11 = arith.constant 0 : i32
    %scan3A_12 = arith.constant 128 : i32
    %scan3A_13 = arith.addi %scan3A_11, %scan3A_12 : i32
    %scan3A_14 = arith.constant 1 : i32
    %scan3A_15 = scf.for %scan3A_224 = %scan3A_11 to %scan3A_13 step %scan3A_14 iter_args(%scan3A_225 = %scan3A_10) -> (i32)  : i32 {
      %swap3A = arith.constant 0 : i32
      %swap3A_226 = arith.index_cast %swap3A : i32 to index
      %swap3A_227 = arith.index_cast %scan3A_224 : i32 to index
      %swap3A_228 = arith.constant 0 : index
      %swap3A_229 = tpu.vector_load %arg10[%swap3A_226, %swap3A_227, %swap3A_228] {strides = array<i32>} : memref<2x128x32xf32, #tpu.memory_space<vmem>>, vector<1x1x16xf32>,
      %swap3A_230 = vector.shape_cast %swap3A_229 : vector<1x1x16xf32> to vector<16xf32>
      %swap3A_231 = vector.shape_cast %broadcast_in_dim3A_9 : vector<16xf32> to vector<1x1x16xf32>
      tpu.vector_store %arg10[%swap3A_226, %swap3A_227, %swap3A_228], %swap3A_231 {strides = array<i32>} : memref<2x128x32xf32, #tpu.memory_space<vmem>>, vector<1x1x16xf32>,
      %swap3A_232 = arith.constant 0 : i32
      %swap3A_233 = arith.index_cast %swap3A_232 : i32 to index
      %swap3A_234 = arith.index_cast %scan3A_224 : i32 to index
      %swap3A_235 = arith.constant 16 : index
      %swap3A_236 = tpu.vector_load %arg10[%swap3A_233, %swap3A_234, %swap3A_235] {strides = array<i32>} : memref<2x128x32xf32, #tpu.memory_space<vmem>>, vector<1x1x16xf32>,
      %swap3A_237 = vector.shape_cast %swap3A_236 : vector<1x1x16xf32> to vector<16xf32>
      %swap3A_238 = vector.shape_cast %broadcast_in_dim3A_9 : vector<16xf32> to vector<1x1x16xf32>
      tpu.vector_store %arg10[%swap3A_233, %swap3A_234, %swap3A_235], %swap3A_238 {strides = array<i32>} : memref<2x128x32xf32, #tpu.memory_space<vmem>>, vector<1x1x16xf32>,
      %scan3A_239 = arith.constant 0 : i32
      scf.yield %scan3A_239 : i32
    }
    %scan3A_16 = arith.constant 128 : i32
    %add3A = arith.constant 0 : i32
    %add3A_17 = arith.addi %mul3A_0, %add3A : i32
    %run_scoped3A = arith.constant 0 : i32
    "tpu.region"() ({
      %run_scoped3A_224 = tpu.sem_alloc : memref<!tpu.dma_semaphore, #tpu.memory_space<semaphore_mem>>
      %dma_start3A_225 = arith.constant 0 : i32
      %dma_start3A_226 = arith.constant 0 : i32
      %dma_start3A_227 = tpu.memref_slice %arg10[%run_scoped3A, %dma_start3A_225, %dma_start3A_226] : memref<2x128x32xf32, #tpu.memory_space<vmem>> -> memref<1x128x32xf32, #tpu.memory_space<vmem>>
      %dma_start3A_228 = tpu.memref_squeeze %dma_start3A_227 : memref<1x128x32xf32, #tpu.memory_space<vmem>> -> memref<128x32xf32, #tpu.memory_space<vmem>>
      %dma_start3A_229 = arith.constant 0 : i32
      %dma_start3A_230 = tpu.memref_slice %arg7[%add3A_17, %dma_start3A_229] : memref<10240x32xf32, #tpu.memory_space<vmem_shared>> -> memref<128x32xf32, #tpu.memory_space<vmem_shared>>
      %dma_start3A_231 = arith.constant 0 : i32
      %dma_start3A_232 = tpu.memref_slice %arg7[%add3A_17, %dma_start3A_231] : memref<10240x32xf32, #tpu.memory_space<vmem_shared>> -> memref<128x32xf32, #tpu.memory_space<vmem_shared>>
      %dma_start3A_233 = arith.constant 0 : i32
      %dma_start3A_234 = arith.constant 0 : i32
      %dma_start3A_235 = tpu.memref_slice %arg10[%run_scoped3A, %dma_start3A_233, %dma_start3A_234] : memref<2x128x32xf32, #tpu.memory_space<vmem>> -> memref<1x128x32xf32, #tpu.memory_space<vmem>>
      %dma_start3A_236 = tpu.memref_squeeze %dma_start3A_235 : memref<1x128x32xf32, #tpu.memory_space<vmem>> -> memref<128x32xf32, #tpu.memory_space<vmem>>
      tpu.enqueue_dma source(%dma_start3A_236 : memref<128x32xf32, #tpu.memory_space<vmem>>) target(%dma_start3A_232 : memref<128x32xf32, #tpu.memory_space<vmem_shared>>) target_semaphore(%run_scoped3A_224 : memref<!tpu.dma_semaphore, #tpu.memory_space<semaphore_mem>>)
      %dma_wait3A_237 = arith.constant 0 : i32
      %dma_wait3A_238 = arith.constant 0 : i32
      %dma_wait3A_239 = tpu.memref_slice %arg10[%run_scoped3A, %dma_wait3A_237, %dma_wait3A_238] : memref<2x128x32xf32, #tpu.memory_space<vmem>> -> memref<1x128x32xf32, #tpu.memory_space<vmem>>
      %dma_wait3A_240 = tpu.memref_squeeze %dma_wait3A_239 : memref<1x128x32xf32, #tpu.memory_space<vmem>> -> memref<128x32xf32, #tpu.memory_space<vmem>>
      %dma_wait3A_241 = arith.constant 0 : i32
      %dma_wait3A_242 = tpu.memref_slice %arg7[%add3A_17, %dma_wait3A_241] : memref<10240x32xf32, #tpu.memory_space<vmem_shared>> -> memref<128x32xf32, #tpu.memory_space<vmem_shared>>
      %dma_wait3A_243 = arith.constant 0 : i32
      %dma_wait3A_244 = tpu.memref_slice %arg7[%add3A_17, %dma_wait3A_243] : memref<10240x32xf32, #tpu.memory_space<vmem_shared>> -> memref<128x32xf32, #tpu.memory_space<vmem_shared>>
      %dma_wait3A_245 = arith.constant 0 : i32
      %dma_wait3A_246 = arith.constant 0 : i32
      %dma_wait3A_247 = tpu.memref_slice %arg10[%run_scoped3A, %dma_wait3A_245, %dma_wait3A_246] : memref<2x128x32xf32, #tpu.memory_space<vmem>> -> memref<1x128x32xf32, #tpu.memory_space<vmem>>
      %dma_wait3A_248 = tpu.memref_squeeze %dma_wait3A_247 : memref<1x128x32xf32, #tpu.memory_space<vmem>> -> memref<128x32xf32, #tpu.memory_space<vmem>>
      tpu.wait_dma2 semaphore(%run_scoped3A_224 : memref<!tpu.dma_semaphore, #tpu.memory_space<semaphore_mem>>) src(%dma_wait3A_248 : memref<128x32xf32, #tpu.memory_space<vmem>>) dst(%dma_wait3A_244 : memref<128x32xf32, #tpu.memory_space<vmem_shared>>)
      tpu.yield
    }) : () -> ()
    %add3A_18 = arith.constant 128 : i32
    %add3A_19 = arith.addi %mul3A_0, %add3A_18 : i32
    %run_scoped3A_20 = arith.constant 0 : i32
    "tpu.region"() ({
      %run_scoped3A_224 = tpu.sem_alloc : memref<!tpu.dma_semaphore, #tpu.memory_space<semaphore_mem>>
      %dma_start3A_225 = arith.constant 0 : i32
      %dma_start3A_226 = arith.constant 0 : i32
      %dma_start3A_227 = tpu.memref_slice %arg10[%run_scoped3A_20, %dma_start3A_225, %dma_start3A_226] : memref<2x128x32xf32, #tpu.memory_space<vmem>> -> memref<1x128x32xf32, #tpu.memory_space<vmem>>
      %dma_start3A_228 = tpu.memref_squeeze %dma_start3A_227 : memref<1x128x32xf32, #tpu.memory_space<vmem>> -> memref<128x32xf32, #tpu.memory_space<vmem>>
      %dma_start3A_229 = arith.constant 0 : i32
      %dma_start3A_230 = tpu.memref_slice %arg7[%add3A_19, %dma_start3A_229] : memref<10240x32xf32, #tpu.memory_space<vmem_shared>> -> memref<128x32xf32, #tpu.memory_space<vmem_shared>>
      %dma_start3A_231 = arith.constant 0 : i32
      %dma_start3A_232 = tpu.memref_slice %arg7[%add3A_19, %dma_start3A_231] : memref<10240x32xf32, #tpu.memory_space<vmem_shared>> -> memref<128x32xf32, #tpu.memory_space<vmem_shared>>
      %dma_start3A_233 = arith.constant 0 : i32
      %dma_start3A_234 = arith.constant 0 : i32
      %dma_start3A_235 = tpu.memref_slice %arg10[%run_scoped3A_20, %dma_start3A_233, %dma_start3A_234] : memref<2x128x32xf32, #tpu.memory_space<vmem>> -> memref<1x128x32xf32, #tpu.memory_space<vmem>>
      %dma_start3A_236 = tpu.memref_squeeze %dma_start3A_235 : memref<1x128x32xf32, #tpu.memory_space<vmem>> -> memref<128x32xf32, #tpu.memory_space<vmem>>
      tpu.enqueue_dma source(%dma_start3A_236 : memref<128x32xf32, #tpu.memory_space<vmem>>) target(%dma_start3A_232 : memref<128x32xf32, #tpu.memory_space<vmem_shared>>) target_semaphore(%run_scoped3A_224 : memref<!tpu.dma_semaphore, #tpu.memory_space<semaphore_mem>>)
      %dma_wait3A_237 = arith.constant 0 : i32
      %dma_wait3A_238 = arith.constant 0 : i32
      %dma_wait3A_239 = tpu.memref_slice %arg10[%run_scoped3A_20, %dma_wait3A_237, %dma_wait3A_238] : memref<2x128x32xf32, #tpu.memory_space<vmem>> -> memref<1x128x32xf32, #tpu.memory_space<vmem>>
      %dma_wait3A_240 = tpu.memref_squeeze %dma_wait3A_239 : memref<1x128x32xf32, #tpu.memory_space<vmem>> -> memref<128x32xf32, #tpu.memory_space<vmem>>
      %dma_wait3A_241 = arith.constant 0 : i32
      %dma_wait3A_242 = tpu.memref_slice %arg7[%add3A_19, %dma_wait3A_241] : memref<10240x32xf32, #tpu.memory_space<vmem_shared>> -> memref<128x32xf32, #tpu.memory_space<vmem_shared>>
      %dma_wait3A_243 = arith.constant 0 : i32
      %dma_wait3A_244 = tpu.memref_slice %arg7[%add3A_19, %dma_wait3A_243] : memref<10240x32xf32, #tpu.memory_space<vmem_shared>> -> memref<128x32xf32, #tpu.memory_space<vmem_shared>>
      %dma_wait3A_245 = arith.constant 0 : i32
      %dma_wait3A_246 = arith.constant 0 : i32
      %dma_wait3A_247 = tpu.memref_slice %arg10[%run_scoped3A_20, %dma_wait3A_245, %dma_wait3A_246] : memref<2x128x32xf32, #tpu.memory_space<vmem>> -> memref<1x128x32xf32, #tpu.memory_space<vmem>>
      %dma_wait3A_248 = tpu.memref_squeeze %dma_wait3A_247 : memref<1x128x32xf32, #tpu.memory_space<vmem>> -> memref<128x32xf32, #tpu.memory_space<vmem>>
      tpu.wait_dma2 semaphore(%run_scoped3A_224 : memref<!tpu.dma_semaphore, #tpu.memory_space<semaphore_mem>>) src(%dma_wait3A_248 : memref<128x32xf32, #tpu.memory_space<vmem>>) dst(%dma_wait3A_244 : memref<128x32xf32, #tpu.memory_space<vmem_shared>>)
      tpu.yield
    }) : () -> ()
    %add3A_21 = arith.constant 256 : i32
    %add3A_22 = arith.addi %mul3A_0, %add3A_21 : i32
    %run_scoped3A_23 = arith.constant 0 : i32
    "tpu.region"() ({
      %run_scoped3A_224 = tpu.sem_alloc : memref<!tpu.dma_semaphore, #tpu.memory_space<semaphore_mem>>
      %dma_start3A_225 = arith.constant 0 : i32
      %dma_start3A_226 = arith.constant 0 : i32
      %dma_start3A_227 = tpu.memref_slice %arg10[%run_scoped3A_23, %dma_start3A_225, %dma_start3A_226] : memref<2x128x32xf32, #tpu.memory_space<vmem>> -> memref<1x128x32xf32, #tpu.memory_space<vmem>>
      %dma_start3A_228 = tpu.memref_squeeze %dma_start3A_227 : memref<1x128x32xf32, #tpu.memory_space<vmem>> -> memref<128x32xf32, #tpu.memory_space<vmem>>
      %dma_start3A_229 = arith.constant 0 : i32
      %dma_start3A_230 = tpu.memref_slice %arg7[%add3A_22, %dma_start3A_229] : memref<10240x32xf32, #tpu.memory_space<vmem_shared>> -> memref<128x32xf32, #tpu.memory_space<vmem_shared>>
      %dma_start3A_231 = arith.constant 0 : i32
      %dma_start3A_232 = tpu.memref_slice %arg7[%add3A_22, %dma_start3A_231] : memref<10240x32xf32, #tpu.memory_space<vmem_shared>> -> memref<128x32xf32, #tpu.memory_space<vmem_shared>>
      %dma_start3A_233 = arith.constant 0 : i32
      %dma_start3A_234 = arith.constant 0 : i32
      %dma_start3A_235 = tpu.memref_slice %arg10[%run_scoped3A_23, %dma_start3A_233, %dma_start3A_234] : memref<2x128x32xf32, #tpu.memory_space<vmem>> -> memref<1x128x32xf32, #tpu.memory_space<vmem>>
      %dma_start3A_236 = tpu.memref_squeeze %dma_start3A_235 : memref<1x128x32xf32, #tpu.memory_space<vmem>> -> memref<128x32xf32, #tpu.memory_space<vmem>>
      tpu.enqueue_dma source(%dma_start3A_236 : memref<128x32xf32, #tpu.memory_space<vmem>>) target(%dma_start3A_232 : memref<128x32xf32, #tpu.memory_space<vmem_shared>>) target_semaphore(%run_scoped3A_224 : memref<!tpu.dma_semaphore, #tpu.memory_space<semaphore_mem>>)
      %dma_wait3A_237 = arith.constant 0 : i32
      %dma_wait3A_238 = arith.constant 0 : i32
      %dma_wait3A_239 = tpu.memref_slice %arg10[%run_scoped3A_23, %dma_wait3A_237, %dma_wait3A_238] : memref<2x128x32xf32, #tpu.memory_space<vmem>> -> memref<1x128x32xf32, #tpu.memory_space<vmem>>
      %dma_wait3A_240 = tpu.memref_squeeze %dma_wait3A_239 : memref<1x128x32xf32, #tpu.memory_space<vmem>> -> memref<128x32xf32, #tpu.memory_space<vmem>>
      %dma_wait3A_241 = arith.constant 0 : i32
      %dma_wait3A_242 = tpu.memref_slice %arg7[%add3A_22, %dma_wait3A_241] : memref<10240x32xf32, #tpu.memory_space<vmem_shared>> -> memref<128x32xf32, #tpu.memory_space<vmem_shared>>
      %dma_wait3A_243 = arith.constant 0 : i32
      %dma_wait3A_244 = tpu.memref_slice %arg7[%add3A_22, %dma_wait3A_243] : memref<10240x32xf32, #tpu.memory_space<vmem_shared>> -> memref<128x32xf32, #tpu.memory_space<vmem_shared>>
      %dma_wait3A_245 = arith.constant 0 : i32
      %dma_wait3A_246 = arith.constant 0 : i32
      %dma_wait3A_247 = tpu.memref_slice %arg10[%run_scoped3A_23, %dma_wait3A_245, %dma_wait3A_246] : memref<2x128x32xf32, #tpu.memory_space<vmem>> -> memref<1x128x32xf32, #tpu.memory_space<vmem>>
      %dma_wait3A_248 = tpu.memref_squeeze %dma_wait3A_247 : memref<1x128x32xf32, #tpu.memory_space<vmem>> -> memref<128x32xf32, #tpu.memory_space<vmem>>
      tpu.wait_dma2 semaphore(%run_scoped3A_224 : memref<!tpu.dma_semaphore, #tpu.memory_space<semaphore_mem>>) src(%dma_wait3A_248 : memref<128x32xf32, #tpu.memory_space<vmem>>) dst(%dma_wait3A_244 : memref<128x32xf32, #tpu.memory_space<vmem_shared>>)
      tpu.yield
    }) : () -> ()
    %add3A_24 = arith.constant 384 : i32
    %add3A_25 = arith.addi %mul3A_0, %add3A_24 : i32
    %run_scoped3A_26 = arith.constant 0 : i32
    "tpu.region"() ({
      %run_scoped3A_224 = tpu.sem_alloc : memref<!tpu.dma_semaphore, #tpu.memory_space<semaphore_mem>>
      %dma_start3A_225 = arith.constant 0 : i32
      %dma_start3A_226 = arith.constant 0 : i32
      %dma_start3A_227 = tpu.memref_slice %arg10[%run_scoped3A_26, %dma_start3A_225, %dma_start3A_226] : memref<2x128x32xf32, #tpu.memory_space<vmem>> -> memref<1x128x32xf32, #tpu.memory_space<vmem>>
      %dma_start3A_228 = tpu.memref_squeeze %dma_start3A_227 : memref<1x128x32xf32, #tpu.memory_space<vmem>> -> memref<128x32xf32, #tpu.memory_space<vmem>>
      %dma_start3A_229 = arith.constant 0 : i32
      %dma_start3A_230 = tpu.memref_slice %arg7[%add3A_25, %dma_start3A_229] : memref<10240x32xf32, #tpu.memory_space<vmem_shared>> -> memref<128x32xf32, #tpu.memory_space<vmem_shared>>
      %dma_start3A_231 = arith.constant 0 : i32
      %dma_start3A_232 = tpu.memref_slice %arg7[%add3A_25, %dma_start3A_231] : memref<10240x32xf32, #tpu.memory_space<vmem_shared>> -> memref<128x32xf32, #tpu.memory_space<vmem_shared>>
      %dma_start3A_233 = arith.constant 0 : i32
      %dma_start3A_234 = arith.constant 0 : i32
      %dma_start3A_235 = tpu.memref_slice %arg10[%run_scoped3A_26, %dma_start3A_233, %dma_start3A_234] : memref<2x128x32xf32, #tpu.memory_space<vmem>> -> memref<1x128x32xf32, #tpu.memory_space<vmem>>
      %dma_start3A_236 = tpu.memref_squeeze %dma_start3A_235 : memref<1x128x32xf32, #tpu.memory_space<vmem>> -> memref<128x32xf32, #tpu.memory_space<vmem>>
      tpu.enqueue_dma source(%dma_start3A_236 : memref<128x32xf32, #tpu.memory_space<vmem>>) target(%dma_start3A_232 : memref<128x32xf32, #tpu.memory_space<vmem_shared>>) target_semaphore(%run_scoped3A_224 : memref<!tpu.dma_semaphore, #tpu.memory_space<semaphore_mem>>)
      %dma_wait3A_237 = arith.constant 0 : i32
      %dma_wait3A_238 = arith.constant 0 : i32
      %dma_wait3A_239 = tpu.memref_slice %arg10[%run_scoped3A_26, %dma_wait3A_237, %dma_wait3A_238] : memref<2x128x32xf32, #tpu.memory_space<vmem>> -> memref<1x128x32xf32, #tpu.memory_space<vmem>>
      %dma_wait3A_240 = tpu.memref_squeeze %dma_wait3A_239 : memref<1x128x32xf32, #tpu.memory_space<vmem>> -> memref<128x32xf32, #tpu.memory_space<vmem>>
      %dma_wait3A_241 = arith.constant 0 : i32
      %dma_wait3A_242 = tpu.memref_slice %arg7[%add3A_25, %dma_wait3A_241] : memref<10240x32xf32, #tpu.memory_space<vmem_shared>> -> memref<128x32xf32, #tpu.memory_space<vmem_shared>>
      %dma_wait3A_243 = arith.constant 0 : i32
      %dma_wait3A_244 = tpu.memref_slice %arg7[%add3A_25, %dma_wait3A_243] : memref<10240x32xf32, #tpu.memory_space<vmem_shared>> -> memref<128x32xf32, #tpu.memory_space<vmem_shared>>
      %dma_wait3A_245 = arith.constant 0 : i32
      %dma_wait3A_246 = arith.constant 0 : i32
      %dma_wait3A_247 = tpu.memref_slice %arg10[%run_scoped3A_26, %dma_wait3A_245, %dma_wait3A_246] : memref<2x128x32xf32, #tpu.memory_space<vmem>> -> memref<1x128x32xf32, #tpu.memory_space<vmem>>
      %dma_wait3A_248 = tpu.memref_squeeze %dma_wait3A_247 : memref<1x128x32xf32, #tpu.memory_space<vmem>> -> memref<128x32xf32, #tpu.memory_space<vmem>>
      tpu.wait_dma2 semaphore(%run_scoped3A_224 : memref<!tpu.dma_semaphore, #tpu.memory_space<semaphore_mem>>) src(%dma_wait3A_248 : memref<128x32xf32, #tpu.memory_space<vmem>>) dst(%dma_wait3A_244 : memref<128x32xf32, #tpu.memory_space<vmem_shared>>)
      tpu.yield
    }) : () -> ()
    %add3A_27 = arith.constant 512 : i32
    %add3A_28 = arith.addi %mul3A_0, %add3A_27 : i32
    %run_scoped3A_29 = arith.constant 0 : i32
    "tpu.region"() ({
      %run_scoped3A_224 = tpu.sem_alloc : memref<!tpu.dma_semaphore, #tpu.memory_space<semaphore_mem>>
      %dma_start3A_225 = arith.constant 0 : i32
      %dma_start3A_226 = arith.constant 0 : i32
      %dma_start3A_227 = tpu.memref_slice %arg10[%run_scoped3A_29, %dma_start3A_225, %dma_start3A_226] : memref<2x128x32xf32, #tpu.memory_space<vmem>> -> memref<1x128x32xf32, #tpu.memory_space<vmem>>
      %dma_start3A_228 = tpu.memref_squeeze %dma_start3A_227 : memref<1x128x32xf32, #tpu.memory_space<vmem>> -> memref<128x32xf32, #tpu.memory_space<vmem>>
      %dma_start3A_229 = arith.constant 0 : i32
      %dma_start3A_230 = tpu.memref_slice %arg7[%add3A_28, %dma_start3A_229] : memref<10240x32xf32, #tpu.memory_space<vmem_shared>> -> memref<128x32xf32, #tpu.memory_space<vmem_shared>>
      %dma_start3A_231 = arith.constant 0 : i32
      %dma_start3A_232 = tpu.memref_slice %arg7[%add3A_28, %dma_start3A_231] : memref<10240x32xf32, #tpu.memory_space<vmem_shared>> -> memref<128x32xf32, #tpu.memory_space<vmem_shared>>
      %dma_start3A_233 = arith.constant 0 : i32
      %dma_start3A_234 = arith.constant 0 : i32
      %dma_start3A_235 = tpu.memref_slice %arg10[%run_scoped3A_29, %dma_start3A_233, %dma_start3A_234] : memref<2x128x32xf32, #tpu.memory_space<vmem>> -> memref<1x128x32xf32, #tpu.memory_space<vmem>>
      %dma_start3A_236 = tpu.memref_squeeze %dma_start3A_235 : memref<1x128x32xf32, #tpu.memory_space<vmem>> -> memref<128x32xf32, #tpu.memory_space<vmem>>
      tpu.enqueue_dma source(%dma_start3A_236 : memref<128x32xf32, #tpu.memory_space<vmem>>) target(%dma_start3A_232 : memref<128x32xf32, #tpu.memory_space<vmem_shared>>) target_semaphore(%run_scoped3A_224 : memref<!tpu.dma_semaphore, #tpu.memory_space<semaphore_mem>>)
      %dma_wait3A_237 = arith.constant 0 : i32
      %dma_wait3A_238 = arith.constant 0 : i32
      %dma_wait3A_239 = tpu.memref_slice %arg10[%run_scoped3A_29, %dma_wait3A_237, %dma_wait3A_238] : memref<2x128x32xf32, #tpu.memory_space<vmem>> -> memref<1x128x32xf32, #tpu.memory_space<vmem>>
      %dma_wait3A_240 = tpu.memref_squeeze %dma_wait3A_239 : memref<1x128x32xf32, #tpu.memory_space<vmem>> -> memref<128x32xf32, #tpu.memory_space<vmem>>
      %dma_wait3A_241 = arith.constant 0 : i32
      %dma_wait3A_242 = tpu.memref_slice %arg7[%add3A_28, %dma_wait3A_241] : memref<10240x32xf32, #tpu.memory_space<vmem_shared>> -> memref<128x32xf32, #tpu.memory_space<vmem_shared>>
      %dma_wait3A_243 = arith.constant 0 : i32
      %dma_wait3A_244 = tpu.memref_slice %arg7[%add3A_28, %dma_wait3A_243] : memref<10240x32xf32, #tpu.memory_space<vmem_shared>> -> memref<128x32xf32, #tpu.memory_space<vmem_shared>>
      %dma_wait3A_245 = arith.constant 0 : i32
      %dma_wait3A_246 = arith.constant 0 : i32
      %dma_wait3A_247 = tpu.memref_slice %arg10[%run_scoped3A_29, %dma_wait3A_245, %dma_wait3A_246] : memref<2x128x32xf32, #tpu.memory_space<vmem>> -> memref<1x128x32xf32, #tpu.memory_space<vmem>>
      %dma_wait3A_248 = tpu.memref_squeeze %dma_wait3A_247 : memref<1x128x32xf32, #tpu.memory_space<vmem>> -> memref<128x32xf32, #tpu.memory_space<vmem>>
      tpu.wait_dma2 semaphore(%run_scoped3A_224 : memref<!tpu.dma_semaphore, #tpu.memory_space<semaphore_mem>>) src(%dma_wait3A_248 : memref<128x32xf32, #tpu.memory_space<vmem>>) dst(%dma_wait3A_244 : memref<128x32xf32, #tpu.memory_space<vmem_shared>>)
      tpu.yield
    }) : () -> ()
    %barrier3A = arith.constant 0 : index
    tpu.barrier barrier_id(%barrier3A)
    %broadcast_in_dim3A_30 = arith.constant 1.000000e+00 : f32
    %broadcast_in_dim3A_31 = vector.broadcast %broadcast_in_dim3A_30 : f32 to vector<16xf32>
    %scan3A_32 = arith.constant 0 : i32
    %scan3A_33 = arith.constant 0 : i32
    %scan3A_34 = arith.constant 128 : i32
    %scan3A_35 = arith.addi %scan3A_33, %scan3A_34 : i32
    %scan3A_36 = arith.constant 1 : i32
    %scan3A_37 = scf.for %scan3A_224 = %scan3A_33 to %scan3A_35 step %scan3A_36 iter_args(%scan3A_225 = %scan3A_32) -> (i32)  : i32 {
      %swap3A = arith.constant 0 : i32
      %swap3A_226 = arith.index_cast %swap3A : i32 to index
      %swap3A_227 = arith.index_cast %scan3A_224 : i32 to index
      %swap3A_228 = arith.constant 0 : index
      %swap3A_229 = tpu.vector_load %arg10[%swap3A_226, %swap3A_227, %swap3A_228] {strides = array<i32>} : memref<2x128x32xf32, #tpu.memory_space<vmem>>, vector<1x1x16xf32>,
      %swap3A_230 = vector.shape_cast %swap3A_229 : vector<1x1x16xf32> to vector<16xf32>
      %swap3A_231 = vector.shape_cast %broadcast_in_dim3A_31 : vector<16xf32> to vector<1x1x16xf32>
      tpu.vector_store %arg10[%swap3A_226, %swap3A_227, %swap3A_228], %swap3A_231 {strides = array<i32>} : memref<2x128x32xf32, #tpu.memory_space<vmem>>, vector<1x1x16xf32>,
      %swap3A_232 = arith.constant 0 : i32
      %swap3A_233 = arith.index_cast %swap3A_232 : i32 to index
      %swap3A_234 = arith.index_cast %scan3A_224 : i32 to index
      %swap3A_235 = arith.constant 16 : index
      %swap3A_236 = tpu.vector_load %arg10[%swap3A_233, %swap3A_234, %swap3A_235] {strides = array<i32>} : memref<2x128x32xf32, #tpu.memory_space<vmem>>, vector<1x1x16xf32>,
      %swap3A_237 = vector.shape_cast %swap3A_236 : vector<1x1x16xf32> to vector<16xf32>
      %swap3A_238 = vector.shape_cast %broadcast_in_dim3A_31 : vector<16xf32> to vector<1x1x16xf32>
      tpu.vector_store %arg10[%swap3A_233, %swap3A_234, %swap3A_235], %swap3A_238 {strides = array<i32>} : memref<2x128x32xf32, #tpu.memory_space<vmem>>, vector<1x1x16xf32>,
      %scan3A_239 = arith.constant 0 : i32
      scf.yield %scan3A_239 : i32
    }
    %scan3A_38 = arith.constant 128 : i32
    %scan3A_39 = arith.constant 0 : i32
    %scan3A_40 = arith.constant 0 : i32
    %scan3A_41 = arith.constant 158 : i32
    %scan3A_42 = arith.addi %scan3A_40, %scan3A_41 : i32
    %scan3A_43 = arith.constant 1 : i32
    %scan3A_44 = scf.for %scan3A_224 = %scan3A_40 to %scan3A_42 step %scan3A_43 iter_args(%scan3A_225 = %scan3A_39) -> (i32)  : i32 {
      %run_scoped3A_226 = arith.constant 0 : i32
      "tpu.region"() ({
        %run_scoped3A_228 = tpu.sem_alloc : memref<!tpu.dma_semaphore, #tpu.memory_space<semaphore_mem>>
        %dma_start3A_229 = arith.constant 0 : i32
        %dma_start3A_230 = arith.constant 0 : i32
        %dma_start3A_231 = tpu.memref_slice %arg10[%run_scoped3A_226, %dma_start3A_229, %dma_start3A_230] : memref<2x128x32xf32, #tpu.memory_space<vmem>> -> memref<1x128x32xf32, #tpu.memory_space<vmem>>
        %dma_start3A_232 = tpu.memref_squeeze %dma_start3A_231 : memref<1x128x32xf32, #tpu.memory_space<vmem>> -> memref<128x32xf32, #tpu.memory_space<vmem>>
        %dma_start3A_233 = arith.constant 0 : i32
        %dma_start3A_234 = tpu.memref_slice %arg9[%scan3A_224, %dma_start3A_233] : memref<158x128xi32, #tpu.memory_space<vmem>> -> memref<1x128xi32, #tpu.memory_space<vmem>>
        %dma_start3A_235 = tpu.memref_squeeze %dma_start3A_234 : memref<1x128xi32, #tpu.memory_space<vmem>> -> memref<128xi32, #tpu.memory_space<vmem>>
        %dma_start3A_236 = arith.constant 0 : i32
        %dma_start3A_237 = arith.constant 0 : i32
        %dma_start3A_238 = tpu.memref_slice %arg7[%dma_start3A_236, %dma_start3A_237] : memref<10240x32xf32, #tpu.memory_space<vmem_shared>> -> memref<10240x32xf32, #tpu.memory_space<vmem_shared>>
        tpu.enqueue_indirect_dma source(%dma_start3A_232 : memref<128x32xf32, #tpu.memory_space<vmem>>) target(%dma_start3A_238 : memref<10240x32xf32, #tpu.memory_space<vmem_shared>>) offsets(%dma_start3A_235 : memref<128xi32, #tpu.memory_space<vmem>>) semaphore(%run_scoped3A_228 : memref<!tpu.dma_semaphore, #tpu.memory_space<semaphore_mem>>) {add = true}
        %dma_wait3A_239 = arith.constant 0 : i32
        %dma_wait3A_240 = arith.constant 0 : i32
        %dma_wait3A_241 = tpu.memref_slice %arg10[%run_scoped3A_226, %dma_wait3A_239, %dma_wait3A_240] : memref<2x128x32xf32, #tpu.memory_space<vmem>> -> memref<1x128x32xf32, #tpu.memory_space<vmem>>
        %dma_wait3A_242 = tpu.memref_squeeze %dma_wait3A_241 : memref<1x128x32xf32, #tpu.memory_space<vmem>> -> memref<128x32xf32, #tpu.memory_space<vmem>>
        %dma_wait3A_243 = arith.constant 0 : i32
        %dma_wait3A_244 = tpu.memref_slice %arg9[%scan3A_224, %dma_wait3A_243] : memref<158x128xi32, #tpu.memory_space<vmem>> -> memref<1x128xi32, #tpu.memory_space<vmem>>
        %dma_wait3A_245 = tpu.memref_squeeze %dma_wait3A_244 : memref<1x128xi32, #tpu.memory_space<vmem>> -> memref<128xi32, #tpu.memory_space<vmem>>
        %dma_wait3A_246 = arith.constant 0 : i32
        %dma_wait3A_247 = arith.constant 0 : i32
        %dma_wait3A_248 = tpu.memref_slice %arg7[%dma_wait3A_246, %dma_wait3A_247] : memref<10240x32xf32, #tpu.memory_space<vmem_shared>> -> memref<10240x32xf32, #tpu.memory_space<vmem_shared>>
        tpu.wait_indirect_dma semaphore(%run_scoped3A_228 : memref<!tpu.dma_semaphore, #tpu.memory_space<semaphore_mem>>) src(%dma_wait3A_242 : memref<128x32xf32, #tpu.memory_space<vmem>>) dst(%dma_wait3A_248 : memref<10240x32xf32, #tpu.memory_space<vmem_shared>>)
        tpu.yield
      }) : () -> ()
      %scan3A_227 = arith.constant 0 : i32
      scf.yield %scan3A_227 : i32
    }
    %scan3A_45 = arith.constant 158 : i32
    %barrier3A_46 = arith.constant 0 : index
    tpu.barrier barrier_id(%barrier3A_46)
    "tpu.region"() ({
      %run_scoped3A_224 = tpu.sem_alloc : memref<!tpu.dma_semaphore, #tpu.memory_space<semaphore_mem>>
      %dma_start3A_225 = arith.constant 0 : i32
      %dma_start3A_226 = tpu.memref_slice %arg7[%mul3A_0, %dma_start3A_225] : memref<10240x32xf32, #tpu.memory_space<vmem_shared>> -> memref<640x32xf32, #tpu.memory_space<vmem_shared>>
      %dma_start3A_227 = arith.constant 0 : i32
      %dma_start3A_228 = tpu.memref_slice %arg7[%mul3A_0, %dma_start3A_227] : memref<10240x32xf32, #tpu.memory_space<vmem_shared>> -> memref<640x32xf32, #tpu.memory_space<vmem_shared>>
      tpu.enqueue_dma source(%dma_start3A_228 : memref<640x32xf32, #tpu.memory_space<vmem_shared>>) target(%arg11 : memref<640x32xf32, #tpu.memory_space<vmem>>) target_semaphore(%run_scoped3A_224 : memref<!tpu.dma_semaphore, #tpu.memory_space<semaphore_mem>>)
      %dma_wait3A_229 = arith.constant 0 : i32
      %dma_wait3A_230 = tpu.memref_slice %arg7[%mul3A_0, %dma_wait3A_229] : memref<10240x32xf32, #tpu.memory_space<vmem_shared>> -> memref<640x32xf32, #tpu.memory_space<vmem_shared>>
      %dma_wait3A_231 = arith.constant 0 : i32
      %dma_wait3A_232 = tpu.memref_slice %arg7[%mul3A_0, %dma_wait3A_231] : memref<10240x32xf32, #tpu.memory_space<vmem_shared>> -> memref<640x32xf32, #tpu.memory_space<vmem_shared>>
      tpu.wait_dma2 semaphore(%run_scoped3A_224 : memref<!tpu.dma_semaphore, #tpu.memory_space<semaphore_mem>>) src(%dma_wait3A_232 : memref<640x32xf32, #tpu.memory_space<vmem_shared>>) dst(%arg11 : memref<640x32xf32, #tpu.memory_space<vmem>>)
      tpu.yield
    }) : () -> ()
    %scan3A_47 = arith.constant 0 : i32
    %scan3A_48 = arith.constant 0 : i32
    %scan3A_49 = arith.constant 128 : i32
    %scan3A_50 = arith.addi %scan3A_48, %scan3A_49 : i32
    %scan3A_51 = arith.constant 1 : i32
    %scan3A_52 = scf.for %scan3A_224 = %scan3A_48 to %scan3A_50 step %scan3A_51 iter_args(%scan3A_225 = %scan3A_47) -> (i32)  : i32 {
      %swap3A = arith.constant 0 : i32
      %swap3A_226 = arith.index_cast %swap3A : i32 to index
      %swap3A_227 = arith.index_cast %scan3A_224 : i32 to index
      %swap3A_228 = arith.constant 0 : index
      %swap3A_229 = tpu.vector_load %arg10[%swap3A_226, %swap3A_227, %swap3A_228] {strides = array<i32>} : memref<2x128x32xf32, #tpu.memory_space<vmem>>, vector<1x1x16xf32>,
      %swap3A_230 = vector.shape_cast %swap3A_229 : vector<1x1x16xf32> to vector<16xf32>
      %swap3A_231 = vector.shape_cast %broadcast_in_dim3A_9 : vector<16xf32> to vector<1x1x16xf32>
      tpu.vector_store %arg10[%swap3A_226, %swap3A_227, %swap3A_228], %swap3A_231 {strides = array<i32>} : memref<2x128x32xf32, #tpu.memory_space<vmem>>, vector<1x1x16xf32>,
      %swap3A_232 = arith.constant 0 : i32
      %swap3A_233 = arith.index_cast %swap3A_232 : i32 to index
      %swap3A_234 = arith.index_cast %scan3A_224 : i32 to index
      %swap3A_235 = arith.constant 16 : index
      %swap3A_236 = tpu.vector_load %arg10[%swap3A_233, %swap3A_234, %swap3A_235] {strides = array<i32>} : memref<2x128x32xf32, #tpu.memory_space<vmem>>, vector<1x1x16xf32>,
      %swap3A_237 = vector.shape_cast %swap3A_236 : vector<1x1x16xf32> to vector<16xf32>
      %swap3A_238 = vector.shape_cast %broadcast_in_dim3A_9 : vector<16xf32> to vector<1x1x16xf32>
      tpu.vector_store %arg10[%swap3A_233, %swap3A_234, %swap3A_235], %swap3A_238 {strides = array<i32>} : memref<2x128x32xf32, #tpu.memory_space<vmem>>, vector<1x1x16xf32>,
      %scan3A_239 = arith.constant 0 : i32
      scf.yield %scan3A_239 : i32
    }
    %scan3A_53 = arith.constant 128 : i32
    %add3A_54 = arith.constant 0 : i32
    %add3A_55 = arith.addi %mul3A_0, %add3A_54 : i32
    %run_scoped3A_56 = arith.constant 0 : i32
    "tpu.region"() ({
      %run_scoped3A_224 = tpu.sem_alloc : memref<!tpu.dma_semaphore, #tpu.memory_space<semaphore_mem>>
      %dma_start3A_225 = arith.constant 0 : i32
      %dma_start3A_226 = arith.constant 0 : i32
      %dma_start3A_227 = tpu.memref_slice %arg10[%run_scoped3A_56, %dma_start3A_225, %dma_start3A_226] : memref<2x128x32xf32, #tpu.memory_space<vmem>> -> memref<1x128x32xf32, #tpu.memory_space<vmem>>
      %dma_start3A_228 = tpu.memref_squeeze %dma_start3A_227 : memref<1x128x32xf32, #tpu.memory_space<vmem>> -> memref<128x32xf32, #tpu.memory_space<vmem>>
      %dma_start3A_229 = arith.constant 0 : i32
      %dma_start3A_230 = tpu.memref_slice %arg7[%add3A_55, %dma_start3A_229] : memref<10240x32xf32, #tpu.memory_space<vmem_shared>> -> memref<128x32xf32, #tpu.memory_space<vmem_shared>>
      %dma_start3A_231 = arith.constant 0 : i32
      %dma_start3A_232 = tpu.memref_slice %arg7[%add3A_55, %dma_start3A_231] : memref<10240x32xf32, #tpu.memory_space<vmem_shared>> -> memref<128x32xf32, #tpu.memory_space<vmem_shared>>
      %dma_start3A_233 = arith.constant 0 : i32
      %dma_start3A_234 = arith.constant 0 : i32
      %dma_start3A_235 = tpu.memref_slice %arg10[%run_scoped3A_56, %dma_start3A_233, %dma_start3A_234] : memref<2x128x32xf32, #tpu.memory_space<vmem>> -> memref<1x128x32xf32, #tpu.memory_space<vmem>>
      %dma_start3A_236 = tpu.memref_squeeze %dma_start3A_235 : memref<1x128x32xf32, #tpu.memory_space<vmem>> -> memref<128x32xf32, #tpu.memory_space<vmem>>
      tpu.enqueue_dma source(%dma_start3A_236 : memref<128x32xf32, #tpu.memory_space<vmem>>) target(%dma_start3A_232 : memref<128x32xf32, #tpu.memory_space<vmem_shared>>) target_semaphore(%run_scoped3A_224 : memref<!tpu.dma_semaphore, #tpu.memory_space<semaphore_mem>>)
      %dma_wait3A_237 = arith.constant 0 : i32
      %dma_wait3A_238 = arith.constant 0 : i32
      %dma_wait3A_239 = tpu.memref_slice %arg10[%run_scoped3A_56, %dma_wait3A_237, %dma_wait3A_238] : memref<2x128x32xf32, #tpu.memory_space<vmem>> -> memref<1x128x32xf32, #tpu.memory_space<vmem>>
      %dma_wait3A_240 = tpu.memref_squeeze %dma_wait3A_239 : memref<1x128x32xf32, #tpu.memory_space<vmem>> -> memref<128x32xf32, #tpu.memory_space<vmem>>
      %dma_wait3A_241 = arith.constant 0 : i32
      %dma_wait3A_242 = tpu.memref_slice %arg7[%add3A_55, %dma_wait3A_241] : memref<10240x32xf32, #tpu.memory_space<vmem_shared>> -> memref<128x32xf32, #tpu.memory_space<vmem_shared>>
      %dma_wait3A_243 = arith.constant 0 : i32
      %dma_wait3A_244 = tpu.memref_slice %arg7[%add3A_55, %dma_wait3A_243] : memref<10240x32xf32, #tpu.memory_space<vmem_shared>> -> memref<128x32xf32, #tpu.memory_space<vmem_shared>>
      %dma_wait3A_245 = arith.constant 0 : i32
      %dma_wait3A_246 = arith.constant 0 : i32
      %dma_wait3A_247 = tpu.memref_slice %arg10[%run_scoped3A_56, %dma_wait3A_245, %dma_wait3A_246] : memref<2x128x32xf32, #tpu.memory_space<vmem>> -> memref<1x128x32xf32, #tpu.memory_space<vmem>>
      %dma_wait3A_248 = tpu.memref_squeeze %dma_wait3A_247 : memref<1x128x32xf32, #tpu.memory_space<vmem>> -> memref<128x32xf32, #tpu.memory_space<vmem>>
      tpu.wait_dma2 semaphore(%run_scoped3A_224 : memref<!tpu.dma_semaphore, #tpu.memory_space<semaphore_mem>>) src(%dma_wait3A_248 : memref<128x32xf32, #tpu.memory_space<vmem>>) dst(%dma_wait3A_244 : memref<128x32xf32, #tpu.memory_space<vmem_shared>>)
      tpu.yield
    }) : () -> ()
    %add3A_57 = arith.constant 128 : i32
    %add3A_58 = arith.addi %mul3A_0, %add3A_57 : i32
    %run_scoped3A_59 = arith.constant 0 : i32
    "tpu.region"() ({
      %run_scoped3A_224 = tpu.sem_alloc : memref<!tpu.dma_semaphore, #tpu.memory_space<semaphore_mem>>
      %dma_start3A_225 = arith.constant 0 : i32
      %dma_start3A_226 = arith.constant 0 : i32
      %dma_start3A_227 = tpu.memref_slice %arg10[%run_scoped3A_59, %dma_start3A_225, %dma_start3A_226] : memref<2x128x32xf32, #tpu.memory_space<vmem>> -> memref<1x128x32xf32, #tpu.memory_space<vmem>>
      %dma_start3A_228 = tpu.memref_squeeze %dma_start3A_227 : memref<1x128x32xf32, #tpu.memory_space<vmem>> -> memref<128x32xf32, #tpu.memory_space<vmem>>
      %dma_start3A_229 = arith.constant 0 : i32
      %dma_start3A_230 = tpu.memref_slice %arg7[%add3A_58, %dma_start3A_229] : memref<10240x32xf32, #tpu.memory_space<vmem_shared>> -> memref<128x32xf32, #tpu.memory_space<vmem_shared>>
      %dma_start3A_231 = arith.constant 0 : i32
      %dma_start3A_232 = tpu.memref_slice %arg7[%add3A_58, %dma_start3A_231] : memref<10240x32xf32, #tpu.memory_space<vmem_shared>> -> memref<128x32xf32, #tpu.memory_space<vmem_shared>>
      %dma_start3A_233 = arith.constant 0 : i32
      %dma_start3A_234 = arith.constant 0 : i32
      %dma_start3A_235 = tpu.memref_slice %arg10[%run_scoped3A_59, %dma_start3A_233, %dma_start3A_234] : memref<2x128x32xf32, #tpu.memory_space<vmem>> -> memref<1x128x32xf32, #tpu.memory_space<vmem>>
      %dma_start3A_236 = tpu.memref_squeeze %dma_start3A_235 : memref<1x128x32xf32, #tpu.memory_space<vmem>> -> memref<128x32xf32, #tpu.memory_space<vmem>>
      tpu.enqueue_dma source(%dma_start3A_236 : memref<128x32xf32, #tpu.memory_space<vmem>>) target(%dma_start3A_232 : memref<128x32xf32, #tpu.memory_space<vmem_shared>>) target_semaphore(%run_scoped3A_224 : memref<!tpu.dma_semaphore, #tpu.memory_space<semaphore_mem>>)
      %dma_wait3A_237 = arith.constant 0 : i32
      %dma_wait3A_238 = arith.constant 0 : i32
      %dma_wait3A_239 = tpu.memref_slice %arg10[%run_scoped3A_59, %dma_wait3A_237, %dma_wait3A_238] : memref<2x128x32xf32, #tpu.memory_space<vmem>> -> memref<1x128x32xf32, #tpu.memory_space<vmem>>
      %dma_wait3A_240 = tpu.memref_squeeze %dma_wait3A_239 : memref<1x128x32xf32, #tpu.memory_space<vmem>> -> memref<128x32xf32, #tpu.memory_space<vmem>>
      %dma_wait3A_241 = arith.constant 0 : i32
      %dma_wait3A_242 = tpu.memref_slice %arg7[%add3A_58, %dma_wait3A_241] : memref<10240x32xf32, #tpu.memory_space<vmem_shared>> -> memref<128x32xf32, #tpu.memory_space<vmem_shared>>
      %dma_wait3A_243 = arith.constant 0 : i32
      %dma_wait3A_244 = tpu.memref_slice %arg7[%add3A_58, %dma_wait3A_243] : memref<10240x32xf32, #tpu.memory_space<vmem_shared>> -> memref<128x32xf32, #tpu.memory_space<vmem_shared>>
      %dma_wait3A_245 = arith.constant 0 : i32
      %dma_wait3A_246 = arith.constant 0 : i32
      %dma_wait3A_247 = tpu.memref_slice %arg10[%run_scoped3A_59, %dma_wait3A_245, %dma_wait3A_246] : memref<2x128x32xf32, #tpu.memory_space<vmem>> -> memref<1x128x32xf32, #tpu.memory_space<vmem>>
      %dma_wait3A_248 = tpu.memref_squeeze %dma_wait3A_247 : memref<1x128x32xf32, #tpu.memory_space<vmem>> -> memref<128x32xf32, #tpu.memory_space<vmem>>
      tpu.wait_dma2 semaphore(%run_scoped3A_224 : memref<!tpu.dma_semaphore, #tpu.memory_space<semaphore_mem>>) src(%dma_wait3A_248 : memref<128x32xf32, #tpu.memory_space<vmem>>) dst(%dma_wait3A_244 : memref<128x32xf32, #tpu.memory_space<vmem_shared>>)
      tpu.yield
    }) : () -> ()
    %add3A_60 = arith.constant 256 : i32
    %add3A_61 = arith.addi %mul3A_0, %add3A_60 : i32
    %run_scoped3A_62 = arith.constant 0 : i32
    "tpu.region"() ({
      %run_scoped3A_224 = tpu.sem_alloc : memref<!tpu.dma_semaphore, #tpu.memory_space<semaphore_mem>>
      %dma_start3A_225 = arith.constant 0 : i32
      %dma_start3A_226 = arith.constant 0 : i32
      %dma_start3A_227 = tpu.memref_slice %arg10[%run_scoped3A_62, %dma_start3A_225, %dma_start3A_226] : memref<2x128x32xf32, #tpu.memory_space<vmem>> -> memref<1x128x32xf32, #tpu.memory_space<vmem>>
      %dma_start3A_228 = tpu.memref_squeeze %dma_start3A_227 : memref<1x128x32xf32, #tpu.memory_space<vmem>> -> memref<128x32xf32, #tpu.memory_space<vmem>>
      %dma_start3A_229 = arith.constant 0 : i32
      %dma_start3A_230 = tpu.memref_slice %arg7[%add3A_61, %dma_start3A_229] : memref<10240x32xf32, #tpu.memory_space<vmem_shared>> -> memref<128x32xf32, #tpu.memory_space<vmem_shared>>
      %dma_start3A_231 = arith.constant 0 : i32
      %dma_start3A_232 = tpu.memref_slice %arg7[%add3A_61, %dma_start3A_231] : memref<10240x32xf32, #tpu.memory_space<vmem_shared>> -> memref<128x32xf32, #tpu.memory_space<vmem_shared>>
      %dma_start3A_233 = arith.constant 0 : i32
      %dma_start3A_234 = arith.constant 0 : i32
      %dma_start3A_235 = tpu.memref_slice %arg10[%run_scoped3A_62, %dma_start3A_233, %dma_start3A_234] : memref<2x128x32xf32, #tpu.memory_space<vmem>> -> memref<1x128x32xf32, #tpu.memory_space<vmem>>
      %dma_start3A_236 = tpu.memref_squeeze %dma_start3A_235 : memref<1x128x32xf32, #tpu.memory_space<vmem>> -> memref<128x32xf32, #tpu.memory_space<vmem>>
      tpu.enqueue_dma source(%dma_start3A_236 : memref<128x32xf32, #tpu.memory_space<vmem>>) target(%dma_start3A_232 : memref<128x32xf32, #tpu.memory_space<vmem_shared>>) target_semaphore(%run_scoped3A_224 : memref<!tpu.dma_semaphore, #tpu.memory_space<semaphore_mem>>)
      %dma_wait3A_237 = arith.constant 0 : i32
      %dma_wait3A_238 = arith.constant 0 : i32
      %dma_wait3A_239 = tpu.memref_slice %arg10[%run_scoped3A_62, %dma_wait3A_237, %dma_wait3A_238] : memref<2x128x32xf32, #tpu.memory_space<vmem>> -> memref<1x128x32xf32, #tpu.memory_space<vmem>>
      %dma_wait3A_240 = tpu.memref_squeeze %dma_wait3A_239 : memref<1x128x32xf32, #tpu.memory_space<vmem>> -> memref<128x32xf32, #tpu.memory_space<vmem>>
      %dma_wait3A_241 = arith.constant 0 : i32
      %dma_wait3A_242 = tpu.memref_slice %arg7[%add3A_61, %dma_wait3A_241] : memref<10240x32xf32, #tpu.memory_space<vmem_shared>> -> memref<128x32xf32, #tpu.memory_space<vmem_shared>>
      %dma_wait3A_243 = arith.constant 0 : i32
      %dma_wait3A_244 = tpu.memref_slice %arg7[%add3A_61, %dma_wait3A_243] : memref<10240x32xf32, #tpu.memory_space<vmem_shared>> -> memref<128x32xf32, #tpu.memory_space<vmem_shared>>
      %dma_wait3A_245 = arith.constant 0 : i32
      %dma_wait3A_246 = arith.constant 0 : i32
      %dma_wait3A_247 = tpu.memref_slice %arg10[%run_scoped3A_62, %dma_wait3A_245, %dma_wait3A_246] : memref<2x128x32xf32, #tpu.memory_space<vmem>> -> memref<1x128x32xf32, #tpu.memory_space<vmem>>
      %dma_wait3A_248 = tpu.memref_squeeze %dma_wait3A_247 : memref<1x128x32xf32, #tpu.memory_space<vmem>> -> memref<128x32xf32, #tpu.memory_space<vmem>>
      tpu.wait_dma2 semaphore(%run_scoped3A_224 : memref<!tpu.dma_semaphore, #tpu.memory_space<semaphore_mem>>) src(%dma_wait3A_248 : memref<128x32xf32, #tpu.memory_space<vmem>>) dst(%dma_wait3A_244 : memref<128x32xf32, #tpu.memory_space<vmem_shared>>)
      tpu.yield
    }) : () -> ()
    %add3A_63 = arith.constant 384 : i32
    %add3A_64 = arith.addi %mul3A_0, %add3A_63 : i32
    %run_scoped3A_65 = arith.constant 0 : i32
    "tpu.region"() ({
      %run_scoped3A_224 = tpu.sem_alloc : memref<!tpu.dma_semaphore, #tpu.memory_space<semaphore_mem>>
      %dma_start3A_225 = arith.constant 0 : i32
      %dma_start3A_226 = arith.constant 0 : i32
      %dma_start3A_227 = tpu.memref_slice %arg10[%run_scoped3A_65, %dma_start3A_225, %dma_start3A_226] : memref<2x128x32xf32, #tpu.memory_space<vmem>> -> memref<1x128x32xf32, #tpu.memory_space<vmem>>
      %dma_start3A_228 = tpu.memref_squeeze %dma_start3A_227 : memref<1x128x32xf32, #tpu.memory_space<vmem>> -> memref<128x32xf32, #tpu.memory_space<vmem>>
      %dma_start3A_229 = arith.constant 0 : i32
      %dma_start3A_230 = tpu.memref_slice %arg7[%add3A_64, %dma_start3A_229] : memref<10240x32xf32, #tpu.memory_space<vmem_shared>> -> memref<128x32xf32, #tpu.memory_space<vmem_shared>>
      %dma_start3A_231 = arith.constant 0 : i32
      %dma_start3A_232 = tpu.memref_slice %arg7[%add3A_64, %dma_start3A_231] : memref<10240x32xf32, #tpu.memory_space<vmem_shared>> -> memref<128x32xf32, #tpu.memory_space<vmem_shared>>
      %dma_start3A_233 = arith.constant 0 : i32
      %dma_start3A_234 = arith.constant 0 : i32
      %dma_start3A_235 = tpu.memref_slice %arg10[%run_scoped3A_65, %dma_start3A_233, %dma_start3A_234] : memref<2x128x32xf32, #tpu.memory_space<vmem>> -> memref<1x128x32xf32, #tpu.memory_space<vmem>>
      %dma_start3A_236 = tpu.memref_squeeze %dma_start3A_235 : memref<1x128x32xf32, #tpu.memory_space<vmem>> -> memref<128x32xf32, #tpu.memory_space<vmem>>
      tpu.enqueue_dma source(%dma_start3A_236 : memref<128x32xf32, #tpu.memory_space<vmem>>) target(%dma_start3A_232 : memref<128x32xf32, #tpu.memory_space<vmem_shared>>) target_semaphore(%run_scoped3A_224 : memref<!tpu.dma_semaphore, #tpu.memory_space<semaphore_mem>>)
      %dma_wait3A_237 = arith.constant 0 : i32
      %dma_wait3A_238 = arith.constant 0 : i32
      %dma_wait3A_239 = tpu.memref_slice %arg10[%run_scoped3A_65, %dma_wait3A_237, %dma_wait3A_238] : memref<2x128x32xf32, #tpu.memory_space<vmem>> -> memref<1x128x32xf32, #tpu.memory_space<vmem>>
      %dma_wait3A_240 = tpu.memref_squeeze %dma_wait3A_239 : memref<1x128x32xf32, #tpu.memory_space<vmem>> -> memref<128x32xf32, #tpu.memory_space<vmem>>
      %dma_wait3A_241 = arith.constant 0 : i32
      %dma_wait3A_242 = tpu.memref_slice %arg7[%add3A_64, %dma_wait3A_241] : memref<10240x32xf32, #tpu.memory_space<vmem_shared>> -> memref<128x32xf32, #tpu.memory_space<vmem_shared>>
      %dma_wait3A_243 = arith.constant 0 : i32
      %dma_wait3A_244 = tpu.memref_slice %arg7[%add3A_64, %dma_wait3A_243] : memref<10240x32xf32, #tpu.memory_space<vmem_shared>> -> memref<128x32xf32, #tpu.memory_space<vmem_shared>>
      %dma_wait3A_245 = arith.constant 0 : i32
      %dma_wait3A_246 = arith.constant 0 : i32
      %dma_wait3A_247 = tpu.memref_slice %arg10[%run_scoped3A_65, %dma_wait3A_245, %dma_wait3A_246] : memref<2x128x32xf32, #tpu.memory_space<vmem>> -> memref<1x128x32xf32, #tpu.memory_space<vmem>>
      %dma_wait3A_248 = tpu.memref_squeeze %dma_wait3A_247 : memref<1x128x32xf32, #tpu.memory_space<vmem>> -> memref<128x32xf32, #tpu.memory_space<vmem>>
      tpu.wait_dma2 semaphore(%run_scoped3A_224 : memref<!tpu.dma_semaphore, #tpu.memory_space<semaphore_mem>>) src(%dma_wait3A_248 : memref<128x32xf32, #tpu.memory_space<vmem>>) dst(%dma_wait3A_244 : memref<128x32xf32, #tpu.memory_space<vmem_shared>>)
      tpu.yield
    }) : () -> ()
    %add3A_66 = arith.constant 512 : i32
    %add3A_67 = arith.addi %mul3A_0, %add3A_66 : i32
    %run_scoped3A_68 = arith.constant 0 : i32
    "tpu.region"() ({
      %run_scoped3A_224 = tpu.sem_alloc : memref<!tpu.dma_semaphore, #tpu.memory_space<semaphore_mem>>
      %dma_start3A_225 = arith.constant 0 : i32
      %dma_start3A_226 = arith.constant 0 : i32
      %dma_start3A_227 = tpu.memref_slice %arg10[%run_scoped3A_68, %dma_start3A_225, %dma_start3A_226] : memref<2x128x32xf32, #tpu.memory_space<vmem>> -> memref<1x128x32xf32, #tpu.memory_space<vmem>>
      %dma_start3A_228 = tpu.memref_squeeze %dma_start3A_227 : memref<1x128x32xf32, #tpu.memory_space<vmem>> -> memref<128x32xf32, #tpu.memory_space<vmem>>
      %dma_start3A_229 = arith.constant 0 : i32
      %dma_start3A_230 = tpu.memref_slice %arg7[%add3A_67, %dma_start3A_229] : memref<10240x32xf32, #tpu.memory_space<vmem_shared>> -> memref<128x32xf32, #tpu.memory_space<vmem_shared>>
      %dma_start3A_231 = arith.constant 0 : i32
      %dma_start3A_232 = tpu.memref_slice %arg7[%add3A_67, %dma_start3A_231] : memref<10240x32xf32, #tpu.memory_space<vmem_shared>> -> memref<128x32xf32, #tpu.memory_space<vmem_shared>>
      %dma_start3A_233 = arith.constant 0 : i32
      %dma_start3A_234 = arith.constant 0 : i32
      %dma_start3A_235 = tpu.memref_slice %arg10[%run_scoped3A_68, %dma_start3A_233, %dma_start3A_234] : memref<2x128x32xf32, #tpu.memory_space<vmem>> -> memref<1x128x32xf32, #tpu.memory_space<vmem>>
      %dma_start3A_236 = tpu.memref_squeeze %dma_start3A_235 : memref<1x128x32xf32, #tpu.memory_space<vmem>> -> memref<128x32xf32, #tpu.memory_space<vmem>>
      tpu.enqueue_dma source(%dma_start3A_236 : memref<128x32xf32, #tpu.memory_space<vmem>>) target(%dma_start3A_232 : memref<128x32xf32, #tpu.memory_space<vmem_shared>>) target_semaphore(%run_scoped3A_224 : memref<!tpu.dma_semaphore, #tpu.memory_space<semaphore_mem>>)
      %dma_wait3A_237 = arith.constant 0 : i32
      %dma_wait3A_238 = arith.constant 0 : i32
      %dma_wait3A_239 = tpu.memref_slice %arg10[%run_scoped3A_68, %dma_wait3A_237, %dma_wait3A_238] : memref<2x128x32xf32, #tpu.memory_space<vmem>> -> memref<1x128x32xf32, #tpu.memory_space<vmem>>
      %dma_wait3A_240 = tpu.memref_squeeze %dma_wait3A_239 : memref<1x128x32xf32, #tpu.memory_space<vmem>> -> memref<128x32xf32, #tpu.memory_space<vmem>>
      %dma_wait3A_241 = arith.constant 0 : i32
      %dma_wait3A_242 = tpu.memref_slice %arg7[%add3A_67, %dma_wait3A_241] : memref<10240x32xf32, #tpu.memory_space<vmem_shared>> -> memref<128x32xf32, #tpu.memory_space<vmem_shared>>
      %dma_wait3A_243 = arith.constant 0 : i32
      %dma_wait3A_244 = tpu.memref_slice %arg7[%add3A_67, %dma_wait3A_243] : memref<10240x32xf32, #tpu.memory_space<vmem_shared>> -> memref<128x32xf32, #tpu.memory_space<vmem_shared>>
      %dma_wait3A_245 = arith.constant 0 : i32
      %dma_wait3A_246 = arith.constant 0 : i32
      %dma_wait3A_247 = tpu.memref_slice %arg10[%run_scoped3A_68, %dma_wait3A_245, %dma_wait3A_246] : memref<2x128x32xf32, #tpu.memory_space<vmem>> -> memref<1x128x32xf32, #tpu.memory_space<vmem>>
      %dma_wait3A_248 = tpu.memref_squeeze %dma_wait3A_247 : memref<1x128x32xf32, #tpu.memory_space<vmem>> -> memref<128x32xf32, #tpu.memory_space<vmem>>
      tpu.wait_dma2 semaphore(%run_scoped3A_224 : memref<!tpu.dma_semaphore, #tpu.memory_space<semaphore_mem>>) src(%dma_wait3A_248 : memref<128x32xf32, #tpu.memory_space<vmem>>) dst(%dma_wait3A_244 : memref<128x32xf32, #tpu.memory_space<vmem_shared>>)
      tpu.yield
    }) : () -> ()
    %scan3A_69 = arith.constant 0 : i32
    %scan3A_70 = arith.constant 0 : i32
    %scan3A_71 = arith.constant 640 : i32
    %scan3A_72 = arith.addi %scan3A_70, %scan3A_71 : i32
    %scan3A_73 = arith.constant 1 : i32
    %scan3A_74 = scf.for %scan3A_224 = %scan3A_70 to %scan3A_72 step %scan3A_73 iter_args(%scan3A_225 = %scan3A_69) -> (i32)  : i32 {
      %get3A = arith.index_cast %scan3A_224 : i32 to index
      %get3A_226 = arith.constant 0 : index
      %get3A_227 = tpu.vector_load %arg11[%get3A, %get3A_226] {strides = array<i32>} : memref<640x32xf32, #tpu.memory_space<vmem>>, vector<1x16xf32>,
      %get3A_228 = vector.shape_cast %get3A_227 : vector<1x16xf32> to vector<16xf32>
      %max3A = arith.constant 1.000000e+00 : f32
      %max3A_229 = vector.broadcast %max3A : f32 to vector<16xf32>
      %max3A_230 = arith.maximumf %get3A_228, %max3A_229 : vector<16xf32>
      %bitcast_convert_type3A = tpu.bitcast %max3A_230 : vector<16xf32> -> vector<16xi32>
      %shift_right_logical3A = arith.constant 1 : i32
      %shift_right_logical3A_231 = vector.broadcast %shift_right_logical3A : i32 to vector<16xi32>
      %shift_right_logical3A_232 = arith.shrui %bitcast_convert_type3A, %shift_right_logical3A_231 : vector<16xi32>
      %sub3A = arith.constant 1597463007 : i32
      %sub3A_233 = vector.broadcast %sub3A : i32 to vector<16xi32>
      %sub3A_234 = arith.subi %sub3A_233, %shift_right_logical3A_232 : vector<16xi32>
      %bitcast_convert_type3A_235 = tpu.bitcast %sub3A_234 : vector<16xi32> -> vector<16xf32>
      %mul3A_236 = arith.constant 5.000000e-01 : f32
      %mul3A_237 = vector.broadcast %mul3A_236 : f32 to vector<16xf32>
      %mul3A_238 = arith.mulf %mul3A_237, %max3A_230 : vector<16xf32>
      %mul3A_239 = arith.mulf %mul3A_238, %bitcast_convert_type3A_235 : vector<16xf32>
      %mul3A_240 = arith.mulf %mul3A_239, %bitcast_convert_type3A_235 : vector<16xf32>
      %sub3A_241 = arith.constant 1.500000e+00 : f32
      %sub3A_242 = vector.broadcast %sub3A_241 : f32 to vector<16xf32>
      %sub3A_243 = arith.subf %sub3A_242, %mul3A_240 : vector<16xf32>
      %mul3A_244 = arith.mulf %bitcast_convert_type3A_235, %sub3A_243 : vector<16xf32>
      %mul3A_245 = arith.constant 5.000000e-01 : f32
      %mul3A_246 = vector.broadcast %mul3A_245 : f32 to vector<16xf32>
      %mul3A_247 = arith.mulf %mul3A_246, %max3A_230 : vector<16xf32>
      %mul3A_248 = arith.mulf %mul3A_247, %mul3A_244 : vector<16xf32>
      %mul3A_249 = arith.mulf %mul3A_248, %mul3A_244 : vector<16xf32>
      %sub3A_250 = arith.constant 1.500000e+00 : f32
      %sub3A_251 = vector.broadcast %sub3A_250 : f32 to vector<16xf32>
      %sub3A_252 = arith.subf %sub3A_251, %mul3A_249 : vector<16xf32>
      %mul3A_253 = arith.mulf %mul3A_244, %sub3A_252 : vector<16xf32>
      %mul3A_254 = arith.constant 5.000000e-01 : f32
      %mul3A_255 = vector.broadcast %mul3A_254 : f32 to vector<16xf32>
      %mul3A_256 = arith.mulf %mul3A_255, %max3A_230 : vector<16xf32>
      %mul3A_257 = arith.mulf %mul3A_256, %mul3A_253 : vector<16xf32>
      %mul3A_258 = arith.mulf %mul3A_257, %mul3A_253 : vector<16xf32>
      %sub3A_259 = arith.constant 1.500000e+00 : f32
      %sub3A_260 = vector.broadcast %sub3A_259 : f32 to vector<16xf32>
      %sub3A_261 = arith.subf %sub3A_260, %mul3A_258 : vector<16xf32>
      %mul3A_262 = arith.mulf %mul3A_253, %sub3A_261 : vector<16xf32>
      %swap3A = arith.index_cast %scan3A_224 : i32 to index
      %swap3A_263 = arith.constant 0 : index
      %swap3A_264 = tpu.vector_load %arg12[%swap3A, %swap3A_263] {strides = array<i32>} : memref<640x32xf32, #tpu.memory_space<vmem>>, vector<1x16xf32>,
      %swap3A_265 = vector.shape_cast %swap3A_264 : vector<1x16xf32> to vector<16xf32>
      %swap3A_266 = vector.shape_cast %mul3A_262 : vector<16xf32> to vector<1x16xf32>
      tpu.vector_store %arg12[%swap3A, %swap3A_263], %swap3A_266 {strides = array<i32>} : memref<640x32xf32, #tpu.memory_space<vmem>>, vector<1x16xf32>,
      %get3A_267 = arith.index_cast %scan3A_224 : i32 to index
      %get3A_268 = arith.constant 16 : index
      %get3A_269 = tpu.vector_load %arg11[%get3A_267, %get3A_268] {strides = array<i32>} : memref<640x32xf32, #tpu.memory_space<vmem>>, vector<1x16xf32>,
      %get3A_270 = vector.shape_cast %get3A_269 : vector<1x16xf32> to vector<16xf32>
      %max3A_271 = arith.constant 1.000000e+00 : f32
      %max3A_272 = vector.broadcast %max3A_271 : f32 to vector<16xf32>
      %max3A_273 = arith.maximumf %get3A_270, %max3A_272 : vector<16xf32>
      %bitcast_convert_type3A_274 = tpu.bitcast %max3A_273 : vector<16xf32> -> vector<16xi32>
      %shift_right_logical3A_275 = arith.constant 1 : i32
      %shift_right_logical3A_276 = vector.broadcast %shift_right_logical3A_275 : i32 to vector<16xi32>
      %shift_right_logical3A_277 = arith.shrui %bitcast_convert_type3A_274, %shift_right_logical3A_276 : vector<16xi32>
      %sub3A_278 = arith.constant 1597463007 : i32
      %sub3A_279 = vector.broadcast %sub3A_278 : i32 to vector<16xi32>
      %sub3A_280 = arith.subi %sub3A_279, %shift_right_logical3A_277 : vector<16xi32>
      %bitcast_convert_type3A_281 = tpu.bitcast %sub3A_280 : vector<16xi32> -> vector<16xf32>
      %mul3A_282 = arith.constant 5.000000e-01 : f32
      %mul3A_283 = vector.broadcast %mul3A_282 : f32 to vector<16xf32>
      %mul3A_284 = arith.mulf %mul3A_283, %max3A_273 : vector<16xf32>
      %mul3A_285 = arith.mulf %mul3A_284, %bitcast_convert_type3A_281 : vector<16xf32>
      %mul3A_286 = arith.mulf %mul3A_285, %bitcast_convert_type3A_281 : vector<16xf32>
      %sub3A_287 = arith.constant 1.500000e+00 : f32
      %sub3A_288 = vector.broadcast %sub3A_287 : f32 to vector<16xf32>
      %sub3A_289 = arith.subf %sub3A_288, %mul3A_286 : vector<16xf32>
      %mul3A_290 = arith.mulf %bitcast_convert_type3A_281, %sub3A_289 : vector<16xf32>
      %mul3A_291 = arith.constant 5.000000e-01 : f32
      %mul3A_292 = vector.broadcast %mul3A_291 : f32 to vector<16xf32>
      %mul3A_293 = arith.mulf %mul3A_292, %max3A_273 : vector<16xf32>
      %mul3A_294 = arith.mulf %mul3A_293, %mul3A_290 : vector<16xf32>
      %mul3A_295 = arith.mulf %mul3A_294, %mul3A_290 : vector<16xf32>
      %sub3A_296 = arith.constant 1.500000e+00 : f32
      %sub3A_297 = vector.broadcast %sub3A_296 : f32 to vector<16xf32>
      %sub3A_298 = arith.subf %sub3A_297, %mul3A_295 : vector<16xf32>
      %mul3A_299 = arith.mulf %mul3A_290, %sub3A_298 : vector<16xf32>
      %mul3A_300 = arith.constant 5.000000e-01 : f32
      %mul3A_301 = vector.broadcast %mul3A_300 : f32 to vector<16xf32>
      %mul3A_302 = arith.mulf %mul3A_301, %max3A_273 : vector<16xf32>
      %mul3A_303 = arith.mulf %mul3A_302, %mul3A_299 : vector<16xf32>
      %mul3A_304 = arith.mulf %mul3A_303, %mul3A_299 : vector<16xf32>
      %sub3A_305 = arith.constant 1.500000e+00 : f32
      %sub3A_306 = vector.broadcast %sub3A_305 : f32 to vector<16xf32>
      %sub3A_307 = arith.subf %sub3A_306, %mul3A_304 : vector<16xf32>
      %mul3A_308 = arith.mulf %mul3A_299, %sub3A_307 : vector<16xf32>
      %swap3A_309 = arith.index_cast %scan3A_224 : i32 to index
      %swap3A_310 = arith.constant 16 : index
      %swap3A_311 = tpu.vector_load %arg12[%swap3A_309, %swap3A_310] {strides = array<i32>} : memref<640x32xf32, #tpu.memory_space<vmem>>, vector<1x16xf32>,
      %swap3A_312 = vector.shape_cast %swap3A_311 : vector<1x16xf32> to vector<16xf32>
      %swap3A_313 = vector.shape_cast %mul3A_308 : vector<16xf32> to vector<1x16xf32>
      tpu.vector_store %arg12[%swap3A_309, %swap3A_310], %swap3A_313 {strides = array<i32>} : memref<640x32xf32, #tpu.memory_space<vmem>>, vector<1x16xf32>,
      %scan3A_314 = arith.constant 0 : i32
      scf.yield %scan3A_314 : i32
    }
    %scan3A_75 = arith.constant 640 : i32
    %add3A_76 = arith.addi %mul3A_2, %mul3A_0 : i32
    "tpu.region"() ({
      %run_scoped3A_224 = tpu.sem_alloc : memref<!tpu.dma_semaphore, #tpu.memory_space<semaphore_mem>>
      %dma_start3A_225 = arith.constant 0 : i32
      %dma_start3A_226 = tpu.memref_slice %arg2[%add3A_76, %dma_start3A_225] : memref<20480x32xf32, #tpu.memory_space<hbm>> -> memref<640x32xf32, #tpu.memory_space<hbm>>
      %dma_start3A_227 = arith.constant 0 : i32
      %dma_start3A_228 = tpu.memref_slice %arg2[%add3A_76, %dma_start3A_227] : memref<20480x32xf32, #tpu.memory_space<hbm>> -> memref<640x32xf32, #tpu.memory_space<hbm>>
      tpu.enqueue_dma source(%dma_start3A_228 : memref<640x32xf32, #tpu.memory_space<hbm>>) target(%arg11 : memref<640x32xf32, #tpu.memory_space<vmem>>) target_semaphore(%run_scoped3A_224 : memref<!tpu.dma_semaphore, #tpu.memory_space<semaphore_mem>>)
      %dma_wait3A_229 = arith.constant 0 : i32
      %dma_wait3A_230 = tpu.memref_slice %arg2[%add3A_76, %dma_wait3A_229] : memref<20480x32xf32, #tpu.memory_space<hbm>> -> memref<640x32xf32, #tpu.memory_space<hbm>>
      %dma_wait3A_231 = arith.constant 0 : i32
      %dma_wait3A_232 = tpu.memref_slice %arg2[%add3A_76, %dma_wait3A_231] : memref<20480x32xf32, #tpu.memory_space<hbm>> -> memref<640x32xf32, #tpu.memory_space<hbm>>
      tpu.wait_dma2 semaphore(%run_scoped3A_224 : memref<!tpu.dma_semaphore, #tpu.memory_space<semaphore_mem>>) src(%dma_wait3A_232 : memref<640x32xf32, #tpu.memory_space<hbm>>) dst(%arg11 : memref<640x32xf32, #tpu.memory_space<vmem>>)
      tpu.yield
    }) : () -> ()
    %scan3A_77 = arith.constant 0 : i32
    %scan3A_78 = arith.constant 0 : i32
    %scan3A_79 = arith.constant 640 : i32
    %scan3A_80 = arith.addi %scan3A_78, %scan3A_79 : i32
    %scan3A_81 = arith.constant 1 : i32
    %scan3A_82 = scf.for %scan3A_224 = %scan3A_78 to %scan3A_80 step %scan3A_81 iter_args(%scan3A_225 = %scan3A_77) -> (i32)  : i32 {
      %get3A = arith.index_cast %scan3A_224 : i32 to index
      %get3A_226 = arith.constant 0 : index
      %get3A_227 = tpu.vector_load %arg11[%get3A, %get3A_226] {strides = array<i32>} : memref<640x32xf32, #tpu.memory_space<vmem>>, vector<1x16xf32>,
      %get3A_228 = vector.shape_cast %get3A_227 : vector<1x16xf32> to vector<16xf32>
      %get3A_229 = arith.index_cast %scan3A_224 : i32 to index
      %get3A_230 = arith.constant 0 : index
      %get3A_231 = tpu.vector_load %arg12[%get3A_229, %get3A_230] {strides = array<i32>} : memref<640x32xf32, #tpu.memory_space<vmem>>, vector<1x16xf32>,
      %get3A_232 = vector.shape_cast %get3A_231 : vector<1x16xf32> to vector<16xf32>
      %mul3A_233 = arith.constant 1.000000e-01 : f32
      %mul3A_234 = vector.broadcast %mul3A_233 : f32 to vector<16xf32>
      %mul3A_235 = arith.mulf %mul3A_234, %get3A_228 : vector<16xf32>
      %mul3A_236 = arith.mulf %mul3A_235, %get3A_232 : vector<16xf32>
      %swap3A = arith.index_cast %scan3A_224 : i32 to index
      %swap3A_237 = arith.constant 0 : index
      %swap3A_238 = tpu.vector_load %arg13[%swap3A, %swap3A_237] {strides = array<i32>} : memref<640x32xf32, #tpu.memory_space<vmem>>, vector<1x16xf32>,
      %swap3A_239 = vector.shape_cast %swap3A_238 : vector<1x16xf32> to vector<16xf32>
      %swap3A_240 = vector.shape_cast %mul3A_236 : vector<16xf32> to vector<1x16xf32>
      tpu.vector_store %arg13[%swap3A, %swap3A_237], %swap3A_240 {strides = array<i32>} : memref<640x32xf32, #tpu.memory_space<vmem>>, vector<1x16xf32>,
      %mul3A_241 = arith.mulf %get3A_228, %get3A_232 : vector<16xf32>
      %swap3A_242 = arith.index_cast %scan3A_224 : i32 to index
      %swap3A_243 = arith.constant 0 : index
      %swap3A_244 = tpu.vector_load %arg11[%swap3A_242, %swap3A_243] {strides = array<i32>} : memref<640x32xf32, #tpu.memory_space<vmem>>, vector<1x16xf32>,
      %swap3A_245 = vector.shape_cast %swap3A_244 : vector<1x16xf32> to vector<16xf32>
      %swap3A_246 = vector.shape_cast %mul3A_241 : vector<16xf32> to vector<1x16xf32>
      tpu.vector_store %arg11[%swap3A_242, %swap3A_243], %swap3A_246 {strides = array<i32>} : memref<640x32xf32, #tpu.memory_space<vmem>>, vector<1x16xf32>,
      %get3A_247 = arith.index_cast %scan3A_224 : i32 to index
      %get3A_248 = arith.constant 16 : index
      %get3A_249 = tpu.vector_load %arg11[%get3A_247, %get3A_248] {strides = array<i32>} : memref<640x32xf32, #tpu.memory_space<vmem>>, vector<1x16xf32>,
      %get3A_250 = vector.shape_cast %get3A_249 : vector<1x16xf32> to vector<16xf32>
      %get3A_251 = arith.index_cast %scan3A_224 : i32 to index
      %get3A_252 = arith.constant 16 : index
      %get3A_253 = tpu.vector_load %arg12[%get3A_251, %get3A_252] {strides = array<i32>} : memref<640x32xf32, #tpu.memory_space<vmem>>, vector<1x16xf32>,
      %get3A_254 = vector.shape_cast %get3A_253 : vector<1x16xf32> to vector<16xf32>
      %mul3A_255 = arith.constant 1.000000e-01 : f32
      %mul3A_256 = vector.broadcast %mul3A_255 : f32 to vector<16xf32>
      %mul3A_257 = arith.mulf %mul3A_256, %get3A_250 : vector<16xf32>
      %mul3A_258 = arith.mulf %mul3A_257, %get3A_254 : vector<16xf32>
      %swap3A_259 = arith.index_cast %scan3A_224 : i32 to index
      %swap3A_260 = arith.constant 16 : index
      %swap3A_261 = tpu.vector_load %arg13[%swap3A_259, %swap3A_260] {strides = array<i32>} : memref<640x32xf32, #tpu.memory_space<vmem>>, vector<1x16xf32>,
      %swap3A_262 = vector.shape_cast %swap3A_261 : vector<1x16xf32> to vector<16xf32>
      %swap3A_263 = vector.shape_cast %mul3A_258 : vector<16xf32> to vector<1x16xf32>
      tpu.vector_store %arg13[%swap3A_259, %swap3A_260], %swap3A_263 {strides = array<i32>} : memref<640x32xf32, #tpu.memory_space<vmem>>, vector<1x16xf32>,
      %mul3A_264 = arith.mulf %get3A_250, %get3A_254 : vector<16xf32>
      %swap3A_265 = arith.index_cast %scan3A_224 : i32 to index
      %swap3A_266 = arith.constant 16 : index
      %swap3A_267 = tpu.vector_load %arg11[%swap3A_265, %swap3A_266] {strides = array<i32>} : memref<640x32xf32, #tpu.memory_space<vmem>>, vector<1x16xf32>,
      %swap3A_268 = vector.shape_cast %swap3A_267 : vector<1x16xf32> to vector<16xf32>
      %swap3A_269 = vector.shape_cast %mul3A_264 : vector<16xf32> to vector<1x16xf32>
      tpu.vector_store %arg11[%swap3A_265, %swap3A_266], %swap3A_269 {strides = array<i32>} : memref<640x32xf32, #tpu.memory_space<vmem>>, vector<1x16xf32>,
      %scan3A_270 = arith.constant 0 : i32
      scf.yield %scan3A_270 : i32
    }
    %scan3A_83 = arith.constant 640 : i32
    %add3A_84 = arith.addi %mul3A_2, %mul3A_0 : i32
    "tpu.region"() ({
      %run_scoped3A_224 = tpu.sem_alloc : memref<!tpu.dma_semaphore, #tpu.memory_space<semaphore_mem>>
      %dma_start3A_225 = arith.constant 0 : i32
      %dma_start3A_226 = tpu.memref_slice %arg6[%add3A_84, %dma_start3A_225] : memref<20480x32xf32, #tpu.memory_space<hbm>> -> memref<640x32xf32, #tpu.memory_space<hbm>>
      %dma_start3A_227 = arith.constant 0 : i32
      %dma_start3A_228 = tpu.memref_slice %arg6[%add3A_84, %dma_start3A_227] : memref<20480x32xf32, #tpu.memory_space<hbm>> -> memref<640x32xf32, #tpu.memory_space<hbm>>
      tpu.enqueue_dma source(%arg11 : memref<640x32xf32, #tpu.memory_space<vmem>>) target(%dma_start3A_228 : memref<640x32xf32, #tpu.memory_space<hbm>>) target_semaphore(%run_scoped3A_224 : memref<!tpu.dma_semaphore, #tpu.memory_space<semaphore_mem>>)
      %dma_wait3A_229 = arith.constant 0 : i32
      %dma_wait3A_230 = tpu.memref_slice %arg6[%add3A_84, %dma_wait3A_229] : memref<20480x32xf32, #tpu.memory_space<hbm>> -> memref<640x32xf32, #tpu.memory_space<hbm>>
      %dma_wait3A_231 = arith.constant 0 : i32
      %dma_wait3A_232 = tpu.memref_slice %arg6[%add3A_84, %dma_wait3A_231] : memref<20480x32xf32, #tpu.memory_space<hbm>> -> memref<640x32xf32, #tpu.memory_space<hbm>>
      tpu.wait_dma2 semaphore(%run_scoped3A_224 : memref<!tpu.dma_semaphore, #tpu.memory_space<semaphore_mem>>) src(%arg11 : memref<640x32xf32, #tpu.memory_space<vmem>>) dst(%dma_wait3A_232 : memref<640x32xf32, #tpu.memory_space<hbm>>)
      tpu.yield
    }) : () -> ()
    %barrier3A_85 = arith.constant 0 : index
    tpu.barrier barrier_id(%barrier3A_85)
    %scan3A_86 = arith.constant 0 : i32
    %scan3A_87 = arith.constant 0 : i32
    %scan3A_88 = arith.constant 9 : i32
    %scan3A_89 = arith.addi %scan3A_87, %scan3A_88 : i32
    %scan3A_90 = arith.constant 1 : i32
    %scan3A_91 = scf.for %scan3A_224 = %scan3A_87 to %scan3A_89 step %scan3A_90 iter_args(%scan3A_225 = %scan3A_86) -> (i32)  : i32 {
      %dma_start3A_226 = arith.constant 0 : i32
      %dma_start3A_227 = arith.constant 0 : i32
      %dma_start3A_228 = arith.constant 0 : i32
      %dma_start3A_229 = arith.constant 0 : i32
      %dma_start3A_230 = tpu.memref_slice %arg10[%dma_start3A_227, %dma_start3A_228, %dma_start3A_229] : memref<2x128x32xf32, #tpu.memory_space<vmem>> -> memref<1x128x32xf32, #tpu.memory_space<vmem>>
      %dma_start3A_231 = tpu.memref_squeeze %dma_start3A_230 : memref<1x128x32xf32, #tpu.memory_space<vmem>> -> memref<128x32xf32, #tpu.memory_space<vmem>>
      %dma_start3A_232 = arith.constant 0 : i32
      %dma_start3A_233 = tpu.memref_slice %arg8[%dma_start3A_226, %dma_start3A_232] : memref<158x128xi32, #tpu.memory_space<vmem>> -> memref<1x128xi32, #tpu.memory_space<vmem>>
      %dma_start3A_234 = tpu.memref_squeeze %dma_start3A_233 : memref<1x128xi32, #tpu.memory_space<vmem>> -> memref<128xi32, #tpu.memory_space<vmem>>
      %dma_start3A_235 = arith.constant 0 : i32
      %dma_start3A_236 = arith.constant 0 : i32
      %dma_start3A_237 = tpu.memref_slice %arg6[%dma_start3A_235, %dma_start3A_236] : memref<20480x32xf32, #tpu.memory_space<hbm>> -> memref<20480x32xf32, #tpu.memory_space<hbm>>
      tpu.enqueue_indirect_dma source(%dma_start3A_237 : memref<20480x32xf32, #tpu.memory_space<hbm>>) target(%dma_start3A_231 : memref<128x32xf32, #tpu.memory_space<vmem>>) offsets(%dma_start3A_234 : memref<128xi32, #tpu.memory_space<vmem>>) semaphore(%arg15 : memref<!tpu.dma_semaphore, #tpu.memory_space<semaphore_mem>>)
      %scan3A_238 = arith.constant 0 : i32
      %scan3A_239 = arith.constant 0 : i32
      %scan3A_240 = arith.constant 79 : i32
      %scan3A_241 = arith.addi %scan3A_239, %scan3A_240 : i32
      %scan3A_242 = arith.constant 1 : i32
      %scan3A_243 = scf.for %scan3A_290 = %scan3A_239 to %scan3A_241 step %scan3A_242 iter_args(%scan3A_291 = %scan3A_238) -> (i32)  : i32 {
        %mul3A_292 = arith.constant 2 : i32
        %mul3A_293 = arith.muli %mul3A_292, %scan3A_290 : i32
        %add3A_294 = arith.constant 1 : i32
        %add3A_295 = arith.addi %mul3A_293, %add3A_294 : i32
        %add3A_296 = arith.constant 2 : i32
        %add3A_297 = arith.addi %mul3A_293, %add3A_296 : i32
        %min3A = arith.constant 157 : i32
        %min3A_298 = arith.minsi %add3A_297, %min3A : i32
        %dma_start3A_299 = arith.constant 1 : i32
        %dma_start3A_300 = arith.constant 0 : i32
        %dma_start3A_301 = arith.constant 0 : i32
        %dma_start3A_302 = tpu.memref_slice %arg10[%dma_start3A_299, %dma_start3A_300, %dma_start3A_301] : memref<2x128x32xf32, #tpu.memory_space<vmem>> -> memref<1x128x32xf32, #tpu.memory_space<vmem>>
        %dma_start3A_303 = tpu.memref_squeeze %dma_start3A_302 : memref<1x128x32xf32, #tpu.memory_space<vmem>> -> memref<128x32xf32, #tpu.memory_space<vmem>>
        %dma_start3A_304 = arith.constant 0 : i32
        %dma_start3A_305 = tpu.memref_slice %arg8[%add3A_295, %dma_start3A_304] : memref<158x128xi32, #tpu.memory_space<vmem>> -> memref<1x128xi32, #tpu.memory_space<vmem>>
        %dma_start3A_306 = tpu.memref_squeeze %dma_start3A_305 : memref<1x128xi32, #tpu.memory_space<vmem>> -> memref<128xi32, #tpu.memory_space<vmem>>
        %dma_start3A_307 = arith.constant 0 : i32
        %dma_start3A_308 = arith.constant 0 : i32
        %dma_start3A_309 = tpu.memref_slice %arg6[%dma_start3A_307, %dma_start3A_308] : memref<20480x32xf32, #tpu.memory_space<hbm>> -> memref<20480x32xf32, #tpu.memory_space<hbm>>
        tpu.enqueue_indirect_dma source(%dma_start3A_309 : memref<20480x32xf32, #tpu.memory_space<hbm>>) target(%dma_start3A_303 : memref<128x32xf32, #tpu.memory_space<vmem>>) offsets(%dma_start3A_306 : memref<128xi32, #tpu.memory_space<vmem>>) semaphore(%arg16 : memref<!tpu.dma_semaphore, #tpu.memory_space<semaphore_mem>>)
        %dma_wait3A_310 = arith.constant 0 : i32
        %dma_wait3A_311 = arith.constant 0 : i32
        %dma_wait3A_312 = arith.constant 0 : i32
        %dma_wait3A_313 = tpu.memref_slice %arg10[%dma_wait3A_310, %dma_wait3A_311, %dma_wait3A_312] : memref<2x128x32xf32, #tpu.memory_space<vmem>> -> memref<1x128x32xf32, #tpu.memory_space<vmem>>
        %dma_wait3A_314 = tpu.memref_squeeze %dma_wait3A_313 : memref<1x128x32xf32, #tpu.memory_space<vmem>> -> memref<128x32xf32, #tpu.memory_space<vmem>>
        %dma_wait3A_315 = arith.constant 0 : i32
        %dma_wait3A_316 = tpu.memref_slice %arg8[%mul3A_293, %dma_wait3A_315] : memref<158x128xi32, #tpu.memory_space<vmem>> -> memref<1x128xi32, #tpu.memory_space<vmem>>
        %dma_wait3A_317 = tpu.memref_squeeze %dma_wait3A_316 : memref<1x128xi32, #tpu.memory_space<vmem>> -> memref<128xi32, #tpu.memory_space<vmem>>
        %dma_wait3A_318 = arith.constant 0 : i32
        %dma_wait3A_319 = arith.constant 0 : i32
        %dma_wait3A_320 = tpu.memref_slice %arg6[%dma_wait3A_318, %dma_wait3A_319] : memref<20480x32xf32, #tpu.memory_space<hbm>> -> memref<20480x32xf32, #tpu.memory_space<hbm>>
        tpu.wait_indirect_dma semaphore(%arg15 : memref<!tpu.dma_semaphore, #tpu.memory_space<semaphore_mem>>) src(%dma_wait3A_320 : memref<20480x32xf32, #tpu.memory_space<hbm>>) dst(%dma_wait3A_314 : memref<128x32xf32, #tpu.memory_space<vmem>>)
        %run_scoped3A_321 = arith.constant 0 : i32
        "tpu.region"() ({
          %run_scoped3A_346 = tpu.sem_alloc : memref<!tpu.dma_semaphore, #tpu.memory_space<semaphore_mem>>
          %dma_start3A_347 = arith.constant 0 : i32
          %dma_start3A_348 = arith.constant 0 : i32
          %dma_start3A_349 = tpu.memref_slice %arg10[%run_scoped3A_321, %dma_start3A_347, %dma_start3A_348] : memref<2x128x32xf32, #tpu.memory_space<vmem>> -> memref<1x128x32xf32, #tpu.memory_space<vmem>>
          %dma_start3A_350 = tpu.memref_squeeze %dma_start3A_349 : memref<1x128x32xf32, #tpu.memory_space<vmem>> -> memref<128x32xf32, #tpu.memory_space<vmem>>
          %dma_start3A_351 = arith.constant 0 : i32
          %dma_start3A_352 = tpu.memref_slice %arg9[%mul3A_293, %dma_start3A_351] : memref<158x128xi32, #tpu.memory_space<vmem>> -> memref<1x128xi32, #tpu.memory_space<vmem>>
          %dma_start3A_353 = tpu.memref_squeeze %dma_start3A_352 : memref<1x128xi32, #tpu.memory_space<vmem>> -> memref<128xi32, #tpu.memory_space<vmem>>
          %dma_start3A_354 = arith.constant 0 : i32
          %dma_start3A_355 = arith.constant 0 : i32
          %dma_start3A_356 = tpu.memref_slice %arg7[%dma_start3A_354, %dma_start3A_355] : memref<10240x32xf32, #tpu.memory_space<vmem_shared>> -> memref<10240x32xf32, #tpu.memory_space<vmem_shared>>
          tpu.enqueue_indirect_dma source(%dma_start3A_350 : memref<128x32xf32, #tpu.memory_space<vmem>>) target(%dma_start3A_356 : memref<10240x32xf32, #tpu.memory_space<vmem_shared>>) offsets(%dma_start3A_353 : memref<128xi32, #tpu.memory_space<vmem>>) semaphore(%run_scoped3A_346 : memref<!tpu.dma_semaphore, #tpu.memory_space<semaphore_mem>>) {add = true}
          %dma_wait3A_357 = arith.constant 0 : i32
          %dma_wait3A_358 = arith.constant 0 : i32
          %dma_wait3A_359 = tpu.memref_slice %arg10[%run_scoped3A_321, %dma_wait3A_357, %dma_wait3A_358] : memref<2x128x32xf32, #tpu.memory_space<vmem>> -> memref<1x128x32xf32, #tpu.memory_space<vmem>>
          %dma_wait3A_360 = tpu.memref_squeeze %dma_wait3A_359 : memref<1x128x32xf32, #tpu.memory_space<vmem>> -> memref<128x32xf32, #tpu.memory_space<vmem>>
          %dma_wait3A_361 = arith.constant 0 : i32
          %dma_wait3A_362 = tpu.memref_slice %arg9[%mul3A_293, %dma_wait3A_361] : memref<158x128xi32, #tpu.memory_space<vmem>> -> memref<1x128xi32, #tpu.memory_space<vmem>>
          %dma_wait3A_363 = tpu.memref_squeeze %dma_wait3A_362 : memref<1x128xi32, #tpu.memory_space<vmem>> -> memref<128xi32, #tpu.memory_space<vmem>>
          %dma_wait3A_364 = arith.constant 0 : i32
          %dma_wait3A_365 = arith.constant 0 : i32
          %dma_wait3A_366 = tpu.memref_slice %arg7[%dma_wait3A_364, %dma_wait3A_365] : memref<10240x32xf32, #tpu.memory_space<vmem_shared>> -> memref<10240x32xf32, #tpu.memory_space<vmem_shared>>
          tpu.wait_indirect_dma semaphore(%run_scoped3A_346 : memref<!tpu.dma_semaphore, #tpu.memory_space<semaphore_mem>>) src(%dma_wait3A_360 : memref<128x32xf32, #tpu.memory_space<vmem>>) dst(%dma_wait3A_366 : memref<10240x32xf32, #tpu.memory_space<vmem_shared>>)
          tpu.yield
        }) : () -> ()
        %dma_start3A_322 = arith.constant 0 : i32
        %dma_start3A_323 = arith.constant 0 : i32
        %dma_start3A_324 = arith.constant 0 : i32
        %dma_start3A_325 = tpu.memref_slice %arg10[%dma_start3A_322, %dma_start3A_323, %dma_start3A_324] : memref<2x128x32xf32, #tpu.memory_space<vmem>> -> memref<1x128x32xf32, #tpu.memory_space<vmem>>
        %dma_start3A_326 = tpu.memref_squeeze %dma_start3A_325 : memref<1x128x32xf32, #tpu.memory_space<vmem>> -> memref<128x32xf32, #tpu.memory_space<vmem>>
        %dma_start3A_327 = arith.constant 0 : i32
        %dma_start3A_328 = tpu.memref_slice %arg8[%min3A_298, %dma_start3A_327] : memref<158x128xi32, #tpu.memory_space<vmem>> -> memref<1x128xi32, #tpu.memory_space<vmem>>
        %dma_start3A_329 = tpu.memref_squeeze %dma_start3A_328 : memref<1x128xi32, #tpu.memory_space<vmem>> -> memref<128xi32, #tpu.memory_space<vmem>>
        %dma_start3A_330 = arith.constant 0 : i32
        %dma_start3A_331 = arith.constant 0 : i32
        %dma_start3A_332 = tpu.memref_slice %arg6[%dma_start3A_330, %dma_start3A_331] : memref<20480x32xf32, #tpu.memory_space<hbm>> -> memref<20480x32xf32, #tpu.memory_space<hbm>>
        tpu.enqueue_indirect_dma source(%dma_start3A_332 : memref<20480x32xf32, #tpu.memory_space<hbm>>) target(%dma_start3A_326 : memref<128x32xf32, #tpu.memory_space<vmem>>) offsets(%dma_start3A_329 : memref<128xi32, #tpu.memory_space<vmem>>) semaphore(%arg15 : memref<!tpu.dma_semaphore, #tpu.memory_space<semaphore_mem>>)
        %dma_wait3A_333 = arith.constant 1 : i32
        %dma_wait3A_334 = arith.constant 0 : i32
        %dma_wait3A_335 = arith.constant 0 : i32
        %dma_wait3A_336 = tpu.memref_slice %arg10[%dma_wait3A_333, %dma_wait3A_334, %dma_wait3A_335] : memref<2x128x32xf32, #tpu.memory_space<vmem>> -> memref<1x128x32xf32, #tpu.memory_space<vmem>>
        %dma_wait3A_337 = tpu.memref_squeeze %dma_wait3A_336 : memref<1x128x32xf32, #tpu.memory_space<vmem>> -> memref<128x32xf32, #tpu.memory_space<vmem>>
        %dma_wait3A_338 = arith.constant 0 : i32
        %dma_wait3A_339 = tpu.memref_slice %arg8[%add3A_295, %dma_wait3A_338] : memref<158x128xi32, #tpu.memory_space<vmem>> -> memref<1x128xi32, #tpu.memory_space<vmem>>
        %dma_wait3A_340 = tpu.memref_squeeze %dma_wait3A_339 : memref<1x128xi32, #tpu.memory_space<vmem>> -> memref<128xi32, #tpu.memory_space<vmem>>
        %dma_wait3A_341 = arith.constant 0 : i32
        %dma_wait3A_342 = arith.constant 0 : i32
        %dma_wait3A_343 = tpu.memref_slice %arg6[%dma_wait3A_341, %dma_wait3A_342] : memref<20480x32xf32, #tpu.memory_space<hbm>> -> memref<20480x32xf32, #tpu.memory_space<hbm>>
        tpu.wait_indirect_dma semaphore(%arg16 : memref<!tpu.dma_semaphore, #tpu.memory_space<semaphore_mem>>) src(%dma_wait3A_343 : memref<20480x32xf32, #tpu.memory_space<hbm>>) dst(%dma_wait3A_337 : memref<128x32xf32, #tpu.memory_space<vmem>>)
        %run_scoped3A_344 = arith.constant 1 : i32
        "tpu.region"() ({
          %run_scoped3A_346 = tpu.sem_alloc : memref<!tpu.dma_semaphore, #tpu.memory_space<semaphore_mem>>
          %dma_start3A_347 = arith.constant 0 : i32
          %dma_start3A_348 = arith.constant 0 : i32
          %dma_start3A_349 = tpu.memref_slice %arg10[%run_scoped3A_344, %dma_start3A_347, %dma_start3A_348] : memref<2x128x32xf32, #tpu.memory_space<vmem>> -> memref<1x128x32xf32, #tpu.memory_space<vmem>>
          %dma_start3A_350 = tpu.memref_squeeze %dma_start3A_349 : memref<1x128x32xf32, #tpu.memory_space<vmem>> -> memref<128x32xf32, #tpu.memory_space<vmem>>
          %dma_start3A_351 = arith.constant 0 : i32
          %dma_start3A_352 = tpu.memref_slice %arg9[%add3A_295, %dma_start3A_351] : memref<158x128xi32, #tpu.memory_space<vmem>> -> memref<1x128xi32, #tpu.memory_space<vmem>>
          %dma_start3A_353 = tpu.memref_squeeze %dma_start3A_352 : memref<1x128xi32, #tpu.memory_space<vmem>> -> memref<128xi32, #tpu.memory_space<vmem>>
          %dma_start3A_354 = arith.constant 0 : i32
          %dma_start3A_355 = arith.constant 0 : i32
          %dma_start3A_356 = tpu.memref_slice %arg7[%dma_start3A_354, %dma_start3A_355] : memref<10240x32xf32, #tpu.memory_space<vmem_shared>> -> memref<10240x32xf32, #tpu.memory_space<vmem_shared>>
          tpu.enqueue_indirect_dma source(%dma_start3A_350 : memref<128x32xf32, #tpu.memory_space<vmem>>) target(%dma_start3A_356 : memref<10240x32xf32, #tpu.memory_space<vmem_shared>>) offsets(%dma_start3A_353 : memref<128xi32, #tpu.memory_space<vmem>>) semaphore(%run_scoped3A_346 : memref<!tpu.dma_semaphore, #tpu.memory_space<semaphore_mem>>) {add = true}
          %dma_wait3A_357 = arith.constant 0 : i32
          %dma_wait3A_358 = arith.constant 0 : i32
          %dma_wait3A_359 = tpu.memref_slice %arg10[%run_scoped3A_344, %dma_wait3A_357, %dma_wait3A_358] : memref<2x128x32xf32, #tpu.memory_space<vmem>> -> memref<1x128x32xf32, #tpu.memory_space<vmem>>
          %dma_wait3A_360 = tpu.memref_squeeze %dma_wait3A_359 : memref<1x128x32xf32, #tpu.memory_space<vmem>> -> memref<128x32xf32, #tpu.memory_space<vmem>>
          %dma_wait3A_361 = arith.constant 0 : i32
          %dma_wait3A_362 = tpu.memref_slice %arg9[%add3A_295, %dma_wait3A_361] : memref<158x128xi32, #tpu.memory_space<vmem>> -> memref<1x128xi32, #tpu.memory_space<vmem>>
          %dma_wait3A_363 = tpu.memref_squeeze %dma_wait3A_362 : memref<1x128xi32, #tpu.memory_space<vmem>> -> memref<128xi32, #tpu.memory_space<vmem>>
          %dma_wait3A_364 = arith.constant 0 : i32
          %dma_wait3A_365 = arith.constant 0 : i32
          %dma_wait3A_366 = tpu.memref_slice %arg7[%dma_wait3A_364, %dma_wait3A_365] : memref<10240x32xf32, #tpu.memory_space<vmem_shared>> -> memref<10240x32xf32, #tpu.memory_space<vmem_shared>>
          tpu.wait_indirect_dma semaphore(%run_scoped3A_346 : memref<!tpu.dma_semaphore, #tpu.memory_space<semaphore_mem>>) src(%dma_wait3A_360 : memref<128x32xf32, #tpu.memory_space<vmem>>) dst(%dma_wait3A_366 : memref<10240x32xf32, #tpu.memory_space<vmem_shared>>)
          tpu.yield
        }) : () -> ()
        %scan3A_345 = arith.constant 0 : i32
        scf.yield %scan3A_345 : i32
      }
      %scan3A_244 = arith.constant 79 : i32
      %dma_wait3A_245 = arith.constant 0 : i32
      %dma_wait3A_246 = arith.constant 0 : i32
      %dma_wait3A_247 = arith.constant 0 : i32
      %dma_wait3A_248 = arith.constant 0 : i32
      %dma_wait3A_249 = tpu.memref_slice %arg10[%dma_wait3A_246, %dma_wait3A_247, %dma_wait3A_248] : memref<2x128x32xf32, #tpu.memory_space<vmem>> -> memref<1x128x32xf32, #tpu.memory_space<vmem>>
      %dma_wait3A_250 = tpu.memref_squeeze %dma_wait3A_249 : memref<1x128x32xf32, #tpu.memory_space<vmem>> -> memref<128x32xf32, #tpu.memory_space<vmem>>
      %dma_wait3A_251 = arith.constant 0 : i32
      %dma_wait3A_252 = tpu.memref_slice %arg8[%dma_wait3A_245, %dma_wait3A_251] : memref<158x128xi32, #tpu.memory_space<vmem>> -> memref<1x128xi32, #tpu.memory_space<vmem>>
      %dma_wait3A_253 = tpu.memref_squeeze %dma_wait3A_252 : memref<1x128xi32, #tpu.memory_space<vmem>> -> memref<128xi32, #tpu.memory_space<vmem>>
      %dma_wait3A_254 = arith.constant 0 : i32
      %dma_wait3A_255 = arith.constant 0 : i32
      %dma_wait3A_256 = tpu.memref_slice %arg6[%dma_wait3A_254, %dma_wait3A_255] : memref<20480x32xf32, #tpu.memory_space<hbm>> -> memref<20480x32xf32, #tpu.memory_space<hbm>>
      tpu.wait_indirect_dma semaphore(%arg15 : memref<!tpu.dma_semaphore, #tpu.memory_space<semaphore_mem>>) src(%dma_wait3A_256 : memref<20480x32xf32, #tpu.memory_space<hbm>>) dst(%dma_wait3A_250 : memref<128x32xf32, #tpu.memory_space<vmem>>)
      %barrier3A_257 = arith.constant 0 : index
      tpu.barrier barrier_id(%barrier3A_257)
      "tpu.region"() ({
        %run_scoped3A_290 = tpu.sem_alloc : memref<!tpu.dma_semaphore, #tpu.memory_space<semaphore_mem>>
        %dma_start3A_291 = arith.constant 0 : i32
        %dma_start3A_292 = tpu.memref_slice %arg7[%mul3A_0, %dma_start3A_291] : memref<10240x32xf32, #tpu.memory_space<vmem_shared>> -> memref<640x32xf32, #tpu.memory_space<vmem_shared>>
        %dma_start3A_293 = arith.constant 0 : i32
        %dma_start3A_294 = tpu.memref_slice %arg7[%mul3A_0, %dma_start3A_293] : memref<10240x32xf32, #tpu.memory_space<vmem_shared>> -> memref<640x32xf32, #tpu.memory_space<vmem_shared>>
        tpu.enqueue_dma source(%dma_start3A_294 : memref<640x32xf32, #tpu.memory_space<vmem_shared>>) target(%arg11 : memref<640x32xf32, #tpu.memory_space<vmem>>) target_semaphore(%run_scoped3A_290 : memref<!tpu.dma_semaphore, #tpu.memory_space<semaphore_mem>>)
        %dma_wait3A_295 = arith.constant 0 : i32
        %dma_wait3A_296 = tpu.memref_slice %arg7[%mul3A_0, %dma_wait3A_295] : memref<10240x32xf32, #tpu.memory_space<vmem_shared>> -> memref<640x32xf32, #tpu.memory_space<vmem_shared>>
        %dma_wait3A_297 = arith.constant 0 : i32
        %dma_wait3A_298 = tpu.memref_slice %arg7[%mul3A_0, %dma_wait3A_297] : memref<10240x32xf32, #tpu.memory_space<vmem_shared>> -> memref<640x32xf32, #tpu.memory_space<vmem_shared>>
        tpu.wait_dma2 semaphore(%run_scoped3A_290 : memref<!tpu.dma_semaphore, #tpu.memory_space<semaphore_mem>>) src(%dma_wait3A_298 : memref<640x32xf32, #tpu.memory_space<vmem_shared>>) dst(%arg11 : memref<640x32xf32, #tpu.memory_space<vmem>>)
        tpu.yield
      }) : () -> ()
      %scan3A_258 = arith.constant 0 : i32
      %scan3A_259 = arith.constant 0 : i32
      %scan3A_260 = arith.constant 128 : i32
      %scan3A_261 = arith.addi %scan3A_259, %scan3A_260 : i32
      %scan3A_262 = arith.constant 1 : i32
      %scan3A_263 = scf.for %scan3A_290 = %scan3A_259 to %scan3A_261 step %scan3A_262 iter_args(%scan3A_291 = %scan3A_258) -> (i32)  : i32 {
        %swap3A = arith.constant 0 : i32
        %swap3A_292 = arith.index_cast %swap3A : i32 to index
        %swap3A_293 = arith.index_cast %scan3A_290 : i32 to index
        %swap3A_294 = arith.constant 0 : index
        %swap3A_295 = tpu.vector_load %arg10[%swap3A_292, %swap3A_293, %swap3A_294] {strides = array<i32>} : memref<2x128x32xf32, #tpu.memory_space<vmem>>, vector<1x1x16xf32>,
        %swap3A_296 = vector.shape_cast %swap3A_295 : vector<1x1x16xf32> to vector<16xf32>
        %swap3A_297 = vector.shape_cast %broadcast_in_dim3A_9 : vector<16xf32> to vector<1x1x16xf32>
        tpu.vector_store %arg10[%swap3A_292, %swap3A_293, %swap3A_294], %swap3A_297 {strides = array<i32>} : memref<2x128x32xf32, #tpu.memory_space<vmem>>, vector<1x1x16xf32>,
        %swap3A_298 = arith.constant 0 : i32
        %swap3A_299 = arith.index_cast %swap3A_298 : i32 to index
        %swap3A_300 = arith.index_cast %scan3A_290 : i32 to index
        %swap3A_301 = arith.constant 16 : index
        %swap3A_302 = tpu.vector_load %arg10[%swap3A_299, %swap3A_300, %swap3A_301] {strides = array<i32>} : memref<2x128x32xf32, #tpu.memory_space<vmem>>, vector<1x1x16xf32>,
        %swap3A_303 = vector.shape_cast %swap3A_302 : vector<1x1x16xf32> to vector<16xf32>
        %swap3A_304 = vector.shape_cast %broadcast_in_dim3A_9 : vector<16xf32> to vector<1x1x16xf32>
        tpu.vector_store %arg10[%swap3A_299, %swap3A_300, %swap3A_301], %swap3A_304 {strides = array<i32>} : memref<2x128x32xf32, #tpu.memory_space<vmem>>, vector<1x1x16xf32>,
        %scan3A_305 = arith.constant 0 : i32
        scf.yield %scan3A_305 : i32
      }
      %scan3A_264 = arith.constant 128 : i32
      %add3A_265 = arith.constant 0 : i32
      %add3A_266 = arith.addi %mul3A_0, %add3A_265 : i32
      %run_scoped3A_267 = arith.constant 0 : i32
      "tpu.region"() ({
        %run_scoped3A_290 = tpu.sem_alloc : memref<!tpu.dma_semaphore, #tpu.memory_space<semaphore_mem>>
        %dma_start3A_291 = arith.constant 0 : i32
        %dma_start3A_292 = arith.constant 0 : i32
        %dma_start3A_293 = tpu.memref_slice %arg10[%run_scoped3A_267, %dma_start3A_291, %dma_start3A_292] : memref<2x128x32xf32, #tpu.memory_space<vmem>> -> memref<1x128x32xf32, #tpu.memory_space<vmem>>
        %dma_start3A_294 = tpu.memref_squeeze %dma_start3A_293 : memref<1x128x32xf32, #tpu.memory_space<vmem>> -> memref<128x32xf32, #tpu.memory_space<vmem>>
        %dma_start3A_295 = arith.constant 0 : i32
        %dma_start3A_296 = tpu.memref_slice %arg7[%add3A_266, %dma_start3A_295] : memref<10240x32xf32, #tpu.memory_space<vmem_shared>> -> memref<128x32xf32, #tpu.memory_space<vmem_shared>>
        %dma_start3A_297 = arith.constant 0 : i32
        %dma_start3A_298 = tpu.memref_slice %arg7[%add3A_266, %dma_start3A_297] : memref<10240x32xf32, #tpu.memory_space<vmem_shared>> -> memref<128x32xf32, #tpu.memory_space<vmem_shared>>
        %dma_start3A_299 = arith.constant 0 : i32
        %dma_start3A_300 = arith.constant 0 : i32
        %dma_start3A_301 = tpu.memref_slice %arg10[%run_scoped3A_267, %dma_start3A_299, %dma_start3A_300] : memref<2x128x32xf32, #tpu.memory_space<vmem>> -> memref<1x128x32xf32, #tpu.memory_space<vmem>>
        %dma_start3A_302 = tpu.memref_squeeze %dma_start3A_301 : memref<1x128x32xf32, #tpu.memory_space<vmem>> -> memref<128x32xf32, #tpu.memory_space<vmem>>
        tpu.enqueue_dma source(%dma_start3A_302 : memref<128x32xf32, #tpu.memory_space<vmem>>) target(%dma_start3A_298 : memref<128x32xf32, #tpu.memory_space<vmem_shared>>) target_semaphore(%run_scoped3A_290 : memref<!tpu.dma_semaphore, #tpu.memory_space<semaphore_mem>>)
        %dma_wait3A_303 = arith.constant 0 : i32
        %dma_wait3A_304 = arith.constant 0 : i32
        %dma_wait3A_305 = tpu.memref_slice %arg10[%run_scoped3A_267, %dma_wait3A_303, %dma_wait3A_304] : memref<2x128x32xf32, #tpu.memory_space<vmem>> -> memref<1x128x32xf32, #tpu.memory_space<vmem>>
        %dma_wait3A_306 = tpu.memref_squeeze %dma_wait3A_305 : memref<1x128x32xf32, #tpu.memory_space<vmem>> -> memref<128x32xf32, #tpu.memory_space<vmem>>
        %dma_wait3A_307 = arith.constant 0 : i32
        %dma_wait3A_308 = tpu.memref_slice %arg7[%add3A_266, %dma_wait3A_307] : memref<10240x32xf32, #tpu.memory_space<vmem_shared>> -> memref<128x32xf32, #tpu.memory_space<vmem_shared>>
        %dma_wait3A_309 = arith.constant 0 : i32
        %dma_wait3A_310 = tpu.memref_slice %arg7[%add3A_266, %dma_wait3A_309] : memref<10240x32xf32, #tpu.memory_space<vmem_shared>> -> memref<128x32xf32, #tpu.memory_space<vmem_shared>>
        %dma_wait3A_311 = arith.constant 0 : i32
        %dma_wait3A_312 = arith.constant 0 : i32
        %dma_wait3A_313 = tpu.memref_slice %arg10[%run_scoped3A_267, %dma_wait3A_311, %dma_wait3A_312] : memref<2x128x32xf32, #tpu.memory_space<vmem>> -> memref<1x128x32xf32, #tpu.memory_space<vmem>>
        %dma_wait3A_314 = tpu.memref_squeeze %dma_wait3A_313 : memref<1x128x32xf32, #tpu.memory_space<vmem>> -> memref<128x32xf32, #tpu.memory_space<vmem>>
        tpu.wait_dma2 semaphore(%run_scoped3A_290 : memref<!tpu.dma_semaphore, #tpu.memory_space<semaphore_mem>>) src(%dma_wait3A_314 : memref<128x32xf32, #tpu.memory_space<vmem>>) dst(%dma_wait3A_310 : memref<128x32xf32, #tpu.memory_space<vmem_shared>>)
        tpu.yield
      }) : () -> ()
      %add3A_268 = arith.constant 128 : i32
      %add3A_269 = arith.addi %mul3A_0, %add3A_268 : i32
      %run_scoped3A_270 = arith.constant 0 : i32
      "tpu.region"() ({
        %run_scoped3A_290 = tpu.sem_alloc : memref<!tpu.dma_semaphore, #tpu.memory_space<semaphore_mem>>
        %dma_start3A_291 = arith.constant 0 : i32
        %dma_start3A_292 = arith.constant 0 : i32
        %dma_start3A_293 = tpu.memref_slice %arg10[%run_scoped3A_270, %dma_start3A_291, %dma_start3A_292] : memref<2x128x32xf32, #tpu.memory_space<vmem>> -> memref<1x128x32xf32, #tpu.memory_space<vmem>>
        %dma_start3A_294 = tpu.memref_squeeze %dma_start3A_293 : memref<1x128x32xf32, #tpu.memory_space<vmem>> -> memref<128x32xf32, #tpu.memory_space<vmem>>
        %dma_start3A_295 = arith.constant 0 : i32
        %dma_start3A_296 = tpu.memref_slice %arg7[%add3A_269, %dma_start3A_295] : memref<10240x32xf32, #tpu.memory_space<vmem_shared>> -> memref<128x32xf32, #tpu.memory_space<vmem_shared>>
        %dma_start3A_297 = arith.constant 0 : i32
        %dma_start3A_298 = tpu.memref_slice %arg7[%add3A_269, %dma_start3A_297] : memref<10240x32xf32, #tpu.memory_space<vmem_shared>> -> memref<128x32xf32, #tpu.memory_space<vmem_shared>>
        %dma_start3A_299 = arith.constant 0 : i32
        %dma_start3A_300 = arith.constant 0 : i32
        %dma_start3A_301 = tpu.memref_slice %arg10[%run_scoped3A_270, %dma_start3A_299, %dma_start3A_300] : memref<2x128x32xf32, #tpu.memory_space<vmem>> -> memref<1x128x32xf32, #tpu.memory_space<vmem>>
        %dma_start3A_302 = tpu.memref_squeeze %dma_start3A_301 : memref<1x128x32xf32, #tpu.memory_space<vmem>> -> memref<128x32xf32, #tpu.memory_space<vmem>>
        tpu.enqueue_dma source(%dma_start3A_302 : memref<128x32xf32, #tpu.memory_space<vmem>>) target(%dma_start3A_298 : memref<128x32xf32, #tpu.memory_space<vmem_shared>>) target_semaphore(%run_scoped3A_290 : memref<!tpu.dma_semaphore, #tpu.memory_space<semaphore_mem>>)
        %dma_wait3A_303 = arith.constant 0 : i32
        %dma_wait3A_304 = arith.constant 0 : i32
        %dma_wait3A_305 = tpu.memref_slice %arg10[%run_scoped3A_270, %dma_wait3A_303, %dma_wait3A_304] : memref<2x128x32xf32, #tpu.memory_space<vmem>> -> memref<1x128x32xf32, #tpu.memory_space<vmem>>
        %dma_wait3A_306 = tpu.memref_squeeze %dma_wait3A_305 : memref<1x128x32xf32, #tpu.memory_space<vmem>> -> memref<128x32xf32, #tpu.memory_space<vmem>>
        %dma_wait3A_307 = arith.constant 0 : i32
        %dma_wait3A_308 = tpu.memref_slice %arg7[%add3A_269, %dma_wait3A_307] : memref<10240x32xf32, #tpu.memory_space<vmem_shared>> -> memref<128x32xf32, #tpu.memory_space<vmem_shared>>
        %dma_wait3A_309 = arith.constant 0 : i32
        %dma_wait3A_310 = tpu.memref_slice %arg7[%add3A_269, %dma_wait3A_309] : memref<10240x32xf32, #tpu.memory_space<vmem_shared>> -> memref<128x32xf32, #tpu.memory_space<vmem_shared>>
        %dma_wait3A_311 = arith.constant 0 : i32
        %dma_wait3A_312 = arith.constant 0 : i32
        %dma_wait3A_313 = tpu.memref_slice %arg10[%run_scoped3A_270, %dma_wait3A_311, %dma_wait3A_312] : memref<2x128x32xf32, #tpu.memory_space<vmem>> -> memref<1x128x32xf32, #tpu.memory_space<vmem>>
        %dma_wait3A_314 = tpu.memref_squeeze %dma_wait3A_313 : memref<1x128x32xf32, #tpu.memory_space<vmem>> -> memref<128x32xf32, #tpu.memory_space<vmem>>
        tpu.wait_dma2 semaphore(%run_scoped3A_290 : memref<!tpu.dma_semaphore, #tpu.memory_space<semaphore_mem>>) src(%dma_wait3A_314 : memref<128x32xf32, #tpu.memory_space<vmem>>) dst(%dma_wait3A_310 : memref<128x32xf32, #tpu.memory_space<vmem_shared>>)
        tpu.yield
      }) : () -> ()
      %add3A_271 = arith.constant 256 : i32
      %add3A_272 = arith.addi %mul3A_0, %add3A_271 : i32
      %run_scoped3A_273 = arith.constant 0 : i32
      "tpu.region"() ({
        %run_scoped3A_290 = tpu.sem_alloc : memref<!tpu.dma_semaphore, #tpu.memory_space<semaphore_mem>>
        %dma_start3A_291 = arith.constant 0 : i32
        %dma_start3A_292 = arith.constant 0 : i32
        %dma_start3A_293 = tpu.memref_slice %arg10[%run_scoped3A_273, %dma_start3A_291, %dma_start3A_292] : memref<2x128x32xf32, #tpu.memory_space<vmem>> -> memref<1x128x32xf32, #tpu.memory_space<vmem>>
        %dma_start3A_294 = tpu.memref_squeeze %dma_start3A_293 : memref<1x128x32xf32, #tpu.memory_space<vmem>> -> memref<128x32xf32, #tpu.memory_space<vmem>>
        %dma_start3A_295 = arith.constant 0 : i32
        %dma_start3A_296 = tpu.memref_slice %arg7[%add3A_272, %dma_start3A_295] : memref<10240x32xf32, #tpu.memory_space<vmem_shared>> -> memref<128x32xf32, #tpu.memory_space<vmem_shared>>
        %dma_start3A_297 = arith.constant 0 : i32
        %dma_start3A_298 = tpu.memref_slice %arg7[%add3A_272, %dma_start3A_297] : memref<10240x32xf32, #tpu.memory_space<vmem_shared>> -> memref<128x32xf32, #tpu.memory_space<vmem_shared>>
        %dma_start3A_299 = arith.constant 0 : i32
        %dma_start3A_300 = arith.constant 0 : i32
        %dma_start3A_301 = tpu.memref_slice %arg10[%run_scoped3A_273, %dma_start3A_299, %dma_start3A_300] : memref<2x128x32xf32, #tpu.memory_space<vmem>> -> memref<1x128x32xf32, #tpu.memory_space<vmem>>
        %dma_start3A_302 = tpu.memref_squeeze %dma_start3A_301 : memref<1x128x32xf32, #tpu.memory_space<vmem>> -> memref<128x32xf32, #tpu.memory_space<vmem>>
        tpu.enqueue_dma source(%dma_start3A_302 : memref<128x32xf32, #tpu.memory_space<vmem>>) target(%dma_start3A_298 : memref<128x32xf32, #tpu.memory_space<vmem_shared>>) target_semaphore(%run_scoped3A_290 : memref<!tpu.dma_semaphore, #tpu.memory_space<semaphore_mem>>)
        %dma_wait3A_303 = arith.constant 0 : i32
        %dma_wait3A_304 = arith.constant 0 : i32
        %dma_wait3A_305 = tpu.memref_slice %arg10[%run_scoped3A_273, %dma_wait3A_303, %dma_wait3A_304] : memref<2x128x32xf32, #tpu.memory_space<vmem>> -> memref<1x128x32xf32, #tpu.memory_space<vmem>>
        %dma_wait3A_306 = tpu.memref_squeeze %dma_wait3A_305 : memref<1x128x32xf32, #tpu.memory_space<vmem>> -> memref<128x32xf32, #tpu.memory_space<vmem>>
        %dma_wait3A_307 = arith.constant 0 : i32
        %dma_wait3A_308 = tpu.memref_slice %arg7[%add3A_272, %dma_wait3A_307] : memref<10240x32xf32, #tpu.memory_space<vmem_shared>> -> memref<128x32xf32, #tpu.memory_space<vmem_shared>>
        %dma_wait3A_309 = arith.constant 0 : i32
        %dma_wait3A_310 = tpu.memref_slice %arg7[%add3A_272, %dma_wait3A_309] : memref<10240x32xf32, #tpu.memory_space<vmem_shared>> -> memref<128x32xf32, #tpu.memory_space<vmem_shared>>
        %dma_wait3A_311 = arith.constant 0 : i32
        %dma_wait3A_312 = arith.constant 0 : i32
        %dma_wait3A_313 = tpu.memref_slice %arg10[%run_scoped3A_273, %dma_wait3A_311, %dma_wait3A_312] : memref<2x128x32xf32, #tpu.memory_space<vmem>> -> memref<1x128x32xf32, #tpu.memory_space<vmem>>
        %dma_wait3A_314 = tpu.memref_squeeze %dma_wait3A_313 : memref<1x128x32xf32, #tpu.memory_space<vmem>> -> memref<128x32xf32, #tpu.memory_space<vmem>>
        tpu.wait_dma2 semaphore(%run_scoped3A_290 : memref<!tpu.dma_semaphore, #tpu.memory_space<semaphore_mem>>) src(%dma_wait3A_314 : memref<128x32xf32, #tpu.memory_space<vmem>>) dst(%dma_wait3A_310 : memref<128x32xf32, #tpu.memory_space<vmem_shared>>)
        tpu.yield
      }) : () -> ()
      %add3A_274 = arith.constant 384 : i32
      %add3A_275 = arith.addi %mul3A_0, %add3A_274 : i32
      %run_scoped3A_276 = arith.constant 0 : i32
      "tpu.region"() ({
        %run_scoped3A_290 = tpu.sem_alloc : memref<!tpu.dma_semaphore, #tpu.memory_space<semaphore_mem>>
        %dma_start3A_291 = arith.constant 0 : i32
        %dma_start3A_292 = arith.constant 0 : i32
        %dma_start3A_293 = tpu.memref_slice %arg10[%run_scoped3A_276, %dma_start3A_291, %dma_start3A_292] : memref<2x128x32xf32, #tpu.memory_space<vmem>> -> memref<1x128x32xf32, #tpu.memory_space<vmem>>
        %dma_start3A_294 = tpu.memref_squeeze %dma_start3A_293 : memref<1x128x32xf32, #tpu.memory_space<vmem>> -> memref<128x32xf32, #tpu.memory_space<vmem>>
        %dma_start3A_295 = arith.constant 0 : i32
        %dma_start3A_296 = tpu.memref_slice %arg7[%add3A_275, %dma_start3A_295] : memref<10240x32xf32, #tpu.memory_space<vmem_shared>> -> memref<128x32xf32, #tpu.memory_space<vmem_shared>>
        %dma_start3A_297 = arith.constant 0 : i32
        %dma_start3A_298 = tpu.memref_slice %arg7[%add3A_275, %dma_start3A_297] : memref<10240x32xf32, #tpu.memory_space<vmem_shared>> -> memref<128x32xf32, #tpu.memory_space<vmem_shared>>
        %dma_start3A_299 = arith.constant 0 : i32
        %dma_start3A_300 = arith.constant 0 : i32
        %dma_start3A_301 = tpu.memref_slice %arg10[%run_scoped3A_276, %dma_start3A_299, %dma_start3A_300] : memref<2x128x32xf32, #tpu.memory_space<vmem>> -> memref<1x128x32xf32, #tpu.memory_space<vmem>>
        %dma_start3A_302 = tpu.memref_squeeze %dma_start3A_301 : memref<1x128x32xf32, #tpu.memory_space<vmem>> -> memref<128x32xf32, #tpu.memory_space<vmem>>
        tpu.enqueue_dma source(%dma_start3A_302 : memref<128x32xf32, #tpu.memory_space<vmem>>) target(%dma_start3A_298 : memref<128x32xf32, #tpu.memory_space<vmem_shared>>) target_semaphore(%run_scoped3A_290 : memref<!tpu.dma_semaphore, #tpu.memory_space<semaphore_mem>>)
        %dma_wait3A_303 = arith.constant 0 : i32
        %dma_wait3A_304 = arith.constant 0 : i32
        %dma_wait3A_305 = tpu.memref_slice %arg10[%run_scoped3A_276, %dma_wait3A_303, %dma_wait3A_304] : memref<2x128x32xf32, #tpu.memory_space<vmem>> -> memref<1x128x32xf32, #tpu.memory_space<vmem>>
        %dma_wait3A_306 = tpu.memref_squeeze %dma_wait3A_305 : memref<1x128x32xf32, #tpu.memory_space<vmem>> -> memref<128x32xf32, #tpu.memory_space<vmem>>
        %dma_wait3A_307 = arith.constant 0 : i32
        %dma_wait3A_308 = tpu.memref_slice %arg7[%add3A_275, %dma_wait3A_307] : memref<10240x32xf32, #tpu.memory_space<vmem_shared>> -> memref<128x32xf32, #tpu.memory_space<vmem_shared>>
        %dma_wait3A_309 = arith.constant 0 : i32
        %dma_wait3A_310 = tpu.memref_slice %arg7[%add3A_275, %dma_wait3A_309] : memref<10240x32xf32, #tpu.memory_space<vmem_shared>> -> memref<128x32xf32, #tpu.memory_space<vmem_shared>>
        %dma_wait3A_311 = arith.constant 0 : i32
        %dma_wait3A_312 = arith.constant 0 : i32
        %dma_wait3A_313 = tpu.memref_slice %arg10[%run_scoped3A_276, %dma_wait3A_311, %dma_wait3A_312] : memref<2x128x32xf32, #tpu.memory_space<vmem>> -> memref<1x128x32xf32, #tpu.memory_space<vmem>>
        %dma_wait3A_314 = tpu.memref_squeeze %dma_wait3A_313 : memref<1x128x32xf32, #tpu.memory_space<vmem>> -> memref<128x32xf32, #tpu.memory_space<vmem>>
        tpu.wait_dma2 semaphore(%run_scoped3A_290 : memref<!tpu.dma_semaphore, #tpu.memory_space<semaphore_mem>>) src(%dma_wait3A_314 : memref<128x32xf32, #tpu.memory_space<vmem>>) dst(%dma_wait3A_310 : memref<128x32xf32, #tpu.memory_space<vmem_shared>>)
        tpu.yield
      }) : () -> ()
      %add3A_277 = arith.constant 512 : i32
      %add3A_278 = arith.addi %mul3A_0, %add3A_277 : i32
      %run_scoped3A_279 = arith.constant 0 : i32
      "tpu.region"() ({
        %run_scoped3A_290 = tpu.sem_alloc : memref<!tpu.dma_semaphore, #tpu.memory_space<semaphore_mem>>
        %dma_start3A_291 = arith.constant 0 : i32
        %dma_start3A_292 = arith.constant 0 : i32
        %dma_start3A_293 = tpu.memref_slice %arg10[%run_scoped3A_279, %dma_start3A_291, %dma_start3A_292] : memref<2x128x32xf32, #tpu.memory_space<vmem>> -> memref<1x128x32xf32, #tpu.memory_space<vmem>>
        %dma_start3A_294 = tpu.memref_squeeze %dma_start3A_293 : memref<1x128x32xf32, #tpu.memory_space<vmem>> -> memref<128x32xf32, #tpu.memory_space<vmem>>
        %dma_start3A_295 = arith.constant 0 : i32
        %dma_start3A_296 = tpu.memref_slice %arg7[%add3A_278, %dma_start3A_295] : memref<10240x32xf32, #tpu.memory_space<vmem_shared>> -> memref<128x32xf32, #tpu.memory_space<vmem_shared>>
        %dma_start3A_297 = arith.constant 0 : i32
        %dma_start3A_298 = tpu.memref_slice %arg7[%add3A_278, %dma_start3A_297] : memref<10240x32xf32, #tpu.memory_space<vmem_shared>> -> memref<128x32xf32, #tpu.memory_space<vmem_shared>>
        %dma_start3A_299 = arith.constant 0 : i32
        %dma_start3A_300 = arith.constant 0 : i32
        %dma_start3A_301 = tpu.memref_slice %arg10[%run_scoped3A_279, %dma_start3A_299, %dma_start3A_300] : memref<2x128x32xf32, #tpu.memory_space<vmem>> -> memref<1x128x32xf32, #tpu.memory_space<vmem>>
        %dma_start3A_302 = tpu.memref_squeeze %dma_start3A_301 : memref<1x128x32xf32, #tpu.memory_space<vmem>> -> memref<128x32xf32, #tpu.memory_space<vmem>>
        tpu.enqueue_dma source(%dma_start3A_302 : memref<128x32xf32, #tpu.memory_space<vmem>>) target(%dma_start3A_298 : memref<128x32xf32, #tpu.memory_space<vmem_shared>>) target_semaphore(%run_scoped3A_290 : memref<!tpu.dma_semaphore, #tpu.memory_space<semaphore_mem>>)
        %dma_wait3A_303 = arith.constant 0 : i32
        %dma_wait3A_304 = arith.constant 0 : i32
        %dma_wait3A_305 = tpu.memref_slice %arg10[%run_scoped3A_279, %dma_wait3A_303, %dma_wait3A_304] : memref<2x128x32xf32, #tpu.memory_space<vmem>> -> memref<1x128x32xf32, #tpu.memory_space<vmem>>
        %dma_wait3A_306 = tpu.memref_squeeze %dma_wait3A_305 : memref<1x128x32xf32, #tpu.memory_space<vmem>> -> memref<128x32xf32, #tpu.memory_space<vmem>>
        %dma_wait3A_307 = arith.constant 0 : i32
        %dma_wait3A_308 = tpu.memref_slice %arg7[%add3A_278, %dma_wait3A_307] : memref<10240x32xf32, #tpu.memory_space<vmem_shared>> -> memref<128x32xf32, #tpu.memory_space<vmem_shared>>
        %dma_wait3A_309 = arith.constant 0 : i32
        %dma_wait3A_310 = tpu.memref_slice %arg7[%add3A_278, %dma_wait3A_309] : memref<10240x32xf32, #tpu.memory_space<vmem_shared>> -> memref<128x32xf32, #tpu.memory_space<vmem_shared>>
        %dma_wait3A_311 = arith.constant 0 : i32
        %dma_wait3A_312 = arith.constant 0 : i32
        %dma_wait3A_313 = tpu.memref_slice %arg10[%run_scoped3A_279, %dma_wait3A_311, %dma_wait3A_312] : memref<2x128x32xf32, #tpu.memory_space<vmem>> -> memref<1x128x32xf32, #tpu.memory_space<vmem>>
        %dma_wait3A_314 = tpu.memref_squeeze %dma_wait3A_313 : memref<1x128x32xf32, #tpu.memory_space<vmem>> -> memref<128x32xf32, #tpu.memory_space<vmem>>
        tpu.wait_dma2 semaphore(%run_scoped3A_290 : memref<!tpu.dma_semaphore, #tpu.memory_space<semaphore_mem>>) src(%dma_wait3A_314 : memref<128x32xf32, #tpu.memory_space<vmem>>) dst(%dma_wait3A_310 : memref<128x32xf32, #tpu.memory_space<vmem_shared>>)
        tpu.yield
      }) : () -> ()
      %scan3A_280 = arith.constant 0 : i32
      %scan3A_281 = arith.constant 0 : i32
      %scan3A_282 = arith.constant 640 : i32
      %scan3A_283 = arith.addi %scan3A_281, %scan3A_282 : i32
      %scan3A_284 = arith.constant 1 : i32
      %scan3A_285 = scf.for %scan3A_290 = %scan3A_281 to %scan3A_283 step %scan3A_284 iter_args(%scan3A_291 = %scan3A_280) -> (i32)  : i32 {
        %get3A = arith.index_cast %scan3A_290 : i32 to index
        %get3A_292 = arith.constant 0 : index
        %get3A_293 = tpu.vector_load %arg11[%get3A, %get3A_292] {strides = array<i32>} : memref<640x32xf32, #tpu.memory_space<vmem>>, vector<1x16xf32>,
        %get3A_294 = vector.shape_cast %get3A_293 : vector<1x16xf32> to vector<16xf32>
        %get3A_295 = arith.index_cast %scan3A_290 : i32 to index
        %get3A_296 = arith.constant 0 : index
        %get3A_297 = tpu.vector_load %arg12[%get3A_295, %get3A_296] {strides = array<i32>} : memref<640x32xf32, #tpu.memory_space<vmem>>, vector<1x16xf32>,
        %get3A_298 = vector.shape_cast %get3A_297 : vector<1x16xf32> to vector<16xf32>
        %mul3A_299 = arith.constant 0.899999976 : f32
        %mul3A_300 = vector.broadcast %mul3A_299 : f32 to vector<16xf32>
        %mul3A_301 = arith.mulf %mul3A_300, %get3A_298 : vector<16xf32>
        %mul3A_302 = arith.mulf %mul3A_301, %get3A_298 : vector<16xf32>
        %mul3A_303 = arith.mulf %mul3A_302, %get3A_294 : vector<16xf32>
        %get3A_304 = arith.index_cast %scan3A_290 : i32 to index
        %get3A_305 = arith.constant 0 : index
        %get3A_306 = tpu.vector_load %arg13[%get3A_304, %get3A_305] {strides = array<i32>} : memref<640x32xf32, #tpu.memory_space<vmem>>, vector<1x16xf32>,
        %get3A_307 = vector.shape_cast %get3A_306 : vector<1x16xf32> to vector<16xf32>
        %add3A_308 = arith.addf %mul3A_303, %get3A_307 : vector<16xf32>
        %swap3A = arith.index_cast %scan3A_290 : i32 to index
        %swap3A_309 = arith.constant 0 : index
        %swap3A_310 = tpu.vector_load %arg11[%swap3A, %swap3A_309] {strides = array<i32>} : memref<640x32xf32, #tpu.memory_space<vmem>>, vector<1x16xf32>,
        %swap3A_311 = vector.shape_cast %swap3A_310 : vector<1x16xf32> to vector<16xf32>
        %swap3A_312 = vector.shape_cast %add3A_308 : vector<16xf32> to vector<1x16xf32>
        tpu.vector_store %arg11[%swap3A, %swap3A_309], %swap3A_312 {strides = array<i32>} : memref<640x32xf32, #tpu.memory_space<vmem>>, vector<1x16xf32>,
        %get3A_313 = arith.index_cast %scan3A_290 : i32 to index
        %get3A_314 = arith.constant 16 : index
        %get3A_315 = tpu.vector_load %arg11[%get3A_313, %get3A_314] {strides = array<i32>} : memref<640x32xf32, #tpu.memory_space<vmem>>, vector<1x16xf32>,
        %get3A_316 = vector.shape_cast %get3A_315 : vector<1x16xf32> to vector<16xf32>
        %get3A_317 = arith.index_cast %scan3A_290 : i32 to index
        %get3A_318 = arith.constant 16 : index
        %get3A_319 = tpu.vector_load %arg12[%get3A_317, %get3A_318] {strides = array<i32>} : memref<640x32xf32, #tpu.memory_space<vmem>>, vector<1x16xf32>,
        %get3A_320 = vector.shape_cast %get3A_319 : vector<1x16xf32> to vector<16xf32>
        %mul3A_321 = arith.constant 0.899999976 : f32
        %mul3A_322 = vector.broadcast %mul3A_321 : f32 to vector<16xf32>
        %mul3A_323 = arith.mulf %mul3A_322, %get3A_320 : vector<16xf32>
        %mul3A_324 = arith.mulf %mul3A_323, %get3A_320 : vector<16xf32>
        %mul3A_325 = arith.mulf %mul3A_324, %get3A_316 : vector<16xf32>
        %get3A_326 = arith.index_cast %scan3A_290 : i32 to index
        %get3A_327 = arith.constant 16 : index
        %get3A_328 = tpu.vector_load %arg13[%get3A_326, %get3A_327] {strides = array<i32>} : memref<640x32xf32, #tpu.memory_space<vmem>>, vector<1x16xf32>,
        %get3A_329 = vector.shape_cast %get3A_328 : vector<1x16xf32> to vector<16xf32>
        %add3A_330 = arith.addf %mul3A_325, %get3A_329 : vector<16xf32>
        %swap3A_331 = arith.index_cast %scan3A_290 : i32 to index
        %swap3A_332 = arith.constant 16 : index
        %swap3A_333 = tpu.vector_load %arg11[%swap3A_331, %swap3A_332] {strides = array<i32>} : memref<640x32xf32, #tpu.memory_space<vmem>>, vector<1x16xf32>,
        %swap3A_334 = vector.shape_cast %swap3A_333 : vector<1x16xf32> to vector<16xf32>
        %swap3A_335 = vector.shape_cast %add3A_330 : vector<16xf32> to vector<1x16xf32>
        tpu.vector_store %arg11[%swap3A_331, %swap3A_332], %swap3A_335 {strides = array<i32>} : memref<640x32xf32, #tpu.memory_space<vmem>>, vector<1x16xf32>,
        %scan3A_336 = arith.constant 0 : i32
        scf.yield %scan3A_336 : i32
      }
      %scan3A_286 = arith.constant 640 : i32
      %add3A_287 = arith.addi %mul3A_2, %mul3A_0 : i32
      "tpu.region"() ({
        %run_scoped3A_290 = tpu.sem_alloc : memref<!tpu.dma_semaphore, #tpu.memory_space<semaphore_mem>>
        %dma_start3A_291 = arith.constant 0 : i32
        %dma_start3A_292 = tpu.memref_slice %arg6[%add3A_287, %dma_start3A_291] : memref<20480x32xf32, #tpu.memory_space<hbm>> -> memref<640x32xf32, #tpu.memory_space<hbm>>
        %dma_start3A_293 = arith.constant 0 : i32
        %dma_start3A_294 = tpu.memref_slice %arg6[%add3A_287, %dma_start3A_293] : memref<20480x32xf32, #tpu.memory_space<hbm>> -> memref<640x32xf32, #tpu.memory_space<hbm>>
        tpu.enqueue_dma source(%arg11 : memref<640x32xf32, #tpu.memory_space<vmem>>) target(%dma_start3A_294 : memref<640x32xf32, #tpu.memory_space<hbm>>) target_semaphore(%run_scoped3A_290 : memref<!tpu.dma_semaphore, #tpu.memory_space<semaphore_mem>>)
        %dma_wait3A_295 = arith.constant 0 : i32
        %dma_wait3A_296 = tpu.memref_slice %arg6[%add3A_287, %dma_wait3A_295] : memref<20480x32xf32, #tpu.memory_space<hbm>> -> memref<640x32xf32, #tpu.memory_space<hbm>>
        %dma_wait3A_297 = arith.constant 0 : i32
        %dma_wait3A_298 = tpu.memref_slice %arg6[%add3A_287, %dma_wait3A_297] : memref<20480x32xf32, #tpu.memory_space<hbm>> -> memref<640x32xf32, #tpu.memory_space<hbm>>
        tpu.wait_dma2 semaphore(%run_scoped3A_290 : memref<!tpu.dma_semaphore, #tpu.memory_space<semaphore_mem>>) src(%arg11 : memref<640x32xf32, #tpu.memory_space<vmem>>) dst(%dma_wait3A_298 : memref<640x32xf32, #tpu.memory_space<hbm>>)
        tpu.yield
      }) : () -> ()
      %barrier3A_288 = arith.constant 0 : index
      tpu.barrier barrier_id(%barrier3A_288)
      %scan3A_289 = arith.constant 0 : i32
      scf.yield %scan3A_289 : i32
    }
    %scan3A_92 = arith.constant 9 : i32
    %dma_start3A = arith.constant 0 : i32
    %dma_start3A_93 = arith.constant 0 : i32
    %dma_start3A_94 = arith.constant 0 : i32
    %dma_start3A_95 = arith.constant 0 : i32
    %dma_start3A_96 = tpu.memref_slice %arg10[%dma_start3A_93, %dma_start3A_94, %dma_start3A_95] : memref<2x128x32xf32, #tpu.memory_space<vmem>> -> memref<1x128x32xf32, #tpu.memory_space<vmem>>
    %dma_start3A_97 = tpu.memref_squeeze %dma_start3A_96 : memref<1x128x32xf32, #tpu.memory_space<vmem>> -> memref<128x32xf32, #tpu.memory_space<vmem>>
    %dma_start3A_98 = arith.constant 0 : i32
    %dma_start3A_99 = tpu.memref_slice %arg8[%dma_start3A, %dma_start3A_98] : memref<158x128xi32, #tpu.memory_space<vmem>> -> memref<1x128xi32, #tpu.memory_space<vmem>>
    %dma_start3A_100 = tpu.memref_squeeze %dma_start3A_99 : memref<1x128xi32, #tpu.memory_space<vmem>> -> memref<128xi32, #tpu.memory_space<vmem>>
    %dma_start3A_101 = arith.constant 0 : i32
    %dma_start3A_102 = arith.constant 0 : i32
    %dma_start3A_103 = tpu.memref_slice %arg6[%dma_start3A_101, %dma_start3A_102] : memref<20480x32xf32, #tpu.memory_space<hbm>> -> memref<20480x32xf32, #tpu.memory_space<hbm>>
    tpu.enqueue_indirect_dma source(%dma_start3A_103 : memref<20480x32xf32, #tpu.memory_space<hbm>>) target(%dma_start3A_97 : memref<128x32xf32, #tpu.memory_space<vmem>>) offsets(%dma_start3A_100 : memref<128xi32, #tpu.memory_space<vmem>>) semaphore(%arg15 : memref<!tpu.dma_semaphore, #tpu.memory_space<semaphore_mem>>)
    %scan3A_104 = arith.constant 0 : i32
    %scan3A_105 = arith.constant 0 : i32
    %scan3A_106 = arith.constant 79 : i32
    %scan3A_107 = arith.addi %scan3A_105, %scan3A_106 : i32
    %scan3A_108 = arith.constant 1 : i32
    %scan3A_109 = scf.for %scan3A_224 = %scan3A_105 to %scan3A_107 step %scan3A_108 iter_args(%scan3A_225 = %scan3A_104) -> (i32)  : i32 {
      %mul3A_226 = arith.constant 2 : i32
      %mul3A_227 = arith.muli %mul3A_226, %scan3A_224 : i32
      %add3A_228 = arith.constant 1 : i32
      %add3A_229 = arith.addi %mul3A_227, %add3A_228 : i32
      %add3A_230 = arith.constant 2 : i32
      %add3A_231 = arith.addi %mul3A_227, %add3A_230 : i32
      %min3A = arith.constant 157 : i32
      %min3A_232 = arith.minsi %add3A_231, %min3A : i32
      %dma_start3A_233 = arith.constant 1 : i32
      %dma_start3A_234 = arith.constant 0 : i32
      %dma_start3A_235 = arith.constant 0 : i32
      %dma_start3A_236 = tpu.memref_slice %arg10[%dma_start3A_233, %dma_start3A_234, %dma_start3A_235] : memref<2x128x32xf32, #tpu.memory_space<vmem>> -> memref<1x128x32xf32, #tpu.memory_space<vmem>>
      %dma_start3A_237 = tpu.memref_squeeze %dma_start3A_236 : memref<1x128x32xf32, #tpu.memory_space<vmem>> -> memref<128x32xf32, #tpu.memory_space<vmem>>
      %dma_start3A_238 = arith.constant 0 : i32
      %dma_start3A_239 = tpu.memref_slice %arg8[%add3A_229, %dma_start3A_238] : memref<158x128xi32, #tpu.memory_space<vmem>> -> memref<1x128xi32, #tpu.memory_space<vmem>>
      %dma_start3A_240 = tpu.memref_squeeze %dma_start3A_239 : memref<1x128xi32, #tpu.memory_space<vmem>> -> memref<128xi32, #tpu.memory_space<vmem>>
      %dma_start3A_241 = arith.constant 0 : i32
      %dma_start3A_242 = arith.constant 0 : i32
      %dma_start3A_243 = tpu.memref_slice %arg6[%dma_start3A_241, %dma_start3A_242] : memref<20480x32xf32, #tpu.memory_space<hbm>> -> memref<20480x32xf32, #tpu.memory_space<hbm>>
      tpu.enqueue_indirect_dma source(%dma_start3A_243 : memref<20480x32xf32, #tpu.memory_space<hbm>>) target(%dma_start3A_237 : memref<128x32xf32, #tpu.memory_space<vmem>>) offsets(%dma_start3A_240 : memref<128xi32, #tpu.memory_space<vmem>>) semaphore(%arg16 : memref<!tpu.dma_semaphore, #tpu.memory_space<semaphore_mem>>)
      %dma_wait3A_244 = arith.constant 0 : i32
      %dma_wait3A_245 = arith.constant 0 : i32
      %dma_wait3A_246 = arith.constant 0 : i32
      %dma_wait3A_247 = tpu.memref_slice %arg10[%dma_wait3A_244, %dma_wait3A_245, %dma_wait3A_246] : memref<2x128x32xf32, #tpu.memory_space<vmem>> -> memref<1x128x32xf32, #tpu.memory_space<vmem>>
      %dma_wait3A_248 = tpu.memref_squeeze %dma_wait3A_247 : memref<1x128x32xf32, #tpu.memory_space<vmem>> -> memref<128x32xf32, #tpu.memory_space<vmem>>
      %dma_wait3A_249 = arith.constant 0 : i32
      %dma_wait3A_250 = tpu.memref_slice %arg8[%mul3A_227, %dma_wait3A_249] : memref<158x128xi32, #tpu.memory_space<vmem>> -> memref<1x128xi32, #tpu.memory_space<vmem>>
      %dma_wait3A_251 = tpu.memref_squeeze %dma_wait3A_250 : memref<1x128xi32, #tpu.memory_space<vmem>> -> memref<128xi32, #tpu.memory_space<vmem>>
      %dma_wait3A_252 = arith.constant 0 : i32
      %dma_wait3A_253 = arith.constant 0 : i32
      %dma_wait3A_254 = tpu.memref_slice %arg6[%dma_wait3A_252, %dma_wait3A_253] : memref<20480x32xf32, #tpu.memory_space<hbm>> -> memref<20480x32xf32, #tpu.memory_space<hbm>>
      tpu.wait_indirect_dma semaphore(%arg15 : memref<!tpu.dma_semaphore, #tpu.memory_space<semaphore_mem>>) src(%dma_wait3A_254 : memref<20480x32xf32, #tpu.memory_space<hbm>>) dst(%dma_wait3A_248 : memref<128x32xf32, #tpu.memory_space<vmem>>)
      %run_scoped3A_255 = arith.constant 0 : i32
      "tpu.region"() ({
        %run_scoped3A_280 = tpu.sem_alloc : memref<!tpu.dma_semaphore, #tpu.memory_space<semaphore_mem>>
        %dma_start3A_281 = arith.constant 0 : i32
        %dma_start3A_282 = arith.constant 0 : i32
        %dma_start3A_283 = tpu.memref_slice %arg10[%run_scoped3A_255, %dma_start3A_281, %dma_start3A_282] : memref<2x128x32xf32, #tpu.memory_space<vmem>> -> memref<1x128x32xf32, #tpu.memory_space<vmem>>
        %dma_start3A_284 = tpu.memref_squeeze %dma_start3A_283 : memref<1x128x32xf32, #tpu.memory_space<vmem>> -> memref<128x32xf32, #tpu.memory_space<vmem>>
        %dma_start3A_285 = arith.constant 0 : i32
        %dma_start3A_286 = tpu.memref_slice %arg9[%mul3A_227, %dma_start3A_285] : memref<158x128xi32, #tpu.memory_space<vmem>> -> memref<1x128xi32, #tpu.memory_space<vmem>>
        %dma_start3A_287 = tpu.memref_squeeze %dma_start3A_286 : memref<1x128xi32, #tpu.memory_space<vmem>> -> memref<128xi32, #tpu.memory_space<vmem>>
        %dma_start3A_288 = arith.constant 0 : i32
        %dma_start3A_289 = arith.constant 0 : i32
        %dma_start3A_290 = tpu.memref_slice %arg7[%dma_start3A_288, %dma_start3A_289] : memref<10240x32xf32, #tpu.memory_space<vmem_shared>> -> memref<10240x32xf32, #tpu.memory_space<vmem_shared>>
        tpu.enqueue_indirect_dma source(%dma_start3A_284 : memref<128x32xf32, #tpu.memory_space<vmem>>) target(%dma_start3A_290 : memref<10240x32xf32, #tpu.memory_space<vmem_shared>>) offsets(%dma_start3A_287 : memref<128xi32, #tpu.memory_space<vmem>>) semaphore(%run_scoped3A_280 : memref<!tpu.dma_semaphore, #tpu.memory_space<semaphore_mem>>) {add = true}
        %dma_wait3A_291 = arith.constant 0 : i32
        %dma_wait3A_292 = arith.constant 0 : i32
        %dma_wait3A_293 = tpu.memref_slice %arg10[%run_scoped3A_255, %dma_wait3A_291, %dma_wait3A_292] : memref<2x128x32xf32, #tpu.memory_space<vmem>> -> memref<1x128x32xf32, #tpu.memory_space<vmem>>
        %dma_wait3A_294 = tpu.memref_squeeze %dma_wait3A_293 : memref<1x128x32xf32, #tpu.memory_space<vmem>> -> memref<128x32xf32, #tpu.memory_space<vmem>>
        %dma_wait3A_295 = arith.constant 0 : i32
        %dma_wait3A_296 = tpu.memref_slice %arg9[%mul3A_227, %dma_wait3A_295] : memref<158x128xi32, #tpu.memory_space<vmem>> -> memref<1x128xi32, #tpu.memory_space<vmem>>
        %dma_wait3A_297 = tpu.memref_squeeze %dma_wait3A_296 : memref<1x128xi32, #tpu.memory_space<vmem>> -> memref<128xi32, #tpu.memory_space<vmem>>
        %dma_wait3A_298 = arith.constant 0 : i32
        %dma_wait3A_299 = arith.constant 0 : i32
        %dma_wait3A_300 = tpu.memref_slice %arg7[%dma_wait3A_298, %dma_wait3A_299] : memref<10240x32xf32, #tpu.memory_space<vmem_shared>> -> memref<10240x32xf32, #tpu.memory_space<vmem_shared>>
        tpu.wait_indirect_dma semaphore(%run_scoped3A_280 : memref<!tpu.dma_semaphore, #tpu.memory_space<semaphore_mem>>) src(%dma_wait3A_294 : memref<128x32xf32, #tpu.memory_space<vmem>>) dst(%dma_wait3A_300 : memref<10240x32xf32, #tpu.memory_space<vmem_shared>>)
        tpu.yield
      }) : () -> ()
      %dma_start3A_256 = arith.constant 0 : i32
      %dma_start3A_257 = arith.constant 0 : i32
      %dma_start3A_258 = arith.constant 0 : i32
      %dma_start3A_259 = tpu.memref_slice %arg10[%dma_start3A_256, %dma_start3A_257, %dma_start3A_258] : memref<2x128x32xf32, #tpu.memory_space<vmem>> -> memref<1x128x32xf32, #tpu.memory_space<vmem>>
      %dma_start3A_260 = tpu.memref_squeeze %dma_start3A_259 : memref<1x128x32xf32, #tpu.memory_space<vmem>> -> memref<128x32xf32, #tpu.memory_space<vmem>>
      %dma_start3A_261 = arith.constant 0 : i32
      %dma_start3A_262 = tpu.memref_slice %arg8[%min3A_232, %dma_start3A_261] : memref<158x128xi32, #tpu.memory_space<vmem>> -> memref<1x128xi32, #tpu.memory_space<vmem>>
      %dma_start3A_263 = tpu.memref_squeeze %dma_start3A_262 : memref<1x128xi32, #tpu.memory_space<vmem>> -> memref<128xi32, #tpu.memory_space<vmem>>
      %dma_start3A_264 = arith.constant 0 : i32
      %dma_start3A_265 = arith.constant 0 : i32
      %dma_start3A_266 = tpu.memref_slice %arg6[%dma_start3A_264, %dma_start3A_265] : memref<20480x32xf32, #tpu.memory_space<hbm>> -> memref<20480x32xf32, #tpu.memory_space<hbm>>
      tpu.enqueue_indirect_dma source(%dma_start3A_266 : memref<20480x32xf32, #tpu.memory_space<hbm>>) target(%dma_start3A_260 : memref<128x32xf32, #tpu.memory_space<vmem>>) offsets(%dma_start3A_263 : memref<128xi32, #tpu.memory_space<vmem>>) semaphore(%arg15 : memref<!tpu.dma_semaphore, #tpu.memory_space<semaphore_mem>>)
      %dma_wait3A_267 = arith.constant 1 : i32
      %dma_wait3A_268 = arith.constant 0 : i32
      %dma_wait3A_269 = arith.constant 0 : i32
      %dma_wait3A_270 = tpu.memref_slice %arg10[%dma_wait3A_267, %dma_wait3A_268, %dma_wait3A_269] : memref<2x128x32xf32, #tpu.memory_space<vmem>> -> memref<1x128x32xf32, #tpu.memory_space<vmem>>
      %dma_wait3A_271 = tpu.memref_squeeze %dma_wait3A_270 : memref<1x128x32xf32, #tpu.memory_space<vmem>> -> memref<128x32xf32, #tpu.memory_space<vmem>>
      %dma_wait3A_272 = arith.constant 0 : i32
      %dma_wait3A_273 = tpu.memref_slice %arg8[%add3A_229, %dma_wait3A_272] : memref<158x128xi32, #tpu.memory_space<vmem>> -> memref<1x128xi32, #tpu.memory_space<vmem>>
      %dma_wait3A_274 = tpu.memref_squeeze %dma_wait3A_273 : memref<1x128xi32, #tpu.memory_space<vmem>> -> memref<128xi32, #tpu.memory_space<vmem>>
      %dma_wait3A_275 = arith.constant 0 : i32
      %dma_wait3A_276 = arith.constant 0 : i32
      %dma_wait3A_277 = tpu.memref_slice %arg6[%dma_wait3A_275, %dma_wait3A_276] : memref<20480x32xf32, #tpu.memory_space<hbm>> -> memref<20480x32xf32, #tpu.memory_space<hbm>>
      tpu.wait_indirect_dma semaphore(%arg16 : memref<!tpu.dma_semaphore, #tpu.memory_space<semaphore_mem>>) src(%dma_wait3A_277 : memref<20480x32xf32, #tpu.memory_space<hbm>>) dst(%dma_wait3A_271 : memref<128x32xf32, #tpu.memory_space<vmem>>)
      %run_scoped3A_278 = arith.constant 1 : i32
      "tpu.region"() ({
        %run_scoped3A_280 = tpu.sem_alloc : memref<!tpu.dma_semaphore, #tpu.memory_space<semaphore_mem>>
        %dma_start3A_281 = arith.constant 0 : i32
        %dma_start3A_282 = arith.constant 0 : i32
        %dma_start3A_283 = tpu.memref_slice %arg10[%run_scoped3A_278, %dma_start3A_281, %dma_start3A_282] : memref<2x128x32xf32, #tpu.memory_space<vmem>> -> memref<1x128x32xf32, #tpu.memory_space<vmem>>
        %dma_start3A_284 = tpu.memref_squeeze %dma_start3A_283 : memref<1x128x32xf32, #tpu.memory_space<vmem>> -> memref<128x32xf32, #tpu.memory_space<vmem>>
        %dma_start3A_285 = arith.constant 0 : i32
        %dma_start3A_286 = tpu.memref_slice %arg9[%add3A_229, %dma_start3A_285] : memref<158x128xi32, #tpu.memory_space<vmem>> -> memref<1x128xi32, #tpu.memory_space<vmem>>
        %dma_start3A_287 = tpu.memref_squeeze %dma_start3A_286 : memref<1x128xi32, #tpu.memory_space<vmem>> -> memref<128xi32, #tpu.memory_space<vmem>>
        %dma_start3A_288 = arith.constant 0 : i32
        %dma_start3A_289 = arith.constant 0 : i32
        %dma_start3A_290 = tpu.memref_slice %arg7[%dma_start3A_288, %dma_start3A_289] : memref<10240x32xf32, #tpu.memory_space<vmem_shared>> -> memref<10240x32xf32, #tpu.memory_space<vmem_shared>>
        tpu.enqueue_indirect_dma source(%dma_start3A_284 : memref<128x32xf32, #tpu.memory_space<vmem>>) target(%dma_start3A_290 : memref<10240x32xf32, #tpu.memory_space<vmem_shared>>) offsets(%dma_start3A_287 : memref<128xi32, #tpu.memory_space<vmem>>) semaphore(%run_scoped3A_280 : memref<!tpu.dma_semaphore, #tpu.memory_space<semaphore_mem>>) {add = true}
        %dma_wait3A_291 = arith.constant 0 : i32
        %dma_wait3A_292 = arith.constant 0 : i32
        %dma_wait3A_293 = tpu.memref_slice %arg10[%run_scoped3A_278, %dma_wait3A_291, %dma_wait3A_292] : memref<2x128x32xf32, #tpu.memory_space<vmem>> -> memref<1x128x32xf32, #tpu.memory_space<vmem>>
        %dma_wait3A_294 = tpu.memref_squeeze %dma_wait3A_293 : memref<1x128x32xf32, #tpu.memory_space<vmem>> -> memref<128x32xf32, #tpu.memory_space<vmem>>
        %dma_wait3A_295 = arith.constant 0 : i32
        %dma_wait3A_296 = tpu.memref_slice %arg9[%add3A_229, %dma_wait3A_295] : memref<158x128xi32, #tpu.memory_space<vmem>> -> memref<1x128xi32, #tpu.memory_space<vmem>>
        %dma_wait3A_297 = tpu.memref_squeeze %dma_wait3A_296 : memref<1x128xi32, #tpu.memory_space<vmem>> -> memref<128xi32, #tpu.memory_space<vmem>>
        %dma_wait3A_298 = arith.constant 0 : i32
        %dma_wait3A_299 = arith.constant 0 : i32
        %dma_wait3A_300 = tpu.memref_slice %arg7[%dma_wait3A_298, %dma_wait3A_299] : memref<10240x32xf32, #tpu.memory_space<vmem_shared>> -> memref<10240x32xf32, #tpu.memory_space<vmem_shared>>
        tpu.wait_indirect_dma semaphore(%run_scoped3A_280 : memref<!tpu.dma_semaphore, #tpu.memory_space<semaphore_mem>>) src(%dma_wait3A_294 : memref<128x32xf32, #tpu.memory_space<vmem>>) dst(%dma_wait3A_300 : memref<10240x32xf32, #tpu.memory_space<vmem_shared>>)
        tpu.yield
      }) : () -> ()
      %scan3A_279 = arith.constant 0 : i32
      scf.yield %scan3A_279 : i32
    }
    %scan3A_110 = arith.constant 79 : i32
    %dma_wait3A = arith.constant 0 : i32
    %dma_wait3A_111 = arith.constant 0 : i32
    %dma_wait3A_112 = arith.constant 0 : i32
    %dma_wait3A_113 = arith.constant 0 : i32
    %dma_wait3A_114 = tpu.memref_slice %arg10[%dma_wait3A_111, %dma_wait3A_112, %dma_wait3A_113] : memref<2x128x32xf32, #tpu.memory_space<vmem>> -> memref<1x128x32xf32, #tpu.memory_space<vmem>>
    %dma_wait3A_115 = tpu.memref_squeeze %dma_wait3A_114 : memref<1x128x32xf32, #tpu.memory_space<vmem>> -> memref<128x32xf32, #tpu.memory_space<vmem>>
    %dma_wait3A_116 = arith.constant 0 : i32
    %dma_wait3A_117 = tpu.memref_slice %arg8[%dma_wait3A, %dma_wait3A_116] : memref<158x128xi32, #tpu.memory_space<vmem>> -> memref<1x128xi32, #tpu.memory_space<vmem>>
    %dma_wait3A_118 = tpu.memref_squeeze %dma_wait3A_117 : memref<1x128xi32, #tpu.memory_space<vmem>> -> memref<128xi32, #tpu.memory_space<vmem>>
    %dma_wait3A_119 = arith.constant 0 : i32
    %dma_wait3A_120 = arith.constant 0 : i32
    %dma_wait3A_121 = tpu.memref_slice %arg6[%dma_wait3A_119, %dma_wait3A_120] : memref<20480x32xf32, #tpu.memory_space<hbm>> -> memref<20480x32xf32, #tpu.memory_space<hbm>>
    tpu.wait_indirect_dma semaphore(%arg15 : memref<!tpu.dma_semaphore, #tpu.memory_space<semaphore_mem>>) src(%dma_wait3A_121 : memref<20480x32xf32, #tpu.memory_space<hbm>>) dst(%dma_wait3A_115 : memref<128x32xf32, #tpu.memory_space<vmem>>)
    %barrier3A_122 = arith.constant 0 : index
    tpu.barrier barrier_id(%barrier3A_122)
    "tpu.region"() ({
      %run_scoped3A_224 = tpu.sem_alloc : memref<!tpu.dma_semaphore, #tpu.memory_space<semaphore_mem>>
      %dma_start3A_225 = arith.constant 0 : i32
      %dma_start3A_226 = tpu.memref_slice %arg7[%mul3A_0, %dma_start3A_225] : memref<10240x32xf32, #tpu.memory_space<vmem_shared>> -> memref<640x32xf32, #tpu.memory_space<vmem_shared>>
      %dma_start3A_227 = arith.constant 0 : i32
      %dma_start3A_228 = tpu.memref_slice %arg7[%mul3A_0, %dma_start3A_227] : memref<10240x32xf32, #tpu.memory_space<vmem_shared>> -> memref<640x32xf32, #tpu.memory_space<vmem_shared>>
      tpu.enqueue_dma source(%dma_start3A_228 : memref<640x32xf32, #tpu.memory_space<vmem_shared>>) target(%arg11 : memref<640x32xf32, #tpu.memory_space<vmem>>) target_semaphore(%run_scoped3A_224 : memref<!tpu.dma_semaphore, #tpu.memory_space<semaphore_mem>>)
      %dma_wait3A_229 = arith.constant 0 : i32
      %dma_wait3A_230 = tpu.memref_slice %arg7[%mul3A_0, %dma_wait3A_229] : memref<10240x32xf32, #tpu.memory_space<vmem_shared>> -> memref<640x32xf32, #tpu.memory_space<vmem_shared>>
      %dma_wait3A_231 = arith.constant 0 : i32
      %dma_wait3A_232 = tpu.memref_slice %arg7[%mul3A_0, %dma_wait3A_231] : memref<10240x32xf32, #tpu.memory_space<vmem_shared>> -> memref<640x32xf32, #tpu.memory_space<vmem_shared>>
      tpu.wait_dma2 semaphore(%run_scoped3A_224 : memref<!tpu.dma_semaphore, #tpu.memory_space<semaphore_mem>>) src(%dma_wait3A_232 : memref<640x32xf32, #tpu.memory_space<vmem_shared>>) dst(%arg11 : memref<640x32xf32, #tpu.memory_space<vmem>>)
      tpu.yield
    }) : () -> ()
    %scan3A_123 = arith.constant 0 : i32
    %scan3A_124 = arith.constant 0 : i32
    %scan3A_125 = arith.constant 128 : i32
    %scan3A_126 = arith.addi %scan3A_124, %scan3A_125 : i32
    %scan3A_127 = arith.constant 1 : i32
    %scan3A_128 = scf.for %scan3A_224 = %scan3A_124 to %scan3A_126 step %scan3A_127 iter_args(%scan3A_225 = %scan3A_123) -> (i32)  : i32 {
      %swap3A = arith.constant 0 : i32
      %swap3A_226 = arith.index_cast %swap3A : i32 to index
      %swap3A_227 = arith.index_cast %scan3A_224 : i32 to index
      %swap3A_228 = arith.constant 0 : index
      %swap3A_229 = tpu.vector_load %arg10[%swap3A_226, %swap3A_227, %swap3A_228] {strides = array<i32>} : memref<2x128x32xf32, #tpu.memory_space<vmem>>, vector<1x1x16xf32>,
      %swap3A_230 = vector.shape_cast %swap3A_229 : vector<1x1x16xf32> to vector<16xf32>
      %swap3A_231 = vector.shape_cast %broadcast_in_dim3A_9 : vector<16xf32> to vector<1x1x16xf32>
      tpu.vector_store %arg10[%swap3A_226, %swap3A_227, %swap3A_228], %swap3A_231 {strides = array<i32>} : memref<2x128x32xf32, #tpu.memory_space<vmem>>, vector<1x1x16xf32>,
      %swap3A_232 = arith.constant 0 : i32
      %swap3A_233 = arith.index_cast %swap3A_232 : i32 to index
      %swap3A_234 = arith.index_cast %scan3A_224 : i32 to index
      %swap3A_235 = arith.constant 16 : index
      %swap3A_236 = tpu.vector_load %arg10[%swap3A_233, %swap3A_234, %swap3A_235] {strides = array<i32>} : memref<2x128x32xf32, #tpu.memory_space<vmem>>, vector<1x1x16xf32>,
      %swap3A_237 = vector.shape_cast %swap3A_236 : vector<1x1x16xf32> to vector<16xf32>
      %swap3A_238 = vector.shape_cast %broadcast_in_dim3A_9 : vector<16xf32> to vector<1x1x16xf32>
      tpu.vector_store %arg10[%swap3A_233, %swap3A_234, %swap3A_235], %swap3A_238 {strides = array<i32>} : memref<2x128x32xf32, #tpu.memory_space<vmem>>, vector<1x1x16xf32>,
      %scan3A_239 = arith.constant 0 : i32
      scf.yield %scan3A_239 : i32
    }
    %scan3A_129 = arith.constant 128 : i32
    %add3A_130 = arith.constant 0 : i32
    %add3A_131 = arith.addi %mul3A_0, %add3A_130 : i32
    %run_scoped3A_132 = arith.constant 0 : i32
    "tpu.region"() ({
      %run_scoped3A_224 = tpu.sem_alloc : memref<!tpu.dma_semaphore, #tpu.memory_space<semaphore_mem>>
      %dma_start3A_225 = arith.constant 0 : i32
      %dma_start3A_226 = arith.constant 0 : i32
      %dma_start3A_227 = tpu.memref_slice %arg10[%run_scoped3A_132, %dma_start3A_225, %dma_start3A_226] : memref<2x128x32xf32, #tpu.memory_space<vmem>> -> memref<1x128x32xf32, #tpu.memory_space<vmem>>
      %dma_start3A_228 = tpu.memref_squeeze %dma_start3A_227 : memref<1x128x32xf32, #tpu.memory_space<vmem>> -> memref<128x32xf32, #tpu.memory_space<vmem>>
      %dma_start3A_229 = arith.constant 0 : i32
      %dma_start3A_230 = tpu.memref_slice %arg7[%add3A_131, %dma_start3A_229] : memref<10240x32xf32, #tpu.memory_space<vmem_shared>> -> memref<128x32xf32, #tpu.memory_space<vmem_shared>>
      %dma_start3A_231 = arith.constant 0 : i32
      %dma_start3A_232 = tpu.memref_slice %arg7[%add3A_131, %dma_start3A_231] : memref<10240x32xf32, #tpu.memory_space<vmem_shared>> -> memref<128x32xf32, #tpu.memory_space<vmem_shared>>
      %dma_start3A_233 = arith.constant 0 : i32
      %dma_start3A_234 = arith.constant 0 : i32
      %dma_start3A_235 = tpu.memref_slice %arg10[%run_scoped3A_132, %dma_start3A_233, %dma_start3A_234] : memref<2x128x32xf32, #tpu.memory_space<vmem>> -> memref<1x128x32xf32, #tpu.memory_space<vmem>>
      %dma_start3A_236 = tpu.memref_squeeze %dma_start3A_235 : memref<1x128x32xf32, #tpu.memory_space<vmem>> -> memref<128x32xf32, #tpu.memory_space<vmem>>
      tpu.enqueue_dma source(%dma_start3A_236 : memref<128x32xf32, #tpu.memory_space<vmem>>) target(%dma_start3A_232 : memref<128x32xf32, #tpu.memory_space<vmem_shared>>) target_semaphore(%run_scoped3A_224 : memref<!tpu.dma_semaphore, #tpu.memory_space<semaphore_mem>>)
      %dma_wait3A_237 = arith.constant 0 : i32
      %dma_wait3A_238 = arith.constant 0 : i32
      %dma_wait3A_239 = tpu.memref_slice %arg10[%run_scoped3A_132, %dma_wait3A_237, %dma_wait3A_238] : memref<2x128x32xf32, #tpu.memory_space<vmem>> -> memref<1x128x32xf32, #tpu.memory_space<vmem>>
      %dma_wait3A_240 = tpu.memref_squeeze %dma_wait3A_239 : memref<1x128x32xf32, #tpu.memory_space<vmem>> -> memref<128x32xf32, #tpu.memory_space<vmem>>
      %dma_wait3A_241 = arith.constant 0 : i32
      %dma_wait3A_242 = tpu.memref_slice %arg7[%add3A_131, %dma_wait3A_241] : memref<10240x32xf32, #tpu.memory_space<vmem_shared>> -> memref<128x32xf32, #tpu.memory_space<vmem_shared>>
      %dma_wait3A_243 = arith.constant 0 : i32
      %dma_wait3A_244 = tpu.memref_slice %arg7[%add3A_131, %dma_wait3A_243] : memref<10240x32xf32, #tpu.memory_space<vmem_shared>> -> memref<128x32xf32, #tpu.memory_space<vmem_shared>>
      %dma_wait3A_245 = arith.constant 0 : i32
      %dma_wait3A_246 = arith.constant 0 : i32
      %dma_wait3A_247 = tpu.memref_slice %arg10[%run_scoped3A_132, %dma_wait3A_245, %dma_wait3A_246] : memref<2x128x32xf32, #tpu.memory_space<vmem>> -> memref<1x128x32xf32, #tpu.memory_space<vmem>>
      %dma_wait3A_248 = tpu.memref_squeeze %dma_wait3A_247 : memref<1x128x32xf32, #tpu.memory_space<vmem>> -> memref<128x32xf32, #tpu.memory_space<vmem>>
      tpu.wait_dma2 semaphore(%run_scoped3A_224 : memref<!tpu.dma_semaphore, #tpu.memory_space<semaphore_mem>>) src(%dma_wait3A_248 : memref<128x32xf32, #tpu.memory_space<vmem>>) dst(%dma_wait3A_244 : memref<128x32xf32, #tpu.memory_space<vmem_shared>>)
      tpu.yield
    }) : () -> ()
    %add3A_133 = arith.constant 128 : i32
    %add3A_134 = arith.addi %mul3A_0, %add3A_133 : i32
    %run_scoped3A_135 = arith.constant 0 : i32
    "tpu.region"() ({
      %run_scoped3A_224 = tpu.sem_alloc : memref<!tpu.dma_semaphore, #tpu.memory_space<semaphore_mem>>
      %dma_start3A_225 = arith.constant 0 : i32
      %dma_start3A_226 = arith.constant 0 : i32
      %dma_start3A_227 = tpu.memref_slice %arg10[%run_scoped3A_135, %dma_start3A_225, %dma_start3A_226] : memref<2x128x32xf32, #tpu.memory_space<vmem>> -> memref<1x128x32xf32, #tpu.memory_space<vmem>>
      %dma_start3A_228 = tpu.memref_squeeze %dma_start3A_227 : memref<1x128x32xf32, #tpu.memory_space<vmem>> -> memref<128x32xf32, #tpu.memory_space<vmem>>
      %dma_start3A_229 = arith.constant 0 : i32
      %dma_start3A_230 = tpu.memref_slice %arg7[%add3A_134, %dma_start3A_229] : memref<10240x32xf32, #tpu.memory_space<vmem_shared>> -> memref<128x32xf32, #tpu.memory_space<vmem_shared>>
      %dma_start3A_231 = arith.constant 0 : i32
      %dma_start3A_232 = tpu.memref_slice %arg7[%add3A_134, %dma_start3A_231] : memref<10240x32xf32, #tpu.memory_space<vmem_shared>> -> memref<128x32xf32, #tpu.memory_space<vmem_shared>>
      %dma_start3A_233 = arith.constant 0 : i32
      %dma_start3A_234 = arith.constant 0 : i32
      %dma_start3A_235 = tpu.memref_slice %arg10[%run_scoped3A_135, %dma_start3A_233, %dma_start3A_234] : memref<2x128x32xf32, #tpu.memory_space<vmem>> -> memref<1x128x32xf32, #tpu.memory_space<vmem>>
      %dma_start3A_236 = tpu.memref_squeeze %dma_start3A_235 : memref<1x128x32xf32, #tpu.memory_space<vmem>> -> memref<128x32xf32, #tpu.memory_space<vmem>>
      tpu.enqueue_dma source(%dma_start3A_236 : memref<128x32xf32, #tpu.memory_space<vmem>>) target(%dma_start3A_232 : memref<128x32xf32, #tpu.memory_space<vmem_shared>>) target_semaphore(%run_scoped3A_224 : memref<!tpu.dma_semaphore, #tpu.memory_space<semaphore_mem>>)
      %dma_wait3A_237 = arith.constant 0 : i32
      %dma_wait3A_238 = arith.constant 0 : i32
      %dma_wait3A_239 = tpu.memref_slice %arg10[%run_scoped3A_135, %dma_wait3A_237, %dma_wait3A_238] : memref<2x128x32xf32, #tpu.memory_space<vmem>> -> memref<1x128x32xf32, #tpu.memory_space<vmem>>
      %dma_wait3A_240 = tpu.memref_squeeze %dma_wait3A_239 : memref<1x128x32xf32, #tpu.memory_space<vmem>> -> memref<128x32xf32, #tpu.memory_space<vmem>>
      %dma_wait3A_241 = arith.constant 0 : i32
      %dma_wait3A_242 = tpu.memref_slice %arg7[%add3A_134, %dma_wait3A_241] : memref<10240x32xf32, #tpu.memory_space<vmem_shared>> -> memref<128x32xf32, #tpu.memory_space<vmem_shared>>
      %dma_wait3A_243 = arith.constant 0 : i32
      %dma_wait3A_244 = tpu.memref_slice %arg7[%add3A_134, %dma_wait3A_243] : memref<10240x32xf32, #tpu.memory_space<vmem_shared>> -> memref<128x32xf32, #tpu.memory_space<vmem_shared>>
      %dma_wait3A_245 = arith.constant 0 : i32
      %dma_wait3A_246 = arith.constant 0 : i32
      %dma_wait3A_247 = tpu.memref_slice %arg10[%run_scoped3A_135, %dma_wait3A_245, %dma_wait3A_246] : memref<2x128x32xf32, #tpu.memory_space<vmem>> -> memref<1x128x32xf32, #tpu.memory_space<vmem>>
      %dma_wait3A_248 = tpu.memref_squeeze %dma_wait3A_247 : memref<1x128x32xf32, #tpu.memory_space<vmem>> -> memref<128x32xf32, #tpu.memory_space<vmem>>
      tpu.wait_dma2 semaphore(%run_scoped3A_224 : memref<!tpu.dma_semaphore, #tpu.memory_space<semaphore_mem>>) src(%dma_wait3A_248 : memref<128x32xf32, #tpu.memory_space<vmem>>) dst(%dma_wait3A_244 : memref<128x32xf32, #tpu.memory_space<vmem_shared>>)
      tpu.yield
    }) : () -> ()
    %add3A_136 = arith.constant 256 : i32
    %add3A_137 = arith.addi %mul3A_0, %add3A_136 : i32
    %run_scoped3A_138 = arith.constant 0 : i32
    "tpu.region"() ({
      %run_scoped3A_224 = tpu.sem_alloc : memref<!tpu.dma_semaphore, #tpu.memory_space<semaphore_mem>>
      %dma_start3A_225 = arith.constant 0 : i32
      %dma_start3A_226 = arith.constant 0 : i32
      %dma_start3A_227 = tpu.memref_slice %arg10[%run_scoped3A_138, %dma_start3A_225, %dma_start3A_226] : memref<2x128x32xf32, #tpu.memory_space<vmem>> -> memref<1x128x32xf32, #tpu.memory_space<vmem>>
      %dma_start3A_228 = tpu.memref_squeeze %dma_start3A_227 : memref<1x128x32xf32, #tpu.memory_space<vmem>> -> memref<128x32xf32, #tpu.memory_space<vmem>>
      %dma_start3A_229 = arith.constant 0 : i32
      %dma_start3A_230 = tpu.memref_slice %arg7[%add3A_137, %dma_start3A_229] : memref<10240x32xf32, #tpu.memory_space<vmem_shared>> -> memref<128x32xf32, #tpu.memory_space<vmem_shared>>
      %dma_start3A_231 = arith.constant 0 : i32
      %dma_start3A_232 = tpu.memref_slice %arg7[%add3A_137, %dma_start3A_231] : memref<10240x32xf32, #tpu.memory_space<vmem_shared>> -> memref<128x32xf32, #tpu.memory_space<vmem_shared>>
      %dma_start3A_233 = arith.constant 0 : i32
      %dma_start3A_234 = arith.constant 0 : i32
      %dma_start3A_235 = tpu.memref_slice %arg10[%run_scoped3A_138, %dma_start3A_233, %dma_start3A_234] : memref<2x128x32xf32, #tpu.memory_space<vmem>> -> memref<1x128x32xf32, #tpu.memory_space<vmem>>
      %dma_start3A_236 = tpu.memref_squeeze %dma_start3A_235 : memref<1x128x32xf32, #tpu.memory_space<vmem>> -> memref<128x32xf32, #tpu.memory_space<vmem>>
      tpu.enqueue_dma source(%dma_start3A_236 : memref<128x32xf32, #tpu.memory_space<vmem>>) target(%dma_start3A_232 : memref<128x32xf32, #tpu.memory_space<vmem_shared>>) target_semaphore(%run_scoped3A_224 : memref<!tpu.dma_semaphore, #tpu.memory_space<semaphore_mem>>)
      %dma_wait3A_237 = arith.constant 0 : i32
      %dma_wait3A_238 = arith.constant 0 : i32
      %dma_wait3A_239 = tpu.memref_slice %arg10[%run_scoped3A_138, %dma_wait3A_237, %dma_wait3A_238] : memref<2x128x32xf32, #tpu.memory_space<vmem>> -> memref<1x128x32xf32, #tpu.memory_space<vmem>>
      %dma_wait3A_240 = tpu.memref_squeeze %dma_wait3A_239 : memref<1x128x32xf32, #tpu.memory_space<vmem>> -> memref<128x32xf32, #tpu.memory_space<vmem>>
      %dma_wait3A_241 = arith.constant 0 : i32
      %dma_wait3A_242 = tpu.memref_slice %arg7[%add3A_137, %dma_wait3A_241] : memref<10240x32xf32, #tpu.memory_space<vmem_shared>> -> memref<128x32xf32, #tpu.memory_space<vmem_shared>>
      %dma_wait3A_243 = arith.constant 0 : i32
      %dma_wait3A_244 = tpu.memref_slice %arg7[%add3A_137, %dma_wait3A_243] : memref<10240x32xf32, #tpu.memory_space<vmem_shared>> -> memref<128x32xf32, #tpu.memory_space<vmem_shared>>
      %dma_wait3A_245 = arith.constant 0 : i32
      %dma_wait3A_246 = arith.constant 0 : i32
      %dma_wait3A_247 = tpu.memref_slice %arg10[%run_scoped3A_138, %dma_wait3A_245, %dma_wait3A_246] : memref<2x128x32xf32, #tpu.memory_space<vmem>> -> memref<1x128x32xf32, #tpu.memory_space<vmem>>
      %dma_wait3A_248 = tpu.memref_squeeze %dma_wait3A_247 : memref<1x128x32xf32, #tpu.memory_space<vmem>> -> memref<128x32xf32, #tpu.memory_space<vmem>>
      tpu.wait_dma2 semaphore(%run_scoped3A_224 : memref<!tpu.dma_semaphore, #tpu.memory_space<semaphore_mem>>) src(%dma_wait3A_248 : memref<128x32xf32, #tpu.memory_space<vmem>>) dst(%dma_wait3A_244 : memref<128x32xf32, #tpu.memory_space<vmem_shared>>)
      tpu.yield
    }) : () -> ()
    %add3A_139 = arith.constant 384 : i32
    %add3A_140 = arith.addi %mul3A_0, %add3A_139 : i32
    %run_scoped3A_141 = arith.constant 0 : i32
    "tpu.region"() ({
      %run_scoped3A_224 = tpu.sem_alloc : memref<!tpu.dma_semaphore, #tpu.memory_space<semaphore_mem>>
      %dma_start3A_225 = arith.constant 0 : i32
      %dma_start3A_226 = arith.constant 0 : i32
      %dma_start3A_227 = tpu.memref_slice %arg10[%run_scoped3A_141, %dma_start3A_225, %dma_start3A_226] : memref<2x128x32xf32, #tpu.memory_space<vmem>> -> memref<1x128x32xf32, #tpu.memory_space<vmem>>
      %dma_start3A_228 = tpu.memref_squeeze %dma_start3A_227 : memref<1x128x32xf32, #tpu.memory_space<vmem>> -> memref<128x32xf32, #tpu.memory_space<vmem>>
      %dma_start3A_229 = arith.constant 0 : i32
      %dma_start3A_230 = tpu.memref_slice %arg7[%add3A_140, %dma_start3A_229] : memref<10240x32xf32, #tpu.memory_space<vmem_shared>> -> memref<128x32xf32, #tpu.memory_space<vmem_shared>>
      %dma_start3A_231 = arith.constant 0 : i32
      %dma_start3A_232 = tpu.memref_slice %arg7[%add3A_140, %dma_start3A_231] : memref<10240x32xf32, #tpu.memory_space<vmem_shared>> -> memref<128x32xf32, #tpu.memory_space<vmem_shared>>
      %dma_start3A_233 = arith.constant 0 : i32
      %dma_start3A_234 = arith.constant 0 : i32
      %dma_start3A_235 = tpu.memref_slice %arg10[%run_scoped3A_141, %dma_start3A_233, %dma_start3A_234] : memref<2x128x32xf32, #tpu.memory_space<vmem>> -> memref<1x128x32xf32, #tpu.memory_space<vmem>>
      %dma_start3A_236 = tpu.memref_squeeze %dma_start3A_235 : memref<1x128x32xf32, #tpu.memory_space<vmem>> -> memref<128x32xf32, #tpu.memory_space<vmem>>
      tpu.enqueue_dma source(%dma_start3A_236 : memref<128x32xf32, #tpu.memory_space<vmem>>) target(%dma_start3A_232 : memref<128x32xf32, #tpu.memory_space<vmem_shared>>) target_semaphore(%run_scoped3A_224 : memref<!tpu.dma_semaphore, #tpu.memory_space<semaphore_mem>>)
      %dma_wait3A_237 = arith.constant 0 : i32
      %dma_wait3A_238 = arith.constant 0 : i32
      %dma_wait3A_239 = tpu.memref_slice %arg10[%run_scoped3A_141, %dma_wait3A_237, %dma_wait3A_238] : memref<2x128x32xf32, #tpu.memory_space<vmem>> -> memref<1x128x32xf32, #tpu.memory_space<vmem>>
      %dma_wait3A_240 = tpu.memref_squeeze %dma_wait3A_239 : memref<1x128x32xf32, #tpu.memory_space<vmem>> -> memref<128x32xf32, #tpu.memory_space<vmem>>
      %dma_wait3A_241 = arith.constant 0 : i32
      %dma_wait3A_242 = tpu.memref_slice %arg7[%add3A_140, %dma_wait3A_241] : memref<10240x32xf32, #tpu.memory_space<vmem_shared>> -> memref<128x32xf32, #tpu.memory_space<vmem_shared>>
      %dma_wait3A_243 = arith.constant 0 : i32
      %dma_wait3A_244 = tpu.memref_slice %arg7[%add3A_140, %dma_wait3A_243] : memref<10240x32xf32, #tpu.memory_space<vmem_shared>> -> memref<128x32xf32, #tpu.memory_space<vmem_shared>>
      %dma_wait3A_245 = arith.constant 0 : i32
      %dma_wait3A_246 = arith.constant 0 : i32
      %dma_wait3A_247 = tpu.memref_slice %arg10[%run_scoped3A_141, %dma_wait3A_245, %dma_wait3A_246] : memref<2x128x32xf32, #tpu.memory_space<vmem>> -> memref<1x128x32xf32, #tpu.memory_space<vmem>>
      %dma_wait3A_248 = tpu.memref_squeeze %dma_wait3A_247 : memref<1x128x32xf32, #tpu.memory_space<vmem>> -> memref<128x32xf32, #tpu.memory_space<vmem>>
      tpu.wait_dma2 semaphore(%run_scoped3A_224 : memref<!tpu.dma_semaphore, #tpu.memory_space<semaphore_mem>>) src(%dma_wait3A_248 : memref<128x32xf32, #tpu.memory_space<vmem>>) dst(%dma_wait3A_244 : memref<128x32xf32, #tpu.memory_space<vmem_shared>>)
      tpu.yield
    }) : () -> ()
    %add3A_142 = arith.constant 512 : i32
    %add3A_143 = arith.addi %mul3A_0, %add3A_142 : i32
    %run_scoped3A_144 = arith.constant 0 : i32
    "tpu.region"() ({
      %run_scoped3A_224 = tpu.sem_alloc : memref<!tpu.dma_semaphore, #tpu.memory_space<semaphore_mem>>
      %dma_start3A_225 = arith.constant 0 : i32
      %dma_start3A_226 = arith.constant 0 : i32
      %dma_start3A_227 = tpu.memref_slice %arg10[%run_scoped3A_144, %dma_start3A_225, %dma_start3A_226] : memref<2x128x32xf32, #tpu.memory_space<vmem>> -> memref<1x128x32xf32, #tpu.memory_space<vmem>>
      %dma_start3A_228 = tpu.memref_squeeze %dma_start3A_227 : memref<1x128x32xf32, #tpu.memory_space<vmem>> -> memref<128x32xf32, #tpu.memory_space<vmem>>
      %dma_start3A_229 = arith.constant 0 : i32
      %dma_start3A_230 = tpu.memref_slice %arg7[%add3A_143, %dma_start3A_229] : memref<10240x32xf32, #tpu.memory_space<vmem_shared>> -> memref<128x32xf32, #tpu.memory_space<vmem_shared>>
      %dma_start3A_231 = arith.constant 0 : i32
      %dma_start3A_232 = tpu.memref_slice %arg7[%add3A_143, %dma_start3A_231] : memref<10240x32xf32, #tpu.memory_space<vmem_shared>> -> memref<128x32xf32, #tpu.memory_space<vmem_shared>>
      %dma_start3A_233 = arith.constant 0 : i32
      %dma_start3A_234 = arith.constant 0 : i32
      %dma_start3A_235 = tpu.memref_slice %arg10[%run_scoped3A_144, %dma_start3A_233, %dma_start3A_234] : memref<2x128x32xf32, #tpu.memory_space<vmem>> -> memref<1x128x32xf32, #tpu.memory_space<vmem>>
      %dma_start3A_236 = tpu.memref_squeeze %dma_start3A_235 : memref<1x128x32xf32, #tpu.memory_space<vmem>> -> memref<128x32xf32, #tpu.memory_space<vmem>>
      tpu.enqueue_dma source(%dma_start3A_236 : memref<128x32xf32, #tpu.memory_space<vmem>>) target(%dma_start3A_232 : memref<128x32xf32, #tpu.memory_space<vmem_shared>>) target_semaphore(%run_scoped3A_224 : memref<!tpu.dma_semaphore, #tpu.memory_space<semaphore_mem>>)
      %dma_wait3A_237 = arith.constant 0 : i32
      %dma_wait3A_238 = arith.constant 0 : i32
      %dma_wait3A_239 = tpu.memref_slice %arg10[%run_scoped3A_144, %dma_wait3A_237, %dma_wait3A_238] : memref<2x128x32xf32, #tpu.memory_space<vmem>> -> memref<1x128x32xf32, #tpu.memory_space<vmem>>
      %dma_wait3A_240 = tpu.memref_squeeze %dma_wait3A_239 : memref<1x128x32xf32, #tpu.memory_space<vmem>> -> memref<128x32xf32, #tpu.memory_space<vmem>>
      %dma_wait3A_241 = arith.constant 0 : i32
      %dma_wait3A_242 = tpu.memref_slice %arg7[%add3A_143, %dma_wait3A_241] : memref<10240x32xf32, #tpu.memory_space<vmem_shared>> -> memref<128x32xf32, #tpu.memory_space<vmem_shared>>
      %dma_wait3A_243 = arith.constant 0 : i32
      %dma_wait3A_244 = tpu.memref_slice %arg7[%add3A_143, %dma_wait3A_243] : memref<10240x32xf32, #tpu.memory_space<vmem_shared>> -> memref<128x32xf32, #tpu.memory_space<vmem_shared>>
      %dma_wait3A_245 = arith.constant 0 : i32
      %dma_wait3A_246 = arith.constant 0 : i32
      %dma_wait3A_247 = tpu.memref_slice %arg10[%run_scoped3A_144, %dma_wait3A_245, %dma_wait3A_246] : memref<2x128x32xf32, #tpu.memory_space<vmem>> -> memref<1x128x32xf32, #tpu.memory_space<vmem>>
      %dma_wait3A_248 = tpu.memref_squeeze %dma_wait3A_247 : memref<1x128x32xf32, #tpu.memory_space<vmem>> -> memref<128x32xf32, #tpu.memory_space<vmem>>
      tpu.wait_dma2 semaphore(%run_scoped3A_224 : memref<!tpu.dma_semaphore, #tpu.memory_space<semaphore_mem>>) src(%dma_wait3A_248 : memref<128x32xf32, #tpu.memory_space<vmem>>) dst(%dma_wait3A_244 : memref<128x32xf32, #tpu.memory_space<vmem_shared>>)
      tpu.yield
    }) : () -> ()
    %scan3A_145 = arith.constant 0 : i32
    %scan3A_146 = arith.constant 0 : i32
    %scan3A_147 = arith.constant 640 : i32
    %scan3A_148 = arith.addi %scan3A_146, %scan3A_147 : i32
    %scan3A_149 = arith.constant 1 : i32
    %scan3A_150 = scf.for %scan3A_224 = %scan3A_146 to %scan3A_148 step %scan3A_149 iter_args(%scan3A_225 = %scan3A_145) -> (i32)  : i32 {
      %get3A = arith.index_cast %scan3A_224 : i32 to index
      %get3A_226 = arith.constant 0 : index
      %get3A_227 = tpu.vector_load %arg11[%get3A, %get3A_226] {strides = array<i32>} : memref<640x32xf32, #tpu.memory_space<vmem>>, vector<1x16xf32>,
      %get3A_228 = vector.shape_cast %get3A_227 : vector<1x16xf32> to vector<16xf32>
      %get3A_229 = arith.index_cast %scan3A_224 : i32 to index
      %get3A_230 = arith.constant 0 : index
      %get3A_231 = tpu.vector_load %arg12[%get3A_229, %get3A_230] {strides = array<i32>} : memref<640x32xf32, #tpu.memory_space<vmem>>, vector<1x16xf32>,
      %get3A_232 = vector.shape_cast %get3A_231 : vector<1x16xf32> to vector<16xf32>
      %mul3A_233 = arith.constant 0.899999976 : f32
      %mul3A_234 = vector.broadcast %mul3A_233 : f32 to vector<16xf32>
      %mul3A_235 = arith.mulf %mul3A_234, %get3A_232 : vector<16xf32>
      %mul3A_236 = arith.mulf %mul3A_235, %get3A_232 : vector<16xf32>
      %mul3A_237 = arith.mulf %mul3A_236, %get3A_228 : vector<16xf32>
      %get3A_238 = arith.index_cast %scan3A_224 : i32 to index
      %get3A_239 = arith.constant 0 : index
      %get3A_240 = tpu.vector_load %arg13[%get3A_238, %get3A_239] {strides = array<i32>} : memref<640x32xf32, #tpu.memory_space<vmem>>, vector<1x16xf32>,
      %get3A_241 = vector.shape_cast %get3A_240 : vector<1x16xf32> to vector<16xf32>
      %add3A_242 = arith.addf %mul3A_237, %get3A_241 : vector<16xf32>
      %div3A = arith.divf %add3A_242, %get3A_232 : vector<16xf32>
      %get3A_243 = arith.constant 0 : index
      %get3A_244 = tpu.vector_load %arg14[%get3A_243] {strides = array<i32>} : memref<32xf32, #tpu.memory_space<vmem>>, vector<16xf32>,
      %get3A_245 = vector.shape_cast %get3A_244 : vector<16xf32> to vector<16xf32>
      %add3A_246 = arith.addf %div3A, %get3A_245 : vector<16xf32>
      %gt3A = arith.constant 0.000000e+00 : f32
      %gt3A_247 = vector.broadcast %gt3A : f32 to vector<16xf32>
      %gt3A_248 = arith.cmpf ogt, %add3A_246, %gt3A_247 : vector<16xf32>
      %min3A = arith.constant 0.000000e+00 : f32
      %min3A_249 = vector.broadcast %min3A : f32 to vector<16xf32>
      %min3A_250 = arith.minimumf %add3A_246, %min3A_249 : vector<16xf32>
      %exp3A = math.exp %min3A_250 : vector<16xf32>
      %sub3A = arith.constant 1.000000e+00 : f32
      %sub3A_251 = vector.broadcast %sub3A : f32 to vector<16xf32>
      %sub3A_252 = arith.subf %exp3A, %sub3A_251 : vector<16xf32>
      %select_n3A = arith.select %gt3A_248, %add3A_246, %sub3A_252 : vector<16xi1>, vector<16xf32>
      %mul3A_253 = arith.constant 1.000000e-01 : f32
      %mul3A_254 = vector.broadcast %mul3A_253 : f32 to vector<16xf32>
      %mul3A_255 = arith.mulf %mul3A_254, %select_n3A : vector<16xf32>
      %mul3A_256 = arith.mulf %mul3A_255, %get3A_232 : vector<16xf32>
      %swap3A = arith.index_cast %scan3A_224 : i32 to index
      %swap3A_257 = arith.constant 0 : index
      %swap3A_258 = tpu.vector_load %arg13[%swap3A, %swap3A_257] {strides = array<i32>} : memref<640x32xf32, #tpu.memory_space<vmem>>, vector<1x16xf32>,
      %swap3A_259 = vector.shape_cast %swap3A_258 : vector<1x16xf32> to vector<16xf32>
      %swap3A_260 = vector.shape_cast %mul3A_256 : vector<16xf32> to vector<1x16xf32>
      tpu.vector_store %arg13[%swap3A, %swap3A_257], %swap3A_260 {strides = array<i32>} : memref<640x32xf32, #tpu.memory_space<vmem>>, vector<1x16xf32>,
      %mul3A_261 = arith.mulf %select_n3A, %get3A_232 : vector<16xf32>
      %swap3A_262 = arith.index_cast %scan3A_224 : i32 to index
      %swap3A_263 = arith.constant 0 : index
      %swap3A_264 = tpu.vector_load %arg11[%swap3A_262, %swap3A_263] {strides = array<i32>} : memref<640x32xf32, #tpu.memory_space<vmem>>, vector<1x16xf32>,
      %swap3A_265 = vector.shape_cast %swap3A_264 : vector<1x16xf32> to vector<16xf32>
      %swap3A_266 = vector.shape_cast %mul3A_261 : vector<16xf32> to vector<1x16xf32>
      tpu.vector_store %arg11[%swap3A_262, %swap3A_263], %swap3A_266 {strides = array<i32>} : memref<640x32xf32, #tpu.memory_space<vmem>>, vector<1x16xf32>,
      %get3A_267 = arith.index_cast %scan3A_224 : i32 to index
      %get3A_268 = arith.constant 16 : index
      %get3A_269 = tpu.vector_load %arg11[%get3A_267, %get3A_268] {strides = array<i32>} : memref<640x32xf32, #tpu.memory_space<vmem>>, vector<1x16xf32>,
      %get3A_270 = vector.shape_cast %get3A_269 : vector<1x16xf32> to vector<16xf32>
      %get3A_271 = arith.index_cast %scan3A_224 : i32 to index
      %get3A_272 = arith.constant 16 : index
      %get3A_273 = tpu.vector_load %arg12[%get3A_271, %get3A_272] {strides = array<i32>} : memref<640x32xf32, #tpu.memory_space<vmem>>, vector<1x16xf32>,
      %get3A_274 = vector.shape_cast %get3A_273 : vector<1x16xf32> to vector<16xf32>
      %mul3A_275 = arith.constant 0.899999976 : f32
      %mul3A_276 = vector.broadcast %mul3A_275 : f32 to vector<16xf32>
      %mul3A_277 = arith.mulf %mul3A_276, %get3A_274 : vector<16xf32>
      %mul3A_278 = arith.mulf %mul3A_277, %get3A_274 : vector<16xf32>
      %mul3A_279 = arith.mulf %mul3A_278, %get3A_270 : vector<16xf32>
      %get3A_280 = arith.index_cast %scan3A_224 : i32 to index
      %get3A_281 = arith.constant 16 : index
      %get3A_282 = tpu.vector_load %arg13[%get3A_280, %get3A_281] {strides = array<i32>} : memref<640x32xf32, #tpu.memory_space<vmem>>, vector<1x16xf32>,
      %get3A_283 = vector.shape_cast %get3A_282 : vector<1x16xf32> to vector<16xf32>
      %add3A_284 = arith.addf %mul3A_279, %get3A_283 : vector<16xf32>
      %div3A_285 = arith.divf %add3A_284, %get3A_274 : vector<16xf32>
      %get3A_286 = arith.constant 16 : index
      %get3A_287 = tpu.vector_load %arg14[%get3A_286] {strides = array<i32>} : memref<32xf32, #tpu.memory_space<vmem>>, vector<16xf32>,
      %get3A_288 = vector.shape_cast %get3A_287 : vector<16xf32> to vector<16xf32>
      %add3A_289 = arith.addf %div3A_285, %get3A_288 : vector<16xf32>
      %gt3A_290 = arith.constant 0.000000e+00 : f32
      %gt3A_291 = vector.broadcast %gt3A_290 : f32 to vector<16xf32>
      %gt3A_292 = arith.cmpf ogt, %add3A_289, %gt3A_291 : vector<16xf32>
      %min3A_293 = arith.constant 0.000000e+00 : f32
      %min3A_294 = vector.broadcast %min3A_293 : f32 to vector<16xf32>
      %min3A_295 = arith.minimumf %add3A_289, %min3A_294 : vector<16xf32>
      %exp3A_296 = math.exp %min3A_295 : vector<16xf32>
      %sub3A_297 = arith.constant 1.000000e+00 : f32
      %sub3A_298 = vector.broadcast %sub3A_297 : f32 to vector<16xf32>
      %sub3A_299 = arith.subf %exp3A_296, %sub3A_298 : vector<16xf32>
      %select_n3A_300 = arith.select %gt3A_292, %add3A_289, %sub3A_299 : vector<16xi1>, vector<16xf32>
      %mul3A_301 = arith.constant 1.000000e-01 : f32
      %mul3A_302 = vector.broadcast %mul3A_301 : f32 to vector<16xf32>
      %mul3A_303 = arith.mulf %mul3A_302, %select_n3A_300 : vector<16xf32>
      %mul3A_304 = arith.mulf %mul3A_303, %get3A_274 : vector<16xf32>
      %swap3A_305 = arith.index_cast %scan3A_224 : i32 to index
      %swap3A_306 = arith.constant 16 : index
      %swap3A_307 = tpu.vector_load %arg13[%swap3A_305, %swap3A_306] {strides = array<i32>} : memref<640x32xf32, #tpu.memory_space<vmem>>, vector<1x16xf32>,
      %swap3A_308 = vector.shape_cast %swap3A_307 : vector<1x16xf32> to vector<16xf32>
      %swap3A_309 = vector.shape_cast %mul3A_304 : vector<16xf32> to vector<1x16xf32>
      tpu.vector_store %arg13[%swap3A_305, %swap3A_306], %swap3A_309 {strides = array<i32>} : memref<640x32xf32, #tpu.memory_space<vmem>>, vector<1x16xf32>,
      %mul3A_310 = arith.mulf %select_n3A_300, %get3A_274 : vector<16xf32>
      %swap3A_311 = arith.index_cast %scan3A_224 : i32 to index
      %swap3A_312 = arith.constant 16 : index
      %swap3A_313 = tpu.vector_load %arg11[%swap3A_311, %swap3A_312] {strides = array<i32>} : memref<640x32xf32, #tpu.memory_space<vmem>>, vector<1x16xf32>,
      %swap3A_314 = vector.shape_cast %swap3A_313 : vector<1x16xf32> to vector<16xf32>
      %swap3A_315 = vector.shape_cast %mul3A_310 : vector<16xf32> to vector<1x16xf32>
      tpu.vector_store %arg11[%swap3A_311, %swap3A_312], %swap3A_315 {strides = array<i32>} : memref<640x32xf32, #tpu.memory_space<vmem>>, vector<1x16xf32>,
      %scan3A_316 = arith.constant 0 : i32
      scf.yield %scan3A_316 : i32
    }
    %scan3A_151 = arith.constant 640 : i32
    %add3A_152 = arith.addi %mul3A_2, %mul3A_0 : i32
    "tpu.region"() ({
      %run_scoped3A_224 = tpu.sem_alloc : memref<!tpu.dma_semaphore, #tpu.memory_space<semaphore_mem>>
      %dma_start3A_225 = arith.constant 0 : i32
      %dma_start3A_226 = tpu.memref_slice %arg6[%add3A_152, %dma_start3A_225] : memref<20480x32xf32, #tpu.memory_space<hbm>> -> memref<640x32xf32, #tpu.memory_space<hbm>>
      %dma_start3A_227 = arith.constant 0 : i32
      %dma_start3A_228 = tpu.memref_slice %arg6[%add3A_152, %dma_start3A_227] : memref<20480x32xf32, #tpu.memory_space<hbm>> -> memref<640x32xf32, #tpu.memory_space<hbm>>
      tpu.enqueue_dma source(%arg11 : memref<640x32xf32, #tpu.memory_space<vmem>>) target(%dma_start3A_228 : memref<640x32xf32, #tpu.memory_space<hbm>>) target_semaphore(%run_scoped3A_224 : memref<!tpu.dma_semaphore, #tpu.memory_space<semaphore_mem>>)
      %dma_wait3A_229 = arith.constant 0 : i32
      %dma_wait3A_230 = tpu.memref_slice %arg6[%add3A_152, %dma_wait3A_229] : memref<20480x32xf32, #tpu.memory_space<hbm>> -> memref<640x32xf32, #tpu.memory_space<hbm>>
      %dma_wait3A_231 = arith.constant 0 : i32
      %dma_wait3A_232 = tpu.memref_slice %arg6[%add3A_152, %dma_wait3A_231] : memref<20480x32xf32, #tpu.memory_space<hbm>> -> memref<640x32xf32, #tpu.memory_space<hbm>>
      tpu.wait_dma2 semaphore(%run_scoped3A_224 : memref<!tpu.dma_semaphore, #tpu.memory_space<semaphore_mem>>) src(%arg11 : memref<640x32xf32, #tpu.memory_space<vmem>>) dst(%dma_wait3A_232 : memref<640x32xf32, #tpu.memory_space<hbm>>)
      tpu.yield
    }) : () -> ()
    %barrier3A_153 = arith.constant 0 : index
    tpu.barrier barrier_id(%barrier3A_153)
    %scan3A_154 = arith.constant 0 : i32
    %scan3A_155 = arith.constant 0 : i32
    %scan3A_156 = arith.constant 9 : i32
    %scan3A_157 = arith.addi %scan3A_155, %scan3A_156 : i32
    %scan3A_158 = arith.constant 1 : i32
    %scan3A_159 = scf.for %scan3A_224 = %scan3A_155 to %scan3A_157 step %scan3A_158 iter_args(%scan3A_225 = %scan3A_154) -> (i32)  : i32 {
      %dma_start3A_226 = arith.constant 0 : i32
      %dma_start3A_227 = arith.constant 0 : i32
      %dma_start3A_228 = arith.constant 0 : i32
      %dma_start3A_229 = arith.constant 0 : i32
      %dma_start3A_230 = tpu.memref_slice %arg10[%dma_start3A_227, %dma_start3A_228, %dma_start3A_229] : memref<2x128x32xf32, #tpu.memory_space<vmem>> -> memref<1x128x32xf32, #tpu.memory_space<vmem>>
      %dma_start3A_231 = tpu.memref_squeeze %dma_start3A_230 : memref<1x128x32xf32, #tpu.memory_space<vmem>> -> memref<128x32xf32, #tpu.memory_space<vmem>>
      %dma_start3A_232 = arith.constant 0 : i32
      %dma_start3A_233 = tpu.memref_slice %arg8[%dma_start3A_226, %dma_start3A_232] : memref<158x128xi32, #tpu.memory_space<vmem>> -> memref<1x128xi32, #tpu.memory_space<vmem>>
      %dma_start3A_234 = tpu.memref_squeeze %dma_start3A_233 : memref<1x128xi32, #tpu.memory_space<vmem>> -> memref<128xi32, #tpu.memory_space<vmem>>
      %dma_start3A_235 = arith.constant 0 : i32
      %dma_start3A_236 = arith.constant 0 : i32
      %dma_start3A_237 = tpu.memref_slice %arg6[%dma_start3A_235, %dma_start3A_236] : memref<20480x32xf32, #tpu.memory_space<hbm>> -> memref<20480x32xf32, #tpu.memory_space<hbm>>
      tpu.enqueue_indirect_dma source(%dma_start3A_237 : memref<20480x32xf32, #tpu.memory_space<hbm>>) target(%dma_start3A_231 : memref<128x32xf32, #tpu.memory_space<vmem>>) offsets(%dma_start3A_234 : memref<128xi32, #tpu.memory_space<vmem>>) semaphore(%arg15 : memref<!tpu.dma_semaphore, #tpu.memory_space<semaphore_mem>>)
      %scan3A_238 = arith.constant 0 : i32
      %scan3A_239 = arith.constant 0 : i32
      %scan3A_240 = arith.constant 79 : i32
      %scan3A_241 = arith.addi %scan3A_239, %scan3A_240 : i32
      %scan3A_242 = arith.constant 1 : i32
      %scan3A_243 = scf.for %scan3A_290 = %scan3A_239 to %scan3A_241 step %scan3A_242 iter_args(%scan3A_291 = %scan3A_238) -> (i32)  : i32 {
        %mul3A_292 = arith.constant 2 : i32
        %mul3A_293 = arith.muli %mul3A_292, %scan3A_290 : i32
        %add3A_294 = arith.constant 1 : i32
        %add3A_295 = arith.addi %mul3A_293, %add3A_294 : i32
        %add3A_296 = arith.constant 2 : i32
        %add3A_297 = arith.addi %mul3A_293, %add3A_296 : i32
        %min3A = arith.constant 157 : i32
        %min3A_298 = arith.minsi %add3A_297, %min3A : i32
        %dma_start3A_299 = arith.constant 1 : i32
        %dma_start3A_300 = arith.constant 0 : i32
        %dma_start3A_301 = arith.constant 0 : i32
        %dma_start3A_302 = tpu.memref_slice %arg10[%dma_start3A_299, %dma_start3A_300, %dma_start3A_301] : memref<2x128x32xf32, #tpu.memory_space<vmem>> -> memref<1x128x32xf32, #tpu.memory_space<vmem>>
        %dma_start3A_303 = tpu.memref_squeeze %dma_start3A_302 : memref<1x128x32xf32, #tpu.memory_space<vmem>> -> memref<128x32xf32, #tpu.memory_space<vmem>>
        %dma_start3A_304 = arith.constant 0 : i32
        %dma_start3A_305 = tpu.memref_slice %arg8[%add3A_295, %dma_start3A_304] : memref<158x128xi32, #tpu.memory_space<vmem>> -> memref<1x128xi32, #tpu.memory_space<vmem>>
        %dma_start3A_306 = tpu.memref_squeeze %dma_start3A_305 : memref<1x128xi32, #tpu.memory_space<vmem>> -> memref<128xi32, #tpu.memory_space<vmem>>
        %dma_start3A_307 = arith.constant 0 : i32
        %dma_start3A_308 = arith.constant 0 : i32
        %dma_start3A_309 = tpu.memref_slice %arg6[%dma_start3A_307, %dma_start3A_308] : memref<20480x32xf32, #tpu.memory_space<hbm>> -> memref<20480x32xf32, #tpu.memory_space<hbm>>
        tpu.enqueue_indirect_dma source(%dma_start3A_309 : memref<20480x32xf32, #tpu.memory_space<hbm>>) target(%dma_start3A_303 : memref<128x32xf32, #tpu.memory_space<vmem>>) offsets(%dma_start3A_306 : memref<128xi32, #tpu.memory_space<vmem>>) semaphore(%arg16 : memref<!tpu.dma_semaphore, #tpu.memory_space<semaphore_mem>>)
        %dma_wait3A_310 = arith.constant 0 : i32
        %dma_wait3A_311 = arith.constant 0 : i32
        %dma_wait3A_312 = arith.constant 0 : i32
        %dma_wait3A_313 = tpu.memref_slice %arg10[%dma_wait3A_310, %dma_wait3A_311, %dma_wait3A_312] : memref<2x128x32xf32, #tpu.memory_space<vmem>> -> memref<1x128x32xf32, #tpu.memory_space<vmem>>
        %dma_wait3A_314 = tpu.memref_squeeze %dma_wait3A_313 : memref<1x128x32xf32, #tpu.memory_space<vmem>> -> memref<128x32xf32, #tpu.memory_space<vmem>>
        %dma_wait3A_315 = arith.constant 0 : i32
        %dma_wait3A_316 = tpu.memref_slice %arg8[%mul3A_293, %dma_wait3A_315] : memref<158x128xi32, #tpu.memory_space<vmem>> -> memref<1x128xi32, #tpu.memory_space<vmem>>
        %dma_wait3A_317 = tpu.memref_squeeze %dma_wait3A_316 : memref<1x128xi32, #tpu.memory_space<vmem>> -> memref<128xi32, #tpu.memory_space<vmem>>
        %dma_wait3A_318 = arith.constant 0 : i32
        %dma_wait3A_319 = arith.constant 0 : i32
        %dma_wait3A_320 = tpu.memref_slice %arg6[%dma_wait3A_318, %dma_wait3A_319] : memref<20480x32xf32, #tpu.memory_space<hbm>> -> memref<20480x32xf32, #tpu.memory_space<hbm>>
        tpu.wait_indirect_dma semaphore(%arg15 : memref<!tpu.dma_semaphore, #tpu.memory_space<semaphore_mem>>) src(%dma_wait3A_320 : memref<20480x32xf32, #tpu.memory_space<hbm>>) dst(%dma_wait3A_314 : memref<128x32xf32, #tpu.memory_space<vmem>>)
        %run_scoped3A_321 = arith.constant 0 : i32
        "tpu.region"() ({
          %run_scoped3A_346 = tpu.sem_alloc : memref<!tpu.dma_semaphore, #tpu.memory_space<semaphore_mem>>
          %dma_start3A_347 = arith.constant 0 : i32
          %dma_start3A_348 = arith.constant 0 : i32
          %dma_start3A_349 = tpu.memref_slice %arg10[%run_scoped3A_321, %dma_start3A_347, %dma_start3A_348] : memref<2x128x32xf32, #tpu.memory_space<vmem>> -> memref<1x128x32xf32, #tpu.memory_space<vmem>>
          %dma_start3A_350 = tpu.memref_squeeze %dma_start3A_349 : memref<1x128x32xf32, #tpu.memory_space<vmem>> -> memref<128x32xf32, #tpu.memory_space<vmem>>
          %dma_start3A_351 = arith.constant 0 : i32
          %dma_start3A_352 = tpu.memref_slice %arg9[%mul3A_293, %dma_start3A_351] : memref<158x128xi32, #tpu.memory_space<vmem>> -> memref<1x128xi32, #tpu.memory_space<vmem>>
          %dma_start3A_353 = tpu.memref_squeeze %dma_start3A_352 : memref<1x128xi32, #tpu.memory_space<vmem>> -> memref<128xi32, #tpu.memory_space<vmem>>
          %dma_start3A_354 = arith.constant 0 : i32
          %dma_start3A_355 = arith.constant 0 : i32
          %dma_start3A_356 = tpu.memref_slice %arg7[%dma_start3A_354, %dma_start3A_355] : memref<10240x32xf32, #tpu.memory_space<vmem_shared>> -> memref<10240x32xf32, #tpu.memory_space<vmem_shared>>
          tpu.enqueue_indirect_dma source(%dma_start3A_350 : memref<128x32xf32, #tpu.memory_space<vmem>>) target(%dma_start3A_356 : memref<10240x32xf32, #tpu.memory_space<vmem_shared>>) offsets(%dma_start3A_353 : memref<128xi32, #tpu.memory_space<vmem>>) semaphore(%run_scoped3A_346 : memref<!tpu.dma_semaphore, #tpu.memory_space<semaphore_mem>>) {add = true}
          %dma_wait3A_357 = arith.constant 0 : i32
          %dma_wait3A_358 = arith.constant 0 : i32
          %dma_wait3A_359 = tpu.memref_slice %arg10[%run_scoped3A_321, %dma_wait3A_357, %dma_wait3A_358] : memref<2x128x32xf32, #tpu.memory_space<vmem>> -> memref<1x128x32xf32, #tpu.memory_space<vmem>>
          %dma_wait3A_360 = tpu.memref_squeeze %dma_wait3A_359 : memref<1x128x32xf32, #tpu.memory_space<vmem>> -> memref<128x32xf32, #tpu.memory_space<vmem>>
          %dma_wait3A_361 = arith.constant 0 : i32
          %dma_wait3A_362 = tpu.memref_slice %arg9[%mul3A_293, %dma_wait3A_361] : memref<158x128xi32, #tpu.memory_space<vmem>> -> memref<1x128xi32, #tpu.memory_space<vmem>>
          %dma_wait3A_363 = tpu.memref_squeeze %dma_wait3A_362 : memref<1x128xi32, #tpu.memory_space<vmem>> -> memref<128xi32, #tpu.memory_space<vmem>>
          %dma_wait3A_364 = arith.constant 0 : i32
          %dma_wait3A_365 = arith.constant 0 : i32
          %dma_wait3A_366 = tpu.memref_slice %arg7[%dma_wait3A_364, %dma_wait3A_365] : memref<10240x32xf32, #tpu.memory_space<vmem_shared>> -> memref<10240x32xf32, #tpu.memory_space<vmem_shared>>
          tpu.wait_indirect_dma semaphore(%run_scoped3A_346 : memref<!tpu.dma_semaphore, #tpu.memory_space<semaphore_mem>>) src(%dma_wait3A_360 : memref<128x32xf32, #tpu.memory_space<vmem>>) dst(%dma_wait3A_366 : memref<10240x32xf32, #tpu.memory_space<vmem_shared>>)
          tpu.yield
        }) : () -> ()
        %dma_start3A_322 = arith.constant 0 : i32
        %dma_start3A_323 = arith.constant 0 : i32
        %dma_start3A_324 = arith.constant 0 : i32
        %dma_start3A_325 = tpu.memref_slice %arg10[%dma_start3A_322, %dma_start3A_323, %dma_start3A_324] : memref<2x128x32xf32, #tpu.memory_space<vmem>> -> memref<1x128x32xf32, #tpu.memory_space<vmem>>
        %dma_start3A_326 = tpu.memref_squeeze %dma_start3A_325 : memref<1x128x32xf32, #tpu.memory_space<vmem>> -> memref<128x32xf32, #tpu.memory_space<vmem>>
        %dma_start3A_327 = arith.constant 0 : i32
        %dma_start3A_328 = tpu.memref_slice %arg8[%min3A_298, %dma_start3A_327] : memref<158x128xi32, #tpu.memory_space<vmem>> -> memref<1x128xi32, #tpu.memory_space<vmem>>
        %dma_start3A_329 = tpu.memref_squeeze %dma_start3A_328 : memref<1x128xi32, #tpu.memory_space<vmem>> -> memref<128xi32, #tpu.memory_space<vmem>>
        %dma_start3A_330 = arith.constant 0 : i32
        %dma_start3A_331 = arith.constant 0 : i32
        %dma_start3A_332 = tpu.memref_slice %arg6[%dma_start3A_330, %dma_start3A_331] : memref<20480x32xf32, #tpu.memory_space<hbm>> -> memref<20480x32xf32, #tpu.memory_space<hbm>>
        tpu.enqueue_indirect_dma source(%dma_start3A_332 : memref<20480x32xf32, #tpu.memory_space<hbm>>) target(%dma_start3A_326 : memref<128x32xf32, #tpu.memory_space<vmem>>) offsets(%dma_start3A_329 : memref<128xi32, #tpu.memory_space<vmem>>) semaphore(%arg15 : memref<!tpu.dma_semaphore, #tpu.memory_space<semaphore_mem>>)
        %dma_wait3A_333 = arith.constant 1 : i32
        %dma_wait3A_334 = arith.constant 0 : i32
        %dma_wait3A_335 = arith.constant 0 : i32
        %dma_wait3A_336 = tpu.memref_slice %arg10[%dma_wait3A_333, %dma_wait3A_334, %dma_wait3A_335] : memref<2x128x32xf32, #tpu.memory_space<vmem>> -> memref<1x128x32xf32, #tpu.memory_space<vmem>>
        %dma_wait3A_337 = tpu.memref_squeeze %dma_wait3A_336 : memref<1x128x32xf32, #tpu.memory_space<vmem>> -> memref<128x32xf32, #tpu.memory_space<vmem>>
        %dma_wait3A_338 = arith.constant 0 : i32
        %dma_wait3A_339 = tpu.memref_slice %arg8[%add3A_295, %dma_wait3A_338] : memref<158x128xi32, #tpu.memory_space<vmem>> -> memref<1x128xi32, #tpu.memory_space<vmem>>
        %dma_wait3A_340 = tpu.memref_squeeze %dma_wait3A_339 : memref<1x128xi32, #tpu.memory_space<vmem>> -> memref<128xi32, #tpu.memory_space<vmem>>
        %dma_wait3A_341 = arith.constant 0 : i32
        %dma_wait3A_342 = arith.constant 0 : i32
        %dma_wait3A_343 = tpu.memref_slice %arg6[%dma_wait3A_341, %dma_wait3A_342] : memref<20480x32xf32, #tpu.memory_space<hbm>> -> memref<20480x32xf32, #tpu.memory_space<hbm>>
        tpu.wait_indirect_dma semaphore(%arg16 : memref<!tpu.dma_semaphore, #tpu.memory_space<semaphore_mem>>) src(%dma_wait3A_343 : memref<20480x32xf32, #tpu.memory_space<hbm>>) dst(%dma_wait3A_337 : memref<128x32xf32, #tpu.memory_space<vmem>>)
        %run_scoped3A_344 = arith.constant 1 : i32
        "tpu.region"() ({
          %run_scoped3A_346 = tpu.sem_alloc : memref<!tpu.dma_semaphore, #tpu.memory_space<semaphore_mem>>
          %dma_start3A_347 = arith.constant 0 : i32
          %dma_start3A_348 = arith.constant 0 : i32
          %dma_start3A_349 = tpu.memref_slice %arg10[%run_scoped3A_344, %dma_start3A_347, %dma_start3A_348] : memref<2x128x32xf32, #tpu.memory_space<vmem>> -> memref<1x128x32xf32, #tpu.memory_space<vmem>>
          %dma_start3A_350 = tpu.memref_squeeze %dma_start3A_349 : memref<1x128x32xf32, #tpu.memory_space<vmem>> -> memref<128x32xf32, #tpu.memory_space<vmem>>
          %dma_start3A_351 = arith.constant 0 : i32
          %dma_start3A_352 = tpu.memref_slice %arg9[%add3A_295, %dma_start3A_351] : memref<158x128xi32, #tpu.memory_space<vmem>> -> memref<1x128xi32, #tpu.memory_space<vmem>>
          %dma_start3A_353 = tpu.memref_squeeze %dma_start3A_352 : memref<1x128xi32, #tpu.memory_space<vmem>> -> memref<128xi32, #tpu.memory_space<vmem>>
          %dma_start3A_354 = arith.constant 0 : i32
          %dma_start3A_355 = arith.constant 0 : i32
          %dma_start3A_356 = tpu.memref_slice %arg7[%dma_start3A_354, %dma_start3A_355] : memref<10240x32xf32, #tpu.memory_space<vmem_shared>> -> memref<10240x32xf32, #tpu.memory_space<vmem_shared>>
          tpu.enqueue_indirect_dma source(%dma_start3A_350 : memref<128x32xf32, #tpu.memory_space<vmem>>) target(%dma_start3A_356 : memref<10240x32xf32, #tpu.memory_space<vmem_shared>>) offsets(%dma_start3A_353 : memref<128xi32, #tpu.memory_space<vmem>>) semaphore(%run_scoped3A_346 : memref<!tpu.dma_semaphore, #tpu.memory_space<semaphore_mem>>) {add = true}
          %dma_wait3A_357 = arith.constant 0 : i32
          %dma_wait3A_358 = arith.constant 0 : i32
          %dma_wait3A_359 = tpu.memref_slice %arg10[%run_scoped3A_344, %dma_wait3A_357, %dma_wait3A_358] : memref<2x128x32xf32, #tpu.memory_space<vmem>> -> memref<1x128x32xf32, #tpu.memory_space<vmem>>
          %dma_wait3A_360 = tpu.memref_squeeze %dma_wait3A_359 : memref<1x128x32xf32, #tpu.memory_space<vmem>> -> memref<128x32xf32, #tpu.memory_space<vmem>>
          %dma_wait3A_361 = arith.constant 0 : i32
          %dma_wait3A_362 = tpu.memref_slice %arg9[%add3A_295, %dma_wait3A_361] : memref<158x128xi32, #tpu.memory_space<vmem>> -> memref<1x128xi32, #tpu.memory_space<vmem>>
          %dma_wait3A_363 = tpu.memref_squeeze %dma_wait3A_362 : memref<1x128xi32, #tpu.memory_space<vmem>> -> memref<128xi32, #tpu.memory_space<vmem>>
          %dma_wait3A_364 = arith.constant 0 : i32
          %dma_wait3A_365 = arith.constant 0 : i32
          %dma_wait3A_366 = tpu.memref_slice %arg7[%dma_wait3A_364, %dma_wait3A_365] : memref<10240x32xf32, #tpu.memory_space<vmem_shared>> -> memref<10240x32xf32, #tpu.memory_space<vmem_shared>>
          tpu.wait_indirect_dma semaphore(%run_scoped3A_346 : memref<!tpu.dma_semaphore, #tpu.memory_space<semaphore_mem>>) src(%dma_wait3A_360 : memref<128x32xf32, #tpu.memory_space<vmem>>) dst(%dma_wait3A_366 : memref<10240x32xf32, #tpu.memory_space<vmem_shared>>)
          tpu.yield
        }) : () -> ()
        %scan3A_345 = arith.constant 0 : i32
        scf.yield %scan3A_345 : i32
      }
      %scan3A_244 = arith.constant 79 : i32
      %dma_wait3A_245 = arith.constant 0 : i32
      %dma_wait3A_246 = arith.constant 0 : i32
      %dma_wait3A_247 = arith.constant 0 : i32
      %dma_wait3A_248 = arith.constant 0 : i32
      %dma_wait3A_249 = tpu.memref_slice %arg10[%dma_wait3A_246, %dma_wait3A_247, %dma_wait3A_248] : memref<2x128x32xf32, #tpu.memory_space<vmem>> -> memref<1x128x32xf32, #tpu.memory_space<vmem>>
      %dma_wait3A_250 = tpu.memref_squeeze %dma_wait3A_249 : memref<1x128x32xf32, #tpu.memory_space<vmem>> -> memref<128x32xf32, #tpu.memory_space<vmem>>
      %dma_wait3A_251 = arith.constant 0 : i32
      %dma_wait3A_252 = tpu.memref_slice %arg8[%dma_wait3A_245, %dma_wait3A_251] : memref<158x128xi32, #tpu.memory_space<vmem>> -> memref<1x128xi32, #tpu.memory_space<vmem>>
      %dma_wait3A_253 = tpu.memref_squeeze %dma_wait3A_252 : memref<1x128xi32, #tpu.memory_space<vmem>> -> memref<128xi32, #tpu.memory_space<vmem>>
      %dma_wait3A_254 = arith.constant 0 : i32
      %dma_wait3A_255 = arith.constant 0 : i32
      %dma_wait3A_256 = tpu.memref_slice %arg6[%dma_wait3A_254, %dma_wait3A_255] : memref<20480x32xf32, #tpu.memory_space<hbm>> -> memref<20480x32xf32, #tpu.memory_space<hbm>>
      tpu.wait_indirect_dma semaphore(%arg15 : memref<!tpu.dma_semaphore, #tpu.memory_space<semaphore_mem>>) src(%dma_wait3A_256 : memref<20480x32xf32, #tpu.memory_space<hbm>>) dst(%dma_wait3A_250 : memref<128x32xf32, #tpu.memory_space<vmem>>)
      %barrier3A_257 = arith.constant 0 : index
      tpu.barrier barrier_id(%barrier3A_257)
      "tpu.region"() ({
        %run_scoped3A_290 = tpu.sem_alloc : memref<!tpu.dma_semaphore, #tpu.memory_space<semaphore_mem>>
        %dma_start3A_291 = arith.constant 0 : i32
        %dma_start3A_292 = tpu.memref_slice %arg7[%mul3A_0, %dma_start3A_291] : memref<10240x32xf32, #tpu.memory_space<vmem_shared>> -> memref<640x32xf32, #tpu.memory_space<vmem_shared>>
        %dma_start3A_293 = arith.constant 0 : i32
        %dma_start3A_294 = tpu.memref_slice %arg7[%mul3A_0, %dma_start3A_293] : memref<10240x32xf32, #tpu.memory_space<vmem_shared>> -> memref<640x32xf32, #tpu.memory_space<vmem_shared>>
        tpu.enqueue_dma source(%dma_start3A_294 : memref<640x32xf32, #tpu.memory_space<vmem_shared>>) target(%arg11 : memref<640x32xf32, #tpu.memory_space<vmem>>) target_semaphore(%run_scoped3A_290 : memref<!tpu.dma_semaphore, #tpu.memory_space<semaphore_mem>>)
        %dma_wait3A_295 = arith.constant 0 : i32
        %dma_wait3A_296 = tpu.memref_slice %arg7[%mul3A_0, %dma_wait3A_295] : memref<10240x32xf32, #tpu.memory_space<vmem_shared>> -> memref<640x32xf32, #tpu.memory_space<vmem_shared>>
        %dma_wait3A_297 = arith.constant 0 : i32
        %dma_wait3A_298 = tpu.memref_slice %arg7[%mul3A_0, %dma_wait3A_297] : memref<10240x32xf32, #tpu.memory_space<vmem_shared>> -> memref<640x32xf32, #tpu.memory_space<vmem_shared>>
        tpu.wait_dma2 semaphore(%run_scoped3A_290 : memref<!tpu.dma_semaphore, #tpu.memory_space<semaphore_mem>>) src(%dma_wait3A_298 : memref<640x32xf32, #tpu.memory_space<vmem_shared>>) dst(%arg11 : memref<640x32xf32, #tpu.memory_space<vmem>>)
        tpu.yield
      }) : () -> ()
      %scan3A_258 = arith.constant 0 : i32
      %scan3A_259 = arith.constant 0 : i32
      %scan3A_260 = arith.constant 128 : i32
      %scan3A_261 = arith.addi %scan3A_259, %scan3A_260 : i32
      %scan3A_262 = arith.constant 1 : i32
      %scan3A_263 = scf.for %scan3A_290 = %scan3A_259 to %scan3A_261 step %scan3A_262 iter_args(%scan3A_291 = %scan3A_258) -> (i32)  : i32 {
        %swap3A = arith.constant 0 : i32
        %swap3A_292 = arith.index_cast %swap3A : i32 to index
        %swap3A_293 = arith.index_cast %scan3A_290 : i32 to index
        %swap3A_294 = arith.constant 0 : index
        %swap3A_295 = tpu.vector_load %arg10[%swap3A_292, %swap3A_293, %swap3A_294] {strides = array<i32>} : memref<2x128x32xf32, #tpu.memory_space<vmem>>, vector<1x1x16xf32>,
        %swap3A_296 = vector.shape_cast %swap3A_295 : vector<1x1x16xf32> to vector<16xf32>
        %swap3A_297 = vector.shape_cast %broadcast_in_dim3A_9 : vector<16xf32> to vector<1x1x16xf32>
        tpu.vector_store %arg10[%swap3A_292, %swap3A_293, %swap3A_294], %swap3A_297 {strides = array<i32>} : memref<2x128x32xf32, #tpu.memory_space<vmem>>, vector<1x1x16xf32>,
        %swap3A_298 = arith.constant 0 : i32
        %swap3A_299 = arith.index_cast %swap3A_298 : i32 to index
        %swap3A_300 = arith.index_cast %scan3A_290 : i32 to index
        %swap3A_301 = arith.constant 16 : index
        %swap3A_302 = tpu.vector_load %arg10[%swap3A_299, %swap3A_300, %swap3A_301] {strides = array<i32>} : memref<2x128x32xf32, #tpu.memory_space<vmem>>, vector<1x1x16xf32>,
        %swap3A_303 = vector.shape_cast %swap3A_302 : vector<1x1x16xf32> to vector<16xf32>
        %swap3A_304 = vector.shape_cast %broadcast_in_dim3A_9 : vector<16xf32> to vector<1x1x16xf32>
        tpu.vector_store %arg10[%swap3A_299, %swap3A_300, %swap3A_301], %swap3A_304 {strides = array<i32>} : memref<2x128x32xf32, #tpu.memory_space<vmem>>, vector<1x1x16xf32>,
        %scan3A_305 = arith.constant 0 : i32
        scf.yield %scan3A_305 : i32
      }
      %scan3A_264 = arith.constant 128 : i32
      %add3A_265 = arith.constant 0 : i32
      %add3A_266 = arith.addi %mul3A_0, %add3A_265 : i32
      %run_scoped3A_267 = arith.constant 0 : i32
      "tpu.region"() ({
        %run_scoped3A_290 = tpu.sem_alloc : memref<!tpu.dma_semaphore, #tpu.memory_space<semaphore_mem>>
        %dma_start3A_291 = arith.constant 0 : i32
        %dma_start3A_292 = arith.constant 0 : i32
        %dma_start3A_293 = tpu.memref_slice %arg10[%run_scoped3A_267, %dma_start3A_291, %dma_start3A_292] : memref<2x128x32xf32, #tpu.memory_space<vmem>> -> memref<1x128x32xf32, #tpu.memory_space<vmem>>
        %dma_start3A_294 = tpu.memref_squeeze %dma_start3A_293 : memref<1x128x32xf32, #tpu.memory_space<vmem>> -> memref<128x32xf32, #tpu.memory_space<vmem>>
        %dma_start3A_295 = arith.constant 0 : i32
        %dma_start3A_296 = tpu.memref_slice %arg7[%add3A_266, %dma_start3A_295] : memref<10240x32xf32, #tpu.memory_space<vmem_shared>> -> memref<128x32xf32, #tpu.memory_space<vmem_shared>>
        %dma_start3A_297 = arith.constant 0 : i32
        %dma_start3A_298 = tpu.memref_slice %arg7[%add3A_266, %dma_start3A_297] : memref<10240x32xf32, #tpu.memory_space<vmem_shared>> -> memref<128x32xf32, #tpu.memory_space<vmem_shared>>
        %dma_start3A_299 = arith.constant 0 : i32
        %dma_start3A_300 = arith.constant 0 : i32
        %dma_start3A_301 = tpu.memref_slice %arg10[%run_scoped3A_267, %dma_start3A_299, %dma_start3A_300] : memref<2x128x32xf32, #tpu.memory_space<vmem>> -> memref<1x128x32xf32, #tpu.memory_space<vmem>>
        %dma_start3A_302 = tpu.memref_squeeze %dma_start3A_301 : memref<1x128x32xf32, #tpu.memory_space<vmem>> -> memref<128x32xf32, #tpu.memory_space<vmem>>
        tpu.enqueue_dma source(%dma_start3A_302 : memref<128x32xf32, #tpu.memory_space<vmem>>) target(%dma_start3A_298 : memref<128x32xf32, #tpu.memory_space<vmem_shared>>) target_semaphore(%run_scoped3A_290 : memref<!tpu.dma_semaphore, #tpu.memory_space<semaphore_mem>>)
        %dma_wait3A_303 = arith.constant 0 : i32
        %dma_wait3A_304 = arith.constant 0 : i32
        %dma_wait3A_305 = tpu.memref_slice %arg10[%run_scoped3A_267, %dma_wait3A_303, %dma_wait3A_304] : memref<2x128x32xf32, #tpu.memory_space<vmem>> -> memref<1x128x32xf32, #tpu.memory_space<vmem>>
        %dma_wait3A_306 = tpu.memref_squeeze %dma_wait3A_305 : memref<1x128x32xf32, #tpu.memory_space<vmem>> -> memref<128x32xf32, #tpu.memory_space<vmem>>
        %dma_wait3A_307 = arith.constant 0 : i32
        %dma_wait3A_308 = tpu.memref_slice %arg7[%add3A_266, %dma_wait3A_307] : memref<10240x32xf32, #tpu.memory_space<vmem_shared>> -> memref<128x32xf32, #tpu.memory_space<vmem_shared>>
        %dma_wait3A_309 = arith.constant 0 : i32
        %dma_wait3A_310 = tpu.memref_slice %arg7[%add3A_266, %dma_wait3A_309] : memref<10240x32xf32, #tpu.memory_space<vmem_shared>> -> memref<128x32xf32, #tpu.memory_space<vmem_shared>>
        %dma_wait3A_311 = arith.constant 0 : i32
        %dma_wait3A_312 = arith.constant 0 : i32
        %dma_wait3A_313 = tpu.memref_slice %arg10[%run_scoped3A_267, %dma_wait3A_311, %dma_wait3A_312] : memref<2x128x32xf32, #tpu.memory_space<vmem>> -> memref<1x128x32xf32, #tpu.memory_space<vmem>>
        %dma_wait3A_314 = tpu.memref_squeeze %dma_wait3A_313 : memref<1x128x32xf32, #tpu.memory_space<vmem>> -> memref<128x32xf32, #tpu.memory_space<vmem>>
        tpu.wait_dma2 semaphore(%run_scoped3A_290 : memref<!tpu.dma_semaphore, #tpu.memory_space<semaphore_mem>>) src(%dma_wait3A_314 : memref<128x32xf32, #tpu.memory_space<vmem>>) dst(%dma_wait3A_310 : memref<128x32xf32, #tpu.memory_space<vmem_shared>>)
        tpu.yield
      }) : () -> ()
      %add3A_268 = arith.constant 128 : i32
      %add3A_269 = arith.addi %mul3A_0, %add3A_268 : i32
      %run_scoped3A_270 = arith.constant 0 : i32
      "tpu.region"() ({
        %run_scoped3A_290 = tpu.sem_alloc : memref<!tpu.dma_semaphore, #tpu.memory_space<semaphore_mem>>
        %dma_start3A_291 = arith.constant 0 : i32
        %dma_start3A_292 = arith.constant 0 : i32
        %dma_start3A_293 = tpu.memref_slice %arg10[%run_scoped3A_270, %dma_start3A_291, %dma_start3A_292] : memref<2x128x32xf32, #tpu.memory_space<vmem>> -> memref<1x128x32xf32, #tpu.memory_space<vmem>>
        %dma_start3A_294 = tpu.memref_squeeze %dma_start3A_293 : memref<1x128x32xf32, #tpu.memory_space<vmem>> -> memref<128x32xf32, #tpu.memory_space<vmem>>
        %dma_start3A_295 = arith.constant 0 : i32
        %dma_start3A_296 = tpu.memref_slice %arg7[%add3A_269, %dma_start3A_295] : memref<10240x32xf32, #tpu.memory_space<vmem_shared>> -> memref<128x32xf32, #tpu.memory_space<vmem_shared>>
        %dma_start3A_297 = arith.constant 0 : i32
        %dma_start3A_298 = tpu.memref_slice %arg7[%add3A_269, %dma_start3A_297] : memref<10240x32xf32, #tpu.memory_space<vmem_shared>> -> memref<128x32xf32, #tpu.memory_space<vmem_shared>>
        %dma_start3A_299 = arith.constant 0 : i32
        %dma_start3A_300 = arith.constant 0 : i32
        %dma_start3A_301 = tpu.memref_slice %arg10[%run_scoped3A_270, %dma_start3A_299, %dma_start3A_300] : memref<2x128x32xf32, #tpu.memory_space<vmem>> -> memref<1x128x32xf32, #tpu.memory_space<vmem>>
        %dma_start3A_302 = tpu.memref_squeeze %dma_start3A_301 : memref<1x128x32xf32, #tpu.memory_space<vmem>> -> memref<128x32xf32, #tpu.memory_space<vmem>>
        tpu.enqueue_dma source(%dma_start3A_302 : memref<128x32xf32, #tpu.memory_space<vmem>>) target(%dma_start3A_298 : memref<128x32xf32, #tpu.memory_space<vmem_shared>>) target_semaphore(%run_scoped3A_290 : memref<!tpu.dma_semaphore, #tpu.memory_space<semaphore_mem>>)
        %dma_wait3A_303 = arith.constant 0 : i32
        %dma_wait3A_304 = arith.constant 0 : i32
        %dma_wait3A_305 = tpu.memref_slice %arg10[%run_scoped3A_270, %dma_wait3A_303, %dma_wait3A_304] : memref<2x128x32xf32, #tpu.memory_space<vmem>> -> memref<1x128x32xf32, #tpu.memory_space<vmem>>
        %dma_wait3A_306 = tpu.memref_squeeze %dma_wait3A_305 : memref<1x128x32xf32, #tpu.memory_space<vmem>> -> memref<128x32xf32, #tpu.memory_space<vmem>>
        %dma_wait3A_307 = arith.constant 0 : i32
        %dma_wait3A_308 = tpu.memref_slice %arg7[%add3A_269, %dma_wait3A_307] : memref<10240x32xf32, #tpu.memory_space<vmem_shared>> -> memref<128x32xf32, #tpu.memory_space<vmem_shared>>
        %dma_wait3A_309 = arith.constant 0 : i32
        %dma_wait3A_310 = tpu.memref_slice %arg7[%add3A_269, %dma_wait3A_309] : memref<10240x32xf32, #tpu.memory_space<vmem_shared>> -> memref<128x32xf32, #tpu.memory_space<vmem_shared>>
        %dma_wait3A_311 = arith.constant 0 : i32
        %dma_wait3A_312 = arith.constant 0 : i32
        %dma_wait3A_313 = tpu.memref_slice %arg10[%run_scoped3A_270, %dma_wait3A_311, %dma_wait3A_312] : memref<2x128x32xf32, #tpu.memory_space<vmem>> -> memref<1x128x32xf32, #tpu.memory_space<vmem>>
        %dma_wait3A_314 = tpu.memref_squeeze %dma_wait3A_313 : memref<1x128x32xf32, #tpu.memory_space<vmem>> -> memref<128x32xf32, #tpu.memory_space<vmem>>
        tpu.wait_dma2 semaphore(%run_scoped3A_290 : memref<!tpu.dma_semaphore, #tpu.memory_space<semaphore_mem>>) src(%dma_wait3A_314 : memref<128x32xf32, #tpu.memory_space<vmem>>) dst(%dma_wait3A_310 : memref<128x32xf32, #tpu.memory_space<vmem_shared>>)
        tpu.yield
      }) : () -> ()
      %add3A_271 = arith.constant 256 : i32
      %add3A_272 = arith.addi %mul3A_0, %add3A_271 : i32
      %run_scoped3A_273 = arith.constant 0 : i32
      "tpu.region"() ({
        %run_scoped3A_290 = tpu.sem_alloc : memref<!tpu.dma_semaphore, #tpu.memory_space<semaphore_mem>>
        %dma_start3A_291 = arith.constant 0 : i32
        %dma_start3A_292 = arith.constant 0 : i32
        %dma_start3A_293 = tpu.memref_slice %arg10[%run_scoped3A_273, %dma_start3A_291, %dma_start3A_292] : memref<2x128x32xf32, #tpu.memory_space<vmem>> -> memref<1x128x32xf32, #tpu.memory_space<vmem>>
        %dma_start3A_294 = tpu.memref_squeeze %dma_start3A_293 : memref<1x128x32xf32, #tpu.memory_space<vmem>> -> memref<128x32xf32, #tpu.memory_space<vmem>>
        %dma_start3A_295 = arith.constant 0 : i32
        %dma_start3A_296 = tpu.memref_slice %arg7[%add3A_272, %dma_start3A_295] : memref<10240x32xf32, #tpu.memory_space<vmem_shared>> -> memref<128x32xf32, #tpu.memory_space<vmem_shared>>
        %dma_start3A_297 = arith.constant 0 : i32
        %dma_start3A_298 = tpu.memref_slice %arg7[%add3A_272, %dma_start3A_297] : memref<10240x32xf32, #tpu.memory_space<vmem_shared>> -> memref<128x32xf32, #tpu.memory_space<vmem_shared>>
        %dma_start3A_299 = arith.constant 0 : i32
        %dma_start3A_300 = arith.constant 0 : i32
        %dma_start3A_301 = tpu.memref_slice %arg10[%run_scoped3A_273, %dma_start3A_299, %dma_start3A_300] : memref<2x128x32xf32, #tpu.memory_space<vmem>> -> memref<1x128x32xf32, #tpu.memory_space<vmem>>
        %dma_start3A_302 = tpu.memref_squeeze %dma_start3A_301 : memref<1x128x32xf32, #tpu.memory_space<vmem>> -> memref<128x32xf32, #tpu.memory_space<vmem>>
        tpu.enqueue_dma source(%dma_start3A_302 : memref<128x32xf32, #tpu.memory_space<vmem>>) target(%dma_start3A_298 : memref<128x32xf32, #tpu.memory_space<vmem_shared>>) target_semaphore(%run_scoped3A_290 : memref<!tpu.dma_semaphore, #tpu.memory_space<semaphore_mem>>)
        %dma_wait3A_303 = arith.constant 0 : i32
        %dma_wait3A_304 = arith.constant 0 : i32
        %dma_wait3A_305 = tpu.memref_slice %arg10[%run_scoped3A_273, %dma_wait3A_303, %dma_wait3A_304] : memref<2x128x32xf32, #tpu.memory_space<vmem>> -> memref<1x128x32xf32, #tpu.memory_space<vmem>>
        %dma_wait3A_306 = tpu.memref_squeeze %dma_wait3A_305 : memref<1x128x32xf32, #tpu.memory_space<vmem>> -> memref<128x32xf32, #tpu.memory_space<vmem>>
        %dma_wait3A_307 = arith.constant 0 : i32
        %dma_wait3A_308 = tpu.memref_slice %arg7[%add3A_272, %dma_wait3A_307] : memref<10240x32xf32, #tpu.memory_space<vmem_shared>> -> memref<128x32xf32, #tpu.memory_space<vmem_shared>>
        %dma_wait3A_309 = arith.constant 0 : i32
        %dma_wait3A_310 = tpu.memref_slice %arg7[%add3A_272, %dma_wait3A_309] : memref<10240x32xf32, #tpu.memory_space<vmem_shared>> -> memref<128x32xf32, #tpu.memory_space<vmem_shared>>
        %dma_wait3A_311 = arith.constant 0 : i32
        %dma_wait3A_312 = arith.constant 0 : i32
        %dma_wait3A_313 = tpu.memref_slice %arg10[%run_scoped3A_273, %dma_wait3A_311, %dma_wait3A_312] : memref<2x128x32xf32, #tpu.memory_space<vmem>> -> memref<1x128x32xf32, #tpu.memory_space<vmem>>
        %dma_wait3A_314 = tpu.memref_squeeze %dma_wait3A_313 : memref<1x128x32xf32, #tpu.memory_space<vmem>> -> memref<128x32xf32, #tpu.memory_space<vmem>>
        tpu.wait_dma2 semaphore(%run_scoped3A_290 : memref<!tpu.dma_semaphore, #tpu.memory_space<semaphore_mem>>) src(%dma_wait3A_314 : memref<128x32xf32, #tpu.memory_space<vmem>>) dst(%dma_wait3A_310 : memref<128x32xf32, #tpu.memory_space<vmem_shared>>)
        tpu.yield
      }) : () -> ()
      %add3A_274 = arith.constant 384 : i32
      %add3A_275 = arith.addi %mul3A_0, %add3A_274 : i32
      %run_scoped3A_276 = arith.constant 0 : i32
      "tpu.region"() ({
        %run_scoped3A_290 = tpu.sem_alloc : memref<!tpu.dma_semaphore, #tpu.memory_space<semaphore_mem>>
        %dma_start3A_291 = arith.constant 0 : i32
        %dma_start3A_292 = arith.constant 0 : i32
        %dma_start3A_293 = tpu.memref_slice %arg10[%run_scoped3A_276, %dma_start3A_291, %dma_start3A_292] : memref<2x128x32xf32, #tpu.memory_space<vmem>> -> memref<1x128x32xf32, #tpu.memory_space<vmem>>
        %dma_start3A_294 = tpu.memref_squeeze %dma_start3A_293 : memref<1x128x32xf32, #tpu.memory_space<vmem>> -> memref<128x32xf32, #tpu.memory_space<vmem>>
        %dma_start3A_295 = arith.constant 0 : i32
        %dma_start3A_296 = tpu.memref_slice %arg7[%add3A_275, %dma_start3A_295] : memref<10240x32xf32, #tpu.memory_space<vmem_shared>> -> memref<128x32xf32, #tpu.memory_space<vmem_shared>>
        %dma_start3A_297 = arith.constant 0 : i32
        %dma_start3A_298 = tpu.memref_slice %arg7[%add3A_275, %dma_start3A_297] : memref<10240x32xf32, #tpu.memory_space<vmem_shared>> -> memref<128x32xf32, #tpu.memory_space<vmem_shared>>
        %dma_start3A_299 = arith.constant 0 : i32
        %dma_start3A_300 = arith.constant 0 : i32
        %dma_start3A_301 = tpu.memref_slice %arg10[%run_scoped3A_276, %dma_start3A_299, %dma_start3A_300] : memref<2x128x32xf32, #tpu.memory_space<vmem>> -> memref<1x128x32xf32, #tpu.memory_space<vmem>>
        %dma_start3A_302 = tpu.memref_squeeze %dma_start3A_301 : memref<1x128x32xf32, #tpu.memory_space<vmem>> -> memref<128x32xf32, #tpu.memory_space<vmem>>
        tpu.enqueue_dma source(%dma_start3A_302 : memref<128x32xf32, #tpu.memory_space<vmem>>) target(%dma_start3A_298 : memref<128x32xf32, #tpu.memory_space<vmem_shared>>) target_semaphore(%run_scoped3A_290 : memref<!tpu.dma_semaphore, #tpu.memory_space<semaphore_mem>>)
        %dma_wait3A_303 = arith.constant 0 : i32
        %dma_wait3A_304 = arith.constant 0 : i32
        %dma_wait3A_305 = tpu.memref_slice %arg10[%run_scoped3A_276, %dma_wait3A_303, %dma_wait3A_304] : memref<2x128x32xf32, #tpu.memory_space<vmem>> -> memref<1x128x32xf32, #tpu.memory_space<vmem>>
        %dma_wait3A_306 = tpu.memref_squeeze %dma_wait3A_305 : memref<1x128x32xf32, #tpu.memory_space<vmem>> -> memref<128x32xf32, #tpu.memory_space<vmem>>
        %dma_wait3A_307 = arith.constant 0 : i32
        %dma_wait3A_308 = tpu.memref_slice %arg7[%add3A_275, %dma_wait3A_307] : memref<10240x32xf32, #tpu.memory_space<vmem_shared>> -> memref<128x32xf32, #tpu.memory_space<vmem_shared>>
        %dma_wait3A_309 = arith.constant 0 : i32
        %dma_wait3A_310 = tpu.memref_slice %arg7[%add3A_275, %dma_wait3A_309] : memref<10240x32xf32, #tpu.memory_space<vmem_shared>> -> memref<128x32xf32, #tpu.memory_space<vmem_shared>>
        %dma_wait3A_311 = arith.constant 0 : i32
        %dma_wait3A_312 = arith.constant 0 : i32
        %dma_wait3A_313 = tpu.memref_slice %arg10[%run_scoped3A_276, %dma_wait3A_311, %dma_wait3A_312] : memref<2x128x32xf32, #tpu.memory_space<vmem>> -> memref<1x128x32xf32, #tpu.memory_space<vmem>>
        %dma_wait3A_314 = tpu.memref_squeeze %dma_wait3A_313 : memref<1x128x32xf32, #tpu.memory_space<vmem>> -> memref<128x32xf32, #tpu.memory_space<vmem>>
        tpu.wait_dma2 semaphore(%run_scoped3A_290 : memref<!tpu.dma_semaphore, #tpu.memory_space<semaphore_mem>>) src(%dma_wait3A_314 : memref<128x32xf32, #tpu.memory_space<vmem>>) dst(%dma_wait3A_310 : memref<128x32xf32, #tpu.memory_space<vmem_shared>>)
        tpu.yield
      }) : () -> ()
      %add3A_277 = arith.constant 512 : i32
      %add3A_278 = arith.addi %mul3A_0, %add3A_277 : i32
      %run_scoped3A_279 = arith.constant 0 : i32
      "tpu.region"() ({
        %run_scoped3A_290 = tpu.sem_alloc : memref<!tpu.dma_semaphore, #tpu.memory_space<semaphore_mem>>
        %dma_start3A_291 = arith.constant 0 : i32
        %dma_start3A_292 = arith.constant 0 : i32
        %dma_start3A_293 = tpu.memref_slice %arg10[%run_scoped3A_279, %dma_start3A_291, %dma_start3A_292] : memref<2x128x32xf32, #tpu.memory_space<vmem>> -> memref<1x128x32xf32, #tpu.memory_space<vmem>>
        %dma_start3A_294 = tpu.memref_squeeze %dma_start3A_293 : memref<1x128x32xf32, #tpu.memory_space<vmem>> -> memref<128x32xf32, #tpu.memory_space<vmem>>
        %dma_start3A_295 = arith.constant 0 : i32
        %dma_start3A_296 = tpu.memref_slice %arg7[%add3A_278, %dma_start3A_295] : memref<10240x32xf32, #tpu.memory_space<vmem_shared>> -> memref<128x32xf32, #tpu.memory_space<vmem_shared>>
        %dma_start3A_297 = arith.constant 0 : i32
        %dma_start3A_298 = tpu.memref_slice %arg7[%add3A_278, %dma_start3A_297] : memref<10240x32xf32, #tpu.memory_space<vmem_shared>> -> memref<128x32xf32, #tpu.memory_space<vmem_shared>>
        %dma_start3A_299 = arith.constant 0 : i32
        %dma_start3A_300 = arith.constant 0 : i32
        %dma_start3A_301 = tpu.memref_slice %arg10[%run_scoped3A_279, %dma_start3A_299, %dma_start3A_300] : memref<2x128x32xf32, #tpu.memory_space<vmem>> -> memref<1x128x32xf32, #tpu.memory_space<vmem>>
        %dma_start3A_302 = tpu.memref_squeeze %dma_start3A_301 : memref<1x128x32xf32, #tpu.memory_space<vmem>> -> memref<128x32xf32, #tpu.memory_space<vmem>>
        tpu.enqueue_dma source(%dma_start3A_302 : memref<128x32xf32, #tpu.memory_space<vmem>>) target(%dma_start3A_298 : memref<128x32xf32, #tpu.memory_space<vmem_shared>>) target_semaphore(%run_scoped3A_290 : memref<!tpu.dma_semaphore, #tpu.memory_space<semaphore_mem>>)
        %dma_wait3A_303 = arith.constant 0 : i32
        %dma_wait3A_304 = arith.constant 0 : i32
        %dma_wait3A_305 = tpu.memref_slice %arg10[%run_scoped3A_279, %dma_wait3A_303, %dma_wait3A_304] : memref<2x128x32xf32, #tpu.memory_space<vmem>> -> memref<1x128x32xf32, #tpu.memory_space<vmem>>
        %dma_wait3A_306 = tpu.memref_squeeze %dma_wait3A_305 : memref<1x128x32xf32, #tpu.memory_space<vmem>> -> memref<128x32xf32, #tpu.memory_space<vmem>>
        %dma_wait3A_307 = arith.constant 0 : i32
        %dma_wait3A_308 = tpu.memref_slice %arg7[%add3A_278, %dma_wait3A_307] : memref<10240x32xf32, #tpu.memory_space<vmem_shared>> -> memref<128x32xf32, #tpu.memory_space<vmem_shared>>
        %dma_wait3A_309 = arith.constant 0 : i32
        %dma_wait3A_310 = tpu.memref_slice %arg7[%add3A_278, %dma_wait3A_309] : memref<10240x32xf32, #tpu.memory_space<vmem_shared>> -> memref<128x32xf32, #tpu.memory_space<vmem_shared>>
        %dma_wait3A_311 = arith.constant 0 : i32
        %dma_wait3A_312 = arith.constant 0 : i32
        %dma_wait3A_313 = tpu.memref_slice %arg10[%run_scoped3A_279, %dma_wait3A_311, %dma_wait3A_312] : memref<2x128x32xf32, #tpu.memory_space<vmem>> -> memref<1x128x32xf32, #tpu.memory_space<vmem>>
        %dma_wait3A_314 = tpu.memref_squeeze %dma_wait3A_313 : memref<1x128x32xf32, #tpu.memory_space<vmem>> -> memref<128x32xf32, #tpu.memory_space<vmem>>
        tpu.wait_dma2 semaphore(%run_scoped3A_290 : memref<!tpu.dma_semaphore, #tpu.memory_space<semaphore_mem>>) src(%dma_wait3A_314 : memref<128x32xf32, #tpu.memory_space<vmem>>) dst(%dma_wait3A_310 : memref<128x32xf32, #tpu.memory_space<vmem_shared>>)
        tpu.yield
      }) : () -> ()
      %scan3A_280 = arith.constant 0 : i32
      %scan3A_281 = arith.constant 0 : i32
      %scan3A_282 = arith.constant 640 : i32
      %scan3A_283 = arith.addi %scan3A_281, %scan3A_282 : i32
      %scan3A_284 = arith.constant 1 : i32
      %scan3A_285 = scf.for %scan3A_290 = %scan3A_281 to %scan3A_283 step %scan3A_284 iter_args(%scan3A_291 = %scan3A_280) -> (i32)  : i32 {
        %get3A = arith.index_cast %scan3A_290 : i32 to index
        %get3A_292 = arith.constant 0 : index
        %get3A_293 = tpu.vector_load %arg11[%get3A, %get3A_292] {strides = array<i32>} : memref<640x32xf32, #tpu.memory_space<vmem>>, vector<1x16xf32>,
        %get3A_294 = vector.shape_cast %get3A_293 : vector<1x16xf32> to vector<16xf32>
        %get3A_295 = arith.index_cast %scan3A_290 : i32 to index
        %get3A_296 = arith.constant 0 : index
        %get3A_297 = tpu.vector_load %arg12[%get3A_295, %get3A_296] {strides = array<i32>} : memref<640x32xf32, #tpu.memory_space<vmem>>, vector<1x16xf32>,
        %get3A_298 = vector.shape_cast %get3A_297 : vector<1x16xf32> to vector<16xf32>
        %mul3A_299 = arith.constant 0.899999976 : f32
        %mul3A_300 = vector.broadcast %mul3A_299 : f32 to vector<16xf32>
        %mul3A_301 = arith.mulf %mul3A_300, %get3A_298 : vector<16xf32>
        %mul3A_302 = arith.mulf %mul3A_301, %get3A_298 : vector<16xf32>
        %mul3A_303 = arith.mulf %mul3A_302, %get3A_294 : vector<16xf32>
        %get3A_304 = arith.index_cast %scan3A_290 : i32 to index
        %get3A_305 = arith.constant 0 : index
        %get3A_306 = tpu.vector_load %arg13[%get3A_304, %get3A_305] {strides = array<i32>} : memref<640x32xf32, #tpu.memory_space<vmem>>, vector<1x16xf32>,
        %get3A_307 = vector.shape_cast %get3A_306 : vector<1x16xf32> to vector<16xf32>
        %add3A_308 = arith.addf %mul3A_303, %get3A_307 : vector<16xf32>
        %swap3A = arith.index_cast %scan3A_290 : i32 to index
        %swap3A_309 = arith.constant 0 : index
        %swap3A_310 = tpu.vector_load %arg11[%swap3A, %swap3A_309] {strides = array<i32>} : memref<640x32xf32, #tpu.memory_space<vmem>>, vector<1x16xf32>,
        %swap3A_311 = vector.shape_cast %swap3A_310 : vector<1x16xf32> to vector<16xf32>
        %swap3A_312 = vector.shape_cast %add3A_308 : vector<16xf32> to vector<1x16xf32>
        tpu.vector_store %arg11[%swap3A, %swap3A_309], %swap3A_312 {strides = array<i32>} : memref<640x32xf32, #tpu.memory_space<vmem>>, vector<1x16xf32>,
        %get3A_313 = arith.index_cast %scan3A_290 : i32 to index
        %get3A_314 = arith.constant 16 : index
        %get3A_315 = tpu.vector_load %arg11[%get3A_313, %get3A_314] {strides = array<i32>} : memref<640x32xf32, #tpu.memory_space<vmem>>, vector<1x16xf32>,
        %get3A_316 = vector.shape_cast %get3A_315 : vector<1x16xf32> to vector<16xf32>
        %get3A_317 = arith.index_cast %scan3A_290 : i32 to index
        %get3A_318 = arith.constant 16 : index
        %get3A_319 = tpu.vector_load %arg12[%get3A_317, %get3A_318] {strides = array<i32>} : memref<640x32xf32, #tpu.memory_space<vmem>>, vector<1x16xf32>,
        %get3A_320 = vector.shape_cast %get3A_319 : vector<1x16xf32> to vector<16xf32>
        %mul3A_321 = arith.constant 0.899999976 : f32
        %mul3A_322 = vector.broadcast %mul3A_321 : f32 to vector<16xf32>
        %mul3A_323 = arith.mulf %mul3A_322, %get3A_320 : vector<16xf32>
        %mul3A_324 = arith.mulf %mul3A_323, %get3A_320 : vector<16xf32>
        %mul3A_325 = arith.mulf %mul3A_324, %get3A_316 : vector<16xf32>
        %get3A_326 = arith.index_cast %scan3A_290 : i32 to index
        %get3A_327 = arith.constant 16 : index
        %get3A_328 = tpu.vector_load %arg13[%get3A_326, %get3A_327] {strides = array<i32>} : memref<640x32xf32, #tpu.memory_space<vmem>>, vector<1x16xf32>,
        %get3A_329 = vector.shape_cast %get3A_328 : vector<1x16xf32> to vector<16xf32>
        %add3A_330 = arith.addf %mul3A_325, %get3A_329 : vector<16xf32>
        %swap3A_331 = arith.index_cast %scan3A_290 : i32 to index
        %swap3A_332 = arith.constant 16 : index
        %swap3A_333 = tpu.vector_load %arg11[%swap3A_331, %swap3A_332] {strides = array<i32>} : memref<640x32xf32, #tpu.memory_space<vmem>>, vector<1x16xf32>,
        %swap3A_334 = vector.shape_cast %swap3A_333 : vector<1x16xf32> to vector<16xf32>
        %swap3A_335 = vector.shape_cast %add3A_330 : vector<16xf32> to vector<1x16xf32>
        tpu.vector_store %arg11[%swap3A_331, %swap3A_332], %swap3A_335 {strides = array<i32>} : memref<640x32xf32, #tpu.memory_space<vmem>>, vector<1x16xf32>,
        %scan3A_336 = arith.constant 0 : i32
        scf.yield %scan3A_336 : i32
      }
      %scan3A_286 = arith.constant 640 : i32
      %add3A_287 = arith.addi %mul3A_2, %mul3A_0 : i32
      "tpu.region"() ({
        %run_scoped3A_290 = tpu.sem_alloc : memref<!tpu.dma_semaphore, #tpu.memory_space<semaphore_mem>>
        %dma_start3A_291 = arith.constant 0 : i32
        %dma_start3A_292 = tpu.memref_slice %arg6[%add3A_287, %dma_start3A_291] : memref<20480x32xf32, #tpu.memory_space<hbm>> -> memref<640x32xf32, #tpu.memory_space<hbm>>
        %dma_start3A_293 = arith.constant 0 : i32
        %dma_start3A_294 = tpu.memref_slice %arg6[%add3A_287, %dma_start3A_293] : memref<20480x32xf32, #tpu.memory_space<hbm>> -> memref<640x32xf32, #tpu.memory_space<hbm>>
        tpu.enqueue_dma source(%arg11 : memref<640x32xf32, #tpu.memory_space<vmem>>) target(%dma_start3A_294 : memref<640x32xf32, #tpu.memory_space<hbm>>) target_semaphore(%run_scoped3A_290 : memref<!tpu.dma_semaphore, #tpu.memory_space<semaphore_mem>>)
        %dma_wait3A_295 = arith.constant 0 : i32
        %dma_wait3A_296 = tpu.memref_slice %arg6[%add3A_287, %dma_wait3A_295] : memref<20480x32xf32, #tpu.memory_space<hbm>> -> memref<640x32xf32, #tpu.memory_space<hbm>>
        %dma_wait3A_297 = arith.constant 0 : i32
        %dma_wait3A_298 = tpu.memref_slice %arg6[%add3A_287, %dma_wait3A_297] : memref<20480x32xf32, #tpu.memory_space<hbm>> -> memref<640x32xf32, #tpu.memory_space<hbm>>
        tpu.wait_dma2 semaphore(%run_scoped3A_290 : memref<!tpu.dma_semaphore, #tpu.memory_space<semaphore_mem>>) src(%arg11 : memref<640x32xf32, #tpu.memory_space<vmem>>) dst(%dma_wait3A_298 : memref<640x32xf32, #tpu.memory_space<hbm>>)
        tpu.yield
      }) : () -> ()
      %barrier3A_288 = arith.constant 0 : index
      tpu.barrier barrier_id(%barrier3A_288)
      %scan3A_289 = arith.constant 0 : i32
      scf.yield %scan3A_289 : i32
    }
    %scan3A_160 = arith.constant 9 : i32
    %dma_start3A_161 = arith.constant 0 : i32
    %dma_start3A_162 = arith.constant 0 : i32
    %dma_start3A_163 = arith.constant 0 : i32
    %dma_start3A_164 = arith.constant 0 : i32
    %dma_start3A_165 = tpu.memref_slice %arg10[%dma_start3A_162, %dma_start3A_163, %dma_start3A_164] : memref<2x128x32xf32, #tpu.memory_space<vmem>> -> memref<1x128x32xf32, #tpu.memory_space<vmem>>
    %dma_start3A_166 = tpu.memref_squeeze %dma_start3A_165 : memref<1x128x32xf32, #tpu.memory_space<vmem>> -> memref<128x32xf32, #tpu.memory_space<vmem>>
    %dma_start3A_167 = arith.constant 0 : i32
    %dma_start3A_168 = tpu.memref_slice %arg8[%dma_start3A_161, %dma_start3A_167] : memref<158x128xi32, #tpu.memory_space<vmem>> -> memref<1x128xi32, #tpu.memory_space<vmem>>
    %dma_start3A_169 = tpu.memref_squeeze %dma_start3A_168 : memref<1x128xi32, #tpu.memory_space<vmem>> -> memref<128xi32, #tpu.memory_space<vmem>>
    %dma_start3A_170 = arith.constant 0 : i32
    %dma_start3A_171 = arith.constant 0 : i32
    %dma_start3A_172 = tpu.memref_slice %arg6[%dma_start3A_170, %dma_start3A_171] : memref<20480x32xf32, #tpu.memory_space<hbm>> -> memref<20480x32xf32, #tpu.memory_space<hbm>>
    tpu.enqueue_indirect_dma source(%dma_start3A_172 : memref<20480x32xf32, #tpu.memory_space<hbm>>) target(%dma_start3A_166 : memref<128x32xf32, #tpu.memory_space<vmem>>) offsets(%dma_start3A_169 : memref<128xi32, #tpu.memory_space<vmem>>) semaphore(%arg15 : memref<!tpu.dma_semaphore, #tpu.memory_space<semaphore_mem>>)
    %scan3A_173 = arith.constant 0 : i32
    %scan3A_174 = arith.constant 0 : i32
    %scan3A_175 = arith.constant 79 : i32
    %scan3A_176 = arith.addi %scan3A_174, %scan3A_175 : i32
    %scan3A_177 = arith.constant 1 : i32
    %scan3A_178 = scf.for %scan3A_224 = %scan3A_174 to %scan3A_176 step %scan3A_177 iter_args(%scan3A_225 = %scan3A_173) -> (i32)  : i32 {
      %mul3A_226 = arith.constant 2 : i32
      %mul3A_227 = arith.muli %mul3A_226, %scan3A_224 : i32
      %add3A_228 = arith.constant 1 : i32
      %add3A_229 = arith.addi %mul3A_227, %add3A_228 : i32
      %add3A_230 = arith.constant 2 : i32
      %add3A_231 = arith.addi %mul3A_227, %add3A_230 : i32
      %min3A = arith.constant 157 : i32
      %min3A_232 = arith.minsi %add3A_231, %min3A : i32
      %dma_start3A_233 = arith.constant 1 : i32
      %dma_start3A_234 = arith.constant 0 : i32
      %dma_start3A_235 = arith.constant 0 : i32
      %dma_start3A_236 = tpu.memref_slice %arg10[%dma_start3A_233, %dma_start3A_234, %dma_start3A_235] : memref<2x128x32xf32, #tpu.memory_space<vmem>> -> memref<1x128x32xf32, #tpu.memory_space<vmem>>
      %dma_start3A_237 = tpu.memref_squeeze %dma_start3A_236 : memref<1x128x32xf32, #tpu.memory_space<vmem>> -> memref<128x32xf32, #tpu.memory_space<vmem>>
      %dma_start3A_238 = arith.constant 0 : i32
      %dma_start3A_239 = tpu.memref_slice %arg8[%add3A_229, %dma_start3A_238] : memref<158x128xi32, #tpu.memory_space<vmem>> -> memref<1x128xi32, #tpu.memory_space<vmem>>
      %dma_start3A_240 = tpu.memref_squeeze %dma_start3A_239 : memref<1x128xi32, #tpu.memory_space<vmem>> -> memref<128xi32, #tpu.memory_space<vmem>>
      %dma_start3A_241 = arith.constant 0 : i32
      %dma_start3A_242 = arith.constant 0 : i32
      %dma_start3A_243 = tpu.memref_slice %arg6[%dma_start3A_241, %dma_start3A_242] : memref<20480x32xf32, #tpu.memory_space<hbm>> -> memref<20480x32xf32, #tpu.memory_space<hbm>>
      tpu.enqueue_indirect_dma source(%dma_start3A_243 : memref<20480x32xf32, #tpu.memory_space<hbm>>) target(%dma_start3A_237 : memref<128x32xf32, #tpu.memory_space<vmem>>) offsets(%dma_start3A_240 : memref<128xi32, #tpu.memory_space<vmem>>) semaphore(%arg16 : memref<!tpu.dma_semaphore, #tpu.memory_space<semaphore_mem>>)
      %dma_wait3A_244 = arith.constant 0 : i32
      %dma_wait3A_245 = arith.constant 0 : i32
      %dma_wait3A_246 = arith.constant 0 : i32
      %dma_wait3A_247 = tpu.memref_slice %arg10[%dma_wait3A_244, %dma_wait3A_245, %dma_wait3A_246] : memref<2x128x32xf32, #tpu.memory_space<vmem>> -> memref<1x128x32xf32, #tpu.memory_space<vmem>>
      %dma_wait3A_248 = tpu.memref_squeeze %dma_wait3A_247 : memref<1x128x32xf32, #tpu.memory_space<vmem>> -> memref<128x32xf32, #tpu.memory_space<vmem>>
      %dma_wait3A_249 = arith.constant 0 : i32
      %dma_wait3A_250 = tpu.memref_slice %arg8[%mul3A_227, %dma_wait3A_249] : memref<158x128xi32, #tpu.memory_space<vmem>> -> memref<1x128xi32, #tpu.memory_space<vmem>>
      %dma_wait3A_251 = tpu.memref_squeeze %dma_wait3A_250 : memref<1x128xi32, #tpu.memory_space<vmem>> -> memref<128xi32, #tpu.memory_space<vmem>>
      %dma_wait3A_252 = arith.constant 0 : i32
      %dma_wait3A_253 = arith.constant 0 : i32
      %dma_wait3A_254 = tpu.memref_slice %arg6[%dma_wait3A_252, %dma_wait3A_253] : memref<20480x32xf32, #tpu.memory_space<hbm>> -> memref<20480x32xf32, #tpu.memory_space<hbm>>
      tpu.wait_indirect_dma semaphore(%arg15 : memref<!tpu.dma_semaphore, #tpu.memory_space<semaphore_mem>>) src(%dma_wait3A_254 : memref<20480x32xf32, #tpu.memory_space<hbm>>) dst(%dma_wait3A_248 : memref<128x32xf32, #tpu.memory_space<vmem>>)
      %run_scoped3A_255 = arith.constant 0 : i32
      "tpu.region"() ({
        %run_scoped3A_280 = tpu.sem_alloc : memref<!tpu.dma_semaphore, #tpu.memory_space<semaphore_mem>>
        %dma_start3A_281 = arith.constant 0 : i32
        %dma_start3A_282 = arith.constant 0 : i32
        %dma_start3A_283 = tpu.memref_slice %arg10[%run_scoped3A_255, %dma_start3A_281, %dma_start3A_282] : memref<2x128x32xf32, #tpu.memory_space<vmem>> -> memref<1x128x32xf32, #tpu.memory_space<vmem>>
        %dma_start3A_284 = tpu.memref_squeeze %dma_start3A_283 : memref<1x128x32xf32, #tpu.memory_space<vmem>> -> memref<128x32xf32, #tpu.memory_space<vmem>>
        %dma_start3A_285 = arith.constant 0 : i32
        %dma_start3A_286 = tpu.memref_slice %arg9[%mul3A_227, %dma_start3A_285] : memref<158x128xi32, #tpu.memory_space<vmem>> -> memref<1x128xi32, #tpu.memory_space<vmem>>
        %dma_start3A_287 = tpu.memref_squeeze %dma_start3A_286 : memref<1x128xi32, #tpu.memory_space<vmem>> -> memref<128xi32, #tpu.memory_space<vmem>>
        %dma_start3A_288 = arith.constant 0 : i32
        %dma_start3A_289 = arith.constant 0 : i32
        %dma_start3A_290 = tpu.memref_slice %arg7[%dma_start3A_288, %dma_start3A_289] : memref<10240x32xf32, #tpu.memory_space<vmem_shared>> -> memref<10240x32xf32, #tpu.memory_space<vmem_shared>>
        tpu.enqueue_indirect_dma source(%dma_start3A_284 : memref<128x32xf32, #tpu.memory_space<vmem>>) target(%dma_start3A_290 : memref<10240x32xf32, #tpu.memory_space<vmem_shared>>) offsets(%dma_start3A_287 : memref<128xi32, #tpu.memory_space<vmem>>) semaphore(%run_scoped3A_280 : memref<!tpu.dma_semaphore, #tpu.memory_space<semaphore_mem>>) {add = true}
        %dma_wait3A_291 = arith.constant 0 : i32
        %dma_wait3A_292 = arith.constant 0 : i32
        %dma_wait3A_293 = tpu.memref_slice %arg10[%run_scoped3A_255, %dma_wait3A_291, %dma_wait3A_292] : memref<2x128x32xf32, #tpu.memory_space<vmem>> -> memref<1x128x32xf32, #tpu.memory_space<vmem>>
        %dma_wait3A_294 = tpu.memref_squeeze %dma_wait3A_293 : memref<1x128x32xf32, #tpu.memory_space<vmem>> -> memref<128x32xf32, #tpu.memory_space<vmem>>
        %dma_wait3A_295 = arith.constant 0 : i32
        %dma_wait3A_296 = tpu.memref_slice %arg9[%mul3A_227, %dma_wait3A_295] : memref<158x128xi32, #tpu.memory_space<vmem>> -> memref<1x128xi32, #tpu.memory_space<vmem>>
        %dma_wait3A_297 = tpu.memref_squeeze %dma_wait3A_296 : memref<1x128xi32, #tpu.memory_space<vmem>> -> memref<128xi32, #tpu.memory_space<vmem>>
        %dma_wait3A_298 = arith.constant 0 : i32
        %dma_wait3A_299 = arith.constant 0 : i32
        %dma_wait3A_300 = tpu.memref_slice %arg7[%dma_wait3A_298, %dma_wait3A_299] : memref<10240x32xf32, #tpu.memory_space<vmem_shared>> -> memref<10240x32xf32, #tpu.memory_space<vmem_shared>>
        tpu.wait_indirect_dma semaphore(%run_scoped3A_280 : memref<!tpu.dma_semaphore, #tpu.memory_space<semaphore_mem>>) src(%dma_wait3A_294 : memref<128x32xf32, #tpu.memory_space<vmem>>) dst(%dma_wait3A_300 : memref<10240x32xf32, #tpu.memory_space<vmem_shared>>)
        tpu.yield
      }) : () -> ()
      %dma_start3A_256 = arith.constant 0 : i32
      %dma_start3A_257 = arith.constant 0 : i32
      %dma_start3A_258 = arith.constant 0 : i32
      %dma_start3A_259 = tpu.memref_slice %arg10[%dma_start3A_256, %dma_start3A_257, %dma_start3A_258] : memref<2x128x32xf32, #tpu.memory_space<vmem>> -> memref<1x128x32xf32, #tpu.memory_space<vmem>>
      %dma_start3A_260 = tpu.memref_squeeze %dma_start3A_259 : memref<1x128x32xf32, #tpu.memory_space<vmem>> -> memref<128x32xf32, #tpu.memory_space<vmem>>
      %dma_start3A_261 = arith.constant 0 : i32
      %dma_start3A_262 = tpu.memref_slice %arg8[%min3A_232, %dma_start3A_261] : memref<158x128xi32, #tpu.memory_space<vmem>> -> memref<1x128xi32, #tpu.memory_space<vmem>>
      %dma_start3A_263 = tpu.memref_squeeze %dma_start3A_262 : memref<1x128xi32, #tpu.memory_space<vmem>> -> memref<128xi32, #tpu.memory_space<vmem>>
      %dma_start3A_264 = arith.constant 0 : i32
      %dma_start3A_265 = arith.constant 0 : i32
      %dma_start3A_266 = tpu.memref_slice %arg6[%dma_start3A_264, %dma_start3A_265] : memref<20480x32xf32, #tpu.memory_space<hbm>> -> memref<20480x32xf32, #tpu.memory_space<hbm>>
      tpu.enqueue_indirect_dma source(%dma_start3A_266 : memref<20480x32xf32, #tpu.memory_space<hbm>>) target(%dma_start3A_260 : memref<128x32xf32, #tpu.memory_space<vmem>>) offsets(%dma_start3A_263 : memref<128xi32, #tpu.memory_space<vmem>>) semaphore(%arg15 : memref<!tpu.dma_semaphore, #tpu.memory_space<semaphore_mem>>)
      %dma_wait3A_267 = arith.constant 1 : i32
      %dma_wait3A_268 = arith.constant 0 : i32
      %dma_wait3A_269 = arith.constant 0 : i32
      %dma_wait3A_270 = tpu.memref_slice %arg10[%dma_wait3A_267, %dma_wait3A_268, %dma_wait3A_269] : memref<2x128x32xf32, #tpu.memory_space<vmem>> -> memref<1x128x32xf32, #tpu.memory_space<vmem>>
      %dma_wait3A_271 = tpu.memref_squeeze %dma_wait3A_270 : memref<1x128x32xf32, #tpu.memory_space<vmem>> -> memref<128x32xf32, #tpu.memory_space<vmem>>
      %dma_wait3A_272 = arith.constant 0 : i32
      %dma_wait3A_273 = tpu.memref_slice %arg8[%add3A_229, %dma_wait3A_272] : memref<158x128xi32, #tpu.memory_space<vmem>> -> memref<1x128xi32, #tpu.memory_space<vmem>>
      %dma_wait3A_274 = tpu.memref_squeeze %dma_wait3A_273 : memref<1x128xi32, #tpu.memory_space<vmem>> -> memref<128xi32, #tpu.memory_space<vmem>>
      %dma_wait3A_275 = arith.constant 0 : i32
      %dma_wait3A_276 = arith.constant 0 : i32
      %dma_wait3A_277 = tpu.memref_slice %arg6[%dma_wait3A_275, %dma_wait3A_276] : memref<20480x32xf32, #tpu.memory_space<hbm>> -> memref<20480x32xf32, #tpu.memory_space<hbm>>
      tpu.wait_indirect_dma semaphore(%arg16 : memref<!tpu.dma_semaphore, #tpu.memory_space<semaphore_mem>>) src(%dma_wait3A_277 : memref<20480x32xf32, #tpu.memory_space<hbm>>) dst(%dma_wait3A_271 : memref<128x32xf32, #tpu.memory_space<vmem>>)
      %run_scoped3A_278 = arith.constant 1 : i32
      "tpu.region"() ({
        %run_scoped3A_280 = tpu.sem_alloc : memref<!tpu.dma_semaphore, #tpu.memory_space<semaphore_mem>>
        %dma_start3A_281 = arith.constant 0 : i32
        %dma_start3A_282 = arith.constant 0 : i32
        %dma_start3A_283 = tpu.memref_slice %arg10[%run_scoped3A_278, %dma_start3A_281, %dma_start3A_282] : memref<2x128x32xf32, #tpu.memory_space<vmem>> -> memref<1x128x32xf32, #tpu.memory_space<vmem>>
        %dma_start3A_284 = tpu.memref_squeeze %dma_start3A_283 : memref<1x128x32xf32, #tpu.memory_space<vmem>> -> memref<128x32xf32, #tpu.memory_space<vmem>>
        %dma_start3A_285 = arith.constant 0 : i32
        %dma_start3A_286 = tpu.memref_slice %arg9[%add3A_229, %dma_start3A_285] : memref<158x128xi32, #tpu.memory_space<vmem>> -> memref<1x128xi32, #tpu.memory_space<vmem>>
        %dma_start3A_287 = tpu.memref_squeeze %dma_start3A_286 : memref<1x128xi32, #tpu.memory_space<vmem>> -> memref<128xi32, #tpu.memory_space<vmem>>
        %dma_start3A_288 = arith.constant 0 : i32
        %dma_start3A_289 = arith.constant 0 : i32
        %dma_start3A_290 = tpu.memref_slice %arg7[%dma_start3A_288, %dma_start3A_289] : memref<10240x32xf32, #tpu.memory_space<vmem_shared>> -> memref<10240x32xf32, #tpu.memory_space<vmem_shared>>
        tpu.enqueue_indirect_dma source(%dma_start3A_284 : memref<128x32xf32, #tpu.memory_space<vmem>>) target(%dma_start3A_290 : memref<10240x32xf32, #tpu.memory_space<vmem_shared>>) offsets(%dma_start3A_287 : memref<128xi32, #tpu.memory_space<vmem>>) semaphore(%run_scoped3A_280 : memref<!tpu.dma_semaphore, #tpu.memory_space<semaphore_mem>>) {add = true}
        %dma_wait3A_291 = arith.constant 0 : i32
        %dma_wait3A_292 = arith.constant 0 : i32
        %dma_wait3A_293 = tpu.memref_slice %arg10[%run_scoped3A_278, %dma_wait3A_291, %dma_wait3A_292] : memref<2x128x32xf32, #tpu.memory_space<vmem>> -> memref<1x128x32xf32, #tpu.memory_space<vmem>>
        %dma_wait3A_294 = tpu.memref_squeeze %dma_wait3A_293 : memref<1x128x32xf32, #tpu.memory_space<vmem>> -> memref<128x32xf32, #tpu.memory_space<vmem>>
        %dma_wait3A_295 = arith.constant 0 : i32
        %dma_wait3A_296 = tpu.memref_slice %arg9[%add3A_229, %dma_wait3A_295] : memref<158x128xi32, #tpu.memory_space<vmem>> -> memref<1x128xi32, #tpu.memory_space<vmem>>
        %dma_wait3A_297 = tpu.memref_squeeze %dma_wait3A_296 : memref<1x128xi32, #tpu.memory_space<vmem>> -> memref<128xi32, #tpu.memory_space<vmem>>
        %dma_wait3A_298 = arith.constant 0 : i32
        %dma_wait3A_299 = arith.constant 0 : i32
        %dma_wait3A_300 = tpu.memref_slice %arg7[%dma_wait3A_298, %dma_wait3A_299] : memref<10240x32xf32, #tpu.memory_space<vmem_shared>> -> memref<10240x32xf32, #tpu.memory_space<vmem_shared>>
        tpu.wait_indirect_dma semaphore(%run_scoped3A_280 : memref<!tpu.dma_semaphore, #tpu.memory_space<semaphore_mem>>) src(%dma_wait3A_294 : memref<128x32xf32, #tpu.memory_space<vmem>>) dst(%dma_wait3A_300 : memref<10240x32xf32, #tpu.memory_space<vmem_shared>>)
        tpu.yield
      }) : () -> ()
      %scan3A_279 = arith.constant 0 : i32
      scf.yield %scan3A_279 : i32
    }
    %scan3A_179 = arith.constant 79 : i32
    %dma_wait3A_180 = arith.constant 0 : i32
    %dma_wait3A_181 = arith.constant 0 : i32
    %dma_wait3A_182 = arith.constant 0 : i32
    %dma_wait3A_183 = arith.constant 0 : i32
    %dma_wait3A_184 = tpu.memref_slice %arg10[%dma_wait3A_181, %dma_wait3A_182, %dma_wait3A_183] : memref<2x128x32xf32, #tpu.memory_space<vmem>> -> memref<1x128x32xf32, #tpu.memory_space<vmem>>
    %dma_wait3A_185 = tpu.memref_squeeze %dma_wait3A_184 : memref<1x128x32xf32, #tpu.memory_space<vmem>> -> memref<128x32xf32, #tpu.memory_space<vmem>>
    %dma_wait3A_186 = arith.constant 0 : i32
    %dma_wait3A_187 = tpu.memref_slice %arg8[%dma_wait3A_180, %dma_wait3A_186] : memref<158x128xi32, #tpu.memory_space<vmem>> -> memref<1x128xi32, #tpu.memory_space<vmem>>
    %dma_wait3A_188 = tpu.memref_squeeze %dma_wait3A_187 : memref<1x128xi32, #tpu.memory_space<vmem>> -> memref<128xi32, #tpu.memory_space<vmem>>
    %dma_wait3A_189 = arith.constant 0 : i32
    %dma_wait3A_190 = arith.constant 0 : i32
    %dma_wait3A_191 = tpu.memref_slice %arg6[%dma_wait3A_189, %dma_wait3A_190] : memref<20480x32xf32, #tpu.memory_space<hbm>> -> memref<20480x32xf32, #tpu.memory_space<hbm>>
    tpu.wait_indirect_dma semaphore(%arg15 : memref<!tpu.dma_semaphore, #tpu.memory_space<semaphore_mem>>) src(%dma_wait3A_191 : memref<20480x32xf32, #tpu.memory_space<hbm>>) dst(%dma_wait3A_185 : memref<128x32xf32, #tpu.memory_space<vmem>>)
    %barrier3A_192 = arith.constant 0 : index
    tpu.barrier barrier_id(%barrier3A_192)
    "tpu.region"() ({
      %run_scoped3A_224 = tpu.sem_alloc : memref<!tpu.dma_semaphore, #tpu.memory_space<semaphore_mem>>
      %dma_start3A_225 = arith.constant 0 : i32
      %dma_start3A_226 = tpu.memref_slice %arg7[%mul3A_0, %dma_start3A_225] : memref<10240x32xf32, #tpu.memory_space<vmem_shared>> -> memref<640x32xf32, #tpu.memory_space<vmem_shared>>
      %dma_start3A_227 = arith.constant 0 : i32
      %dma_start3A_228 = tpu.memref_slice %arg7[%mul3A_0, %dma_start3A_227] : memref<10240x32xf32, #tpu.memory_space<vmem_shared>> -> memref<640x32xf32, #tpu.memory_space<vmem_shared>>
      tpu.enqueue_dma source(%dma_start3A_228 : memref<640x32xf32, #tpu.memory_space<vmem_shared>>) target(%arg11 : memref<640x32xf32, #tpu.memory_space<vmem>>) target_semaphore(%run_scoped3A_224 : memref<!tpu.dma_semaphore, #tpu.memory_space<semaphore_mem>>)
      %dma_wait3A_229 = arith.constant 0 : i32
      %dma_wait3A_230 = tpu.memref_slice %arg7[%mul3A_0, %dma_wait3A_229] : memref<10240x32xf32, #tpu.memory_space<vmem_shared>> -> memref<640x32xf32, #tpu.memory_space<vmem_shared>>
      %dma_wait3A_231 = arith.constant 0 : i32
      %dma_wait3A_232 = tpu.memref_slice %arg7[%mul3A_0, %dma_wait3A_231] : memref<10240x32xf32, #tpu.memory_space<vmem_shared>> -> memref<640x32xf32, #tpu.memory_space<vmem_shared>>
      tpu.wait_dma2 semaphore(%run_scoped3A_224 : memref<!tpu.dma_semaphore, #tpu.memory_space<semaphore_mem>>) src(%dma_wait3A_232 : memref<640x32xf32, #tpu.memory_space<vmem_shared>>) dst(%arg11 : memref<640x32xf32, #tpu.memory_space<vmem>>)
      tpu.yield
    }) : () -> ()
    %scan3A_193 = arith.constant 0 : i32
    %scan3A_194 = arith.constant 0 : i32
    %scan3A_195 = arith.constant 128 : i32
    %scan3A_196 = arith.addi %scan3A_194, %scan3A_195 : i32
    %scan3A_197 = arith.constant 1 : i32
    %scan3A_198 = scf.for %scan3A_224 = %scan3A_194 to %scan3A_196 step %scan3A_197 iter_args(%scan3A_225 = %scan3A_193) -> (i32)  : i32 {
      %swap3A = arith.constant 0 : i32
      %swap3A_226 = arith.index_cast %swap3A : i32 to index
      %swap3A_227 = arith.index_cast %scan3A_224 : i32 to index
      %swap3A_228 = arith.constant 0 : index
      %swap3A_229 = tpu.vector_load %arg10[%swap3A_226, %swap3A_227, %swap3A_228] {strides = array<i32>} : memref<2x128x32xf32, #tpu.memory_space<vmem>>, vector<1x1x16xf32>,
      %swap3A_230 = vector.shape_cast %swap3A_229 : vector<1x1x16xf32> to vector<16xf32>
      %swap3A_231 = vector.shape_cast %broadcast_in_dim3A_9 : vector<16xf32> to vector<1x1x16xf32>
      tpu.vector_store %arg10[%swap3A_226, %swap3A_227, %swap3A_228], %swap3A_231 {strides = array<i32>} : memref<2x128x32xf32, #tpu.memory_space<vmem>>, vector<1x1x16xf32>,
      %swap3A_232 = arith.constant 0 : i32
      %swap3A_233 = arith.index_cast %swap3A_232 : i32 to index
      %swap3A_234 = arith.index_cast %scan3A_224 : i32 to index
      %swap3A_235 = arith.constant 16 : index
      %swap3A_236 = tpu.vector_load %arg10[%swap3A_233, %swap3A_234, %swap3A_235] {strides = array<i32>} : memref<2x128x32xf32, #tpu.memory_space<vmem>>, vector<1x1x16xf32>,
      %swap3A_237 = vector.shape_cast %swap3A_236 : vector<1x1x16xf32> to vector<16xf32>
      %swap3A_238 = vector.shape_cast %broadcast_in_dim3A_9 : vector<16xf32> to vector<1x1x16xf32>
      tpu.vector_store %arg10[%swap3A_233, %swap3A_234, %swap3A_235], %swap3A_238 {strides = array<i32>} : memref<2x128x32xf32, #tpu.memory_space<vmem>>, vector<1x1x16xf32>,
      %scan3A_239 = arith.constant 0 : i32
      scf.yield %scan3A_239 : i32
    }
    %scan3A_199 = arith.constant 128 : i32
    %add3A_200 = arith.constant 0 : i32
    %add3A_201 = arith.addi %mul3A_0, %add3A_200 : i32
    %run_scoped3A_202 = arith.constant 0 : i32
    "tpu.region"() ({
      %run_scoped3A_224 = tpu.sem_alloc : memref<!tpu.dma_semaphore, #tpu.memory_space<semaphore_mem>>
      %dma_start3A_225 = arith.constant 0 : i32
      %dma_start3A_226 = arith.constant 0 : i32
      %dma_start3A_227 = tpu.memref_slice %arg10[%run_scoped3A_202, %dma_start3A_225, %dma_start3A_226] : memref<2x128x32xf32, #tpu.memory_space<vmem>> -> memref<1x128x32xf32, #tpu.memory_space<vmem>>
      %dma_start3A_228 = tpu.memref_squeeze %dma_start3A_227 : memref<1x128x32xf32, #tpu.memory_space<vmem>> -> memref<128x32xf32, #tpu.memory_space<vmem>>
      %dma_start3A_229 = arith.constant 0 : i32
      %dma_start3A_230 = tpu.memref_slice %arg7[%add3A_201, %dma_start3A_229] : memref<10240x32xf32, #tpu.memory_space<vmem_shared>> -> memref<128x32xf32, #tpu.memory_space<vmem_shared>>
      %dma_start3A_231 = arith.constant 0 : i32
      %dma_start3A_232 = tpu.memref_slice %arg7[%add3A_201, %dma_start3A_231] : memref<10240x32xf32, #tpu.memory_space<vmem_shared>> -> memref<128x32xf32, #tpu.memory_space<vmem_shared>>
      %dma_start3A_233 = arith.constant 0 : i32
      %dma_start3A_234 = arith.constant 0 : i32
      %dma_start3A_235 = tpu.memref_slice %arg10[%run_scoped3A_202, %dma_start3A_233, %dma_start3A_234] : memref<2x128x32xf32, #tpu.memory_space<vmem>> -> memref<1x128x32xf32, #tpu.memory_space<vmem>>
      %dma_start3A_236 = tpu.memref_squeeze %dma_start3A_235 : memref<1x128x32xf32, #tpu.memory_space<vmem>> -> memref<128x32xf32, #tpu.memory_space<vmem>>
      tpu.enqueue_dma source(%dma_start3A_236 : memref<128x32xf32, #tpu.memory_space<vmem>>) target(%dma_start3A_232 : memref<128x32xf32, #tpu.memory_space<vmem_shared>>) target_semaphore(%run_scoped3A_224 : memref<!tpu.dma_semaphore, #tpu.memory_space<semaphore_mem>>)
      %dma_wait3A_237 = arith.constant 0 : i32
      %dma_wait3A_238 = arith.constant 0 : i32
      %dma_wait3A_239 = tpu.memref_slice %arg10[%run_scoped3A_202, %dma_wait3A_237, %dma_wait3A_238] : memref<2x128x32xf32, #tpu.memory_space<vmem>> -> memref<1x128x32xf32, #tpu.memory_space<vmem>>
      %dma_wait3A_240 = tpu.memref_squeeze %dma_wait3A_239 : memref<1x128x32xf32, #tpu.memory_space<vmem>> -> memref<128x32xf32, #tpu.memory_space<vmem>>
      %dma_wait3A_241 = arith.constant 0 : i32
      %dma_wait3A_242 = tpu.memref_slice %arg7[%add3A_201, %dma_wait3A_241] : memref<10240x32xf32, #tpu.memory_space<vmem_shared>> -> memref<128x32xf32, #tpu.memory_space<vmem_shared>>
      %dma_wait3A_243 = arith.constant 0 : i32
      %dma_wait3A_244 = tpu.memref_slice %arg7[%add3A_201, %dma_wait3A_243] : memref<10240x32xf32, #tpu.memory_space<vmem_shared>> -> memref<128x32xf32, #tpu.memory_space<vmem_shared>>
      %dma_wait3A_245 = arith.constant 0 : i32
      %dma_wait3A_246 = arith.constant 0 : i32
      %dma_wait3A_247 = tpu.memref_slice %arg10[%run_scoped3A_202, %dma_wait3A_245, %dma_wait3A_246] : memref<2x128x32xf32, #tpu.memory_space<vmem>> -> memref<1x128x32xf32, #tpu.memory_space<vmem>>
      %dma_wait3A_248 = tpu.memref_squeeze %dma_wait3A_247 : memref<1x128x32xf32, #tpu.memory_space<vmem>> -> memref<128x32xf32, #tpu.memory_space<vmem>>
      tpu.wait_dma2 semaphore(%run_scoped3A_224 : memref<!tpu.dma_semaphore, #tpu.memory_space<semaphore_mem>>) src(%dma_wait3A_248 : memref<128x32xf32, #tpu.memory_space<vmem>>) dst(%dma_wait3A_244 : memref<128x32xf32, #tpu.memory_space<vmem_shared>>)
      tpu.yield
    }) : () -> ()
    %add3A_203 = arith.constant 128 : i32
    %add3A_204 = arith.addi %mul3A_0, %add3A_203 : i32
    %run_scoped3A_205 = arith.constant 0 : i32
    "tpu.region"() ({
      %run_scoped3A_224 = tpu.sem_alloc : memref<!tpu.dma_semaphore, #tpu.memory_space<semaphore_mem>>
      %dma_start3A_225 = arith.constant 0 : i32
      %dma_start3A_226 = arith.constant 0 : i32
      %dma_start3A_227 = tpu.memref_slice %arg10[%run_scoped3A_205, %dma_start3A_225, %dma_start3A_226] : memref<2x128x32xf32, #tpu.memory_space<vmem>> -> memref<1x128x32xf32, #tpu.memory_space<vmem>>
      %dma_start3A_228 = tpu.memref_squeeze %dma_start3A_227 : memref<1x128x32xf32, #tpu.memory_space<vmem>> -> memref<128x32xf32, #tpu.memory_space<vmem>>
      %dma_start3A_229 = arith.constant 0 : i32
      %dma_start3A_230 = tpu.memref_slice %arg7[%add3A_204, %dma_start3A_229] : memref<10240x32xf32, #tpu.memory_space<vmem_shared>> -> memref<128x32xf32, #tpu.memory_space<vmem_shared>>
      %dma_start3A_231 = arith.constant 0 : i32
      %dma_start3A_232 = tpu.memref_slice %arg7[%add3A_204, %dma_start3A_231] : memref<10240x32xf32, #tpu.memory_space<vmem_shared>> -> memref<128x32xf32, #tpu.memory_space<vmem_shared>>
      %dma_start3A_233 = arith.constant 0 : i32
      %dma_start3A_234 = arith.constant 0 : i32
      %dma_start3A_235 = tpu.memref_slice %arg10[%run_scoped3A_205, %dma_start3A_233, %dma_start3A_234] : memref<2x128x32xf32, #tpu.memory_space<vmem>> -> memref<1x128x32xf32, #tpu.memory_space<vmem>>
      %dma_start3A_236 = tpu.memref_squeeze %dma_start3A_235 : memref<1x128x32xf32, #tpu.memory_space<vmem>> -> memref<128x32xf32, #tpu.memory_space<vmem>>
      tpu.enqueue_dma source(%dma_start3A_236 : memref<128x32xf32, #tpu.memory_space<vmem>>) target(%dma_start3A_232 : memref<128x32xf32, #tpu.memory_space<vmem_shared>>) target_semaphore(%run_scoped3A_224 : memref<!tpu.dma_semaphore, #tpu.memory_space<semaphore_mem>>)
      %dma_wait3A_237 = arith.constant 0 : i32
      %dma_wait3A_238 = arith.constant 0 : i32
      %dma_wait3A_239 = tpu.memref_slice %arg10[%run_scoped3A_205, %dma_wait3A_237, %dma_wait3A_238] : memref<2x128x32xf32, #tpu.memory_space<vmem>> -> memref<1x128x32xf32, #tpu.memory_space<vmem>>
      %dma_wait3A_240 = tpu.memref_squeeze %dma_wait3A_239 : memref<1x128x32xf32, #tpu.memory_space<vmem>> -> memref<128x32xf32, #tpu.memory_space<vmem>>
      %dma_wait3A_241 = arith.constant 0 : i32
      %dma_wait3A_242 = tpu.memref_slice %arg7[%add3A_204, %dma_wait3A_241] : memref<10240x32xf32, #tpu.memory_space<vmem_shared>> -> memref<128x32xf32, #tpu.memory_space<vmem_shared>>
      %dma_wait3A_243 = arith.constant 0 : i32
      %dma_wait3A_244 = tpu.memref_slice %arg7[%add3A_204, %dma_wait3A_243] : memref<10240x32xf32, #tpu.memory_space<vmem_shared>> -> memref<128x32xf32, #tpu.memory_space<vmem_shared>>
      %dma_wait3A_245 = arith.constant 0 : i32
      %dma_wait3A_246 = arith.constant 0 : i32
      %dma_wait3A_247 = tpu.memref_slice %arg10[%run_scoped3A_205, %dma_wait3A_245, %dma_wait3A_246] : memref<2x128x32xf32, #tpu.memory_space<vmem>> -> memref<1x128x32xf32, #tpu.memory_space<vmem>>
      %dma_wait3A_248 = tpu.memref_squeeze %dma_wait3A_247 : memref<1x128x32xf32, #tpu.memory_space<vmem>> -> memref<128x32xf32, #tpu.memory_space<vmem>>
      tpu.wait_dma2 semaphore(%run_scoped3A_224 : memref<!tpu.dma_semaphore, #tpu.memory_space<semaphore_mem>>) src(%dma_wait3A_248 : memref<128x32xf32, #tpu.memory_space<vmem>>) dst(%dma_wait3A_244 : memref<128x32xf32, #tpu.memory_space<vmem_shared>>)
      tpu.yield
    }) : () -> ()
    %add3A_206 = arith.constant 256 : i32
    %add3A_207 = arith.addi %mul3A_0, %add3A_206 : i32
    %run_scoped3A_208 = arith.constant 0 : i32
    "tpu.region"() ({
      %run_scoped3A_224 = tpu.sem_alloc : memref<!tpu.dma_semaphore, #tpu.memory_space<semaphore_mem>>
      %dma_start3A_225 = arith.constant 0 : i32
      %dma_start3A_226 = arith.constant 0 : i32
      %dma_start3A_227 = tpu.memref_slice %arg10[%run_scoped3A_208, %dma_start3A_225, %dma_start3A_226] : memref<2x128x32xf32, #tpu.memory_space<vmem>> -> memref<1x128x32xf32, #tpu.memory_space<vmem>>
      %dma_start3A_228 = tpu.memref_squeeze %dma_start3A_227 : memref<1x128x32xf32, #tpu.memory_space<vmem>> -> memref<128x32xf32, #tpu.memory_space<vmem>>
      %dma_start3A_229 = arith.constant 0 : i32
      %dma_start3A_230 = tpu.memref_slice %arg7[%add3A_207, %dma_start3A_229] : memref<10240x32xf32, #tpu.memory_space<vmem_shared>> -> memref<128x32xf32, #tpu.memory_space<vmem_shared>>
      %dma_start3A_231 = arith.constant 0 : i32
      %dma_start3A_232 = tpu.memref_slice %arg7[%add3A_207, %dma_start3A_231] : memref<10240x32xf32, #tpu.memory_space<vmem_shared>> -> memref<128x32xf32, #tpu.memory_space<vmem_shared>>
      %dma_start3A_233 = arith.constant 0 : i32
      %dma_start3A_234 = arith.constant 0 : i32
      %dma_start3A_235 = tpu.memref_slice %arg10[%run_scoped3A_208, %dma_start3A_233, %dma_start3A_234] : memref<2x128x32xf32, #tpu.memory_space<vmem>> -> memref<1x128x32xf32, #tpu.memory_space<vmem>>
      %dma_start3A_236 = tpu.memref_squeeze %dma_start3A_235 : memref<1x128x32xf32, #tpu.memory_space<vmem>> -> memref<128x32xf32, #tpu.memory_space<vmem>>
      tpu.enqueue_dma source(%dma_start3A_236 : memref<128x32xf32, #tpu.memory_space<vmem>>) target(%dma_start3A_232 : memref<128x32xf32, #tpu.memory_space<vmem_shared>>) target_semaphore(%run_scoped3A_224 : memref<!tpu.dma_semaphore, #tpu.memory_space<semaphore_mem>>)
      %dma_wait3A_237 = arith.constant 0 : i32
      %dma_wait3A_238 = arith.constant 0 : i32
      %dma_wait3A_239 = tpu.memref_slice %arg10[%run_scoped3A_208, %dma_wait3A_237, %dma_wait3A_238] : memref<2x128x32xf32, #tpu.memory_space<vmem>> -> memref<1x128x32xf32, #tpu.memory_space<vmem>>
      %dma_wait3A_240 = tpu.memref_squeeze %dma_wait3A_239 : memref<1x128x32xf32, #tpu.memory_space<vmem>> -> memref<128x32xf32, #tpu.memory_space<vmem>>
      %dma_wait3A_241 = arith.constant 0 : i32
      %dma_wait3A_242 = tpu.memref_slice %arg7[%add3A_207, %dma_wait3A_241] : memref<10240x32xf32, #tpu.memory_space<vmem_shared>> -> memref<128x32xf32, #tpu.memory_space<vmem_shared>>
      %dma_wait3A_243 = arith.constant 0 : i32
      %dma_wait3A_244 = tpu.memref_slice %arg7[%add3A_207, %dma_wait3A_243] : memref<10240x32xf32, #tpu.memory_space<vmem_shared>> -> memref<128x32xf32, #tpu.memory_space<vmem_shared>>
      %dma_wait3A_245 = arith.constant 0 : i32
      %dma_wait3A_246 = arith.constant 0 : i32
      %dma_wait3A_247 = tpu.memref_slice %arg10[%run_scoped3A_208, %dma_wait3A_245, %dma_wait3A_246] : memref<2x128x32xf32, #tpu.memory_space<vmem>> -> memref<1x128x32xf32, #tpu.memory_space<vmem>>
      %dma_wait3A_248 = tpu.memref_squeeze %dma_wait3A_247 : memref<1x128x32xf32, #tpu.memory_space<vmem>> -> memref<128x32xf32, #tpu.memory_space<vmem>>
      tpu.wait_dma2 semaphore(%run_scoped3A_224 : memref<!tpu.dma_semaphore, #tpu.memory_space<semaphore_mem>>) src(%dma_wait3A_248 : memref<128x32xf32, #tpu.memory_space<vmem>>) dst(%dma_wait3A_244 : memref<128x32xf32, #tpu.memory_space<vmem_shared>>)
      tpu.yield
    }) : () -> ()
    %add3A_209 = arith.constant 384 : i32
    %add3A_210 = arith.addi %mul3A_0, %add3A_209 : i32
    %run_scoped3A_211 = arith.constant 0 : i32
    "tpu.region"() ({
      %run_scoped3A_224 = tpu.sem_alloc : memref<!tpu.dma_semaphore, #tpu.memory_space<semaphore_mem>>
      %dma_start3A_225 = arith.constant 0 : i32
      %dma_start3A_226 = arith.constant 0 : i32
      %dma_start3A_227 = tpu.memref_slice %arg10[%run_scoped3A_211, %dma_start3A_225, %dma_start3A_226] : memref<2x128x32xf32, #tpu.memory_space<vmem>> -> memref<1x128x32xf32, #tpu.memory_space<vmem>>
      %dma_start3A_228 = tpu.memref_squeeze %dma_start3A_227 : memref<1x128x32xf32, #tpu.memory_space<vmem>> -> memref<128x32xf32, #tpu.memory_space<vmem>>
      %dma_start3A_229 = arith.constant 0 : i32
      %dma_start3A_230 = tpu.memref_slice %arg7[%add3A_210, %dma_start3A_229] : memref<10240x32xf32, #tpu.memory_space<vmem_shared>> -> memref<128x32xf32, #tpu.memory_space<vmem_shared>>
      %dma_start3A_231 = arith.constant 0 : i32
      %dma_start3A_232 = tpu.memref_slice %arg7[%add3A_210, %dma_start3A_231] : memref<10240x32xf32, #tpu.memory_space<vmem_shared>> -> memref<128x32xf32, #tpu.memory_space<vmem_shared>>
      %dma_start3A_233 = arith.constant 0 : i32
      %dma_start3A_234 = arith.constant 0 : i32
      %dma_start3A_235 = tpu.memref_slice %arg10[%run_scoped3A_211, %dma_start3A_233, %dma_start3A_234] : memref<2x128x32xf32, #tpu.memory_space<vmem>> -> memref<1x128x32xf32, #tpu.memory_space<vmem>>
      %dma_start3A_236 = tpu.memref_squeeze %dma_start3A_235 : memref<1x128x32xf32, #tpu.memory_space<vmem>> -> memref<128x32xf32, #tpu.memory_space<vmem>>
      tpu.enqueue_dma source(%dma_start3A_236 : memref<128x32xf32, #tpu.memory_space<vmem>>) target(%dma_start3A_232 : memref<128x32xf32, #tpu.memory_space<vmem_shared>>) target_semaphore(%run_scoped3A_224 : memref<!tpu.dma_semaphore, #tpu.memory_space<semaphore_mem>>)
      %dma_wait3A_237 = arith.constant 0 : i32
      %dma_wait3A_238 = arith.constant 0 : i32
      %dma_wait3A_239 = tpu.memref_slice %arg10[%run_scoped3A_211, %dma_wait3A_237, %dma_wait3A_238] : memref<2x128x32xf32, #tpu.memory_space<vmem>> -> memref<1x128x32xf32, #tpu.memory_space<vmem>>
      %dma_wait3A_240 = tpu.memref_squeeze %dma_wait3A_239 : memref<1x128x32xf32, #tpu.memory_space<vmem>> -> memref<128x32xf32, #tpu.memory_space<vmem>>
      %dma_wait3A_241 = arith.constant 0 : i32
      %dma_wait3A_242 = tpu.memref_slice %arg7[%add3A_210, %dma_wait3A_241] : memref<10240x32xf32, #tpu.memory_space<vmem_shared>> -> memref<128x32xf32, #tpu.memory_space<vmem_shared>>
      %dma_wait3A_243 = arith.constant 0 : i32
      %dma_wait3A_244 = tpu.memref_slice %arg7[%add3A_210, %dma_wait3A_243] : memref<10240x32xf32, #tpu.memory_space<vmem_shared>> -> memref<128x32xf32, #tpu.memory_space<vmem_shared>>
      %dma_wait3A_245 = arith.constant 0 : i32
      %dma_wait3A_246 = arith.constant 0 : i32
      %dma_wait3A_247 = tpu.memref_slice %arg10[%run_scoped3A_211, %dma_wait3A_245, %dma_wait3A_246] : memref<2x128x32xf32, #tpu.memory_space<vmem>> -> memref<1x128x32xf32, #tpu.memory_space<vmem>>
      %dma_wait3A_248 = tpu.memref_squeeze %dma_wait3A_247 : memref<1x128x32xf32, #tpu.memory_space<vmem>> -> memref<128x32xf32, #tpu.memory_space<vmem>>
      tpu.wait_dma2 semaphore(%run_scoped3A_224 : memref<!tpu.dma_semaphore, #tpu.memory_space<semaphore_mem>>) src(%dma_wait3A_248 : memref<128x32xf32, #tpu.memory_space<vmem>>) dst(%dma_wait3A_244 : memref<128x32xf32, #tpu.memory_space<vmem_shared>>)
      tpu.yield
    }) : () -> ()
    %add3A_212 = arith.constant 512 : i32
    %add3A_213 = arith.addi %mul3A_0, %add3A_212 : i32
    %run_scoped3A_214 = arith.constant 0 : i32
    "tpu.region"() ({
      %run_scoped3A_224 = tpu.sem_alloc : memref<!tpu.dma_semaphore, #tpu.memory_space<semaphore_mem>>
      %dma_start3A_225 = arith.constant 0 : i32
      %dma_start3A_226 = arith.constant 0 : i32
      %dma_start3A_227 = tpu.memref_slice %arg10[%run_scoped3A_214, %dma_start3A_225, %dma_start3A_226] : memref<2x128x32xf32, #tpu.memory_space<vmem>> -> memref<1x128x32xf32, #tpu.memory_space<vmem>>
      %dma_start3A_228 = tpu.memref_squeeze %dma_start3A_227 : memref<1x128x32xf32, #tpu.memory_space<vmem>> -> memref<128x32xf32, #tpu.memory_space<vmem>>
      %dma_start3A_229 = arith.constant 0 : i32
      %dma_start3A_230 = tpu.memref_slice %arg7[%add3A_213, %dma_start3A_229] : memref<10240x32xf32, #tpu.memory_space<vmem_shared>> -> memref<128x32xf32, #tpu.memory_space<vmem_shared>>
      %dma_start3A_231 = arith.constant 0 : i32
      %dma_start3A_232 = tpu.memref_slice %arg7[%add3A_213, %dma_start3A_231] : memref<10240x32xf32, #tpu.memory_space<vmem_shared>> -> memref<128x32xf32, #tpu.memory_space<vmem_shared>>
      %dma_start3A_233 = arith.constant 0 : i32
      %dma_start3A_234 = arith.constant 0 : i32
      %dma_start3A_235 = tpu.memref_slice %arg10[%run_scoped3A_214, %dma_start3A_233, %dma_start3A_234] : memref<2x128x32xf32, #tpu.memory_space<vmem>> -> memref<1x128x32xf32, #tpu.memory_space<vmem>>
      %dma_start3A_236 = tpu.memref_squeeze %dma_start3A_235 : memref<1x128x32xf32, #tpu.memory_space<vmem>> -> memref<128x32xf32, #tpu.memory_space<vmem>>
      tpu.enqueue_dma source(%dma_start3A_236 : memref<128x32xf32, #tpu.memory_space<vmem>>) target(%dma_start3A_232 : memref<128x32xf32, #tpu.memory_space<vmem_shared>>) target_semaphore(%run_scoped3A_224 : memref<!tpu.dma_semaphore, #tpu.memory_space<semaphore_mem>>)
      %dma_wait3A_237 = arith.constant 0 : i32
      %dma_wait3A_238 = arith.constant 0 : i32
      %dma_wait3A_239 = tpu.memref_slice %arg10[%run_scoped3A_214, %dma_wait3A_237, %dma_wait3A_238] : memref<2x128x32xf32, #tpu.memory_space<vmem>> -> memref<1x128x32xf32, #tpu.memory_space<vmem>>
      %dma_wait3A_240 = tpu.memref_squeeze %dma_wait3A_239 : memref<1x128x32xf32, #tpu.memory_space<vmem>> -> memref<128x32xf32, #tpu.memory_space<vmem>>
      %dma_wait3A_241 = arith.constant 0 : i32
      %dma_wait3A_242 = tpu.memref_slice %arg7[%add3A_213, %dma_wait3A_241] : memref<10240x32xf32, #tpu.memory_space<vmem_shared>> -> memref<128x32xf32, #tpu.memory_space<vmem_shared>>
      %dma_wait3A_243 = arith.constant 0 : i32
      %dma_wait3A_244 = tpu.memref_slice %arg7[%add3A_213, %dma_wait3A_243] : memref<10240x32xf32, #tpu.memory_space<vmem_shared>> -> memref<128x32xf32, #tpu.memory_space<vmem_shared>>
      %dma_wait3A_245 = arith.constant 0 : i32
      %dma_wait3A_246 = arith.constant 0 : i32
      %dma_wait3A_247 = tpu.memref_slice %arg10[%run_scoped3A_214, %dma_wait3A_245, %dma_wait3A_246] : memref<2x128x32xf32, #tpu.memory_space<vmem>> -> memref<1x128x32xf32, #tpu.memory_space<vmem>>
      %dma_wait3A_248 = tpu.memref_squeeze %dma_wait3A_247 : memref<1x128x32xf32, #tpu.memory_space<vmem>> -> memref<128x32xf32, #tpu.memory_space<vmem>>
      tpu.wait_dma2 semaphore(%run_scoped3A_224 : memref<!tpu.dma_semaphore, #tpu.memory_space<semaphore_mem>>) src(%dma_wait3A_248 : memref<128x32xf32, #tpu.memory_space<vmem>>) dst(%dma_wait3A_244 : memref<128x32xf32, #tpu.memory_space<vmem_shared>>)
      tpu.yield
    }) : () -> ()
    %scan3A_215 = arith.constant 0 : i32
    %scan3A_216 = arith.constant 0 : i32
    %scan3A_217 = arith.constant 640 : i32
    %scan3A_218 = arith.addi %scan3A_216, %scan3A_217 : i32
    %scan3A_219 = arith.constant 1 : i32
    %scan3A_220 = scf.for %scan3A_224 = %scan3A_216 to %scan3A_218 step %scan3A_219 iter_args(%scan3A_225 = %scan3A_215) -> (i32)  : i32 {
      %get3A = arith.index_cast %scan3A_224 : i32 to index
      %get3A_226 = arith.constant 0 : index
      %get3A_227 = tpu.vector_load %arg11[%get3A, %get3A_226] {strides = array<i32>} : memref<640x32xf32, #tpu.memory_space<vmem>>, vector<1x16xf32>,
      %get3A_228 = vector.shape_cast %get3A_227 : vector<1x16xf32> to vector<16xf32>
      %get3A_229 = arith.index_cast %scan3A_224 : i32 to index
      %get3A_230 = arith.constant 0 : index
      %get3A_231 = tpu.vector_load %arg12[%get3A_229, %get3A_230] {strides = array<i32>} : memref<640x32xf32, #tpu.memory_space<vmem>>, vector<1x16xf32>,
      %get3A_232 = vector.shape_cast %get3A_231 : vector<1x16xf32> to vector<16xf32>
      %mul3A_233 = arith.constant 0.899999976 : f32
      %mul3A_234 = vector.broadcast %mul3A_233 : f32 to vector<16xf32>
      %mul3A_235 = arith.mulf %mul3A_234, %get3A_232 : vector<16xf32>
      %mul3A_236 = arith.mulf %mul3A_235, %get3A_232 : vector<16xf32>
      %mul3A_237 = arith.mulf %mul3A_236, %get3A_228 : vector<16xf32>
      %get3A_238 = arith.index_cast %scan3A_224 : i32 to index
      %get3A_239 = arith.constant 0 : index
      %get3A_240 = tpu.vector_load %arg13[%get3A_238, %get3A_239] {strides = array<i32>} : memref<640x32xf32, #tpu.memory_space<vmem>>, vector<1x16xf32>,
      %get3A_241 = vector.shape_cast %get3A_240 : vector<1x16xf32> to vector<16xf32>
      %add3A_242 = arith.addf %mul3A_237, %get3A_241 : vector<16xf32>
      %div3A = arith.divf %add3A_242, %get3A_232 : vector<16xf32>
      %gt3A = arith.constant 0.000000e+00 : f32
      %gt3A_243 = vector.broadcast %gt3A : f32 to vector<16xf32>
      %gt3A_244 = arith.cmpf ogt, %div3A, %gt3A_243 : vector<16xf32>
      %min3A = arith.constant 0.000000e+00 : f32
      %min3A_245 = vector.broadcast %min3A : f32 to vector<16xf32>
      %min3A_246 = arith.minimumf %div3A, %min3A_245 : vector<16xf32>
      %exp3A = math.exp %min3A_246 : vector<16xf32>
      %sub3A = arith.constant 1.000000e+00 : f32
      %sub3A_247 = vector.broadcast %sub3A : f32 to vector<16xf32>
      %sub3A_248 = arith.subf %exp3A, %sub3A_247 : vector<16xf32>
      %select_n3A = arith.select %gt3A_244, %div3A, %sub3A_248 : vector<16xi1>, vector<16xf32>
      %swap3A = arith.index_cast %scan3A_224 : i32 to index
      %swap3A_249 = arith.constant 0 : index
      %swap3A_250 = tpu.vector_load %arg11[%swap3A, %swap3A_249] {strides = array<i32>} : memref<640x32xf32, #tpu.memory_space<vmem>>, vector<1x16xf32>,
      %swap3A_251 = vector.shape_cast %swap3A_250 : vector<1x16xf32> to vector<16xf32>
      %swap3A_252 = vector.shape_cast %select_n3A : vector<16xf32> to vector<1x16xf32>
      tpu.vector_store %arg11[%swap3A, %swap3A_249], %swap3A_252 {strides = array<i32>} : memref<640x32xf32, #tpu.memory_space<vmem>>, vector<1x16xf32>,
      %get3A_253 = arith.index_cast %scan3A_224 : i32 to index
      %get3A_254 = arith.constant 16 : index
      %get3A_255 = tpu.vector_load %arg11[%get3A_253, %get3A_254] {strides = array<i32>} : memref<640x32xf32, #tpu.memory_space<vmem>>, vector<1x16xf32>,
      %get3A_256 = vector.shape_cast %get3A_255 : vector<1x16xf32> to vector<16xf32>
      %get3A_257 = arith.index_cast %scan3A_224 : i32 to index
      %get3A_258 = arith.constant 16 : index
      %get3A_259 = tpu.vector_load %arg12[%get3A_257, %get3A_258] {strides = array<i32>} : memref<640x32xf32, #tpu.memory_space<vmem>>, vector<1x16xf32>,
      %get3A_260 = vector.shape_cast %get3A_259 : vector<1x16xf32> to vector<16xf32>
      %mul3A_261 = arith.constant 0.899999976 : f32
      %mul3A_262 = vector.broadcast %mul3A_261 : f32 to vector<16xf32>
      %mul3A_263 = arith.mulf %mul3A_262, %get3A_260 : vector<16xf32>
      %mul3A_264 = arith.mulf %mul3A_263, %get3A_260 : vector<16xf32>
      %mul3A_265 = arith.mulf %mul3A_264, %get3A_256 : vector<16xf32>
      %get3A_266 = arith.index_cast %scan3A_224 : i32 to index
      %get3A_267 = arith.constant 16 : index
      %get3A_268 = tpu.vector_load %arg13[%get3A_266, %get3A_267] {strides = array<i32>} : memref<640x32xf32, #tpu.memory_space<vmem>>, vector<1x16xf32>,
      %get3A_269 = vector.shape_cast %get3A_268 : vector<1x16xf32> to vector<16xf32>
      %add3A_270 = arith.addf %mul3A_265, %get3A_269 : vector<16xf32>
      %div3A_271 = arith.divf %add3A_270, %get3A_260 : vector<16xf32>
      %gt3A_272 = arith.constant 0.000000e+00 : f32
      %gt3A_273 = vector.broadcast %gt3A_272 : f32 to vector<16xf32>
      %gt3A_274 = arith.cmpf ogt, %div3A_271, %gt3A_273 : vector<16xf32>
      %min3A_275 = arith.constant 0.000000e+00 : f32
      %min3A_276 = vector.broadcast %min3A_275 : f32 to vector<16xf32>
      %min3A_277 = arith.minimumf %div3A_271, %min3A_276 : vector<16xf32>
      %exp3A_278 = math.exp %min3A_277 : vector<16xf32>
      %sub3A_279 = arith.constant 1.000000e+00 : f32
      %sub3A_280 = vector.broadcast %sub3A_279 : f32 to vector<16xf32>
      %sub3A_281 = arith.subf %exp3A_278, %sub3A_280 : vector<16xf32>
      %select_n3A_282 = arith.select %gt3A_274, %div3A_271, %sub3A_281 : vector<16xi1>, vector<16xf32>
      %swap3A_283 = arith.index_cast %scan3A_224 : i32 to index
      %swap3A_284 = arith.constant 16 : index
      %swap3A_285 = tpu.vector_load %arg11[%swap3A_283, %swap3A_284] {strides = array<i32>} : memref<640x32xf32, #tpu.memory_space<vmem>>, vector<1x16xf32>,
      %swap3A_286 = vector.shape_cast %swap3A_285 : vector<1x16xf32> to vector<16xf32>
      %swap3A_287 = vector.shape_cast %select_n3A_282 : vector<16xf32> to vector<1x16xf32>
      tpu.vector_store %arg11[%swap3A_283, %swap3A_284], %swap3A_287 {strides = array<i32>} : memref<640x32xf32, #tpu.memory_space<vmem>>, vector<1x16xf32>,
      %scan3A_288 = arith.constant 0 : i32
      scf.yield %scan3A_288 : i32
    }
    %scan3A_221 = arith.constant 640 : i32
    %add3A_222 = arith.addi %mul3A_2, %mul3A_0 : i32
    "tpu.region"() ({
      %run_scoped3A_224 = tpu.sem_alloc : memref<!tpu.dma_semaphore, #tpu.memory_space<semaphore_mem>>
      %dma_start3A_225 = arith.constant 0 : i32
      %dma_start3A_226 = tpu.memref_slice %arg6[%add3A_222, %dma_start3A_225] : memref<20480x32xf32, #tpu.memory_space<hbm>> -> memref<640x32xf32, #tpu.memory_space<hbm>>
      %dma_start3A_227 = arith.constant 0 : i32
      %dma_start3A_228 = tpu.memref_slice %arg6[%add3A_222, %dma_start3A_227] : memref<20480x32xf32, #tpu.memory_space<hbm>> -> memref<640x32xf32, #tpu.memory_space<hbm>>
      tpu.enqueue_dma source(%arg11 : memref<640x32xf32, #tpu.memory_space<vmem>>) target(%dma_start3A_228 : memref<640x32xf32, #tpu.memory_space<hbm>>) target_semaphore(%run_scoped3A_224 : memref<!tpu.dma_semaphore, #tpu.memory_space<semaphore_mem>>)
      %dma_wait3A_229 = arith.constant 0 : i32
      %dma_wait3A_230 = tpu.memref_slice %arg6[%add3A_222, %dma_wait3A_229] : memref<20480x32xf32, #tpu.memory_space<hbm>> -> memref<640x32xf32, #tpu.memory_space<hbm>>
      %dma_wait3A_231 = arith.constant 0 : i32
      %dma_wait3A_232 = tpu.memref_slice %arg6[%add3A_222, %dma_wait3A_231] : memref<20480x32xf32, #tpu.memory_space<hbm>> -> memref<640x32xf32, #tpu.memory_space<hbm>>
      tpu.wait_dma2 semaphore(%run_scoped3A_224 : memref<!tpu.dma_semaphore, #tpu.memory_space<semaphore_mem>>) src(%arg11 : memref<640x32xf32, #tpu.memory_space<vmem>>) dst(%dma_wait3A_232 : memref<640x32xf32, #tpu.memory_space<hbm>>)
      tpu.yield
    }) : () -> ()
    %barrier3A_223 = arith.constant 0 : index
    tpu.barrier barrier_id(%barrier3A_223)
    return
  }
}

module attributes {stable_mosaic.version = 14 : i64} {
  func.func @_fc_body(%arg0: i32, %arg1: memref<1280x128xf32, #tpu.memory_space<vmem>>, %arg2: memref<128x128xf32, #tpu.memory_space<vmem>>, %arg3: memref<1x128xf32, #tpu.memory_space<vmem>>, %arg4: memref<128x64xf32, #tpu.memory_space<vmem>>, %arg5: memref<2x1280x32xf32, #tpu.memory_space<vmem>>) attributes {dimension_semantics = [#tpu.dimension_semantics<arbitrary>], iteration_bounds = array<i64: 8>, scalar_prefetch = 0 : i64, scratch_operands = 0 : i64, tpu.core_type = #tpu.core_type<tc>, window_params = [{transform_indices = @transform_0, window_bounds = array<i64: 1280, 128>}, {pipeline_mode = #tpu.pipeline_mode<synchronous>, transform_indices = @transform_1, window_bounds = array<i64: 128, 128>}, {pipeline_mode = #tpu.pipeline_mode<synchronous>, transform_indices = @transform_2, window_bounds = array<i64: 1, 128>}, {pipeline_mode = #tpu.pipeline_mode<synchronous>, transform_indices = @transform_3, window_bounds = array<i64: 128, 64>}, {transform_indices = @transform_4, window_bounds = array<i64: 2, 1280, 32>}]} {
    %get3A = arith.constant 0 : index
    %get3A_0 = arith.constant 0 : index
    %get3A_1 = vector.load %arg1[%get3A, %get3A_0] : memref<1280x128xf32, #tpu.memory_space<vmem>>, vector<1280x128xf32>
    %get3A_2 = arith.constant 0 : index
    %get3A_3 = arith.constant 0 : index
    %get3A_4 = vector.load %arg2[%get3A_2, %get3A_3] : memref<128x128xf32, #tpu.memory_space<vmem>>, vector<128x128xf32>
    %dot_general3A = arith.constant dense<0.000000e+00> : vector<1280x128xf32>
    %dot_general3A_5 = tpu.matmul %get3A_1, %get3A_4, %dot_general3A {dimension_numbers = #tpu.dot_dimension_numbers<[1], [0], [0], [1], [0, 0, 1, 1], [], []>, precision = #tpu.contract_precision<fp32>, transpose_lhs_hint = false} : vector<1280x128xf32>, vector<128x128xf32>, vector<1280x128xf32> -> vector<1280x128xf32>
    %get3A_6 = arith.constant 0 : index
    %get3A_7 = arith.constant 0 : index
    %get3A_8 = vector.load %arg3[%get3A_6, %get3A_7] : memref<1x128xf32, #tpu.memory_space<vmem>>, vector<1x128xf32>
    %add3A = vector.broadcast %get3A_8 : vector<1x128xf32> to vector<1280x128xf32>
    %add3A_9 = arith.addf %dot_general3A_5, %add3A : vector<1280x128xf32>
    %get3A_10 = arith.constant 0 : index
    %get3A_11 = arith.constant 0 : index
    %get3A_12 = vector.load %arg4[%get3A_10, %get3A_11] : memref<128x64xf32, #tpu.memory_space<vmem>>, vector<128x64xf32>
    %dot_general3A_13 = arith.constant dense<0.000000e+00> : vector<1280x64xf32>
    %dot_general3A_14 = tpu.matmul %add3A_9, %get3A_12, %dot_general3A_13 {dimension_numbers = #tpu.dot_dimension_numbers<[1], [0], [0], [1], [0, 0, 1, 1], [], []>, precision = #tpu.contract_precision<fp32>, transpose_lhs_hint = false} : vector<1280x128xf32>, vector<128x64xf32>, vector<1280x64xf32> -> vector<1280x64xf32>
    %slice3A = vector.extract_strided_slice %dot_general3A_14 {offsets = [0, 0], sizes = [1280, 32], strides = [1, 1]} : vector<1280x64xf32> to vector<1280x32xf32>
    %swap3A = arith.constant 0 : index
    %swap3A_15 = arith.constant 0 : index
    %swap3A_16 = arith.constant 0 : index
    %swap3A_17 = vector.load %arg5[%swap3A, %swap3A_15, %swap3A_16] : memref<2x1280x32xf32, #tpu.memory_space<vmem>>, vector<1x1280x32xf32>
    %swap3A_18 = vector.shape_cast %swap3A_17 : vector<1x1280x32xf32> to vector<1280x32xf32>
    %swap3A_19 = vector.shape_cast %slice3A : vector<1280x32xf32> to vector<1x1280x32xf32>
    tpu.vector_store %arg5[%swap3A, %swap3A_15, %swap3A_16], %swap3A_19 {strides = array<i32>} : memref<2x1280x32xf32, #tpu.memory_space<vmem>>, vector<1x1280x32xf32>,
    %slice3A_20 = vector.extract_strided_slice %dot_general3A_14 {offsets = [0, 32], sizes = [1280, 32], strides = [1, 1]} : vector<1280x64xf32> to vector<1280x32xf32>
    %swap3A_21 = arith.constant 1 : index
    %swap3A_22 = arith.constant 0 : index
    %swap3A_23 = arith.constant 0 : index
    %swap3A_24 = vector.load %arg5[%swap3A_21, %swap3A_22, %swap3A_23] : memref<2x1280x32xf32, #tpu.memory_space<vmem>>, vector<1x1280x32xf32>
    %swap3A_25 = vector.shape_cast %swap3A_24 : vector<1x1280x32xf32> to vector<1280x32xf32>
    %swap3A_26 = vector.shape_cast %slice3A_20 : vector<1280x32xf32> to vector<1x1280x32xf32>
    tpu.vector_store %arg5[%swap3A_21, %swap3A_22, %swap3A_23], %swap3A_26 {strides = array<i32>} : memref<2x1280x32xf32, #tpu.memory_space<vmem>>, vector<1x1280x32xf32>,
    return
  }
  func.func @transform_0(%arg0: i32) -> (i32, i32) {
    %c0_i32 = arith.constant 0 : i32
    %c0_i32_0 = arith.constant 0 : i32
    return %arg0, %c0_i32 : i32, i32
  }
  func.func @transform_1(%arg0: i32) -> (i32, i32) {
    %c0_i32 = arith.constant 0 : i32
    %c0_i32_0 = arith.constant 0 : i32
    %c0_i32_1 = arith.constant 0 : i32
    return %c0_i32, %c0_i32_0 : i32, i32
  }
  func.func @transform_2(%arg0: i32) -> (i32, i32) {
    %c0_i32 = arith.constant 0 : i32
    %c0_i32_0 = arith.constant 0 : i32
    %c0_i32_1 = arith.constant 0 : i32
    return %c0_i32, %c0_i32_0 : i32, i32
  }
  func.func @transform_3(%arg0: i32) -> (i32, i32) {
    %c0_i32 = arith.constant 0 : i32
    %c0_i32_0 = arith.constant 0 : i32
    %c0_i32_1 = arith.constant 0 : i32
    return %c0_i32, %c0_i32_0 : i32, i32
  }
  func.func @transform_4(%arg0: i32) -> (i32, i32, i32) {
    %c0_i32 = arith.constant 0 : i32
    %c0_i32_0 = arith.constant 0 : i32
    %c0_i32_1 = arith.constant 0 : i32
    return %c0_i32, %arg0, %c0_i32_0 : i32, i32, i32
  }
}

</mosaic_0001>

<sc_bundles>
// kernel: kernel.4.cloned.1.call-start
scs
__scs_entry_jumppad:
0x0: {  	(pc) =	sbr.rel $0x88, $3  }
0x1: {  	(tag) =	ssettag $0x0;
	lr =	simm.s32 $0x1  }
0x2: {  	[smem:$0x3F9B] =	sst lr;
	_ =	strace $0xD0000000  }
0x3: {  	_ = 	snop  }
0x4: {  	_ = 	snop  }
0x5: {  	_ = 	snop  }
0x6: {  	_ = 	snop  }
0x7: {  	_ = 	snop  }
__scs_overlays_trampoline_lowered:
0x8: {  	[smem:$0x3FAA] =	sst s0  }
0x9: {  	[smem:$0x3FAB] =	sst s1  }
0xa: {  	[smem:$0x3FAC] =	sst s2  }
0xb: {  	[smem:$0x3FAD] =	sst s3  }
0xc: {  	[smem:$0x3FAE] =	sst s4  }
0xd: {  	[smem:$0x3FAF] =	sst s5  }
0xe: {  	[smem:$0x3FB0] =	sst s6  }
0xf: {  	[smem:$0x3FB1] =	sst s7  }
0x10: {  	[smem:$0x3FB2] =	sst s8  }
0x11: {  	[smem:$0x3FB3] =	sst s9;
	s0 =	simm.s32 @!p0 $0x0  }
0x12: {  	s1 =	sld [smem:$0x3F99];
	s0 =	simm.s32 @p0 $0x1  }
0x13: {  	[smem:$0x3FB4] =	sst s0;
	s0 =	simm.s32 @!p1 $0x0  }
0x14: {  	s2 =	sld [smem:$0x3F98];
	s0 =	simm.s32 @p1 $0x1  }
0x15: {  	[smem:$0x3FB5] =	sst s0;
	s0 =	simm.s32 @!p2 $0x0  }
0x16: {  	s3 =	sld [smem:$0x3FDB];
	s0 =	simm.s32 @p2 $0x1  }
0x17: {  	s4 =	simm.s32 $0x1BF5;
	[smem:$0x3FB7] =	sst s0  }
0x18: {  	s0 =	sld [smem:$0x3F9A];
	_ =	swait.ge [sflag:s4], $0x0  }
0x19: {  	s7 =	sld [smem:$0x3F9B]  }
0x1a: {  	s8 =	sadd.s32 $0xFFFFE003, lr  }
0x1b: {  	s9 =	sadd.s32 $0xFFFFFEF7, lr;
	s5 =	simm.s32 $0xFFFFFFFF;
	p2 =	slt.u32 s8, $0xFFFFF086  }
0x1c: {  	p1 =	slt.u32 s9, $0xF7A;
	s5 =	simm.s32 @!p2 $0x0  }
0x1d: {  	s5 =	simm.s32 @p1 $0x1;
	p0 =	seq.s32 s7, s2  }
0x1e: {  	s7 =	smul.u32 @!p0 $0xF7A, s2;
	p2 =	seq.s32 @!p0 s5, $0x0  }
0x1f: {  	s9 =	smul.u32 $0xF7A, s1;
	s8 =	simm.s32 @!p0 $0x1BF5;
	p2 =	por !p2, p0  }
0x20: {  	[sflag:s8] =	ssyncset.s32 @!p0 $0xFFFFF086;
	s6 =	sadd.s32 @!p0 s3, s7;
	s7 =	simm.s32 @!p0 $0x108  }
0x21: {  	s3 =	sadd.s32 s3, s9;
	s6 =	sadd.s32 @!p0 $0x88, s6;
	s7 =	simm.s32 @p2 $0x1082  }
0x22: {  	[simem:s7], [sflag:s8] =	dma.local @!p0 [hbm:s6], $0xF7A  }
0x23: {  	s9 =	sor.u32 $0xD0000000, s2;
	s6 =	simm.s32 $0x108;
	_ =	swait.ge @!p0 [sflag:s8], $0x0  }
0x24: {  	s3 =	sadd.s32 $0x88, s3;
	s6 =	simm.s32 @!p1 $0x1082;
	[sflag:s4] =	ssyncset.s32 $0xFFFFF086  }
0x25: {  	[simem:s6], [sflag:s4] =	dma.local [hbm:s3], $0xF7A  }
0x26: {  	[smem:$0x3F9B] =	sst s1;
	(tag) =	ssettag s2;
	_ =	strace s9  }
0x27: {  	s1 =	sld [smem:$0x3FAB]  }
0x28: {  	s2 =	sld [smem:$0x3FAC]  }
0x29: {  	s4 =	sld [smem:$0x3FAE]  }
0x2a: {  	p0 =	seq.s32 s5, $0x0;
	s5 =	sld [smem:$0x3FAF]  }
0x2b: {  	s6 =	sld [smem:$0x3FB0]  }
0x2c: {  	s7 =	sld [smem:$0x3FB1]  }
0x2d: {  	s3 =	simm.s32 $0x108;
	s8 =	sld [smem:$0x3FB2]  }
0x2e: {  	s3 =	simm.s32 @!p0 $0x1082;
	s9 =	sld [smem:$0x3FB3]  }
0x2f: {  	lr =	sadd.s32 s0, s3;
	s0 =	sld [smem:$0x3FAA]  }
0x30: {  	s3 =	sld [smem:$0x3FAD]  }
0x31: {  	[smem:$0x3FB6] =	sst s10  }
0x32: {  	s10 =	sld [smem:$0x3FB4];
	_ =	sdelay $0x3  }
0x33: {  	p0 =	seq.s32 s10, $0x1;
	s10 =	sld [smem:$0x3FB6];
	_ =	sdelay $0x3  }
0x34: {  	[smem:$0x3FB6] =	sst s10  }
0x35: {  	s10 =	sld [smem:$0x3FB5];
	_ =	sdelay $0x3  }
0x36: {  	p1 =	seq.s32 s10, $0x1;
	s10 =	sld [smem:$0x3FB6];
	_ =	sdelay $0x3  }
0x37: {  	[smem:$0x3FB6] =	sst s10  }
0x38: {  	s10 =	sld [smem:$0x3FB7]  }
0x39: {  	_ = 	snop;
	(pc) =	sbr.ind lr, $3  }
0x3a: {  	_ = 	snop  }
0x3b: {  	_ = 	snop  }
0x3c: {  	p2 =	seq.s32 s10, $0x1;
	s10 =	sld [smem:$0x3FB6]  }
0x3d: {  	_ =	shalt  }
0x3e: {  	_ =	shalt  }
0x3f: {  	_ =	shalt  }
0x40: {  	_ =	shalt  }
0x41: {  	_ =	shalt  }
0x42: {  	_ =	shalt  }
0x43: {  	_ =	shalt  }
0x44: {  	_ =	shalt  }
0x45: {  	_ =	shalt  }
0x46: {  	_ =	shalt  }
0x47: {  	_ =	shalt  }
0x48: {  	_ =	shalt  }
0x49: {  	_ =	shalt  }
0x4a: {  	_ =	shalt  }
0x4b: {  	_ =	shalt  }
0x4c: {  	_ =	shalt  }
0x4d: {  	_ =	shalt  }
0x4e: {  	_ =	shalt  }
0x4f: {  	_ =	shalt  }
0x50: {  	_ =	shalt  }
0x51: {  	_ =	shalt  }
0x52: {  	_ =	shalt  }
0x53: {  	_ =	shalt  }
0x54: {  	_ =	shalt  }
0x55: {  	_ =	shalt  }
0x56: {  	_ =	shalt  }
0x57: {  	_ =	shalt  }
0x58: {  	_ =	shalt  }
0x59: {  	_ =	shalt  }
0x5a: {  	_ =	shalt  }
0x5b: {  	_ =	shalt  }
0x5c: {  	_ =	shalt  }
0x5d: {  	_ =	shalt  }
0x5e: {  	_ =	shalt  }
0x5f: {  	_ =	shalt  }
0x60: {  	_ =	shalt  }
0x61: {  	_ =	shalt  }
0x62: {  	_ =	shalt  }
0x63: {  	_ =	shalt  }
0x64: {  	_ =	shalt  }
0x65: {  	_ =	shalt  }
0x66: {  	_ =	shalt  }
0x67: {  	_ =	shalt  }
0x68: {  	_ =	shalt  }
0x69: {  	_ =	shalt  }
0x6a: {  	_ =	shalt  }
0x6b: {  	_ =	shalt  }
0x6c: {  	_ =	shalt  }
0x6d: {  	_ =	shalt  }
0x6e: {  	_ =	shalt  }
0x6f: {  	_ =	shalt  }
0x70: {  	_ =	shalt  }
0x71: {  	_ =	shalt  }
0x72: {  	_ =	shalt  }
0x73: {  	_ =	shalt  }
0x74: {  	_ =	shalt  }
0x75: {  	_ =	shalt  }
0x76: {  	_ =	shalt  }
0x77: {  	_ =	shalt  }
0x78: {  	_ =	shalt  }
0x79: {  	_ =	shalt  }
0x7a: {  	_ =	shalt  }
0x7b: {  	_ =	shalt  }
0x7c: {  	_ =	shalt  }
0x7d: {  	_ =	shalt  }
0x7e: {  	_ =	shalt  }
0x7f: {  	_ =	shalt  }
0x80: {  	_ =	shalt  }
0x81: {  	_ =	shalt  }
0x82: {  	_ =	shalt  }
0x83: {  	_ =	shalt  }
0x84: {  	_ =	shalt  }
0x85: {  	_ =	shalt  }
0x86: {  	_ =	shalt  }
0x87: {  	_ =	shalt  }
.Lfunc_end0:
.L_simem_size_0:
called_computation_lowered:
.L_overlay_start_0:
0x88: {  	s2 =	sld [smem:$0x3FD9]  }
0x89: {  	s3 =	sld [smem:$0x3FFE];
	_ =	sdelay $0x1  }
0x8a: {  	s1 =	srdreg.scid  }
0x8b: {  	s0 =	sand.u32 $0x1, s1  }
0x8c: {  	s17 =	sshll.u32 s0, $0xA;
	s2 =	sadd.s32 s3, s2  }
0x8d: {  	s2 =	sadd.s32 s2, s17  }
0x8e: {  	[smem:$0x3FC2] =	sst s2  }
0x8f: {  	_ = 	snop  }
0x90: {  	s2 =	sld [smem:$0x3FC4]  }
0x91: {  	s18 =	sld [smem:$0x3FD0];
	(tm) =	ssettm $0x1  }
0x92: {  	s4 =	sld [smem:$0x3FFB];
	_ =	sdelay $0x3  }
0x93: {  	_ =	strace s4  }
0x94: {  	s4 =	sld [smem:$0x3FFC];
	_ =	sdelay $0x3  }
0x95: {  	_ =	strace s4  }
0x96: {  	s4 =	sld [smem:$0x3FFD];
	_ =	sdelay $0x3  }
0x97: {  	_ =	strace s4  }
0x98: {  	_ =	strace $0x8FFFFFFF  }
0x99: {  	s19 =	sld [smem:$0x3FDB];
	_ =	sdelay $0x1  }
0x9a: {  	s5 =	simm.s32 $_scs_section_size  }
0x9b: {  	s6 =	simm.s32 $_size__tile_overlayer_lowered;
	s7 =	simm.s32 $_tile_overlayer_lowered  }
0x9c: {  	s22 =	simm.s32 $0x1BFF;
	s21 =	sshll.u32 s7, $0x1;
	s4 =	sadd.s32 s5, s19  }
0x9d: {  	s8 =	simm.s32 $0x0;
	s20 =	sshll.u32 s6, $0x1;
	s6 =	sadd.s32 s21, s4  }
0x9e: {  	[timem:s8], [sflag:s22] =	dma.local [hbm:s6], s20  }
0x9f: {  	_ =	swait.ge [sflag:s22], s20  }
0xa0: {  	s5 =	ssub.s32 $0x0, s20;
	[sflag:s22] =	ssyncset.done $0x0  }
0xa1: {  	[sflag:s22] =	ssyncadd.s32 s5;
	_ =	sdelay $0x1  }
0xa2: {  	s23 =	simm.s32 $0x1B8B  }
0xa3: {  	_ =	swait.ge [sflag:s23], $0x1  }
0xa4: {  	[sflag:s23] =	ssyncset.done $0x0  }
0xa5: {  	s25 =	simm.s32 $0x1B8E;
	s24 =	sld [smem:$0x3FFE];
	[sflag:s23] =	ssyncadd.s32 $0xFFFFFFFF  }
0xa6: {  	s26 =	simm.s32 $execute0_lowered;
	[smem:$0x3FD2] =	sst s25  }
0xa7: {  	s6 =	sshll.u32 s26, $0x1;
	_ =	strace $0x80000046;
	[dreg:$0x1] =	wrdreg $0xFFFFFFFF  }
0xa8: {  	s28 =	simm.s32 $_size_execute0_lowered;
	s4 =	sadd.s32 s4, s6;
	[dreg:$0x0] =	wrdreg $0x0  }
0xa9: {  	s6 =	sshll.u32 s28, $0x1;
	[dreg:$0x2] =	wrdreg s4  }
0xaa: {  	[dreg:$0x3] =	wrdreg s6  }
0xab: {  	[dreg:$0x4] =	wrdreg $0xC0  }
0xac: {  	_ =	task [dreg:s8], $0x5FFFF  }
0xad: {  	[dreg:$0x1] =	wrdreg $0xFFFFFFFF  }
0xae: {  	[dreg:$0x0] =	wrdreg $0x60  }
0xaf: {  	[dreg:$0x2] =	wrdreg s24  }
0xb0: {  	[dreg:$0x3] =	wrdreg s18  }
0xb1: {  	[dreg:$0x4] =	wrdreg s2  }
0xb2: {  	[dreg:$0x5] =	wrdreg $0x0  }
0xb3: {  	[dreg:$0x6] =	wrdreg $0x9  }
0xb4: {  	_ =	task.clear_ibuf [dreg:s8], $0x7FFFF;
	_ =	strace $0x90000046  }
0xb5: {  	s29 =	simm.s32 $0x9;
	_ =	strace $0x80000048  }
0xb6: {  	_ =	swait.ge [sflag:s29], $0x1  }
0xb7: {  	[sflag:s29] =	ssyncadd.s32 $0xFFFFFFFF  }
0xb8: {  	_ =	strace $0x90000048  }
0xb9: {  	_ =	sfence  }
0xba: {  	s30 =	sld [smem:$0x0];
	_ =	sdelay $0x2  }
0xbb: {  	s31 =	sshll.u32 s1, $0xD;
	s1 =	sshrl.u32 s1, $0x2  }
0xbc: {  	s3 =	sand.u32 $0x4000, s31;
	s1 =	sadd.s32 s1, s30  }
0xbd: {  	s0 =	sor.u32 s3, s0;
	s1 =	sshll.u32 s1, $0x11  }
0xbe: {  	s0 =	sor.u32 s1, s0  }
0xbf: {  	s0 =	sadd.s32 $0x8F2B, s0  }
0xc0: {  	[sflag:s0] =	ssyncadd.remote.s32 $0x1  }
0xc1: {  	_ =	sfence.sel $0xFFFF  }
0xc2: {  	[dreg:$0x0] =	wrdreg $0xFFFFFFFF;
	(pc) =	sbr.abs _section_cstart, $3  }
0xc3: {  	[dreg:$0x1] =	wrdreg $0xFFFFFFFF  }
0xc4: {  	_ =	task.clear_ibuf [dreg:s8], $0x2FFFF;
	_ =	strace $0x9FFFFFFF  }
0xc5: {  	(tm) =	ssettm $0x7FFFFFFF  }
tec
execute0_lowered:
.L_overlay_start_1:
0x0: {  	(tag) =	ssettag $0x1  }
0x1: {  	s0 =	rddreg [dreg:$0x0]  }
0x2: {  	s1 =	rddreg [dreg:$0x1]  }
0x3: {  	s5 =	rddreg [dreg:$0x2]  }
0x4: {  	s3 =	srdreg.scid;
	s10 =	stileid.u32  }
0x5: {  	s2 =	rddreg [dreg:$0x3];
	s16 =	simm.s32 $0x5000;
	s17 =	simm.s32 $0x3  }
0x6: {  	s20 =	simm.s32 $0xEE00;
	s21 =	simm.s32 $0x80;
	s22 =	simm.s32 $0x10E00  }
0x7: {  	s23 =	simm.s32 $0xFE00;
	s28 =	simm.s32 $0xED00;
	s4 =	smul.u32 $0x280, s10  }
0x8: {  	s29 =	simm.s32 $0xED80;
	s30 =	simm.s32 $0x0;
	s7 =	smul.u32 $0x9E0, s10  }
0x9: {  	s6 =	sand.u32 $0x1, s3;
	s3 =	simm.s32 $0x0;
	s10 =	smul.u32 $0x14000, s10  }
0xa: {  	s18 =	smul.u32 $0x2800, s6;
	[smem:$0x7FF] =	sst s3;
	s8 =	ssub.s32 $0x2, s6  }
0xb: {  	s25 =	sshll.u32 s6, $0x2;
	_ =	strace $0x80000047;
	s9 =	sshrl.u32 s8, $0x1  }
0xc: {  	s11 =	sadd.s32 s7, s0;
	s1 =	sadd.s32 s1, s7;
	s26 =	sshrl.u32 s10, $0x2  }
0xd: {  	s4 =	sadd.s32 s4, s18;
	s24 =	ssub.s32 s8, s9;
	[dreg:$0x5] =	wrdreg s1  }
0xe: {  	s31 =	sadd.s32 $0x14400, s11;
	s1 =	sadd.s32 s5, s25;
	s8 =	sadd.s32 s26, s2  }
0xf: {  	s25 =	simm.s32 $0x2;
	s26 =	simm.s32 $0x9E80;
	[dreg:$0x6] =	wrdreg s31  }
0x10: {  	s14 =	sshll.u32 s4, $0x2;
	s4 =	sadd.s32 $0x1E200, s0;
	[dreg:$0x7] =	wrdreg s1  }
0x11: {  	s9 =	sadd.s32 $0x1000, s8;
	s10 =	sadd.s32 $0x2000, s8;
	s11 =	sadd.s32 $0x3000, s8  }
0x12: {  	s12 =	sadd.s32 $0x4000, s8;
	s15 =	smax.u32 s24, $0x1;
	s13 =	sadd.s32 s14, s0  }
0x13: {  	v1 =	vimm.f32 $0.0e+00;
	v2 =	vimm.f32 $1.000000000e+00;
	v0 =	vmov s18;
	s24 =	simm.s32 $0x1;
	s14 =	sadd.s32 s4, s14;
	s13 =	sadd.s32 $0x400, s13  }
.LBB2_1:
0x14: {  	s0 =	rddreg [dreg:$0x5]  }
0x15: {  	[tilespmem:s16], [sflag:$0x3] =	stream.linear.gather [hbm4b:s0+s3], $0x4F00, $0x38;
	[tilespmem:$0x1FE20] =	vst v63  }
0x16: {  	_ =	swait.ge [sflag:s17], $0x4F00  }
0x17: {  	[sflag:s17] =	ssyncset.done $0x0  }
0x18: {  	s1 =	simm.s32 $0x9F00;
	s18 =	rddreg [dreg:$0x6];
	[sflag:s17] =	ssyncadd.s32 $0xFFFFB100  }
0x19: {  	[tilespmem:s1], [sflag:$0x3] =	stream.linear.gather [hbm4b:s18+s3], $0x4F00, $0x38;
	[tilespmem:$0x1FE20] =	vst v63  }
0x1a: {  	_ =	swait.ge [sflag:s17], $0x4F00  }
0x1b: {  	[sflag:s17] =	ssyncset.done $0x0  }
0x1c: {  	s31 =	simm.s32 $0x1FE00;
	s19 =	rddreg [dreg:$0x7];
	[sflag:s17] =	ssyncadd.s32 $0xFFFFB100  }
0x1d: {  	[tilespmem:s31], [sflag:$0x3] =	stream.linear.gather [hbm4b:s19+s3], $0x20, $0x38;
	[tilespmem:$0x1FE20] =	vst v63  }
0x1e: {  	_ =	swait.ge [sflag:s17], $0x20  }
0x1f: {  	[sflag:s17] =	ssyncset.done $0x0  }
0x20: {  	s0 =	simm.s32 $0x0;
	[sflag:s17] =	ssyncadd.s32 $0xFFFFFFE0  }
0x21: {  	v5 =	vld [tilespmem:s0+$0x5000]  }
0x22: {  	v7 =	vld [tilespmem:s0+$0x5010]  }
0x23: {  	v6 =	vld [tilespmem:s0+$0x5020]  }
0x24: {  	v4 =	vld [tilespmem:s0+$0x5030]  }
0x25: {  	v3 =	vld [tilespmem:s0+$0x5040]  }
0x26: {  	v8 =	vadd.s32 v0, v5;
	v5 =	vld [tilespmem:s0+$0x5050]  }
0x27: {  	s1 =	simm.s32 $0x200;
	[tilespmem:s0+$0x5000] =	vst v8;
	v8 =	vadd.s32 v0, v7;
	v7 =	vld [tilespmem:s0+$0x5060]  }
.LBB2_2:
0x28: {  	s5 =	sshra.s32 s1, $0x2;
	p0 =	sne.s32 s1, $0x13A00;
	[tilespmem:s0+$0x5010] =	vst v8;
	v6 =	vadd.s32 v0, v6;
	v8 =	vld [tilespmem:s0+$0x5070]  }
0x29: {  	v9 =	vld [tilespmem:s5+$0x5000];
	[tilespmem:s0+$0x5020] =	vst v6;
	v4 =	vadd.s32 v0, v4  }
0x2a: {  	v10 =	vld [tilespmem:s5+$0x5010];
	[tilespmem:s0+$0x5030] =	vst v4;
	v3 =	vadd.s32 v0, v3  }
.Ltmp0:
0x2b: {  	v6 =	vld [tilespmem:s5+$0x5020];
	[tilespmem:s0+$0x5040] =	vst v3;
	v3 =	vadd.s32 v0, v5;
	(pc) =	sbr.rel @p0 .LBB2_2-.Ltmp0, $4  }
0x2c: {  	v4 =	vld [tilespmem:s5+$0x5030];
	[tilespmem:s0+$0x5050] =	vst v3;
	v5 =	vadd.s32 v0, v7  }
0x2d: {  	v3 =	vld [tilespmem:s5+$0x5040];
	[tilespmem:s0+$0x5060] =	vst v5;
	v7 =	vadd.s32 v0, v8  }
0x2e: {  	v8 =	vadd.s32 v0, v9;
	v5 =	vld [tilespmem:s5+$0x5050];
	[tilespmem:s0+$0x5070] =	vst v7;
	s0 =	smov.u32 s5  }
0x2f: {  	s1 =	sadd.s32 $0x200, s1;
	[tilespmem:s0+$0x5000] =	vst v8;
	v8 =	vadd.s32 v0, v10;
	v7 =	vld [tilespmem:s0+$0x5060]  }
0x30: {  	[tilespmem:s0+$0x5010] =	vst v8;
	v6 =	vadd.s32 v0, v6;
	v63 =	vld [tilespmem:s0+$0x5070]  }
0x31: {  	[tilespmem:s0+$0x5020] =	vst v6;
	v4 =	vadd.s32 v0, v4  }
0x32: {  	[tilespmem:s0+$0x5030] =	vst v4;
	v3 =	vadd.s32 v0, v3  }
0x33: {  	[tilespmem:s0+$0x5040] =	vst v3;
	v3 =	vadd.s32 v0, v5  }
0x34: {  	[tilespmem:s0+$0x5050] =	vst v3;
	v3 =	vadd.s32 v0, v7  }
0x35: {  	[tilespmem:s0+$0x5060] =	vst v3;
	v3 =	vadd.s32 v0, v63  }
0x36: {  	s1 =	simm.s32 $0x0;
	[tilespmem:s0+$0x5070] =	vst v3;
	s0 =	simm.s32 $0x80  }
.LBB2_4:
0x37: {  	p0 =	sne.s32 s0, $0x3F80;
	[tilespmem:s1+$0xEE00] =	vst v1;
	s5 =	smov.u32 s0;
	s0 =	sadd.s32 $0x80, s0  }
.Ltmp1:
0x38: {  	[tilespmem:s1+$0xEE10] =	vst v1;
	(pc) =	sbr.rel @p0 .LBB2_4-.Ltmp1, $2  }
0x39: {  	_ =	sdelay $0x2  }
0x3a: {  	s1 =	sshra.s32 s5, $0x2  }
0x3b: {  	[tilespmem:s1+$0xEE00] =	vst v1  }
0x3c: {  	[tilespmem:s1+$0xEE10] =	vst v1  }
0x3d: {  	[spmem:s8] =	stream.linear.scatter [tilespmem:s20], [sflag:$0x3], $0x1000, $0x38;
	[tilespmem:$0x1FE20] =	vst v63  }
0x3e: {  	_ =	swait.ge [sflag:s17], $0x1000  }
0x3f: {  	[sflag:s17] =	ssyncset.done $0x0  }
0x40: {  	[sflag:s17] =	ssyncadd.s32 $0xFFFFF000  }
0x41: {  	[spmem:s9] =	stream.linear.scatter [tilespmem:s20], [sflag:$0x3], $0x1000, $0x38;
	[tilespmem:$0x1FE20] =	vst v63  }
0x42: {  	_ =	swait.ge [sflag:s17], $0x1000  }
0x43: {  	[sflag:s17] =	ssyncset.done $0x0  }
0x44: {  	[sflag:s17] =	ssyncadd.s32 $0xFFFFF000  }
0x45: {  	[spmem:s10] =	stream.linear.scatter [tilespmem:s20], [sflag:$0x3], $0x1000, $0x38;
	[tilespmem:$0x1FE20] =	vst v63  }
0x46: {  	_ =	swait.ge [sflag:s17], $0x1000  }
0x47: {  	[sflag:s17] =	ssyncset.done $0x0  }
0x48: {  	[sflag:s17] =	ssyncadd.s32 $0xFFFFF000  }
0x49: {  	[spmem:s11] =	stream.linear.scatter [tilespmem:s20], [sflag:$0x3], $0x1000, $0x38;
	[tilespmem:$0x1FE20] =	vst v63  }
0x4a: {  	_ =	swait.ge [sflag:s17], $0x1000  }
0x4b: {  	[sflag:s17] =	ssyncset.done $0x0  }
0x4c: {  	[sflag:s17] =	ssyncadd.s32 $0xFFFFF000  }
0x4d: {  	[spmem:s12] =	stream.linear.scatter [tilespmem:s20], [sflag:$0x3], $0x1000, $0x38;
	[tilespmem:$0x1FE20] =	vst v63  }
0x4e: {  	_ =	swait.ge [sflag:s17], $0x1000  }
0x4f: {  	[sflag:s17] =	ssyncset.done $0x0  }
0x50: {  	[sflag:s17] =	ssyncadd.s32 $0xFFFFF000  }
0x51: {  	s0 =	simm.s32 $0x80;
	s1 =	simm.s32 $0x0;
	[bflag:$0x0] =	sbarrier.arrive $0xFFFF  }
.LBB2_6:
0x52: {  	p0 =	sne.s32 s0, $0x3F80;
	[tilespmem:s1+$0xEE00] =	vst v2;
	s5 =	smov.u32 s0;
	s0 =	sadd.s32 $0x80, s0  }
.Ltmp2:
0x53: {  	[tilespmem:s1+$0xEE10] =	vst v2;
	(pc) =	sbr.rel @p0 .LBB2_6-.Ltmp2, $2  }
0x54: {  	_ =	sdelay $0x2  }
0x55: {  	s1 =	sshra.s32 s5, $0x2  }
0x56: {  	[tilespmem:s1+$0xEE00] =	vst v2  }
0x57: {  	[tilespmem:s1+$0xEE10] =	vst v2;
	s0 =	simm.s32 $0x9F00  }
0x58: {  	[spmem:s2] =	stream.indirect.scatter.add.f32 [tilespmem:s20], [sflag:$0x3], $0x20, s0, s21, $0xb8;
	[tilespmem:$0x1FE20] =	vst v63  }
0x59: {  	s0 =	simm.s32 $0x200;
	_ =	swait.ge [sflag:s17], $0x1000  }
.LBB2_8:
0x5a: {  	s1 =	sshra.s32 s0, $0x2;
	[sflag:s17] =	ssyncset.done $0x0;
	p0 =	sne.s32 s0, $0x13A00  }
.Ltmp3:
0x5b: {  	s1 =	sadd.s32 $0x9F00, s1;
	[sflag:s17] =	ssyncadd.s32 $0xFFFFF000;
	(pc) =	sbr.rel @p0 .LBB2_8-.Ltmp3, $3  }
0x5c: {  	[spmem:s2] =	stream.indirect.scatter.add.f32 [tilespmem:s20], [sflag:$0x3], $0x20, s1, s21, $0xb8;
	[tilespmem:$0x1FE20] =	vst v63  }
0x5d: {  	s0 =	sadd.s32 $0x200, s0;
	_ =	sdelay $0x1  }
0x5e: {  	_ =	swait.ge [sflag:s17], $0x1000  }
0x5f: {  	[sflag:s17] =	ssyncset.done $0x0  }
0x60: {  	[sflag:s17] =	ssyncadd.s32 $0xFFFFF000  }
0x61: {  	[bflag:$0x0] =	sbarrier.arrive $0xFFFF  }
0x62: {  	[tilespmem:s22], [sflag:$0x3] =	stream.linear.gather [spmem:s8], $0x5000, $0x38;
	[tilespmem:$0x1FE20] =	vst v63  }
0x63: {  	_ =	swait.ge [sflag:s17], $0x5000  }
0x64: {  	[sflag:s17] =	ssyncset.done $0x0  }
0x65: {  	s0 =	simm.s32 $0x80;
	s1 =	simm.s32 $0x0;
	[sflag:s17] =	ssyncadd.s32 $0xFFFFB000  }
.LBB2_10:
0x66: {  	p0 =	sne.s32 s0, $0x3F80;
	[tilespmem:s1+$0xEE00] =	vst v1;
	s5 =	smov.u32 s0;
	s0 =	sadd.s32 $0x80, s0  }
.Ltmp4:
0x67: {  	[tilespmem:s1+$0xEE10] =	vst v1;
	(pc) =	sbr.rel @p0 .LBB2_10-.Ltmp4, $2  }
0x68: {  	_ =	sdelay $0x2  }
0x69: {  	s1 =	sshra.s32 s5, $0x2  }
0x6a: {  	[tilespmem:s1+$0xEE00] =	vst v1  }
0x6b: {  	[tilespmem:s1+$0xEE10] =	vst v1  }
0x6c: {  	[spmem:s8] =	stream.linear.scatter [tilespmem:s20], [sflag:$0x3], $0x1000, $0x38;
	[tilespmem:$0x1FE20] =	vst v63  }
0x6d: {  	_ =	swait.ge [sflag:s17], $0x1000  }
0x6e: {  	[sflag:s17] =	ssyncset.done $0x0  }
0x6f: {  	[sflag:s17] =	ssyncadd.s32 $0xFFFFF000  }
0x70: {  	[spmem:s9] =	stream.linear.scatter [tilespmem:s20], [sflag:$0x3], $0x1000, $0x38;
	[tilespmem:$0x1FE20] =	vst v63  }
0x71: {  	_ =	swait.ge [sflag:s17], $0x1000  }
0x72: {  	[sflag:s17] =	ssyncset.done $0x0  }
0x73: {  	[sflag:s17] =	ssyncadd.s32 $0xFFFFF000  }
0x74: {  	[spmem:s10] =	stream.linear.scatter [tilespmem:s20], [sflag:$0x3], $0x1000, $0x38;
	[tilespmem:$0x1FE20] =	vst v63  }
0x75: {  	_ =	swait.ge [sflag:s17], $0x1000  }
0x76: {  	[sflag:s17] =	ssyncset.done $0x0  }
0x77: {  	[sflag:s17] =	ssyncadd.s32 $0xFFFFF000  }
0x78: {  	[spmem:s11] =	stream.linear.scatter [tilespmem:s20], [sflag:$0x3], $0x1000, $0x38;
	[tilespmem:$0x1FE20] =	vst v63  }
0x79: {  	_ =	swait.ge [sflag:s17], $0x1000  }
0x7a: {  	[sflag:s17] =	ssyncset.done $0x0  }
0x7b: {  	[sflag:s17] =	ssyncadd.s32 $0xFFFFF000  }
0x7c: {  	[spmem:s12] =	stream.linear.scatter [tilespmem:s20], [sflag:$0x3], $0x1000, $0x38;
	[tilespmem:$0x1FE20] =	vst v63  }
0x7d: {  	_ =	swait.ge [sflag:s17], $0x1000  }
0x7e: {  	[sflag:s17] =	ssyncset.done $0x0  }
0x7f: {  	s0 =	simm.s32 $0x0;
	[sflag:s17] =	ssyncadd.s32 $0xFFFFF000  }
0x80: {  	v3 =	vld [tilespmem:s0+$0x10E10];
	_ =	sdelay $0x1  }
0x81: {  	s31 =	simm.s32 $0x20  }
0x82: {  	v4 =	vld [tilespmem:s31+$0x10E10];
	_ =	sdelay $0x1  }
0x83: {  	v5 =	vld [tilespmem:s0+$0x10E00];
	v3 =	vmax.f32 v3, $1.000000000e+00  }
0x84: {  	v6 =	vshrl.u32 v3, $0x1;
	v7 =	vmul.f32 $5.000000000e-01, v3  }
0x85: {  	v3 =	vsub.s32 $0x5F3759DF, v6  }
0x86: {  	v8 =	vld [tilespmem:s31+$0x10E00];
	v4 =	vmax.f32 v4, $1.000000000e+00;
	v6 =	vmul.f32 v3, v7  }
0x87: {  	s1 =	simm.s32 $0x40;
	v9 =	vshrl.u32 v4, $0x1;
	v15 =	vmul.f32 $5.000000000e-01, v4  }
0x88: {  	v4 =	vmax.f32 v5, $1.000000000e+00;
	v5 =	vsub.s32 $0x5F3759DF, v9;
	v9 =	vld [tilespmem:s1+$0x10E10];
	v6 =	vmul.f32 v3, v6  }
0x89: {  	v11 =	vmul.f32 v5, v15  }
0x8a: {  	v10 =	vshrl.u32 v4, $0x1;
	v14 =	vmul.f32 $5.000000000e-01, v4;
	v6 =	vsub.f32 $1.500000000e+00, v6  }
0x8b: {  	v4 =	vmax.f32 v8, $1.000000000e+00;
	v10 =	vsub.s32 $0x5F3759DF, v10;
	v11 =	vmul.f32 v5, v11  }
0x8c: {  	v17 =	vmul.f32 $5.000000000e-01, v4;
	v8 =	vmul.f32 v3, v6;
	v3 =	vshrl.u32 v4, $0x1  }
0x8d: {  	v11 =	vsub.f32 $1.500000000e+00, v11;
	v6 =	vld [tilespmem:s1+$0x10E00];
	v4 =	vmax.f32 v9, $1.000000000e+00;
	v13 =	vsub.s32 $0x5F3759DF, v3  }
0x8e: {  	v3 =	vmul.f32 v10, v14;
	v9 =	vshrl.u32 v4, $0x1;
	v4 =	vmul.f32 $5.000000000e-01, v4  }
0x8f: {  	s18 =	simm.s32 $0x60;
	v16 =	vmul.f32 v5, v11;
	v12 =	vmul.f32 v8, v7;
	v5 =	vsub.s32 $0x5F3759DF, v9  }
0x90: {  	v9 =	vld [tilespmem:s18+$0x10E10];
	v3 =	vmul.f32 v10, v3;
	v18 =	vmul.f32 v5, v4  }
0x91: {  	v19 =	vmul.f32 v16, v15;
	v12 =	vmul.f32 v12, v8  }
0x92: {  	v20 =	vld [tilespmem:s18+$0x10E00];
	v11 =	vmax.f32 v6, $1.000000000e+00;
	v3 =	vsub.f32 $1.500000000e+00, v3;
	v18 =	vmul.f32 v5, v18  }
0x93: {  	v12 =	vsub.f32 $1.500000000e+00, v12;
	v6 =	vmul.f32 $5.000000000e-01, v11;
	v11 =	vshrl.u32 v11, $0x1  }
0x94: {  	v10 =	vmul.f32 v10, v3;
	v21 =	vsub.s32 $0x5F3759DF, v11;
	v3 =	vmul.f32 v13, v17  }
0x95: {  	v11 =	vmul.f32 v19, v16;
	v18 =	vsub.f32 $1.500000000e+00, v18;
	v9 =	vmax.f32 v9, $1.000000000e+00  }
0x96: {  	v23 =	vshrl.u32 v9, $0x1;
	v19 =	vmul.f32 v10, v14;
	v22 =	vmul.f32 v13, v3  }
0x97: {  	v3 =	vmul.f32 $5.000000000e-01, v9;
	v9 =	vmul.f32 v5, v18;
	v18 =	vmax.f32 v20, $1.000000000e+00  }
0x98: {  	v24 =	vsub.f32 $1.500000000e+00, v11;
	v5 =	vmul.f32 $5.000000000e-01, v18  }
0x99: {  	v11 =	vmul.f32 v19, v10;
	v19 =	vsub.s32 $0x5F3759DF, v23;
	v23 =	vmul.f32 v12, v8  }
0x9a: {  	s19 =	simm.s32 $0x80;
	v12 =	vshrl.u32 v18, $0x1;
	v18 =	vmul.f32 v21, v6;
	v25 =	vmul.f32 v9, v4  }
0x9b: {  	v8 =	vld [tilespmem:s19+$0x10E10];
	v16 =	vmul.f32 v24, v16;
	v20 =	vmul.f32 v19, v3  }
0x9c: {  	v11 =	vsub.f32 $1.500000000e+00, v11;
	v7 =	vmul.f32 v23, v7;
	v18 =	vmul.f32 v21, v18  }
0x9d: {  	v22 =	vsub.f32 $1.500000000e+00, v22;
	v15 =	vmul.f32 v16, v15;
	v20 =	vmul.f32 v19, v20  }
0x9e: {  	v26 =	vld [tilespmem:s19+$0x10E00];
	v12 =	vsub.s32 $0x5F3759DF, v12;
	v27 =	vmul.f32 v11, v10;
	v10 =	vmul.f32 v25, v9  }
0x9f: {  	v25 =	vmul.f32 v7, v23;
	v18 =	vsub.f32 $1.500000000e+00, v18;
	v11 =	vsub.f32 $1.500000000e+00, v20  }
0xa0: {  	v20 =	vmul.f32 v13, v22;
	v8 =	vmax.f32 v8, $1.000000000e+00;
	v13 =	vsub.f32 $1.500000000e+00, v10  }
0xa1: {  	v14 =	vmul.f32 v27, v14;
	v22 =	vshrl.u32 v8, $0x1;
	v7 =	vmul.f32 $5.000000000e-01, v8  }
0xa2: {  	v10 =	vmul.f32 v19, v11;
	v11 =	vmul.f32 v20, v17;
	v28 =	vsub.s32 $0x5F3759DF, v22  }
0xa3: {  	s5 =	simm.s32 $0xA0;
	v24 =	vsub.f32 $1.500000000e+00, v25;
	v19 =	vmax.f32 v26, $1.000000000e+00;
	v22 =	vmul.f32 v28, v7  }
0xa4: {  	v25 =	vld [tilespmem:s5+$0x10E10];
	v8 =	vshrl.u32 v19, $0x1;
	v29 =	vmul.f32 v14, v27;
	v26 =	vmul.f32 v11, v20  }
0xa5: {  	v33 =	vmul.f32 v24, v23;
	v24 =	vmul.f32 v15, v16;
	v11 =	vsub.s32 $0x5F3759DF, v8  }
0xa6: {  	v30 =	vld [tilespmem:s5+$0x10E00];
	v8 =	vmul.f32 $5.000000000e-01, v19;
	v22 =	vmul.f32 v28, v22;
	v14 =	vsub.f32 $1.500000000e+00, v26  }
0xa7: {  	v19 =	vmul.f32 v12, v5;
	v29 =	vsub.f32 $1.500000000e+00, v29;
	v26 =	vmul.f32 v10, v3  }
0xa8: {  	v31 =	vsub.f32 $1.500000000e+00, v22;
	v14 =	vmul.f32 v14, v20;
	v20 =	vmul.f32 v21, v18  }
0xa9: {  	v22 =	vmul.f32 v12, v19;
	v26 =	vmul.f32 v26, v10;
	v18 =	vmax.f32 v25, $1.000000000e+00  }
0xaa: {  	v23 =	vshrl.u32 v18, $0x1;
	v15 =	vmul.f32 $5.000000000e-01, v18;
	v21 =	vmul.f32 v20, v6  }
0xab: {  	v19 =	vsub.f32 $1.500000000e+00, v26;
	v32 =	vmul.f32 v14, v17;
	v26 =	vmax.f32 v30, $1.000000000e+00  }
0xac: {  	v17 =	vmul.f32 v28, v31;
	v25 =	vshrl.u32 v26, $0x1;
	v28 =	vmul.f32 v21, v20  }
0xad: {  	v18 =	vsub.s32 $0x5F3759DF, v25;
	v21 =	vsub.s32 $0x5F3759DF, v23;
	v23 =	vmul.f32 v29, v27  }
0xae: {  	s6 =	simm.s32 $0x300;
	[tilespmem:s0+$0x15E10] =	vst v33;
	v25 =	vmul.f32 v32, v14;
	v27 =	vmul.f32 v21, v15;
	v28 =	vsub.f32 $1.500000000e+00, v28  }
.LBB2_12:
0xaf: {  	s7 =	sshra.s32 s6, $0x2;
	p0 =	sne.s32 s6, $0x13F80;
	s6 =	sadd.s32 $0x80, s6;
	v26 =	vmul.f32 $5.000000000e-01, v26;
	v29 =	vmul.f32 v13, v9;
	v24 =	vsub.f32 $1.500000000e+00, v24;
	[tilespmem:s0+$0x15E00] =	vst v23;
	v13 =	vmovc v19;
	v9 =	vmovc v10  }
0xb0: {  	v19 =	vmul.f32 v11, v8;
	v30 =	vmul.f32 v17, v7;
	v31 =	vsub.f32 $1.500000000e+00, v22;
	v10 =	vmovc v17;
	s0 =	smov.u32 s31;
	s31 =	smov.u32 s1;
	s1 =	smov.u32 s18;
	v23 =	vld [tilespmem:s7+$0x10E10]  }
0xb1: {  	s18 =	smov.u32 s19;
	s19 =	smov.u32 s5;
	v17 =	vmul.f32 v21, v27;
	v27 =	vmul.f32 v28, v20;
	v25 =	vsub.f32 $1.500000000e+00, v25;
	s5 =	smov.u32 s7;
	v32 =	vld [tilespmem:s7+$0x10E00]  }
0xb2: {  	v28 =	vmul.f32 v30, v10;
	v30 =	vmul.f32 v29, v4;
	v4 =	vmovc v3;
	v3 =	vmovc v7;
	v7 =	vmov v15  }
0xb3: {  	v22 =	vmul.f32 v11, v19;
	v20 =	vmul.f32 v12, v31;
	v12 =	vmovc v11;
	v11 =	vmovc v18;
	v15 =	vsub.f32 $1.500000000e+00, v17  }
0xb4: {  	v18 =	vmul.f32 v24, v16;
	v31 =	vmul.f32 v27, v6;
	v6 =	vmovc v5;
	v5 =	vmovc v8;
	v19 =	vsub.f32 $1.500000000e+00, v28  }
.Ltmp5:
0xb5: {  	v16 =	vmovc v29;
	v8 =	vmovc v26;
	v17 =	vmul.f32 v21, v15;
	v21 =	vmul.f32 v20, v6;
	v23 =	vmax.f32 v23, $1.000000000e+00;
	(pc) =	sbr.rel @p0 .LBB2_12-.Ltmp5, $4  }
0xb6: {  	v24 =	vmul.f32 v30, v16;
	v26 =	vmax.f32 v32, $1.000000000e+00;
	v28 =	vshrl.u32 v23, $0x1;
	[tilespmem:s0+$0x15E10] =	vst v18  }
0xb7: {  	v15 =	vmul.f32 $5.000000000e-01, v23;
	v29 =	vmul.f32 v21, v20;
	v18 =	vshrl.u32 v26, $0x1  }
0xb8: {  	v23 =	vmul.f32 v25, v14;
	v14 =	vmovc v27;
	v21 =	vsub.s32 $0x5F3759DF, v28;
	v18 =	vsub.s32 $0x5F3759DF, v18  }
0xb9: {  	v25 =	vmul.f32 v31, v14;
	v27 =	vmul.f32 v21, v15;
	v28 =	vsub.f32 $1.500000000e+00, v29  }
0xba: {  	v26 =	vmul.f32 $5.000000000e-01, v26;
	v9 =	vmul.f32 v13, v9  }
0xbb: {  	v45 =	vmul.f32 v17, v7;
	v46 =	vmul.f32 v11, v8  }
0xbc: {  	v22 =	vsub.f32 $1.500000000e+00, v22;
	v10 =	vmul.f32 v19, v10;
	v20 =	vmul.f32 v28, v20  }
0xbd: {  	v47 =	vsub.f32 $1.500000000e+00, v24;
	v27 =	vmul.f32 v21, v27;
	v13 =	vmul.f32 v45, v17  }
0xbe: {  	v12 =	vmul.f32 v12, v22;
	v4 =	vmul.f32 v9, v4  }
0xbf: {  	v25 =	vsub.f32 $1.500000000e+00, v25;
	v48 =	vmul.f32 v11, v46;
	v16 =	vmul.f32 v47, v16  }
0xc0: {  	v50 =	vmul.f32 v18, v26;
	v3 =	vmul.f32 v10, v3  }
0xc1: {  	v27 =	vsub.f32 $1.500000000e+00, v27;
	v6 =	vmul.f32 v20, v6;
	v14 =	vmul.f32 v25, v14  }
0xc2: {  	v49 =	vmul.f32 v12, v5;
	v24 =	vsub.f32 $1.500000000e+00, v48;
	v22 =	vmul.f32 v18, v50  }
0xc3: {  	v4 =	vmul.f32 v4, v9;
	v3 =	vmul.f32 v3, v10  }
0xc4: {  	v51 =	vmul.f32 v21, v27;
	v11 =	vmul.f32 v11, v24;
	v54 =	vsub.f32 $1.500000000e+00, v22  }
0xc5: {  	v13 =	vsub.f32 $1.500000000e+00, v13;
	v6 =	vmul.f32 v6, v20;
	v52 =	vmul.f32 v49, v12  }
0xc6: {  	v24 =	vmul.f32 v11, v8;
	v56 =	vmul.f32 v18, v54  }
0xc7: {  	v13 =	vmul.f32 v13, v17;
	v55 =	vmul.f32 v51, v15;
	v53 =	vsub.f32 $1.500000000e+00, v52  }
0xc8: {  	v4 =	vsub.f32 $1.500000000e+00, v4;
	v58 =	vmul.f32 v24, v11;
	v59 =	vmul.f32 v56, v26  }
0xc9: {  	v6 =	vsub.f32 $1.500000000e+00, v6;
	v57 =	vmul.f32 v55, v51;
	v12 =	vmul.f32 v53, v12  }
0xca: {  	v4 =	vmul.f32 v4, v9;
	v9 =	vsub.f32 $1.500000000e+00, v58;
	v60 =	vmul.f32 v59, v56  }
0xcb: {  	v7 =	vmul.f32 v13, v7;
	v19 =	vsub.f32 $1.500000000e+00, v57;
	v5 =	vmul.f32 v12, v5  }
0xcc: {  	v6 =	vmul.f32 v6, v20;
	v9 =	vmul.f32 v9, v11;
	v11 =	vsub.f32 $1.500000000e+00, v60  }
0xcd: {  	v61 =	vmul.f32 v19, v51;
	v5 =	vmul.f32 v5, v12  }
0xce: {  	[tilespmem:s0+$0x15E00] =	vst v23;
	v8 =	vmul.f32 v9, v8;
	v11 =	vmul.f32 v11, v56  }
0xcf: {  	[tilespmem:s31+$0x15E10] =	vst v16;
	v3 =	vsub.f32 $1.500000000e+00, v3;
	v7 =	vmul.f32 v7, v13;
	v62 =	vmul.f32 v61, v15  }
0xd0: {  	[tilespmem:s31+$0x15E00] =	vst v14;
	v5 =	vsub.f32 $1.500000000e+00, v5;
	v8 =	vmul.f32 v8, v9;
	v63 =	vmul.f32 v11, v26  }
0xd1: {  	v3 =	vmul.f32 v3, v10;
	[tilespmem:s1+$0x15E10] =	vst v4;
	v4 =	vsub.f32 $1.500000000e+00, v7;
	v7 =	vmul.f32 v62, v61  }
0xd2: {  	[tilespmem:s1+$0x15E00] =	vst v6;
	v5 =	vmul.f32 v5, v12;
	v6 =	vsub.f32 $1.500000000e+00, v8;
	v8 =	vmul.f32 v63, v11  }
0xd3: {  	[tilespmem:s18+$0x15E10] =	vst v3;
	v3 =	vmul.f32 v4, v13;
	v4 =	vsub.f32 $1.500000000e+00, v7  }
0xd4: {  	[tilespmem:s18+$0x15E00] =	vst v5;
	v5 =	vmul.f32 v6, v9;
	v6 =	vsub.f32 $1.500000000e+00, v8  }
0xd5: {  	[tilespmem:s19+$0x15E10] =	vst v3;
	v3 =	vmul.f32 v4, v61  }
0xd6: {  	[tilespmem:s19+$0x15E00] =	vst v5;
	v4 =	vmul.f32 v6, v11  }
0xd7: {  	[tilespmem:s5+$0x15E10] =	vst v3  }
0xd8: {  	s31 =	simm.s32 $0x0;
	[tilespmem:s5+$0x15E00] =	vst v4  }
0xd9: {  	[tilespmem:s22], [sflag:$0x3] =	stream.linear.gather [hbm4b:s13+s31], $0x5000, $0x38;
	[tilespmem:$0x1FE20] =	vst v63  }
0xda: {  	_ =	swait.ge [sflag:s17], $0x5000  }
0xdb: {  	[sflag:s17] =	ssyncset.done $0x0  }
0xdc: {  	s0 =	simm.s32 $0x0;
	[sflag:s17] =	ssyncadd.s32 $0xFFFFB000  }
0xdd: {  	v5 =	vld [tilespmem:s0+$0x15E00]  }
0xde: {  	v4 =	vld [tilespmem:s0+$0x15E10]  }
0xdf: {  	v3 =	vld [tilespmem:s0+$0x10E00]  }
0xe0: {  	v9 =	vld [tilespmem:s0+$0x10E10];
	_ =	sdelay $0x3  }
0xe1: {  	s1 =	simm.s32 $0x20;
	v6 =	vmul.f32 $1.000000010e-01, v3;
	v8 =	vmul.f32 v5, v3  }
0xe2: {  	s5 =	simm.s32 $0x100;
	v3 =	vld [tilespmem:s1+$0x15E00];
	v7 =	vmul.f32 $1.000000010e-01, v9;
	v9 =	vmul.f32 v4, v9  }
.LBB2_14:
0xe3: {  	p0 =	sne.s32 s5, $0x13F80;
	v10 =	vld [tilespmem:s1+$0x15E10];
	v5 =	vmul.f32 v5, v6;
	[tilespmem:s0+$0x10E00] =	vst v8  }
0xe4: {  	v8 =	vld [tilespmem:s1+$0x10E00];
	v4 =	vmul.f32 v4, v7;
	[tilespmem:s0+$0x10E10] =	vst v9  }
0xe5: {  	v9 =	vld [tilespmem:s1+$0x10E10];
	[tilespmem:s0+$0x1AE00] =	vst v5  }
.Ltmp6:
0xe6: {  	[tilespmem:s0+$0x1AE10] =	vst v4;
	s0 =	smov.u32 s1;
	(pc) =	sbr.rel @p0 .LBB2_14-.Ltmp6, $4  }
0xe7: {  	v5 =	vmov v3  }
0xe8: {  	v4 =	vmov v10  }
0xe9: {  	s1 =	sshra.s32 s5, $0x2;
	v6 =	vmul.f32 $1.000000010e-01, v8;
	v8 =	vmul.f32 v5, v8  }
0xea: {  	s5 =	sadd.s32 $0x80, s5;
	v3 =	vld [tilespmem:s1+$0x15E00];
	v7 =	vmul.f32 $1.000000010e-01, v9;
	v9 =	vmul.f32 v4, v9  }
0xeb: {  	v10 =	vld [tilespmem:s1+$0x15E10];
	[tilespmem:s0+$0x10E00] =	vst v8  }
0xec: {  	v8 =	vld [tilespmem:s1+$0x10E00];
	[tilespmem:s0+$0x10E10] =	vst v9  }
0xed: {  	v9 =	vld [tilespmem:s1+$0x10E10];
	_ =	sdelay $0x1  }
0xee: {  	v5 =	vmul.f32 v5, v6  }
0xef: {  	v4 =	vmul.f32 v4, v7  }
0xf0: {  	[tilespmem:s0+$0x1AE00] =	vst v5;
	v60 =	vmul.f32 $1.000000010e-01, v8;
	v61 =	vmul.f32 v3, v8  }
0xf1: {  	[tilespmem:s0+$0x1AE10] =	vst v4;
	v62 =	vmul.f32 $1.000000010e-01, v9;
	v63 =	vmul.f32 v10, v9  }
0xf2: {  	v3 =	vmul.f32 v3, v60;
	[tilespmem:s1+$0x10E00] =	vst v61  }
0xf3: {  	v4 =	vmul.f32 v10, v62;
	[tilespmem:s1+$0x10E10] =	vst v63  }
0xf4: {  	[tilespmem:s1+$0x1AE00] =	vst v3  }
0xf5: {  	s0 =	simm.s32 $0x0;
	[tilespmem:s1+$0x1AE10] =	vst v4  }
0xf6: {  	[hbm4b:s14+s0] =	stream.linear.scatter [tilespmem:s22], [sflag:$0x3], $0x5000, $0x38;
	[tilespmem:$0x1FE20] =	vst v63  }
0xf7: {  	_ =	swait.ge [sflag:s17], $0x5000  }
0xf8: {  	[sflag:s17] =	ssyncset.done $0x0  }
0xf9: {  	[sflag:s17] =	ssyncadd.s32 $0xFFFFB000  }
0xfa: {  	[bflag:$0x0] =	sbarrier.arrive $0xFFFF  }
.LBB2_16:
0xfb: {  	[tilespmem:s20], [sflag:$0x1] =	stream.indirect.gather [hbm4b:s4+s21], $0x20, s16, s21, $0xb8;
	[tilespmem:$0x1FE20] =	vst v63  }
0xfc: {  	s1 =	simm.s32 $0x5080  }
0xfd: {  	[tilespmem:s23], [sflag:$0x2] =	stream.indirect.gather [hbm4b:s4+s21], $0x20, s1, s21, $0xb8;
	[tilespmem:$0x1FE20] =	vst v63  }
0xfe: {  	_ =	swait.ge [sflag:s24], $0x1000  }
0xff: {  	[sflag:s24] =	ssyncset.done $0x0  }
0x100: {  	s18 =	simm.s32 $0x9F00;
	[sflag:s24] =	ssyncadd.s32 $0xFFFFF000  }
0x101: {  	[spmem:s2] =	stream.indirect.scatter.add.f32 [tilespmem:s20], [sflag:$0x3], $0x20, s18, s21, $0xb8;
	[tilespmem:$0x1FE20] =	vst v63  }
0x102: {  	_ =	swait.ge [sflag:s17], $0x1000  }
0x103: {  	[sflag:s17] =	ssyncset.done $0x0  }
0x104: {  	s19 =	simm.s32 $0x5100;
	[sflag:s17] =	ssyncadd.s32 $0xFFFFF000  }
0x105: {  	[tilespmem:s20], [sflag:$0x1] =	stream.indirect.gather [hbm4b:s4+s21], $0x20, s19, s21, $0xb8;
	[tilespmem:$0x1FE20] =	vst v63  }
0x106: {  	_ =	swait.ge [sflag:s25], $0x1000  }
0x107: {  	[sflag:s25] =	ssyncset.done $0x0  }
0x108: {  	s31 =	simm.s32 $0x9F80;
	[sflag:s25] =	ssyncadd.s32 $0xFFFFF000  }
0x109: {  	[spmem:s2] =	stream.indirect.scatter.add.f32 [tilespmem:s23], [sflag:$0x3], $0x20, s31, s21, $0xb8;
	[tilespmem:$0x1FE20] =	vst v63  }
0x10a: {  	_ =	swait.ge [sflag:s17], $0x1000  }
0x10b: {  	s5 =	simm.s32 $0x800;
	s1 =	simm.s32 $0x100;
	[sflag:s17] =	ssyncset.done $0x0  }
.LBB2_17:
0x10c: {  	s6 =	sadd.s32 $0x5080, s1  }
0x10d: {  	[sflag:s17] =	ssyncadd.s32 $0xFFFFF000;
	s7 =	smov.u32 s5;
	s18 =	sadd.s32 $0x400, s5  }
0x10e: {  	[tilespmem:s23], [sflag:$0x2] =	stream.indirect.gather [hbm4b:s4+s21], $0x20, s6, s21, $0xb8;
	[tilespmem:$0x1FE20] =	vst v63  }
0x10f: {  	p0 =	sne.s32 s5, $0x13400;
	_ =	swait.ge [sflag:s24], $0x1000  }
0x110: {  	[sflag:s24] =	ssyncset.done $0x0  }
0x111: {  	s5 =	sadd.s32 $0x9F00, s1;
	[sflag:s24] =	ssyncadd.s32 $0xFFFFF000  }
0x112: {  	[spmem:s2] =	stream.indirect.scatter.add.f32 [tilespmem:s20], [sflag:$0x3], $0x20, s5, s21, $0xb8;
	[tilespmem:$0x1FE20] =	vst v63  }
0x113: {  	_ =	swait.ge [sflag:s17], $0x1000  }
0x114: {  	[sflag:s17] =	ssyncset.done $0x0  }
0x115: {  	s5 =	sadd.s32 $0x5100, s1;
	[sflag:s17] =	ssyncadd.s32 $0xFFFFF000  }
0x116: {  	[tilespmem:s20], [sflag:$0x1] =	stream.indirect.gather [hbm4b:s4+s21], $0x20, s5, s21, $0xb8;
	[tilespmem:$0x1FE20] =	vst v63  }
0x117: {  	_ =	swait.ge [sflag:s25], $0x1000  }
.Ltmp7:
0x118: {  	[sflag:s25] =	ssyncset.done $0x0;
	(pc) =	sbr.rel @p0 .LBB2_17-.Ltmp7, $4  }
0x119: {  	s1 =	sadd.s32 $0x9F80, s1;
	[sflag:s25] =	ssyncadd.s32 $0xFFFFF000  }
0x11a: {  	[spmem:s2] =	stream.indirect.scatter.add.f32 [tilespmem:s23], [sflag:$0x3], $0x20, s1, s21, $0xb8;
	[tilespmem:$0x1FE20] =	vst v63  }
0x11b: {  	_ =	swait.ge [sflag:s17], $0x1000  }
0x11c: {  	s5 =	smov.u32 s18;
	s1 =	sshra.s32 s7, $0x2;
	[sflag:s17] =	ssyncset.done $0x0  }
0x11d: {  	s5 =	sadd.s32 $0x5080, s1;
	[sflag:s17] =	ssyncadd.s32 $0xFFFFF000  }
0x11e: {  	[tilespmem:s23], [sflag:$0x2] =	stream.indirect.gather [hbm4b:s4+s21], $0x20, s5, s21, $0xb8;
	[tilespmem:$0x1FE20] =	vst v63  }
0x11f: {  	_ =	swait.ge [sflag:s24], $0x1000  }
0x120: {  	[sflag:s24] =	ssyncset.done $0x0  }
0x121: {  	s18 =	sadd.s32 $0x9F00, s1;
	[sflag:s24] =	ssyncadd.s32 $0xFFFFF000  }
0x122: {  	[spmem:s2] =	stream.indirect.scatter.add.f32 [tilespmem:s20], [sflag:$0x3], $0x20, s18, s21, $0xb8;
	[tilespmem:$0x1FE20] =	vst v63  }
0x123: {  	_ =	swait.ge [sflag:s17], $0x1000  }
0x124: {  	[sflag:s17] =	ssyncset.done $0x0  }
0x125: {  	s19 =	sadd.s32 $0x5100, s1;
	[sflag:s17] =	ssyncadd.s32 $0xFFFFF000  }
0x126: {  	[tilespmem:s20], [sflag:$0x1] =	stream.indirect.gather [hbm4b:s4+s21], $0x20, s19, s21, $0xb8;
	[tilespmem:$0x1FE20] =	vst v63  }
0x127: {  	_ =	swait.ge [sflag:s25], $0x1000  }
0x128: {  	[sflag:s25] =	ssyncset.done $0x0  }
0x129: {  	s31 =	sadd.s32 $0x9F80, s1;
	[sflag:s25] =	ssyncadd.s32 $0xFFFFF000  }
0x12a: {  	[spmem:s2] =	stream.indirect.scatter.add.f32 [tilespmem:s23], [sflag:$0x3], $0x20, s31, s21, $0xb8;
	[tilespmem:$0x1FE20] =	vst v63  }
0x12b: {  	_ =	swait.ge [sflag:s17], $0x1000  }
0x12c: {  	[sflag:s17] =	ssyncset.done $0x0  }
0x12d: {  	[sflag:s17] =	ssyncadd.s32 $0xFFFFF000  }
0x12e: {  	[tilespmem:s23], [sflag:$0x2] =	stream.indirect.gather [hbm4b:s4+s21], $0x20, s26, s21, $0xb8;
	[tilespmem:$0x1FE20] =	vst v63  }
0x12f: {  	_ =	swait.ge [sflag:s24], $0x1000  }
0x130: {  	[sflag:s24] =	ssyncset.done $0x0  }
0x131: {  	[sflag:s24] =	ssyncadd.s32 $0xFFFFF000  }
0x132: {  	[spmem:s2] =	stream.indirect.scatter.add.f32 [tilespmem:s20], [sflag:$0x3], $0x20, s28, s21, $0xb8;
	[tilespmem:$0x1FE20] =	vst v63  }
0x133: {  	_ =	swait.ge [sflag:s17], $0x1000  }
0x134: {  	[sflag:s17] =	ssyncset.done $0x0  }
0x135: {  	[sflag:s17] =	ssyncadd.s32 $0xFFFFF000  }
0x136: {  	[tilespmem:s20], [sflag:$0x1] =	stream.indirect.gather [hbm4b:s4+s21], $0x20, s26, s21, $0xb8;
	[tilespmem:$0x1FE20] =	vst v63  }
0x137: {  	_ =	swait.ge [sflag:s25], $0x1000  }
0x138: {  	[sflag:s25] =	ssyncset.done $0x0  }
0x139: {  	[sflag:s25] =	ssyncadd.s32 $0xFFFFF000  }
0x13a: {  	[spmem:s2] =	stream.indirect.scatter.add.f32 [tilespmem:s23], [sflag:$0x3], $0x20, s29, s21, $0xb8;
	[tilespmem:$0x1FE20] =	vst v63  }
0x13b: {  	_ =	swait.ge [sflag:s17], $0x1000  }
0x13c: {  	[sflag:s17] =	ssyncset.done $0x0  }
0x13d: {  	[sflag:s17] =	ssyncadd.s32 $0xFFFFF000  }
0x13e: {  	_ =	swait.ge [sflag:s24], $0x1000  }
0x13f: {  	[sflag:s24] =	ssyncset.done $0x0  }
0x140: {  	[sflag:s24] =	ssyncadd.s32 $0xFFFFF000  }
0x141: {  	[bflag:$0x0] =	sbarrier.arrive $0xFFFF  }
0x142: {  	[tilespmem:s22], [sflag:$0x3] =	stream.linear.gather [spmem:s8], $0x5000, $0x38;
	[tilespmem:$0x1FE20] =	vst v63  }
0x143: {  	_ =	swait.ge [sflag:s17], $0x5000  }
0x144: {  	[sflag:s17] =	ssyncset.done $0x0  }
0x145: {  	s1 =	simm.s32 $0x80;
	s5 =	simm.s32 $0x0;
	[sflag:s17] =	ssyncadd.s32 $0xFFFFB000  }
.LBB2_19:
0x146: {  	p0 =	sne.s32 s1, $0x3F80;
	[tilespmem:s5+$0xEE00] =	vst v1;
	s6 =	smov.u32 s1;
	s1 =	sadd.s32 $0x80, s1  }
.Ltmp8:
0x147: {  	[tilespmem:s5+$0xEE10] =	vst v1;
	(pc) =	sbr.rel @p0 .LBB2_19-.Ltmp8, $2  }
0x148: {  	_ =	sdelay $0x2  }
0x149: {  	s5 =	sshra.s32 s6, $0x2  }
0x14a: {  	[tilespmem:s5+$0xEE00] =	vst v1  }
0x14b: {  	[tilespmem:s5+$0xEE10] =	vst v1  }
0x14c: {  	[spmem:s8] =	stream.linear.scatter [tilespmem:s20], [sflag:$0x3], $0x1000, $0x38;
	[tilespmem:$0x1FE20] =	vst v63  }
0x14d: {  	_ =	swait.ge [sflag:s17], $0x1000  }
0x14e: {  	[sflag:s17] =	ssyncset.done $0x0  }
0x14f: {  	[sflag:s17] =	ssyncadd.s32 $0xFFFFF000  }
0x150: {  	[spmem:s9] =	stream.linear.scatter [tilespmem:s20], [sflag:$0x3], $0x1000, $0x38;
	[tilespmem:$0x1FE20] =	vst v63  }
0x151: {  	_ =	swait.ge [sflag:s17], $0x1000  }
0x152: {  	[sflag:s17] =	ssyncset.done $0x0  }
0x153: {  	[sflag:s17] =	ssyncadd.s32 $0xFFFFF000  }
0x154: {  	[spmem:s10] =	stream.linear.scatter [tilespmem:s20], [sflag:$0x3], $0x1000, $0x38;
	[tilespmem:$0x1FE20] =	vst v63  }
0x155: {  	_ =	swait.ge [sflag:s17], $0x1000  }
0x156: {  	[sflag:s17] =	ssyncset.done $0x0  }
0x157: {  	[sflag:s17] =	ssyncadd.s32 $0xFFFFF000  }
0x158: {  	[spmem:s11] =	stream.linear.scatter [tilespmem:s20], [sflag:$0x3], $0x1000, $0x38;
	[tilespmem:$0x1FE20] =	vst v63  }
0x159: {  	_ =	swait.ge [sflag:s17], $0x1000  }
0x15a: {  	[sflag:s17] =	ssyncset.done $0x0  }
0x15b: {  	[sflag:s17] =	ssyncadd.s32 $0xFFFFF000  }
0x15c: {  	[spmem:s12] =	stream.linear.scatter [tilespmem:s20], [sflag:$0x3], $0x1000, $0x38;
	[tilespmem:$0x1FE20] =	vst v63  }
0x15d: {  	_ =	swait.ge [sflag:s17], $0x1000  }
0x15e: {  	[sflag:s17] =	ssyncset.done $0x0  }
0x15f: {  	s1 =	simm.s32 $0x0;
	[sflag:s17] =	ssyncadd.s32 $0xFFFFF000  }
0x160: {  	v3 =	vld [tilespmem:s1+$0x15E00]  }
0x161: {  	v5 =	vld [tilespmem:s1+$0x15E10];
	_ =	sdelay $0x3  }
0x162: {  	v6 =	vld [tilespmem:s1+$0x10E00]  }
0x163: {  	v7 =	vld [tilespmem:s1+$0x10E10];
	v8 =	vmul.f32 $8.999999760e-01, v3;
	v9 =	vmul.f32 $8.999999760e-01, v5  }
0x164: {  	v4 =	vld [tilespmem:s1+$0x1AE00]  }
0x165: {  	v3 =	vmul.f32 v8, v3;
	v8 =	vmul.f32 v9, v5;
	v5 =	vld [tilespmem:s1+$0x1AE10];
	_ =	sdelay $0x1  }
0x166: {  	s5 =	simm.s32 $0x20;
	v6 =	vmul.f32 v3, v6  }
0x167: {  	s6 =	simm.s32 $0x100;
	v3 =	vld [tilespmem:s5+$0x15E00];
	v7 =	vmul.f32 v8, v7  }
.LBB2_21:
0x168: {  	p0 =	sne.s32 s6, $0x13F80;
	v8 =	vld [tilespmem:s5+$0x15E10];
	v4 =	vadd.f32 v6, v4  }
0x169: {  	v5 =	vadd.f32 v7, v5  }
0x16a: {  	[tilespmem:s1+$0x10E00] =	vst v4  }
0x16b: {  	v6 =	vld [tilespmem:s5+$0x10E00];
	[tilespmem:s1+$0x10E10] =	vst v5;
	s1 =	smov.u32 s5  }
0x16c: {  	v5 =	vmul.f32 $8.999999760e-01, v3;
	v7 =	vld [tilespmem:s1+$0x10E10]  }
.Ltmp9:
0x16d: {  	v4 =	vld [tilespmem:s1+$0x1AE00];
	v9 =	vmul.f32 $8.999999760e-01, v8;
	(pc) =	sbr.rel @p0 .LBB2_21-.Ltmp9, $4  }
0x16e: {  	v3 =	vmul.f32 v5, v3;
	v5 =	vld [tilespmem:s1+$0x1AE10]  }
0x16f: {  	v8 =	vmul.f32 v9, v8  }
0x170: {  	s5 =	sshra.s32 s6, $0x2;
	v6 =	vmul.f32 v3, v6  }
0x171: {  	s6 =	sadd.s32 $0x80, s6;
	v3 =	vld [tilespmem:s5+$0x15E00];
	v7 =	vmul.f32 v8, v7  }
0x172: {  	v4 =	vadd.f32 v6, v4;
	v59 =	vld [tilespmem:s5+$0x15E10]  }
0x173: {  	v5 =	vadd.f32 v7, v5  }
0x174: {  	[tilespmem:s1+$0x10E00] =	vst v4  }
0x175: {  	v4 =	vld [tilespmem:s5+$0x10E00];
	[tilespmem:s1+$0x10E10] =	vst v5  }
0x176: {  	v60 =	vmul.f32 $8.999999760e-01, v3;
	v61 =	vld [tilespmem:s5+$0x10E10]  }
0x177: {  	v8 =	vld [tilespmem:s5+$0x1AE00];
	v9 =	vmul.f32 $8.999999760e-01, v59  }
0x178: {  	v62 =	vld [tilespmem:s5+$0x1AE10];
	v3 =	vmul.f32 v60, v3  }
0x179: {  	v6 =	vmul.f32 v9, v59  }
0x17a: {  	v3 =	vmul.f32 v3, v4  }
0x17b: {  	v63 =	vmul.f32 v6, v61  }
0x17c: {  	v3 =	vadd.f32 v3, v8  }
0x17d: {  	v4 =	vadd.f32 v63, v62  }
0x17e: {  	s0 =	sadd.s32 $0x1, s0;
	[tilespmem:s5+$0x10E00] =	vst v3  }
0x17f: {  	p0 =	sne.s32 s0, $0x9;
	[tilespmem:s5+$0x10E10] =	vst v4  }
0x180: {  	[hbm4b:s14+s3] =	stream.linear.scatter [tilespmem:s22], [sflag:$0x3], $0x5000, $0x38;
	[tilespmem:$0x1FE20] =	vst v63  }
.Ltmp10:
0x181: {  	_ =	swait.ge [sflag:s17], $0x5000;
	(pc) =	sbr.rel @p0 .LBB2_16-.Ltmp10, $3  }
0x182: {  	[sflag:s17] =	ssyncset.done $0x0  }
0x183: {  	[sflag:s17] =	ssyncadd.s32 $0xFFFFB000  }
0x184: {  	[bflag:$0x0] =	sbarrier.arrive $0xFFFF;
	_ =	sdelay $0x1  }
0x185: {  	[tilespmem:s20], [sflag:$0x1] =	stream.indirect.gather [hbm4b:s4+s21], $0x20, s16, s21, $0xb8;
	[tilespmem:$0x1FE20] =	vst v63  }
0x186: {  	s0 =	simm.s32 $0x5080  }
0x187: {  	[tilespmem:s23], [sflag:$0x2] =	stream.indirect.gather [hbm4b:s4+s21], $0x20, s0, s21, $0xb8;
	[tilespmem:$0x1FE20] =	vst v63  }
0x188: {  	_ =	swait.ge [sflag:s24], $0x1000  }
0x189: {  	[sflag:s24] =	ssyncset.done $0x0  }
0x18a: {  	s18 =	simm.s32 $0x9F00;
	[sflag:s24] =	ssyncadd.s32 $0xFFFFF000  }
0x18b: {  	[spmem:s2] =	stream.indirect.scatter.add.f32 [tilespmem:s20], [sflag:$0x3], $0x20, s18, s21, $0xb8;
	[tilespmem:$0x1FE20] =	vst v63  }
0x18c: {  	_ =	swait.ge [sflag:s17], $0x1000  }
0x18d: {  	[sflag:s17] =	ssyncset.done $0x0  }
0x18e: {  	s19 =	simm.s32 $0x5100;
	[sflag:s17] =	ssyncadd.s32 $0xFFFFF000  }
0x18f: {  	[tilespmem:s20], [sflag:$0x1] =	stream.indirect.gather [hbm4b:s4+s21], $0x20, s19, s21, $0xb8;
	[tilespmem:$0x1FE20] =	vst v63  }
0x190: {  	_ =	swait.ge [sflag:s25], $0x1000  }
0x191: {  	[sflag:s25] =	ssyncset.done $0x0  }
0x192: {  	s31 =	simm.s32 $0x9F80;
	[sflag:s25] =	ssyncadd.s32 $0xFFFFF000  }
0x193: {  	[spmem:s2] =	stream.indirect.scatter.add.f32 [tilespmem:s23], [sflag:$0x3], $0x20, s31, s21, $0xb8;
	[tilespmem:$0x1FE20] =	vst v63  }
0x194: {  	_ =	swait.ge [sflag:s17], $0x1000  }
0x195: {  	s1 =	simm.s32 $0x800;
	s0 =	simm.s32 $0x100;
	[sflag:s17] =	ssyncset.done $0x0  }
.LBB2_24:
0x196: {  	s5 =	sadd.s32 $0x5080, s0  }
0x197: {  	[sflag:s17] =	ssyncadd.s32 $0xFFFFF000;
	s6 =	smov.u32 s1;
	s7 =	sadd.s32 $0x400, s1  }
0x198: {  	[tilespmem:s23], [sflag:$0x2] =	stream.indirect.gather [hbm4b:s4+s21], $0x20, s5, s21, $0xb8;
	[tilespmem:$0x1FE20] =	vst v63  }
0x199: {  	p0 =	sne.s32 s1, $0x13400;
	_ =	swait.ge [sflag:s24], $0x1000  }
0x19a: {  	[sflag:s24] =	ssyncset.done $0x0  }
0x19b: {  	s1 =	sadd.s32 $0x9F00, s0;
	[sflag:s24] =	ssyncadd.s32 $0xFFFFF000  }
0x19c: {  	[spmem:s2] =	stream.indirect.scatter.add.f32 [tilespmem:s20], [sflag:$0x3], $0x20, s1, s21, $0xb8;
	[tilespmem:$0x1FE20] =	vst v63  }
0x19d: {  	_ =	swait.ge [sflag:s17], $0x1000  }
0x19e: {  	[sflag:s17] =	ssyncset.done $0x0  }
0x19f: {  	s1 =	sadd.s32 $0x5100, s0;
	[sflag:s17] =	ssyncadd.s32 $0xFFFFF000  }
0x1a0: {  	[tilespmem:s20], [sflag:$0x1] =	stream.indirect.gather [hbm4b:s4+s21], $0x20, s1, s21, $0xb8;
	[tilespmem:$0x1FE20] =	vst v63  }
0x1a1: {  	_ =	swait.ge [sflag:s25], $0x1000  }
.Ltmp11:
0x1a2: {  	[sflag:s25] =	ssyncset.done $0x0;
	(pc) =	sbr.rel @p0 .LBB2_24-.Ltmp11, $4  }
0x1a3: {  	s0 =	sadd.s32 $0x9F80, s0;
	[sflag:s25] =	ssyncadd.s32 $0xFFFFF000  }
0x1a4: {  	[spmem:s2] =	stream.indirect.scatter.add.f32 [tilespmem:s23], [sflag:$0x3], $0x20, s0, s21, $0xb8;
	[tilespmem:$0x1FE20] =	vst v63  }
0x1a5: {  	_ =	swait.ge [sflag:s17], $0x1000  }
0x1a6: {  	s1 =	smov.u32 s7;
	s0 =	sshra.s32 s6, $0x2;
	[sflag:s17] =	ssyncset.done $0x0  }
0x1a7: {  	s1 =	sadd.s32 $0x5080, s0;
	[sflag:s17] =	ssyncadd.s32 $0xFFFFF000  }
0x1a8: {  	[tilespmem:s23], [sflag:$0x2] =	stream.indirect.gather [hbm4b:s4+s21], $0x20, s1, s21, $0xb8;
	[tilespmem:$0x1FE20] =	vst v63  }
0x1a9: {  	_ =	swait.ge [sflag:s24], $0x1000  }
0x1aa: {  	[sflag:s24] =	ssyncset.done $0x0  }
0x1ab: {  	s18 =	sadd.s32 $0x9F00, s0;
	[sflag:s24] =	ssyncadd.s32 $0xFFFFF000  }
0x1ac: {  	[spmem:s2] =	stream.indirect.scatter.add.f32 [tilespmem:s20], [sflag:$0x3], $0x20, s18, s21, $0xb8;
	[tilespmem:$0x1FE20] =	vst v63  }
0x1ad: {  	_ =	swait.ge [sflag:s17], $0x1000  }
0x1ae: {  	[sflag:s17] =	ssyncset.done $0x0  }
0x1af: {  	s19 =	sadd.s32 $0x5100, s0;
	[sflag:s17] =	ssyncadd.s32 $0xFFFFF000  }
0x1b0: {  	[tilespmem:s20], [sflag:$0x1] =	stream.indirect.gather [hbm4b:s4+s21], $0x20, s19, s21, $0xb8;
	[tilespmem:$0x1FE20] =	vst v63  }
0x1b1: {  	_ =	swait.ge [sflag:s25], $0x1000  }
0x1b2: {  	[sflag:s25] =	ssyncset.done $0x0  }
0x1b3: {  	s31 =	sadd.s32 $0x9F80, s0;
	[sflag:s25] =	ssyncadd.s32 $0xFFFFF000  }
0x1b4: {  	[spmem:s2] =	stream.indirect.scatter.add.f32 [tilespmem:s23], [sflag:$0x3], $0x20, s31, s21, $0xb8;
	[tilespmem:$0x1FE20] =	vst v63  }
0x1b5: {  	_ =	swait.ge [sflag:s17], $0x1000  }
0x1b6: {  	[sflag:s17] =	ssyncset.done $0x0  }
0x1b7: {  	[sflag:s17] =	ssyncadd.s32 $0xFFFFF000  }
0x1b8: {  	[tilespmem:s23], [sflag:$0x2] =	stream.indirect.gather [hbm4b:s4+s21], $0x20, s26, s21, $0xb8;
	[tilespmem:$0x1FE20] =	vst v63  }
0x1b9: {  	_ =	swait.ge [sflag:s24], $0x1000  }
0x1ba: {  	[sflag:s24] =	ssyncset.done $0x0  }
0x1bb: {  	[sflag:s24] =	ssyncadd.s32 $0xFFFFF000  }
0x1bc: {  	[spmem:s2] =	stream.indirect.scatter.add.f32 [tilespmem:s20], [sflag:$0x3], $0x20, s28, s21, $0xb8;
	[tilespmem:$0x1FE20] =	vst v63  }
0x1bd: {  	_ =	swait.ge [sflag:s17], $0x1000  }
0x1be: {  	[sflag:s17] =	ssyncset.done $0x0  }
0x1bf: {  	[sflag:s17] =	ssyncadd.s32 $0xFFFFF000  }
0x1c0: {  	[tilespmem:s20], [sflag:$0x1] =	stream.indirect.gather [hbm4b:s4+s21], $0x20, s26, s21, $0xb8;
	[tilespmem:$0x1FE20] =	vst v63  }
0x1c1: {  	_ =	swait.ge [sflag:s25], $0x1000  }
0x1c2: {  	[sflag:s25] =	ssyncset.done $0x0  }
0x1c3: {  	[sflag:s25] =	ssyncadd.s32 $0xFFFFF000  }
0x1c4: {  	[spmem:s2] =	stream.indirect.scatter.add.f32 [tilespmem:s23], [sflag:$0x3], $0x20, s29, s21, $0xb8;
	[tilespmem:$0x1FE20] =	vst v63  }
0x1c5: {  	_ =	swait.ge [sflag:s17], $0x1000  }
0x1c6: {  	[sflag:s17] =	ssyncset.done $0x0  }
0x1c7: {  	[sflag:s17] =	ssyncadd.s32 $0xFFFFF000  }
0x1c8: {  	_ =	swait.ge [sflag:s24], $0x1000  }
0x1c9: {  	[sflag:s24] =	ssyncset.done $0x0  }
0x1ca: {  	[sflag:s24] =	ssyncadd.s32 $0xFFFFF000  }
0x1cb: {  	[bflag:$0x0] =	sbarrier.arrive $0xFFFF  }
0x1cc: {  	[tilespmem:s22], [sflag:$0x3] =	stream.linear.gather [spmem:s8], $0x5000, $0x38;
	[tilespmem:$0x1FE20] =	vst v63  }
0x1cd: {  	_ =	swait.ge [sflag:s17], $0x5000  }
0x1ce: {  	[sflag:s17] =	ssyncset.done $0x0  }
0x1cf: {  	s0 =	simm.s32 $0x80;
	s1 =	simm.s32 $0x0;
	[sflag:s17] =	ssyncadd.s32 $0xFFFFB000  }
.LBB2_26:
0x1d0: {  	p0 =	sne.s32 s0, $0x3F80;
	[tilespmem:s1+$0xEE00] =	vst v1;
	s5 =	smov.u32 s0;
	s0 =	sadd.s32 $0x80, s0  }
.Ltmp12:
0x1d1: {  	[tilespmem:s1+$0xEE10] =	vst v1;
	(pc) =	sbr.rel @p0 .LBB2_26-.Ltmp12, $2  }
0x1d2: {  	_ =	sdelay $0x2  }
0x1d3: {  	s1 =	sshra.s32 s5, $0x2  }
0x1d4: {  	[tilespmem:s1+$0xEE00] =	vst v1  }
0x1d5: {  	[tilespmem:s1+$0xEE10] =	vst v1  }
0x1d6: {  	[spmem:s8] =	stream.linear.scatter [tilespmem:s20], [sflag:$0x3], $0x1000, $0x38;
	[tilespmem:$0x1FE20] =	vst v63  }
0x1d7: {  	_ =	swait.ge [sflag:s17], $0x1000  }
0x1d8: {  	[sflag:s17] =	ssyncset.done $0x0  }
0x1d9: {  	[sflag:s17] =	ssyncadd.s32 $0xFFFFF000  }
0x1da: {  	[spmem:s9] =	stream.linear.scatter [tilespmem:s20], [sflag:$0x3], $0x1000, $0x38;
	[tilespmem:$0x1FE20] =	vst v63  }
0x1db: {  	_ =	swait.ge [sflag:s17], $0x1000  }
0x1dc: {  	[sflag:s17] =	ssyncset.done $0x0  }
0x1dd: {  	[sflag:s17] =	ssyncadd.s32 $0xFFFFF000  }
0x1de: {  	[spmem:s10] =	stream.linear.scatter [tilespmem:s20], [sflag:$0x3], $0x1000, $0x38;
	[tilespmem:$0x1FE20] =	vst v63  }
0x1df: {  	_ =	swait.ge [sflag:s17], $0x1000  }
0x1e0: {  	[sflag:s17] =	ssyncset.done $0x0  }
0x1e1: {  	[sflag:s17] =	ssyncadd.s32 $0xFFFFF000  }
0x1e2: {  	[spmem:s11] =	stream.linear.scatter [tilespmem:s20], [sflag:$0x3], $0x1000, $0x38;
	[tilespmem:$0x1FE20] =	vst v63  }
0x1e3: {  	_ =	swait.ge [sflag:s17], $0x1000  }
0x1e4: {  	[sflag:s17] =	ssyncset.done $0x0  }
0x1e5: {  	[sflag:s17] =	ssyncadd.s32 $0xFFFFF000  }
0x1e6: {  	[spmem:s12] =	stream.linear.scatter [tilespmem:s20], [sflag:$0x3], $0x1000, $0x38;
	[tilespmem:$0x1FE20] =	vst v63  }
0x1e7: {  	_ =	swait.ge [sflag:s17], $0x1000  }
0x1e8: {  	[sflag:s17] =	ssyncset.done $0x0  }
0x1e9: {  	s0 =	simm.s32 $0x0;
	[sflag:s17] =	ssyncadd.s32 $0xFFFFF000  }
0x1ea: {  	v3 =	vld [tilespmem:s0+$0x15E00];
	_ =	sdelay $0x4  }
0x1eb: {  	(erf) = vrcp.f32 v3  }
0x1ec: {  	v4 =	vld [tilespmem:s0+$0x10E00]  }
0x1ed: {  	v5 =	vmul.f32 $8.999999760e-01, v3  }
0x1ee: {  	v6 =	vld [tilespmem:s0+$0x1AE00]  }
0x1ef: {  	v5 =	vmul.f32 v5, v3;
	_ =	sdelay $0x1  }
0x1f0: {  	v4 =	vmul.f32 v5, v4  }
0x1f1: {  	v5 =	vld [tilespmem:$0x1FE00]  }
0x1f2: {  	v4 =	vadd.f32 v4, v6  }
0x1f3: {  	v6 =	vpop (erf)  }
0x1f4: {  	v4 =	vmul.f32 v4, v6;
	_ =	sdelay $0x1  }
0x1f5: {  	v4 =	vadd.f32 v4, v5;
	_ =	sdelay $0x1  }
0x1f6: {  	v5 =	vmin.f32 v4, $0.0e+00  }
0x1f7: {  	v5 =	vmul.f32 $1.442695020e+00, v5;
	_ =	sdelay $0x1  }
0x1f8: {  	(erf) = vpow2.f32 v5;
	_ =	sdelay $0x5  }
0x1f9: {  	v6 =	vld [tilespmem:s0+$0x15E10];
	_ =	sdelay $0x2  }
0x1fa: {  	v5 =	vpop (erf)  }
0x1fb: {  	v5 =	vadd.f32 $-1.000000000e+00, v5  }
0x1fc: {  	vm0 =	vgt.f32 v4, $0.0e+00;
	(erf) = vrcp.f32 v6  }
0x1fd: {  	v4 =	vsel vm0, v4, v5;
	v5 =	vld [tilespmem:s0+$0x10E10]  }
0x1fe: {  	v7 =	vmul.f32 $8.999999760e-01, v6;
	v8 =	vmul.f32 $1.000000010e-01, v4  }
0x1ff: {  	v9 =	vld [tilespmem:s0+$0x1AE10];
	v4 =	vmul.f32 v4, v3  }
0x200: {  	v7 =	vmul.f32 v7, v6;
	v3 =	vmul.f32 v8, v3  }
0x201: {  	[tilespmem:s0+$0x10E00] =	vst v4  }
0x202: {  	[tilespmem:s0+$0x1AE00] =	vst v3;
	v3 =	vmul.f32 v7, v5  }
0x203: {  	v4 =	vld [tilespmem:$0x1FE10]  }
0x204: {  	v3 =	vadd.f32 v3, v9  }
0x205: {  	v5 =	vpop (erf)  }
0x206: {  	v3 =	vmul.f32 v3, v5;
	_ =	sdelay $0x1  }
0x207: {  	v4 =	vadd.f32 v3, v4;
	_ =	sdelay $0x1  }
0x208: {  	v3 =	vmin.f32 v4, $0.0e+00  }
0x209: {  	v3 =	vmul.f32 $1.442695020e+00, v3;
	_ =	sdelay $0x1  }
0x20a: {  	(erf) = vpow2.f32 v3;
	_ =	sdelay $0x4  }
0x20b: {  	s5 =	simm.s32 $0x20  }
0x20c: {  	v3 =	vld [tilespmem:s5+$0x15E00];
	_ =	sdelay $0x2  }
0x20d: {  	v5 =	vpop (erf)  }
0x20e: {  	v5 =	vadd.f32 $-1.000000000e+00, v5  }
0x20f: {  	v7 =	vld [tilespmem:s5+$0x10E00];
	vm15 =	vgt.f32 v4, $0.0e+00;
	v8 =	vmul.f32 $8.999999760e-01, v3;
	(erf) = vrcp.f32 v3  }
0x210: {  	v4 =	vsel vm15, v4, v5  }
0x211: {  	v5 =	vmul.f32 v8, v3;
	v8 =	vmul.f32 $1.000000010e-01, v4  }
0x212: {  	v63 =	vmul.f32 v4, v6;
	v4 =	vld [tilespmem:s5+$0x1AE00]  }
0x213: {  	v6 =	vmul.f32 v8, v6  }
0x214: {  	s1 =	simm.s32 $0x100;
	v5 =	vmul.f32 v5, v7;
	[tilespmem:s0+$0x10E10] =	vst v63  }
.LBB2_28:
0x215: {  	p0 =	sne.s32 s1, $0x13F80;
	[tilespmem:s0+$0x1AE10] =	vst v6;
	s18 =	smov.u32 s1;
	s1 =	sadd.s32 $0x80, s1  }
0x216: {  	s0 =	smov.u32 s5;
	v6 =	vld [tilespmem:$0x1FE00]  }
0x217: {  	v4 =	vadd.f32 v5, v4  }
0x218: {  	v5 =	vpop (erf)  }
0x219: {  	v4 =	vmul.f32 v4, v5;
	_ =	sdelay $0x1  }
0x21a: {  	v4 =	vadd.f32 v4, v6;
	_ =	sdelay $0x1  }
0x21b: {  	v5 =	vmin.f32 v4, $0.0e+00  }
0x21c: {  	v5 =	vmul.f32 $1.442695020e+00, v5;
	_ =	sdelay $0x1  }
0x21d: {  	(erf) = vpow2.f32 v5;
	_ =	sdelay $0x5  }
0x21e: {  	v6 =	vld [tilespmem:s0+$0x15E10];
	_ =	sdelay $0x2  }
0x21f: {  	v5 =	vpop (erf)  }
0x220: {  	v5 =	vadd.f32 $-1.000000000e+00, v5  }
0x221: {  	vm0 =	vgt.f32 v4, $0.0e+00;
	v7 =	vmul.f32 $8.999999760e-01, v6;
	(erf) = vrcp.f32 v6  }
0x222: {  	v4 =	vsel vm0, v4, v5;
	v5 =	vld [tilespmem:s0+$0x10E10]  }
0x223: {  	v8 =	vmul.f32 $1.000000010e-01, v4;
	v4 =	vmul.f32 v4, v3  }
0x224: {  	v7 =	vmul.f32 v7, v6;
	v9 =	vld [tilespmem:s0+$0x1AE10]  }
0x225: {  	v3 =	vmul.f32 v8, v3;
	[tilespmem:s0+$0x10E00] =	vst v4;
	_ =	sdelay $0x1  }
0x226: {  	[tilespmem:s0+$0x1AE00] =	vst v3;
	v3 =	vmul.f32 v7, v5  }
0x227: {  	v4 =	vld [tilespmem:$0x1FE10]  }
0x228: {  	v3 =	vadd.f32 v3, v9  }
0x229: {  	v5 =	vpop (erf)  }
0x22a: {  	v3 =	vmul.f32 v3, v5;
	_ =	sdelay $0x1  }
0x22b: {  	v4 =	vadd.f32 v3, v4;
	_ =	sdelay $0x1  }
0x22c: {  	v3 =	vmin.f32 v4, $0.0e+00  }
0x22d: {  	v3 =	vmul.f32 $1.442695020e+00, v3;
	_ =	sdelay $0x1  }
0x22e: {  	(erf) = vpow2.f32 v3;
	_ =	sdelay $0x4  }
0x22f: {  	s5 =	sshra.s32 s18, $0x2  }
0x230: {  	v3 =	vld [tilespmem:s5+$0x15E00];
	_ =	sdelay $0x2  }
0x231: {  	v5 =	vpop (erf)  }
0x232: {  	v7 =	vld [tilespmem:s5+$0x10E00];
	v5 =	vadd.f32 $-1.000000000e+00, v5  }
0x233: {  	vm0 =	vgt.f32 v4, $0.0e+00;
	v8 =	vmul.f32 $8.999999760e-01, v3;
	(erf) = vrcp.f32 v3  }
.Ltmp13:
0x234: {  	v5 =	vsel vm0, v4, v5;
	(pc) =	sbr.rel @p0 .LBB2_28-.Ltmp13, $4  }
0x235: {  	v8 =	vmul.f32 v8, v3;
	v9 =	vmul.f32 $1.000000010e-01, v5  }
0x236: {  	v10 =	vmul.f32 v5, v6;
	v4 =	vld [tilespmem:s5+$0x1AE00]  }
0x237: {  	v5 =	vmul.f32 v8, v7;
	v6 =	vmul.f32 v9, v6  }
0x238: {  	[tilespmem:s0+$0x10E10] =	vst v10  }
0x239: {  	[tilespmem:s0+$0x1AE10] =	vst v6  }
0x23a: {  	v6 =	vld [tilespmem:$0x1FE00]  }
0x23b: {  	v4 =	vadd.f32 v5, v4  }
0x23c: {  	v58 =	vpop (erf)  }
0x23d: {  	v4 =	vmul.f32 v4, v58;
	_ =	sdelay $0x1  }
0x23e: {  	v4 =	vadd.f32 v4, v6;
	_ =	sdelay $0x1  }
0x23f: {  	v59 =	vmin.f32 v4, $0.0e+00  }
0x240: {  	v5 =	vmul.f32 $1.442695020e+00, v59;
	_ =	sdelay $0x1  }
0x241: {  	(erf) = vpow2.f32 v5;
	_ =	sdelay $0x5  }
0x242: {  	v60 =	vld [tilespmem:s5+$0x15E10];
	_ =	sdelay $0x2  }
0x243: {  	v61 =	vpop (erf)  }
0x244: {  	v6 =	vadd.f32 $-1.000000000e+00, v61  }
0x245: {  	vm0 =	vgt.f32 v4, $0.0e+00;
	(erf) = vrcp.f32 v60  }
0x246: {  	v62 =	vld [tilespmem:s5+$0x10E10];
	v4 =	vsel vm0, v4, v6  }
0x247: {  	v7 =	vmul.f32 $8.999999760e-01, v60;
	v8 =	vmul.f32 $1.000000010e-01, v4  }
0x248: {  	v9 =	vld [tilespmem:s5+$0x1AE10];
	v4 =	vmul.f32 v4, v3  }
0x249: {  	v7 =	vmul.f32 v7, v60;
	v3 =	vmul.f32 v8, v3  }
0x24a: {  	[tilespmem:s5+$0x10E00] =	vst v4  }
0x24b: {  	[tilespmem:s5+$0x1AE00] =	vst v3;
	v3 =	vmul.f32 v7, v62  }
0x24c: {  	v4 =	vld [tilespmem:$0x1FE10]  }
0x24d: {  	v3 =	vadd.f32 v3, v9  }
0x24e: {  	v63 =	vpop (erf)  }
0x24f: {  	v3 =	vmul.f32 v3, v63;
	_ =	sdelay $0x1  }
0x250: {  	v3 =	vadd.f32 v3, v4;
	_ =	sdelay $0x1  }
0x251: {  	v4 =	vmin.f32 v3, $0.0e+00  }
0x252: {  	v4 =	vmul.f32 $1.442695020e+00, v4;
	_ =	sdelay $0x1  }
0x253: {  	(erf) = vpow2.f32 v4;
	_ =	sdelay $0x8  }
0x254: {  	v4 =	vpop (erf)  }
0x255: {  	v4 =	vadd.f32 $-1.000000000e+00, v4  }
0x256: {  	vm15 =	vgt.f32 v3, $0.0e+00  }
0x257: {  	v3 =	vsel vm15, v3, v4  }
0x258: {  	v4 =	vmul.f32 $1.000000010e-01, v3  }
0x259: {  	v3 =	vmul.f32 v3, v60  }
0x25a: {  	v4 =	vmul.f32 v4, v60  }
0x25b: {  	[tilespmem:s5+$0x10E10] =	vst v3  }
0x25c: {  	s0 =	simm.s32 $0x0;
	[tilespmem:s5+$0x1AE10] =	vst v4  }
0x25d: {  	[hbm4b:s14+s0] =	stream.linear.scatter [tilespmem:s22], [sflag:$0x3], $0x5000, $0x38;
	[tilespmem:$0x1FE20] =	vst v63  }
0x25e: {  	_ =	swait.ge [sflag:s17], $0x5000  }
0x25f: {  	[sflag:s17] =	ssyncset.done $0x0  }
0x260: {  	[sflag:s17] =	ssyncadd.s32 $0xFFFFB000  }
0x261: {  	[bflag:$0x0] =	sbarrier.arrive $0xFFFF  }
.LBB2_30:
0x262: {  	[tilespmem:s20], [sflag:$0x1] =	stream.indirect.gather [hbm4b:s4+s21], $0x20, s16, s21, $0xb8;
	[tilespmem:$0x1FE20] =	vst v63  }
0x263: {  	s1 =	simm.s32 $0x5080  }
0x264: {  	[tilespmem:s23], [sflag:$0x2] =	stream.indirect.gather [hbm4b:s4+s21], $0x20, s1, s21, $0xb8;
	[tilespmem:$0x1FE20] =	vst v63  }
0x265: {  	_ =	swait.ge [sflag:s24], $0x1000  }
0x266: {  	[sflag:s24] =	ssyncset.done $0x0  }
0x267: {  	s18 =	simm.s32 $0x9F00;
	[sflag:s24] =	ssyncadd.s32 $0xFFFFF000  }
0x268: {  	[spmem:s2] =	stream.indirect.scatter.add.f32 [tilespmem:s20], [sflag:$0x3], $0x20, s18, s21, $0xb8;
	[tilespmem:$0x1FE20] =	vst v63  }
0x269: {  	_ =	swait.ge [sflag:s17], $0x1000  }
0x26a: {  	[sflag:s17] =	ssyncset.done $0x0  }
0x26b: {  	s19 =	simm.s32 $0x5100;
	[sflag:s17] =	ssyncadd.s32 $0xFFFFF000  }
0x26c: {  	[tilespmem:s20], [sflag:$0x1] =	stream.indirect.gather [hbm4b:s4+s21], $0x20, s19, s21, $0xb8;
	[tilespmem:$0x1FE20] =	vst v63  }
0x26d: {  	_ =	swait.ge [sflag:s25], $0x1000  }
0x26e: {  	[sflag:s25] =	ssyncset.done $0x0  }
0x26f: {  	s31 =	simm.s32 $0x9F80;
	[sflag:s25] =	ssyncadd.s32 $0xFFFFF000  }
0x270: {  	[spmem:s2] =	stream.indirect.scatter.add.f32 [tilespmem:s23], [sflag:$0x3], $0x20, s31, s21, $0xb8;
	[tilespmem:$0x1FE20] =	vst v63  }
0x271: {  	_ =	swait.ge [sflag:s17], $0x1000  }
0x272: {  	s5 =	simm.s32 $0x800;
	s1 =	simm.s32 $0x100;
	[sflag:s17] =	ssyncset.done $0x0  }
.LBB2_31:
0x273: {  	s6 =	sadd.s32 $0x5080, s1  }
0x274: {  	[sflag:s17] =	ssyncadd.s32 $0xFFFFF000;
	s7 =	smov.u32 s5;
	s18 =	sadd.s32 $0x400, s5  }
0x275: {  	[tilespmem:s23], [sflag:$0x2] =	stream.indirect.gather [hbm4b:s4+s21], $0x20, s6, s21, $0xb8;
	[tilespmem:$0x1FE20] =	vst v63  }
0x276: {  	p0 =	sne.s32 s5, $0x13400;
	_ =	swait.ge [sflag:s24], $0x1000  }
0x277: {  	[sflag:s24] =	ssyncset.done $0x0  }
0x278: {  	s5 =	sadd.s32 $0x9F00, s1;
	[sflag:s24] =	ssyncadd.s32 $0xFFFFF000  }
0x279: {  	[spmem:s2] =	stream.indirect.scatter.add.f32 [tilespmem:s20], [sflag:$0x3], $0x20, s5, s21, $0xb8;
	[tilespmem:$0x1FE20] =	vst v63  }
0x27a: {  	_ =	swait.ge [sflag:s17], $0x1000  }
0x27b: {  	[sflag:s17] =	ssyncset.done $0x0  }
0x27c: {  	s5 =	sadd.s32 $0x5100, s1;
	[sflag:s17] =	ssyncadd.s32 $0xFFFFF000  }
0x27d: {  	[tilespmem:s20], [sflag:$0x1] =	stream.indirect.gather [hbm4b:s4+s21], $0x20, s5, s21, $0xb8;
	[tilespmem:$0x1FE20] =	vst v63  }
0x27e: {  	_ =	swait.ge [sflag:s25], $0x1000  }
.Ltmp14:
0x27f: {  	[sflag:s25] =	ssyncset.done $0x0;
	(pc) =	sbr.rel @p0 .LBB2_31-.Ltmp14, $4  }
0x280: {  	s1 =	sadd.s32 $0x9F80, s1;
	[sflag:s25] =	ssyncadd.s32 $0xFFFFF000  }
0x281: {  	[spmem:s2] =	stream.indirect.scatter.add.f32 [tilespmem:s23], [sflag:$0x3], $0x20, s1, s21, $0xb8;
	[tilespmem:$0x1FE20] =	vst v63  }
0x282: {  	_ =	swait.ge [sflag:s17], $0x1000  }
0x283: {  	s5 =	smov.u32 s18;
	s1 =	sshra.s32 s7, $0x2;
	[sflag:s17] =	ssyncset.done $0x0  }
0x284: {  	s5 =	sadd.s32 $0x5080, s1;
	[sflag:s17] =	ssyncadd.s32 $0xFFFFF000  }
0x285: {  	[tilespmem:s23], [sflag:$0x2] =	stream.indirect.gather [hbm4b:s4+s21], $0x20, s5, s21, $0xb8;
	[tilespmem:$0x1FE20] =	vst v63  }
0x286: {  	_ =	swait.ge [sflag:s24], $0x1000  }
0x287: {  	[sflag:s24] =	ssyncset.done $0x0  }
0x288: {  	s18 =	sadd.s32 $0x9F00, s1;
	[sflag:s24] =	ssyncadd.s32 $0xFFFFF000  }
0x289: {  	[spmem:s2] =	stream.indirect.scatter.add.f32 [tilespmem:s20], [sflag:$0x3], $0x20, s18, s21, $0xb8;
	[tilespmem:$0x1FE20] =	vst v63  }
0x28a: {  	_ =	swait.ge [sflag:s17], $0x1000  }
0x28b: {  	[sflag:s17] =	ssyncset.done $0x0  }
0x28c: {  	s19 =	sadd.s32 $0x5100, s1;
	[sflag:s17] =	ssyncadd.s32 $0xFFFFF000  }
0x28d: {  	[tilespmem:s20], [sflag:$0x1] =	stream.indirect.gather [hbm4b:s4+s21], $0x20, s19, s21, $0xb8;
	[tilespmem:$0x1FE20] =	vst v63  }
0x28e: {  	_ =	swait.ge [sflag:s25], $0x1000  }
0x28f: {  	[sflag:s25] =	ssyncset.done $0x0  }
0x290: {  	s31 =	sadd.s32 $0x9F80, s1;
	[sflag:s25] =	ssyncadd.s32 $0xFFFFF000  }
0x291: {  	[spmem:s2] =	stream.indirect.scatter.add.f32 [tilespmem:s23], [sflag:$0x3], $0x20, s31, s21, $0xb8;
	[tilespmem:$0x1FE20] =	vst v63  }
0x292: {  	_ =	swait.ge [sflag:s17], $0x1000  }
0x293: {  	[sflag:s17] =	ssyncset.done $0x0  }
0x294: {  	[sflag:s17] =	ssyncadd.s32 $0xFFFFF000  }
0x295: {  	[tilespmem:s23], [sflag:$0x2] =	stream.indirect.gather [hbm4b:s4+s21], $0x20, s26, s21, $0xb8;
	[tilespmem:$0x1FE20] =	vst v63  }
0x296: {  	_ =	swait.ge [sflag:s24], $0x1000  }
0x297: {  	[sflag:s24] =	ssyncset.done $0x0  }
0x298: {  	[sflag:s24] =	ssyncadd.s32 $0xFFFFF000  }
0x299: {  	[spmem:s2] =	stream.indirect.scatter.add.f32 [tilespmem:s20], [sflag:$0x3], $0x20, s28, s21, $0xb8;
	[tilespmem:$0x1FE20] =	vst v63  }
0x29a: {  	_ =	swait.ge [sflag:s17], $0x1000  }
0x29b: {  	[sflag:s17] =	ssyncset.done $0x0  }
0x29c: {  	[sflag:s17] =	ssyncadd.s32 $0xFFFFF000  }
0x29d: {  	[tilespmem:s20], [sflag:$0x1] =	stream.indirect.gather [hbm4b:s4+s21], $0x20, s26, s21, $0xb8;
	[tilespmem:$0x1FE20] =	vst v63  }
0x29e: {  	_ =	swait.ge [sflag:s25], $0x1000  }
0x29f: {  	[sflag:s25] =	ssyncset.done $0x0  }
0x2a0: {  	[sflag:s25] =	ssyncadd.s32 $0xFFFFF000  }
0x2a1: {  	[spmem:s2] =	stream.indirect.scatter.add.f32 [tilespmem:s23], [sflag:$0x3], $0x20, s29, s21, $0xb8;
	[tilespmem:$0x1FE20] =	vst v63  }
0x2a2: {  	_ =	swait.ge [sflag:s17], $0x1000  }
0x2a3: {  	[sflag:s17] =	ssyncset.done $0x0  }
0x2a4: {  	[sflag:s17] =	ssyncadd.s32 $0xFFFFF000  }
0x2a5: {  	_ =	swait.ge [sflag:s24], $0x1000  }
0x2a6: {  	[sflag:s24] =	ssyncset.done $0x0  }
0x2a7: {  	[sflag:s24] =	ssyncadd.s32 $0xFFFFF000  }
0x2a8: {  	[bflag:$0x0] =	sbarrier.arrive $0xFFFF  }
0x2a9: {  	[tilespmem:s22], [sflag:$0x3] =	stream.linear.gather [spmem:s8], $0x5000, $0x38;
	[tilespmem:$0x1FE20] =	vst v63  }
0x2aa: {  	_ =	swait.ge [sflag:s17], $0x5000  }
0x2ab: {  	[sflag:s17] =	ssyncset.done $0x0  }
0x2ac: {  	s1 =	simm.s32 $0x80;
	s5 =	simm.s32 $0x0;
	[sflag:s17] =	ssyncadd.s32 $0xFFFFB000  }
.LBB2_33:
0x2ad: {  	p0 =	sne.s32 s1, $0x3F80;
	[tilespmem:s5+$0xEE00] =	vst v1;
	s6 =	smov.u32 s1;
	s1 =	sadd.s32 $0x80, s1  }
.Ltmp15:
0x2ae: {  	[tilespmem:s5+$0xEE10] =	vst v1;
	(pc) =	sbr.rel @p0 .LBB2_33-.Ltmp15, $2  }
0x2af: {  	_ =	sdelay $0x2  }
0x2b0: {  	s5 =	sshra.s32 s6, $0x2  }
0x2b1: {  	[tilespmem:s5+$0xEE00] =	vst v1  }
0x2b2: {  	[tilespmem:s5+$0xEE10] =	vst v1  }
0x2b3: {  	[spmem:s8] =	stream.linear.scatter [tilespmem:s20], [sflag:$0x3], $0x1000, $0x38;
	[tilespmem:$0x1FE20] =	vst v63  }
0x2b4: {  	_ =	swait.ge [sflag:s17], $0x1000  }
0x2b5: {  	[sflag:s17] =	ssyncset.done $0x0  }
0x2b6: {  	[sflag:s17] =	ssyncadd.s32 $0xFFFFF000  }
0x2b7: {  	[spmem:s9] =	stream.linear.scatter [tilespmem:s20], [sflag:$0x3], $0x1000, $0x38;
	[tilespmem:$0x1FE20] =	vst v63  }
0x2b8: {  	_ =	swait.ge [sflag:s17], $0x1000  }
0x2b9: {  	[sflag:s17] =	ssyncset.done $0x0  }
0x2ba: {  	[sflag:s17] =	ssyncadd.s32 $0xFFFFF000  }
0x2bb: {  	[spmem:s10] =	stream.linear.scatter [tilespmem:s20], [sflag:$0x3], $0x1000, $0x38;
	[tilespmem:$0x1FE20] =	vst v63  }
0x2bc: {  	_ =	swait.ge [sflag:s17], $0x1000  }
0x2bd: {  	[sflag:s17] =	ssyncset.done $0x0  }
0x2be: {  	[sflag:s17] =	ssyncadd.s32 $0xFFFFF000  }
0x2bf: {  	[spmem:s11] =	stream.linear.scatter [tilespmem:s20], [sflag:$0x3], $0x1000, $0x38;
	[tilespmem:$0x1FE20] =	vst v63  }
0x2c0: {  	_ =	swait.ge [sflag:s17], $0x1000  }
0x2c1: {  	[sflag:s17] =	ssyncset.done $0x0  }
0x2c2: {  	[sflag:s17] =	ssyncadd.s32 $0xFFFFF000  }
0x2c3: {  	[spmem:s12] =	stream.linear.scatter [tilespmem:s20], [sflag:$0x3], $0x1000, $0x38;
	[tilespmem:$0x1FE20] =	vst v63  }
0x2c4: {  	_ =	swait.ge [sflag:s17], $0x1000  }
0x2c5: {  	[sflag:s17] =	ssyncset.done $0x0  }
0x2c6: {  	s1 =	simm.s32 $0x0;
	[sflag:s17] =	ssyncadd.s32 $0xFFFFF000  }
0x2c7: {  	v3 =	vld [tilespmem:s1+$0x15E00]  }
0x2c8: {  	v5 =	vld [tilespmem:s1+$0x15E10];
	_ =	sdelay $0x3  }
0x2c9: {  	v6 =	vld [tilespmem:s1+$0x10E00]  }
0x2ca: {  	v7 =	vld [tilespmem:s1+$0x10E10];
	v8 =	vmul.f32 $8.999999760e-01, v3;
	v9 =	vmul.f32 $8.999999760e-01, v5  }
0x2cb: {  	v4 =	vld [tilespmem:s1+$0x1AE00]  }
0x2cc: {  	v3 =	vmul.f32 v8, v3;
	v8 =	vmul.f32 v9, v5;
	v5 =	vld [tilespmem:s1+$0x1AE10];
	_ =	sdelay $0x1  }
0x2cd: {  	s5 =	simm.s32 $0x20;
	v6 =	vmul.f32 v3, v6  }
0x2ce: {  	s6 =	simm.s32 $0x100;
	v3 =	vld [tilespmem:s5+$0x15E00];
	v7 =	vmul.f32 v8, v7  }
.LBB2_35:
0x2cf: {  	p0 =	sne.s32 s6, $0x13F80;
	v8 =	vld [tilespmem:s5+$0x15E10];
	v4 =	vadd.f32 v6, v4  }
0x2d0: {  	v5 =	vadd.f32 v7, v5  }
0x2d1: {  	[tilespmem:s1+$0x10E00] =	vst v4  }
0x2d2: {  	v6 =	vld [tilespmem:s5+$0x10E00];
	[tilespmem:s1+$0x10E10] =	vst v5;
	s1 =	smov.u32 s5  }
0x2d3: {  	v5 =	vmul.f32 $8.999999760e-01, v3;
	v7 =	vld [tilespmem:s1+$0x10E10]  }
.Ltmp16:
0x2d4: {  	v4 =	vld [tilespmem:s1+$0x1AE00];
	v9 =	vmul.f32 $8.999999760e-01, v8;
	(pc) =	sbr.rel @p0 .LBB2_35-.Ltmp16, $4  }
0x2d5: {  	v3 =	vmul.f32 v5, v3;
	v5 =	vld [tilespmem:s1+$0x1AE10]  }
0x2d6: {  	v8 =	vmul.f32 v9, v8  }
0x2d7: {  	s5 =	sshra.s32 s6, $0x2;
	v6 =	vmul.f32 v3, v6  }
0x2d8: {  	s6 =	sadd.s32 $0x80, s6;
	v3 =	vld [tilespmem:s5+$0x15E00];
	v7 =	vmul.f32 v8, v7  }
0x2d9: {  	v4 =	vadd.f32 v6, v4;
	v59 =	vld [tilespmem:s5+$0x15E10]  }
0x2da: {  	v5 =	vadd.f32 v7, v5  }
0x2db: {  	[tilespmem:s1+$0x10E00] =	vst v4  }
0x2dc: {  	v4 =	vld [tilespmem:s5+$0x10E00];
	[tilespmem:s1+$0x10E10] =	vst v5  }
0x2dd: {  	v60 =	vmul.f32 $8.999999760e-01, v3;
	v61 =	vld [tilespmem:s5+$0x10E10]  }
0x2de: {  	v8 =	vld [tilespmem:s5+$0x1AE00];
	v9 =	vmul.f32 $8.999999760e-01, v59  }
0x2df: {  	v62 =	vld [tilespmem:s5+$0x1AE10];
	v3 =	vmul.f32 v60, v3  }
0x2e0: {  	v6 =	vmul.f32 v9, v59  }
0x2e1: {  	v3 =	vmul.f32 v3, v4  }
0x2e2: {  	v63 =	vmul.f32 v6, v61  }
0x2e3: {  	v3 =	vadd.f32 v3, v8  }
0x2e4: {  	v4 =	vadd.f32 v63, v62  }
0x2e5: {  	s0 =	sadd.s32 $0x1, s0;
	[tilespmem:s5+$0x10E00] =	vst v3  }
0x2e6: {  	p0 =	sne.s32 s0, $0x9;
	[tilespmem:s5+$0x10E10] =	vst v4  }
0x2e7: {  	[hbm4b:s14+s3] =	stream.linear.scatter [tilespmem:s22], [sflag:$0x3], $0x5000, $0x38;
	[tilespmem:$0x1FE20] =	vst v63  }
.Ltmp17:
0x2e8: {  	_ =	swait.ge [sflag:s17], $0x5000;
	(pc) =	sbr.rel @p0 .LBB2_30-.Ltmp17, $3  }
0x2e9: {  	[sflag:s17] =	ssyncset.done $0x0  }
0x2ea: {  	[sflag:s17] =	ssyncadd.s32 $0xFFFFB000  }
0x2eb: {  	[bflag:$0x0] =	sbarrier.arrive $0xFFFF;
	_ =	sdelay $0x1  }
0x2ec: {  	[tilespmem:s20], [sflag:$0x1] =	stream.indirect.gather [hbm4b:s4+s21], $0x20, s16, s21, $0xb8;
	[tilespmem:$0x1FE20] =	vst v63  }
0x2ed: {  	s0 =	simm.s32 $0x5080  }
0x2ee: {  	[tilespmem:s23], [sflag:$0x2] =	stream.indirect.gather [hbm4b:s4+s21], $0x20, s0, s21, $0xb8;
	[tilespmem:$0x1FE20] =	vst v63  }
0x2ef: {  	_ =	swait.ge [sflag:s24], $0x1000  }
0x2f0: {  	[sflag:s24] =	ssyncset.done $0x0  }
0x2f1: {  	s18 =	simm.s32 $0x9F00;
	[sflag:s24] =	ssyncadd.s32 $0xFFFFF000  }
0x2f2: {  	[spmem:s2] =	stream.indirect.scatter.add.f32 [tilespmem:s20], [sflag:$0x3], $0x20, s18, s21, $0xb8;
	[tilespmem:$0x1FE20] =	vst v63  }
0x2f3: {  	_ =	swait.ge [sflag:s17], $0x1000  }
0x2f4: {  	[sflag:s17] =	ssyncset.done $0x0  }
0x2f5: {  	s19 =	simm.s32 $0x5100;
	[sflag:s17] =	ssyncadd.s32 $0xFFFFF000  }
0x2f6: {  	[tilespmem:s20], [sflag:$0x1] =	stream.indirect.gather [hbm4b:s4+s21], $0x20, s19, s21, $0xb8;
	[tilespmem:$0x1FE20] =	vst v63  }
0x2f7: {  	_ =	swait.ge [sflag:s25], $0x1000  }
0x2f8: {  	[sflag:s25] =	ssyncset.done $0x0  }
0x2f9: {  	s31 =	simm.s32 $0x9F80;
	[sflag:s25] =	ssyncadd.s32 $0xFFFFF000  }
0x2fa: {  	[spmem:s2] =	stream.indirect.scatter.add.f32 [tilespmem:s23], [sflag:$0x3], $0x20, s31, s21, $0xb8;
	[tilespmem:$0x1FE20] =	vst v63  }
0x2fb: {  	_ =	swait.ge [sflag:s17], $0x1000  }
0x2fc: {  	s1 =	simm.s32 $0x800;
	s0 =	simm.s32 $0x100;
	[sflag:s17] =	ssyncset.done $0x0  }
.LBB2_38:
0x2fd: {  	s5 =	sadd.s32 $0x5080, s0  }
0x2fe: {  	[sflag:s17] =	ssyncadd.s32 $0xFFFFF000;
	s6 =	smov.u32 s1;
	s7 =	sadd.s32 $0x400, s1  }
0x2ff: {  	[tilespmem:s23], [sflag:$0x2] =	stream.indirect.gather [hbm4b:s4+s21], $0x20, s5, s21, $0xb8;
	[tilespmem:$0x1FE20] =	vst v63  }
0x300: {  	p0 =	sne.s32 s1, $0x13400;
	_ =	swait.ge [sflag:s24], $0x1000  }
0x301: {  	[sflag:s24] =	ssyncset.done $0x0  }
0x302: {  	s1 =	sadd.s32 $0x9F00, s0;
	[sflag:s24] =	ssyncadd.s32 $0xFFFFF000  }
0x303: {  	[spmem:s2] =	stream.indirect.scatter.add.f32 [tilespmem:s20], [sflag:$0x3], $0x20, s1, s21, $0xb8;
	[tilespmem:$0x1FE20] =	vst v63  }
0x304: {  	_ =	swait.ge [sflag:s17], $0x1000  }
0x305: {  	[sflag:s17] =	ssyncset.done $0x0  }
0x306: {  	s1 =	sadd.s32 $0x5100, s0;
	[sflag:s17] =	ssyncadd.s32 $0xFFFFF000  }
0x307: {  	[tilespmem:s20], [sflag:$0x1] =	stream.indirect.gather [hbm4b:s4+s21], $0x20, s1, s21, $0xb8;
	[tilespmem:$0x1FE20] =	vst v63  }
0x308: {  	_ =	swait.ge [sflag:s25], $0x1000  }
.Ltmp18:
0x309: {  	[sflag:s25] =	ssyncset.done $0x0;
	(pc) =	sbr.rel @p0 .LBB2_38-.Ltmp18, $4  }
0x30a: {  	s0 =	sadd.s32 $0x9F80, s0;
	[sflag:s25] =	ssyncadd.s32 $0xFFFFF000  }
0x30b: {  	[spmem:s2] =	stream.indirect.scatter.add.f32 [tilespmem:s23], [sflag:$0x3], $0x20, s0, s21, $0xb8;
	[tilespmem:$0x1FE20] =	vst v63  }
0x30c: {  	_ =	swait.ge [sflag:s17], $0x1000  }
0x30d: {  	s1 =	smov.u32 s7;
	s0 =	sshra.s32 s6, $0x2;
	[sflag:s17] =	ssyncset.done $0x0  }
0x30e: {  	s1 =	sadd.s32 $0x5080, s0;
	[sflag:s17] =	ssyncadd.s32 $0xFFFFF000  }
0x30f: {  	[tilespmem:s23], [sflag:$0x2] =	stream.indirect.gather [hbm4b:s4+s21], $0x20, s1, s21, $0xb8;
	[tilespmem:$0x1FE20] =	vst v63  }
0x310: {  	_ =	swait.ge [sflag:s24], $0x1000  }
0x311: {  	[sflag:s24] =	ssyncset.done $0x0  }
0x312: {  	s18 =	sadd.s32 $0x9F00, s0;
	[sflag:s24] =	ssyncadd.s32 $0xFFFFF000  }
0x313: {  	[spmem:s2] =	stream.indirect.scatter.add.f32 [tilespmem:s20], [sflag:$0x3], $0x20, s18, s21, $0xb8;
	[tilespmem:$0x1FE20] =	vst v63  }
0x314: {  	_ =	swait.ge [sflag:s17], $0x1000  }
0x315: {  	[sflag:s17] =	ssyncset.done $0x0  }
0x316: {  	s19 =	sadd.s32 $0x5100, s0;
	[sflag:s17] =	ssyncadd.s32 $0xFFFFF000  }
0x317: {  	[tilespmem:s20], [sflag:$0x1] =	stream.indirect.gather [hbm4b:s4+s21], $0x20, s19, s21, $0xb8;
	[tilespmem:$0x1FE20] =	vst v63  }
0x318: {  	_ =	swait.ge [sflag:s25], $0x1000  }
0x319: {  	[sflag:s25] =	ssyncset.done $0x0  }
0x31a: {  	s31 =	sadd.s32 $0x9F80, s0;
	[sflag:s25] =	ssyncadd.s32 $0xFFFFF000  }
0x31b: {  	[spmem:s2] =	stream.indirect.scatter.add.f32 [tilespmem:s23], [sflag:$0x3], $0x20, s31, s21, $0xb8;
	[tilespmem:$0x1FE20] =	vst v63  }
0x31c: {  	_ =	swait.ge [sflag:s17], $0x1000  }
0x31d: {  	[sflag:s17] =	ssyncset.done $0x0  }
0x31e: {  	[sflag:s17] =	ssyncadd.s32 $0xFFFFF000  }
0x31f: {  	[tilespmem:s23], [sflag:$0x2] =	stream.indirect.gather [hbm4b:s4+s21], $0x20, s26, s21, $0xb8;
	[tilespmem:$0x1FE20] =	vst v63  }
0x320: {  	_ =	swait.ge [sflag:s24], $0x1000  }
0x321: {  	[sflag:s24] =	ssyncset.done $0x0  }
0x322: {  	[sflag:s24] =	ssyncadd.s32 $0xFFFFF000  }
0x323: {  	[spmem:s2] =	stream.indirect.scatter.add.f32 [tilespmem:s20], [sflag:$0x3], $0x20, s28, s21, $0xb8;
	[tilespmem:$0x1FE20] =	vst v63  }
0x324: {  	_ =	swait.ge [sflag:s17], $0x1000  }
0x325: {  	[sflag:s17] =	ssyncset.done $0x0  }
0x326: {  	[sflag:s17] =	ssyncadd.s32 $0xFFFFF000  }
0x327: {  	[tilespmem:s20], [sflag:$0x1] =	stream.indirect.gather [hbm4b:s4+s21], $0x20, s26, s21, $0xb8;
	[tilespmem:$0x1FE20] =	vst v63  }
0x328: {  	_ =	swait.ge [sflag:s25], $0x1000  }
0x329: {  	[sflag:s25] =	ssyncset.done $0x0  }
0x32a: {  	[sflag:s25] =	ssyncadd.s32 $0xFFFFF000  }
0x32b: {  	[spmem:s2] =	stream.indirect.scatter.add.f32 [tilespmem:s23], [sflag:$0x3], $0x20, s29, s21, $0xb8;
	[tilespmem:$0x1FE20] =	vst v63  }
0x32c: {  	_ =	swait.ge [sflag:s17], $0x1000  }
0x32d: {  	[sflag:s17] =	ssyncset.done $0x0  }
0x32e: {  	[sflag:s17] =	ssyncadd.s32 $0xFFFFF000  }
0x32f: {  	_ =	swait.ge [sflag:s24], $0x1000  }
0x330: {  	[sflag:s24] =	ssyncset.done $0x0  }
0x331: {  	[sflag:s24] =	ssyncadd.s32 $0xFFFFF000  }
0x332: {  	[bflag:$0x0] =	sbarrier.arrive $0xFFFF  }
0x333: {  	[tilespmem:s22], [sflag:$0x3] =	stream.linear.gather [spmem:s8], $0x5000, $0x38;
	[tilespmem:$0x1FE20] =	vst v63  }
0x334: {  	_ =	swait.ge [sflag:s17], $0x5000  }
0x335: {  	[sflag:s17] =	ssyncset.done $0x0  }
0x336: {  	s0 =	simm.s32 $0x80;
	s1 =	simm.s32 $0x0;
	[sflag:s17] =	ssyncadd.s32 $0xFFFFB000  }
.LBB2_40:
0x337: {  	p0 =	sne.s32 s0, $0x3F80;
	[tilespmem:s1+$0xEE00] =	vst v1;
	s5 =	smov.u32 s0;
	s0 =	sadd.s32 $0x80, s0  }
.Ltmp19:
0x338: {  	[tilespmem:s1+$0xEE10] =	vst v1;
	(pc) =	sbr.rel @p0 .LBB2_40-.Ltmp19, $2  }
0x339: {  	_ =	sdelay $0x2  }
0x33a: {  	s1 =	sshra.s32 s5, $0x2  }
0x33b: {  	[tilespmem:s1+$0xEE00] =	vst v1  }
0x33c: {  	[tilespmem:s1+$0xEE10] =	vst v1  }
0x33d: {  	[spmem:s8] =	stream.linear.scatter [tilespmem:s20], [sflag:$0x3], $0x1000, $0x38;
	[tilespmem:$0x1FE20] =	vst v63  }
0x33e: {  	_ =	swait.ge [sflag:s17], $0x1000  }
0x33f: {  	[sflag:s17] =	ssyncset.done $0x0  }
0x340: {  	[sflag:s17] =	ssyncadd.s32 $0xFFFFF000  }
0x341: {  	[spmem:s9] =	stream.linear.scatter [tilespmem:s20], [sflag:$0x3], $0x1000, $0x38;
	[tilespmem:$0x1FE20] =	vst v63  }
0x342: {  	_ =	swait.ge [sflag:s17], $0x1000  }
0x343: {  	[sflag:s17] =	ssyncset.done $0x0  }
0x344: {  	[sflag:s17] =	ssyncadd.s32 $0xFFFFF000  }
0x345: {  	[spmem:s10] =	stream.linear.scatter [tilespmem:s20], [sflag:$0x3], $0x1000, $0x38;
	[tilespmem:$0x1FE20] =	vst v63  }
0x346: {  	_ =	swait.ge [sflag:s17], $0x1000  }
0x347: {  	[sflag:s17] =	ssyncset.done $0x0  }
0x348: {  	[sflag:s17] =	ssyncadd.s32 $0xFFFFF000  }
0x349: {  	[spmem:s11] =	stream.linear.scatter [tilespmem:s20], [sflag:$0x3], $0x1000, $0x38;
	[tilespmem:$0x1FE20] =	vst v63  }
0x34a: {  	_ =	swait.ge [sflag:s17], $0x1000  }
0x34b: {  	[sflag:s17] =	ssyncset.done $0x0  }
0x34c: {  	[sflag:s17] =	ssyncadd.s32 $0xFFFFF000  }
0x34d: {  	[spmem:s12] =	stream.linear.scatter [tilespmem:s20], [sflag:$0x3], $0x1000, $0x38;
	[tilespmem:$0x1FE20] =	vst v63  }
0x34e: {  	_ =	swait.ge [sflag:s17], $0x1000  }
0x34f: {  	[sflag:s17] =	ssyncset.done $0x0  }
0x350: {  	s0 =	simm.s32 $0x0;
	[sflag:s17] =	ssyncadd.s32 $0xFFFFF000  }
0x351: {  	v3 =	vld [tilespmem:s0+$0x15E00]  }
0x352: {  	v4 =	vld [tilespmem:s0+$0x15E10];
	_ =	sdelay $0x2  }
0x353: {  	v5 =	vld [tilespmem:s0+$0x10E00]  }
0x354: {  	v7 =	vld [tilespmem:s0+$0x10E10];
	(erf) = vrcp.f32 v3;
	v6 =	vmul.f32 $8.999999760e-01, v3  }
0x355: {  	v8 =	vld [tilespmem:s0+$0x1AE00];
	v9 =	vmul.f32 $8.999999760e-01, v4;
	(erf) = vrcp.f32 v4  }
0x356: {  	v3 =	vmul.f32 v6, v3  }
0x357: {  	v4 =	vmul.f32 v9, v4  }
0x358: {  	v6 =	vld [tilespmem:s0+$0x1AE10];
	v3 =	vmul.f32 v3, v5  }
0x359: {  	v4 =	vmul.f32 v4, v7  }
0x35a: {  	v3 =	vadd.f32 v3, v8;
	_ =	sdelay $0x2  }
0x35b: {  	v5 =	vadd.f32 v4, v6;
	v4 =	vpop (erf)  }
0x35c: {  	v4 =	vmul.f32 v3, v4;
	v3 =	vpop (erf)  }
0x35d: {  	v3 =	vmul.f32 v5, v3  }
0x35e: {  	v5 =	vmin.f32 v4, $0.0e+00  }
0x35f: {  	v5 =	vmul.f32 $1.442695020e+00, v5;
	v6 =	vmin.f32 v3, $0.0e+00  }
0x360: {  	v6 =	vmul.f32 $1.442695020e+00, v6  }
0x361: {  	(erf) = vpow2.f32 v5  }
0x362: {  	(erf) = vpow2.f32 v6;
	_ =	sdelay $0x5  }
0x363: {  	s1 =	simm.s32 $0x20  }
0x364: {  	s5 =	simm.s32 $0x100;
	v5 =	vld [tilespmem:s1+$0x15E00]  }
.LBB2_42:
0x365: {  	p0 =	sne.s32 s5, $0x13F80;
	v6 =	vld [tilespmem:s1+$0x15E10];
	v7 =	vpop (erf)  }
0x366: {  	v7 =	vadd.f32 $-1.000000000e+00, v7;
	v8 =	vpop (erf)  }
0x367: {  	vm0 =	vgt.f32 v4, $0.0e+00;
	v8 =	vadd.f32 $-1.000000000e+00, v8  }
0x368: {  	v4 =	vsel vm0, v4, v7;
	vm0 =	vgt.f32 v3, $0.0e+00  }
0x369: {  	(erf) = vrcp.f32 v5;
	[tilespmem:s0+$0x10E00] =	vst v4;
	v3 =	vsel vm0, v3, v8  }
0x36a: {  	v4 =	vld [tilespmem:s1+$0x10E00];
	(erf) = vrcp.f32 v6;
	[tilespmem:s0+$0x10E10] =	vst v3;
	s0 =	smov.u32 s1  }
0x36b: {  	v3 =	vmul.f32 $8.999999760e-01, v5;
	v7 =	vld [tilespmem:s0+$0x10E10]  }
0x36c: {  	v9 =	vmul.f32 $8.999999760e-01, v6;
	v8 =	vld [tilespmem:s0+$0x1AE00]  }
0x36d: {  	v3 =	vmul.f32 v3, v5;
	v5 =	vld [tilespmem:s0+$0x1AE10]  }
0x36e: {  	v6 =	vmul.f32 v9, v6  }
0x36f: {  	v3 =	vmul.f32 v3, v4  }
0x370: {  	v6 =	vmul.f32 v6, v7  }
0x371: {  	v7 =	vadd.f32 v3, v8  }
0x372: {  	v5 =	vadd.f32 v6, v5;
	v4 =	vpop (erf)  }
0x373: {  	v4 =	vmul.f32 v7, v4;
	v3 =	vpop (erf)  }
0x374: {  	v3 =	vmul.f32 v5, v3  }
0x375: {  	v5 =	vmin.f32 v4, $0.0e+00  }
0x376: {  	v5 =	vmul.f32 $1.442695020e+00, v5;
	v6 =	vmin.f32 v3, $0.0e+00  }
0x377: {  	v6 =	vmul.f32 $1.442695020e+00, v6  }
0x378: {  	(erf) = vpow2.f32 v5  }
0x379: {  	(erf) = vpow2.f32 v6;
	_ =	sdelay $0x2  }
.Ltmp20:
0x37a: {  	(pc) =	sbr.rel @p0 .LBB2_42-.Ltmp20, $3  }
0x37b: {  	_ =	sdelay $0x1  }
0x37c: {  	s1 =	sshra.s32 s5, $0x2  }
0x37d: {  	s5 =	sadd.s32 $0x80, s5;
	v5 =	vld [tilespmem:s1+$0x15E00]  }
0x37e: {  	v6 =	vpop (erf);
	v7 =	vld [tilespmem:s1+$0x15E10]  }
0x37f: {  	v6 =	vadd.f32 $-1.000000000e+00, v6;
	v8 =	vpop (erf)  }
0x380: {  	vm0 =	vgt.f32 v4, $0.0e+00;
	v8 =	vadd.f32 $-1.000000000e+00, v8  }
0x381: {  	vm13 =	vgt.f32 v3, $0.0e+00;
	v4 =	vsel vm0, v4, v6  }
0x382: {  	[tilespmem:s0+$0x10E00] =	vst v4;
	(erf) = vrcp.f32 v5;
	v3 =	vsel vm13, v3, v8  }
0x383: {  	v4 =	vld [tilespmem:s1+$0x10E00];
	(erf) = vrcp.f32 v7;
	[tilespmem:s0+$0x10E10] =	vst v3  }
0x384: {  	v3 =	vmul.f32 $8.999999760e-01, v5;
	v56 =	vld [tilespmem:s1+$0x10E10]  }
0x385: {  	v9 =	vmul.f32 $8.999999760e-01, v7;
	v57 =	vld [tilespmem:s1+$0x1AE00]  }
0x386: {  	v58 =	vld [tilespmem:s1+$0x1AE10];
	v3 =	vmul.f32 v3, v5  }
0x387: {  	v7 =	vmul.f32 v9, v7  }
0x388: {  	v3 =	vmul.f32 v3, v4  }
0x389: {  	v59 =	vmul.f32 v7, v56  }
0x38a: {  	v3 =	vadd.f32 v3, v57  }
0x38b: {  	v4 =	vadd.f32 v59, v58;
	v60 =	vpop (erf)  }
0x38c: {  	v3 =	vmul.f32 v3, v60;
	v61 =	vpop (erf)  }
0x38d: {  	v4 =	vmul.f32 v4, v61  }
0x38e: {  	v62 =	vmin.f32 v3, $0.0e+00  }
0x38f: {  	v5 =	vmul.f32 $1.442695020e+00, v62;
	v63 =	vmin.f32 v4, $0.0e+00  }
0x390: {  	v6 =	vmul.f32 $1.442695020e+00, v63  }
0x391: {  	(erf) = vpow2.f32 v5  }
0x392: {  	(erf) = vpow2.f32 v6;
	_ =	sdelay $0x7  }
0x393: {  	v5 =	vpop (erf)  }
0x394: {  	v5 =	vadd.f32 $-1.000000000e+00, v5;
	v6 =	vpop (erf)  }
0x395: {  	vm14 =	vgt.f32 v3, $0.0e+00;
	v6 =	vadd.f32 $-1.000000000e+00, v6  }
0x396: {  	vm15 =	vgt.f32 v4, $0.0e+00;
	v3 =	vsel vm14, v3, v5  }
0x397: {  	s30 =	sadd.s32 $0x1, s30;
	[tilespmem:s1+$0x10E00] =	vst v3;
	v3 =	vsel vm15, v4, v6  }
0x398: {  	p0 =	sne.s32 s30, s15;
	[tilespmem:s1+$0x10E10] =	vst v3  }
0x399: {  	[hbm4b:s14+s3] =	stream.linear.scatter [tilespmem:s22], [sflag:$0x3], $0x5000, $0x38;
	[tilespmem:$0x1FE20] =	vst v63  }
.Ltmp21:
0x39a: {  	_ =	swait.ge [sflag:s17], $0x5000;
	(pc) =	sbr.rel @p0 .LBB2_1-.Ltmp21, $3  }
0x39b: {  	[sflag:s17] =	ssyncset.done $0x0  }
0x39c: {  	[sflag:s17] =	ssyncadd.s32 $0xFFFFB000  }
0x39d: {  	[bflag:$0x0] =	sbarrier.arrive $0xFFFF;
	_ =	sdelay $0x1  }
0x39e: {  	_ =	sfence.sel $0x180000  }
0x39f: {  	[bflag:$0x0] =	sbarrier.arrive $0xFFFF  }
0x3a0: {  	_ =	strace $0x90000047  }
0x3a1: {  	s0 =	stileid.u32;
	[bflag:$0x2] =	sbarrier.arrive $0xFFFF  }
0x3a2: {  	p0 =	sne.s32 s0, $0x0;
	s0 =	rddreg [dreg:$0x4]  }
0x3a3: {  	s0 =	sadd.s32 @!p0 $0x100000, s0  }
0x3a4: {  	[sflag:s0] =	ssyncadd.tile.s32 @!p0 $0x1;
	_ =	shalt  }
.Lfunc_end2:
_tile_overlayer_lowered:
.L_overlay_start_2:
0x3a5: {  	(tag) =	ssettag $0x2  }
0x3a6: {  	s0 =	rddreg [dreg:$0x0];
	s2 =	stileid.u32  }
0x3a7: {  	s1 =	rddreg [dreg:$0x1];
	p0 =	sne.s32 s2, $0x0  }
0x3a8: {  	s3 =	rddreg [dreg:$0x2];
	[bflag:$0x3] =	sbarrier.arrive $0xFFFF;
	s2 =	simm.s32 @!p0 $0x1C03  }
0x3a9: {  	[timem:s3], [sflag:s2] =	dma.local @!p0 [hbm:s0], s1  }
0x3aa: {  	s0 =	simm.s32 @!p0 $0x3  }
0x3ab: {  	_ =	swait.ge @!p0 [sflag:s0], s1  }
0x3ac: {  	s1 =	ssub.s32 @!p0 $0x0, s1;
	[sflag:s0] =	ssyncset.done @!p0 $0x0  }
0x3ad: {  	[sflag:s0] =	ssyncadd.s32 @!p0 s1  }
0x3ae: {  	[bflag:$0x3] =	sbarrier.arrive $0xFFFF  }
0x3af: {  	_ =	shalt  }

</sc_bundles>
